<compile_context>
chip_gen: v7x
topology: tpu7x:2x2x1
jax: 0.10.2.dev20260603
libtpu: 0.0.44.dev20260713+nightly
codegen_flags: <defaults>
</compile_context>

<pallas_src>
import functools

import jax
import jax.numpy as jnp
from jax import lax
from jax.experimental import pallas as pl
from jax.experimental.pallas import tpu as pltpu
from jax.experimental.pallas import tpu_sc as plsc

_TEMP = 0.05
_EPS = 1e-12
_LOG2E = 1.4426950408889634


def _sc_target_partials(quads, idx, x, B, D):
    info = plsc.get_sparse_core_info()
    nw = info.num_cores * info.num_subcores
    bw = B // nw
    ng = bw // 16
    mesh = plsc.VectorSubcoreMesh(core_axis_name="c", subcore_axis_name="s")

    @functools.partial(
        pl.kernel,
        mesh=mesh,
        out_type=jax.ShapeDtypeStruct((nw, 16), jnp.float32),
        compiler_params=pltpu.CompilerParams(needs_layout_passes=False),
        scratch_types=[
            pltpu.VMEM((bw,), jnp.int32),
            pltpu.VMEM((bw,), jnp.int32),
            pltpu.VMEM((bw, 4 * D), jnp.float32),
            pltpu.VMEM((bw, D), jnp.float32),
            pltpu.VMEM((16,), jnp.float32),
            pltpu.SemaphoreType.DMA,
        ],
    )
    def tgt_kernel(quads_hbm, idx_hbm, x_hbm, out_hbm, idx_v, q_v, rows_v,
                   x_v, p_v, sem):
        wid = lax.axis_index("s") * info.num_cores + lax.axis_index("c")
        base = wid * bw
        pltpu.sync_copy(idx_hbm.at[pl.ds(base, bw)], idx_v)
        pltpu.sync_copy(x_hbm.at[pl.ds(base, bw)], x_v)
        for g in range(ng):
            sl = pl.ds(16 * g, 16)
            q_v[sl] = idx_v[sl] >> 2
        cp = pltpu.async_copy(quads_hbm.at[q_v], rows_v, sem)
        cp.wait()
        lane = jnp.arange(16, dtype=jnp.int32)
        p = jnp.zeros((16,), jnp.float32)
        for g in range(ng):
            row_ids = lane + (16 * g)
            cbase = (idx_v[pl.ds(16 * g, 16)] & 3) * D
            d = jnp.zeros((16,), jnp.float32)
            s = jnp.zeros((16,), jnp.float32)
            for j in range(D):
                fv = plsc.load_gather(rows_v, [row_ids, cbase + j])
                xv = plsc.load_gather(x_v, [row_ids,
                                            jnp.full((16,), j, jnp.int32)])
                d = d + fv * xv
                s = s + xv * xv
            i = plsc.bitcast(s, jnp.int32)
            y = plsc.bitcast(jnp.int32(0x5F3759DF) - (i >> 1), jnp.float32)
            for _ in range(3):
                y = y * (1.5 - 0.5 * s * y * y)
            p = p + d / (s * y + _EPS)
        p_v[...] = p
        pltpu.sync_copy(p_v, out_hbm.at[wid])

    return tgt_kernel(quads, idx, x)


def _tc_body(inv_b, x_ref, feat_ref, out_ref):
    i = pl.program_id(0)
    x = x_ref[...]
    norm = jnp.sqrt(jnp.sum(x * x, axis=1, keepdims=True))
    xn = x * (_LOG2E / _TEMP) / (norm + _EPS)
    l2 = lax.dot_general(xn.astype(jnp.bfloat16),
                         feat_ref[...].astype(jnp.bfloat16),
                         (((1,), (1,)), ((), ())),
                         preferred_element_type=jnp.float32)
    se = jnp.sum(jnp.exp2(l2), axis=1, keepdims=True)
    lse = jnp.log(se)
    partial = jnp.sum(lse, keepdims=True) * inv_b

    @pl.when(i == 0)
    def _init():
        out_ref[...] = jnp.zeros_like(out_ref)

    out_ref[...] += partial


def _tc_lse_mean(x, feat, BT):
    B, D = x.shape
    K = feat.shape[0]
    return pl.pallas_call(
        functools.partial(_tc_body, 1.0 / B),
        grid=(B // BT,),
        in_specs=[
            pl.BlockSpec((BT, D), lambda i: (i, 0)),
            pl.BlockSpec((K, D), lambda i: (0, 0)),
        ],
        out_specs=pl.BlockSpec((1, 1), lambda i: (0, 0)),
        out_shape=jax.ShapeDtypeStruct((1, 1), jnp.float32),
    )(x, feat)


def kernel(inputs, targets, features):
    B, D = inputs.shape
    K = features.shape[0]
    quads = features.reshape(K // 4, 4 * D)
    t_partials = _sc_target_partials(quads, targets.astype(jnp.int32),
                                     inputs, B, D)
    lse_sum = _tc_lse_mean(inputs, features, 1024)
    return lse_sum[0, 0] - jnp.sum(t_partials) * (1.0 / (B * _TEMP))

# --- scband reference (transcript-rebuilt; emitter-appended) ---
"""Pipeline reference for scband-cluster-memory-28535762714738 (READ-ONLY COPY).

The authoritative reference and input builder live on the scoring server;
editing this copy changes nothing except your own understanding.
"""

import jax, jax.numpy as jnp
import numpy as np

NUM_SAMPLES = 8192
NUM_FEATURES = 32
BATCH = 4096
TEMP = 0.05


def setup_inputs(seed: int = 0) -> dict:
    key = jax.random.key(seed)
    k1, k2, k3 = jax.random.split(key, 3)
    inputs = jax.random.normal(k1, (BATCH, NUM_FEATURES), dtype=jnp.float32)
    targets = jax.random.randint(k2, (BATCH,), 0, NUM_SAMPLES)
    feats = jax.random.normal(k3, (NUM_SAMPLES, NUM_FEATURES), dtype=jnp.float32)
    features = feats / (jnp.linalg.norm(feats, axis=1, keepdims=True) + 1e-12)
    return {"inputs": inputs, "targets": targets, "features": features}


def reference(inputs, targets, features):
    # ClusterMemory.forward: F.normalize(inputs) -> cm(...) (inputs @ features.T) -> /temp -> cross_entropy
    x = inputs / (jnp.linalg.norm(inputs, axis=1, keepdims=True) + 1e-12)
    outputs = x @ features.T  # [B, K] similarity against memory bank (CM.forward)
    outputs = outputs / TEMP
    logp = jax.nn.log_softmax(outputs, axis=1)
    # gather target logits (SparseCore-style gather) and mean-reduce (F.cross_entropy)
    nll = -jnp.take_along_axis(logp, targets[:, None], axis=1)[:, 0]
    loss = jnp.mean(nll)
    return loss

if __name__ == "__main__":
    import jax
    _d = setup_inputs()
    print(jax.jit(kernel)(*tuple(_d.values())))

</pallas_src>

<mosaic_0001>
#map = affine_map<(d0, d1) -> (0, 0)>
#map1 = affine_map<(d0, d1) -> (0)>
module attributes {stable_mosaic.version = 14 : i64} {
  func.func @tgt_kernel(%arg0: i32, %arg1: i32, %arg2: memref<2048x128xf32, #tpu.memory_space<hbm>>, %arg3: memref<4096xi32, #tpu.memory_space<hbm>>, %arg4: memref<4096x32xf32, #tpu.memory_space<hbm>>, %arg5: memref<32x16xf32, #tpu.memory_space<hbm>>, %arg6: memref<128xi32, #tpu.memory_space<vmem>>, %arg7: memref<128xi32, #tpu.memory_space<vmem>>, %arg8: memref<128x128xf32, #tpu.memory_space<vmem>>, %arg9: memref<128x32xf32, #tpu.memory_space<vmem>>, %arg10: memref<16xf32, #tpu.memory_space<vmem>>, %arg11: memref<!tpu.dma_semaphore, #tpu.memory_space<semaphore_mem>>) attributes {dimension_semantics = [#tpu.dimension_semantics<core_parallel>, #tpu.dimension_semantics<subcore_parallel>], iteration_bounds = array<i64: 2, 16>, scalar_prefetch = 0 : i64, scratch_operands = 6 : i64, tpu.core_type = #tpu.core_type<sc_vector_subcore>, window_params = [{transform_indices = #map}, {transform_indices = #map1}, {transform_indices = #map}, {transform_indices = #map}]} {
    %mul3A = arith.constant 2 : i32
    %mul3A_0 = arith.muli %arg1, %mul3A : i32
    %add3A = arith.addi %mul3A_0, %arg0 : i32
    %mul3A_1 = arith.constant 128 : i32
    %mul3A_2 = arith.muli %add3A, %mul3A_1 : i32
    "tpu.region"() ({
      %run_scoped3A = tpu.sem_alloc : memref<!tpu.dma_semaphore, #tpu.memory_space<semaphore_mem>>
      %dma_start3A_3322 = tpu.memref_slice %arg3[%mul3A_2] : memref<4096xi32, #tpu.memory_space<hbm>> -> memref<128xi32, #tpu.memory_space<hbm>>
      %dma_start3A_3323 = tpu.memref_slice %arg3[%mul3A_2] : memref<4096xi32, #tpu.memory_space<hbm>> -> memref<128xi32, #tpu.memory_space<hbm>>
      tpu.enqueue_dma source(%dma_start3A_3323 : memref<128xi32, #tpu.memory_space<hbm>>) target(%arg6 : memref<128xi32, #tpu.memory_space<vmem>>) target_semaphore(%run_scoped3A : memref<!tpu.dma_semaphore, #tpu.memory_space<semaphore_mem>>)
      %dma_wait3A_3324 = tpu.memref_slice %arg3[%mul3A_2] : memref<4096xi32, #tpu.memory_space<hbm>> -> memref<128xi32, #tpu.memory_space<hbm>>
      %dma_wait3A_3325 = tpu.memref_slice %arg3[%mul3A_2] : memref<4096xi32, #tpu.memory_space<hbm>> -> memref<128xi32, #tpu.memory_space<hbm>>
      tpu.wait_dma2 semaphore(%run_scoped3A : memref<!tpu.dma_semaphore, #tpu.memory_space<semaphore_mem>>) src(%dma_wait3A_3325 : memref<128xi32, #tpu.memory_space<hbm>>) dst(%arg6 : memref<128xi32, #tpu.memory_space<vmem>>)
      tpu.yield
    }) : () -> ()
    "tpu.region"() ({
      %run_scoped3A = tpu.sem_alloc : memref<!tpu.dma_semaphore, #tpu.memory_space<semaphore_mem>>
      %dma_start3A_3322 = arith.constant 0 : i32
      %dma_start3A_3323 = tpu.memref_slice %arg4[%mul3A_2, %dma_start3A_3322] : memref<4096x32xf32, #tpu.memory_space<hbm>> -> memref<128x32xf32, #tpu.memory_space<hbm>>
      %dma_start3A_3324 = arith.constant 0 : i32
      %dma_start3A_3325 = tpu.memref_slice %arg4[%mul3A_2, %dma_start3A_3324] : memref<4096x32xf32, #tpu.memory_space<hbm>> -> memref<128x32xf32, #tpu.memory_space<hbm>>
      tpu.enqueue_dma source(%dma_start3A_3325 : memref<128x32xf32, #tpu.memory_space<hbm>>) target(%arg9 : memref<128x32xf32, #tpu.memory_space<vmem>>) target_semaphore(%run_scoped3A : memref<!tpu.dma_semaphore, #tpu.memory_space<semaphore_mem>>)
      %dma_wait3A_3326 = arith.constant 0 : i32
      %dma_wait3A_3327 = tpu.memref_slice %arg4[%mul3A_2, %dma_wait3A_3326] : memref<4096x32xf32, #tpu.memory_space<hbm>> -> memref<128x32xf32, #tpu.memory_space<hbm>>
      %dma_wait3A_3328 = arith.constant 0 : i32
      %dma_wait3A_3329 = tpu.memref_slice %arg4[%mul3A_2, %dma_wait3A_3328] : memref<4096x32xf32, #tpu.memory_space<hbm>> -> memref<128x32xf32, #tpu.memory_space<hbm>>
      tpu.wait_dma2 semaphore(%run_scoped3A : memref<!tpu.dma_semaphore, #tpu.memory_space<semaphore_mem>>) src(%dma_wait3A_3329 : memref<128x32xf32, #tpu.memory_space<hbm>>) dst(%arg9 : memref<128x32xf32, #tpu.memory_space<vmem>>)
      tpu.yield
    }) : () -> ()
    %get3A = arith.constant 0 : index
    %get3A_3 = tpu.vector_load %arg6[%get3A] {strides = array<i32>} : memref<128xi32, #tpu.memory_space<vmem>>, vector<16xi32>,
    %shift_right_arithmetic3A = arith.constant 2 : i32
    %shift_right_arithmetic3A_4 = vector.broadcast %shift_right_arithmetic3A : i32 to vector<16xi32>
    %shift_right_arithmetic3A_5 = arith.shrsi %get3A_3, %shift_right_arithmetic3A_4 : vector<16xi32>
    %swap3A = arith.constant 0 : index
    %swap3A_6 = tpu.vector_load %arg7[%swap3A] {strides = array<i32>} : memref<128xi32, #tpu.memory_space<vmem>>, vector<16xi32>,
    tpu.vector_store %arg7[%swap3A], %shift_right_arithmetic3A_5 {strides = array<i32>} : memref<128xi32, #tpu.memory_space<vmem>>, vector<16xi32>,
    %get3A_7 = arith.constant 16 : index
    %get3A_8 = tpu.vector_load %arg6[%get3A_7] {strides = array<i32>} : memref<128xi32, #tpu.memory_space<vmem>>, vector<16xi32>,
    %shift_right_arithmetic3A_9 = arith.constant 2 : i32
    %shift_right_arithmetic3A_10 = vector.broadcast %shift_right_arithmetic3A_9 : i32 to vector<16xi32>
    %shift_right_arithmetic3A_11 = arith.shrsi %get3A_8, %shift_right_arithmetic3A_10 : vector<16xi32>
    %swap3A_12 = arith.constant 16 : index
    %swap3A_13 = tpu.vector_load %arg7[%swap3A_12] {strides = array<i32>} : memref<128xi32, #tpu.memory_space<vmem>>, vector<16xi32>,
    tpu.vector_store %arg7[%swap3A_12], %shift_right_arithmetic3A_11 {strides = array<i32>} : memref<128xi32, #tpu.memory_space<vmem>>, vector<16xi32>,
    %get3A_14 = arith.constant 32 : index
    %get3A_15 = tpu.vector_load %arg6[%get3A_14] {strides = array<i32>} : memref<128xi32, #tpu.memory_space<vmem>>, vector<16xi32>,
    %shift_right_arithmetic3A_16 = arith.constant 2 : i32
    %shift_right_arithmetic3A_17 = vector.broadcast %shift_right_arithmetic3A_16 : i32 to vector<16xi32>
    %shift_right_arithmetic3A_18 = arith.shrsi %get3A_15, %shift_right_arithmetic3A_17 : vector<16xi32>
    %swap3A_19 = arith.constant 32 : index
    %swap3A_20 = tpu.vector_load %arg7[%swap3A_19] {strides = array<i32>} : memref<128xi32, #tpu.memory_space<vmem>>, vector<16xi32>,
    tpu.vector_store %arg7[%swap3A_19], %shift_right_arithmetic3A_18 {strides = array<i32>} : memref<128xi32, #tpu.memory_space<vmem>>, vector<16xi32>,
    %get3A_21 = arith.constant 48 : index
    %get3A_22 = tpu.vector_load %arg6[%get3A_21] {strides = array<i32>} : memref<128xi32, #tpu.memory_space<vmem>>, vector<16xi32>,
    %shift_right_arithmetic3A_23 = arith.constant 2 : i32
    %shift_right_arithmetic3A_24 = vector.broadcast %shift_right_arithmetic3A_23 : i32 to vector<16xi32>
    %shift_right_arithmetic3A_25 = arith.shrsi %get3A_22, %shift_right_arithmetic3A_24 : vector<16xi32>
    %swap3A_26 = arith.constant 48 : index
    %swap3A_27 = tpu.vector_load %arg7[%swap3A_26] {strides = array<i32>} : memref<128xi32, #tpu.memory_space<vmem>>, vector<16xi32>,
    tpu.vector_store %arg7[%swap3A_26], %shift_right_arithmetic3A_25 {strides = array<i32>} : memref<128xi32, #tpu.memory_space<vmem>>, vector<16xi32>,
    %get3A_28 = arith.constant 64 : index
    %get3A_29 = tpu.vector_load %arg6[%get3A_28] {strides = array<i32>} : memref<128xi32, #tpu.memory_space<vmem>>, vector<16xi32>,
    %shift_right_arithmetic3A_30 = arith.constant 2 : i32
    %shift_right_arithmetic3A_31 = vector.broadcast %shift_right_arithmetic3A_30 : i32 to vector<16xi32>
    %shift_right_arithmetic3A_32 = arith.shrsi %get3A_29, %shift_right_arithmetic3A_31 : vector<16xi32>
    %swap3A_33 = arith.constant 64 : index
    %swap3A_34 = tpu.vector_load %arg7[%swap3A_33] {strides = array<i32>} : memref<128xi32, #tpu.memory_space<vmem>>, vector<16xi32>,
    tpu.vector_store %arg7[%swap3A_33], %shift_right_arithmetic3A_32 {strides = array<i32>} : memref<128xi32, #tpu.memory_space<vmem>>, vector<16xi32>,
    %get3A_35 = arith.constant 80 : index
    %get3A_36 = tpu.vector_load %arg6[%get3A_35] {strides = array<i32>} : memref<128xi32, #tpu.memory_space<vmem>>, vector<16xi32>,
    %shift_right_arithmetic3A_37 = arith.constant 2 : i32
    %shift_right_arithmetic3A_38 = vector.broadcast %shift_right_arithmetic3A_37 : i32 to vector<16xi32>
    %shift_right_arithmetic3A_39 = arith.shrsi %get3A_36, %shift_right_arithmetic3A_38 : vector<16xi32>
    %swap3A_40 = arith.constant 80 : index
    %swap3A_41 = tpu.vector_load %arg7[%swap3A_40] {strides = array<i32>} : memref<128xi32, #tpu.memory_space<vmem>>, vector<16xi32>,
    tpu.vector_store %arg7[%swap3A_40], %shift_right_arithmetic3A_39 {strides = array<i32>} : memref<128xi32, #tpu.memory_space<vmem>>, vector<16xi32>,
    %get3A_42 = arith.constant 96 : index
    %get3A_43 = tpu.vector_load %arg6[%get3A_42] {strides = array<i32>} : memref<128xi32, #tpu.memory_space<vmem>>, vector<16xi32>,
    %shift_right_arithmetic3A_44 = arith.constant 2 : i32
    %shift_right_arithmetic3A_45 = vector.broadcast %shift_right_arithmetic3A_44 : i32 to vector<16xi32>
    %shift_right_arithmetic3A_46 = arith.shrsi %get3A_43, %shift_right_arithmetic3A_45 : vector<16xi32>
    %swap3A_47 = arith.constant 96 : index
    %swap3A_48 = tpu.vector_load %arg7[%swap3A_47] {strides = array<i32>} : memref<128xi32, #tpu.memory_space<vmem>>, vector<16xi32>,
    tpu.vector_store %arg7[%swap3A_47], %shift_right_arithmetic3A_46 {strides = array<i32>} : memref<128xi32, #tpu.memory_space<vmem>>, vector<16xi32>,
    %get3A_49 = arith.constant 112 : index
    %get3A_50 = tpu.vector_load %arg6[%get3A_49] {strides = array<i32>} : memref<128xi32, #tpu.memory_space<vmem>>, vector<16xi32>,
    %shift_right_arithmetic3A_51 = arith.constant 2 : i32
    %shift_right_arithmetic3A_52 = vector.broadcast %shift_right_arithmetic3A_51 : i32 to vector<16xi32>
    %shift_right_arithmetic3A_53 = arith.shrsi %get3A_50, %shift_right_arithmetic3A_52 : vector<16xi32>
    %swap3A_54 = arith.constant 112 : index
    %swap3A_55 = tpu.vector_load %arg7[%swap3A_54] {strides = array<i32>} : memref<128xi32, #tpu.memory_space<vmem>>, vector<16xi32>,
    tpu.vector_store %arg7[%swap3A_54], %shift_right_arithmetic3A_53 {strides = array<i32>} : memref<128xi32, #tpu.memory_space<vmem>>, vector<16xi32>,
    %dma_start3A = arith.constant 0 : i32
    %dma_start3A_56 = arith.constant 0 : i32
    %dma_start3A_57 = tpu.memref_slice %arg2[%dma_start3A, %dma_start3A_56] : memref<2048x128xf32, #tpu.memory_space<hbm>> -> memref<2048x128xf32, #tpu.memory_space<hbm>>
    tpu.enqueue_indirect_dma source(%dma_start3A_57 : memref<2048x128xf32, #tpu.memory_space<hbm>>) target(%arg8 : memref<128x128xf32, #tpu.memory_space<vmem>>) offsets(%arg7 : memref<128xi32, #tpu.memory_space<vmem>>) semaphore(%arg11 : memref<!tpu.dma_semaphore, #tpu.memory_space<semaphore_mem>>)
    %dma_wait3A = arith.constant 0 : i32
    %dma_wait3A_58 = arith.constant 0 : i32
    %dma_wait3A_59 = tpu.memref_slice %arg2[%dma_wait3A, %dma_wait3A_58] : memref<2048x128xf32, #tpu.memory_space<hbm>> -> memref<2048x128xf32, #tpu.memory_space<hbm>>
    tpu.wait_indirect_dma semaphore(%arg11 : memref<!tpu.dma_semaphore, #tpu.memory_space<semaphore_mem>>) src(%dma_wait3A_59 : memref<2048x128xf32, #tpu.memory_space<hbm>>) dst(%arg8 : memref<128x128xf32, #tpu.memory_space<vmem>>)
    %iota3A = tpu.iota {dimensions = array<i32: 0>} : vector<16xi32>
    %broadcast_in_dim3A = arith.constant 0.000000e+00 : f32
    %broadcast_in_dim3A_60 = vector.broadcast %broadcast_in_dim3A : f32 to vector<16xf32>
    %add3A_61 = arith.constant 0 : i32
    %add3A_62 = vector.broadcast %add3A_61 : i32 to vector<16xi32>
    %add3A_63 = arith.addi %iota3A, %add3A_62 : vector<16xi32>
    %get3A_64 = arith.constant 0 : index
    %get3A_65 = tpu.vector_load %arg6[%get3A_64] {strides = array<i32>} : memref<128xi32, #tpu.memory_space<vmem>>, vector<16xi32>,
    %and3A = arith.constant 3 : i32
    %and3A_66 = vector.broadcast %and3A : i32 to vector<16xi32>
    %and3A_67 = arith.andi %get3A_65, %and3A_66 : vector<16xi32>
    %mul3A_68 = arith.constant 32 : i32
    %mul3A_69 = vector.broadcast %mul3A_68 : i32 to vector<16xi32>
    %mul3A_70 = arith.muli %and3A_67, %mul3A_69 : vector<16xi32>
    %broadcast_in_dim3A_71 = arith.constant 0.000000e+00 : f32
    %broadcast_in_dim3A_72 = vector.broadcast %broadcast_in_dim3A_71 : f32 to vector<16xf32>
    %broadcast_in_dim3A_73 = arith.constant 0.000000e+00 : f32
    %broadcast_in_dim3A_74 = vector.broadcast %broadcast_in_dim3A_73 : f32 to vector<16xf32>
    %add3A_75 = arith.constant 0 : i32
    %add3A_76 = vector.broadcast %add3A_75 : i32 to vector<16xi32>
    %add3A_77 = arith.addi %mul3A_70, %add3A_76 : vector<16xi32>
    %gather3A = tpu.vector_load_idx %arg8[%add3A_63, %add3A_77] : memref<128x128xf32, #tpu.memory_space<vmem>>[vector<16xi32>, vector<16xi32>], vector<16xf32>,
    %broadcast_in_dim3A_78 = arith.constant 0 : i32
    %broadcast_in_dim3A_79 = vector.broadcast %broadcast_in_dim3A_78 : i32 to vector<16xi32>
    %gather3A_80 = tpu.vector_load_idx %arg9[%add3A_63, %broadcast_in_dim3A_79] : memref<128x32xf32, #tpu.memory_space<vmem>>[vector<16xi32>, vector<16xi32>], vector<16xf32>,
    %mul3A_81 = arith.mulf %gather3A, %gather3A_80 : vector<16xf32>
    %add3A_82 = arith.addf %broadcast_in_dim3A_72, %mul3A_81 : vector<16xf32>
    %mul3A_83 = arith.mulf %gather3A_80, %gather3A_80 : vector<16xf32>
    %add3A_84 = arith.addf %broadcast_in_dim3A_74, %mul3A_83 : vector<16xf32>
    %add3A_85 = arith.constant 1 : i32
    %add3A_86 = vector.broadcast %add3A_85 : i32 to vector<16xi32>
    %add3A_87 = arith.addi %mul3A_70, %add3A_86 : vector<16xi32>
    %gather3A_88 = tpu.vector_load_idx %arg8[%add3A_63, %add3A_87] : memref<128x128xf32, #tpu.memory_space<vmem>>[vector<16xi32>, vector<16xi32>], vector<16xf32>,
    %broadcast_in_dim3A_89 = arith.constant 1 : i32
    %broadcast_in_dim3A_90 = vector.broadcast %broadcast_in_dim3A_89 : i32 to vector<16xi32>
    %gather3A_91 = tpu.vector_load_idx %arg9[%add3A_63, %broadcast_in_dim3A_90] : memref<128x32xf32, #tpu.memory_space<vmem>>[vector<16xi32>, vector<16xi32>], vector<16xf32>,
    %mul3A_92 = arith.mulf %gather3A_88, %gather3A_91 : vector<16xf32>
    %add3A_93 = arith.addf %add3A_82, %mul3A_92 : vector<16xf32>
    %mul3A_94 = arith.mulf %gather3A_91, %gather3A_91 : vector<16xf32>
    %add3A_95 = arith.addf %add3A_84, %mul3A_94 : vector<16xf32>
    %add3A_96 = arith.constant 2 : i32
    %add3A_97 = vector.broadcast %add3A_96 : i32 to vector<16xi32>
    %add3A_98 = arith.addi %mul3A_70, %add3A_97 : vector<16xi32>
    %gather3A_99 = tpu.vector_load_idx %arg8[%add3A_63, %add3A_98] : memref<128x128xf32, #tpu.memory_space<vmem>>[vector<16xi32>, vector<16xi32>], vector<16xf32>,
    %broadcast_in_dim3A_100 = arith.constant 2 : i32
    %broadcast_in_dim3A_101 = vector.broadcast %broadcast_in_dim3A_100 : i32 to vector<16xi32>
    %gather3A_102 = tpu.vector_load_idx %arg9[%add3A_63, %broadcast_in_dim3A_101] : memref<128x32xf32, #tpu.memory_space<vmem>>[vector<16xi32>, vector<16xi32>], vector<16xf32>,
    %mul3A_103 = arith.mulf %gather3A_99, %gather3A_102 : vector<16xf32>
    %add3A_104 = arith.addf %add3A_93, %mul3A_103 : vector<16xf32>
    %mul3A_105 = arith.mulf %gather3A_102, %gather3A_102 : vector<16xf32>
    %add3A_106 = arith.addf %add3A_95, %mul3A_105 : vector<16xf32>
    %add3A_107 = arith.constant 3 : i32
    %add3A_108 = vector.broadcast %add3A_107 : i32 to vector<16xi32>
    %add3A_109 = arith.addi %mul3A_70, %add3A_108 : vector<16xi32>
    %gather3A_110 = tpu.vector_load_idx %arg8[%add3A_63, %add3A_109] : memref<128x128xf32, #tpu.memory_space<vmem>>[vector<16xi32>, vector<16xi32>], vector<16xf32>,
    %broadcast_in_dim3A_111 = arith.constant 3 : i32
    %broadcast_in_dim3A_112 = vector.broadcast %broadcast_in_dim3A_111 : i32 to vector<16xi32>
    %gather3A_113 = tpu.vector_load_idx %arg9[%add3A_63, %broadcast_in_dim3A_112] : memref<128x32xf32, #tpu.memory_space<vmem>>[vector<16xi32>, vector<16xi32>], vector<16xf32>,
    %mul3A_114 = arith.mulf %gather3A_110, %gather3A_113 : vector<16xf32>
    %add3A_115 = arith.addf %add3A_104, %mul3A_114 : vector<16xf32>
    %mul3A_116 = arith.mulf %gather3A_113, %gather3A_113 : vector<16xf32>
    %add3A_117 = arith.addf %add3A_106, %mul3A_116 : vector<16xf32>
    %add3A_118 = arith.constant 4 : i32
    %add3A_119 = vector.broadcast %add3A_118 : i32 to vector<16xi32>
    %add3A_120 = arith.addi %mul3A_70, %add3A_119 : vector<16xi32>
    %gather3A_121 = tpu.vector_load_idx %arg8[%add3A_63, %add3A_120] : memref<128x128xf32, #tpu.memory_space<vmem>>[vector<16xi32>, vector<16xi32>], vector<16xf32>,
    %broadcast_in_dim3A_122 = arith.constant 4 : i32
    %broadcast_in_dim3A_123 = vector.broadcast %broadcast_in_dim3A_122 : i32 to vector<16xi32>
    %gather3A_124 = tpu.vector_load_idx %arg9[%add3A_63, %broadcast_in_dim3A_123] : memref<128x32xf32, #tpu.memory_space<vmem>>[vector<16xi32>, vector<16xi32>], vector<16xf32>,
    %mul3A_125 = arith.mulf %gather3A_121, %gather3A_124 : vector<16xf32>
    %add3A_126 = arith.addf %add3A_115, %mul3A_125 : vector<16xf32>
    %mul3A_127 = arith.mulf %gather3A_124, %gather3A_124 : vector<16xf32>
    %add3A_128 = arith.addf %add3A_117, %mul3A_127 : vector<16xf32>
    %add3A_129 = arith.constant 5 : i32
    %add3A_130 = vector.broadcast %add3A_129 : i32 to vector<16xi32>
    %add3A_131 = arith.addi %mul3A_70, %add3A_130 : vector<16xi32>
    %gather3A_132 = tpu.vector_load_idx %arg8[%add3A_63, %add3A_131] : memref<128x128xf32, #tpu.memory_space<vmem>>[vector<16xi32>, vector<16xi32>], vector<16xf32>,
    %broadcast_in_dim3A_133 = arith.constant 5 : i32
    %broadcast_in_dim3A_134 = vector.broadcast %broadcast_in_dim3A_133 : i32 to vector<16xi32>
    %gather3A_135 = tpu.vector_load_idx %arg9[%add3A_63, %broadcast_in_dim3A_134] : memref<128x32xf32, #tpu.memory_space<vmem>>[vector<16xi32>, vector<16xi32>], vector<16xf32>,
    %mul3A_136 = arith.mulf %gather3A_132, %gather3A_135 : vector<16xf32>
    %add3A_137 = arith.addf %add3A_126, %mul3A_136 : vector<16xf32>
    %mul3A_138 = arith.mulf %gather3A_135, %gather3A_135 : vector<16xf32>
    %add3A_139 = arith.addf %add3A_128, %mul3A_138 : vector<16xf32>
    %add3A_140 = arith.constant 6 : i32
    %add3A_141 = vector.broadcast %add3A_140 : i32 to vector<16xi32>
    %add3A_142 = arith.addi %mul3A_70, %add3A_141 : vector<16xi32>
    %gather3A_143 = tpu.vector_load_idx %arg8[%add3A_63, %add3A_142] : memref<128x128xf32, #tpu.memory_space<vmem>>[vector<16xi32>, vector<16xi32>], vector<16xf32>,
    %broadcast_in_dim3A_144 = arith.constant 6 : i32
    %broadcast_in_dim3A_145 = vector.broadcast %broadcast_in_dim3A_144 : i32 to vector<16xi32>
    %gather3A_146 = tpu.vector_load_idx %arg9[%add3A_63, %broadcast_in_dim3A_145] : memref<128x32xf32, #tpu.memory_space<vmem>>[vector<16xi32>, vector<16xi32>], vector<16xf32>,
    %mul3A_147 = arith.mulf %gather3A_143, %gather3A_146 : vector<16xf32>
    %add3A_148 = arith.addf %add3A_137, %mul3A_147 : vector<16xf32>
    %mul3A_149 = arith.mulf %gather3A_146, %gather3A_146 : vector<16xf32>
    %add3A_150 = arith.addf %add3A_139, %mul3A_149 : vector<16xf32>
    %add3A_151 = arith.constant 7 : i32
    %add3A_152 = vector.broadcast %add3A_151 : i32 to vector<16xi32>
    %add3A_153 = arith.addi %mul3A_70, %add3A_152 : vector<16xi32>
    %gather3A_154 = tpu.vector_load_idx %arg8[%add3A_63, %add3A_153] : memref<128x128xf32, #tpu.memory_space<vmem>>[vector<16xi32>, vector<16xi32>], vector<16xf32>,
    %broadcast_in_dim3A_155 = arith.constant 7 : i32
    %broadcast_in_dim3A_156 = vector.broadcast %broadcast_in_dim3A_155 : i32 to vector<16xi32>
    %gather3A_157 = tpu.vector_load_idx %arg9[%add3A_63, %broadcast_in_dim3A_156] : memref<128x32xf32, #tpu.memory_space<vmem>>[vector<16xi32>, vector<16xi32>], vector<16xf32>,
    %mul3A_158 = arith.mulf %gather3A_154, %gather3A_157 : vector<16xf32>
    %add3A_159 = arith.addf %add3A_148, %mul3A_158 : vector<16xf32>
    %mul3A_160 = arith.mulf %gather3A_157, %gather3A_157 : vector<16xf32>
    %add3A_161 = arith.addf %add3A_150, %mul3A_160 : vector<16xf32>
    %add3A_162 = arith.constant 8 : i32
    %add3A_163 = vector.broadcast %add3A_162 : i32 to vector<16xi32>
    %add3A_164 = arith.addi %mul3A_70, %add3A_163 : vector<16xi32>
    %gather3A_165 = tpu.vector_load_idx %arg8[%add3A_63, %add3A_164] : memref<128x128xf32, #tpu.memory_space<vmem>>[vector<16xi32>, vector<16xi32>], vector<16xf32>,
    %broadcast_in_dim3A_166 = arith.constant 8 : i32
    %broadcast_in_dim3A_167 = vector.broadcast %broadcast_in_dim3A_166 : i32 to vector<16xi32>
    %gather3A_168 = tpu.vector_load_idx %arg9[%add3A_63, %broadcast_in_dim3A_167] : memref<128x32xf32, #tpu.memory_space<vmem>>[vector<16xi32>, vector<16xi32>], vector<16xf32>,
    %mul3A_169 = arith.mulf %gather3A_165, %gather3A_168 : vector<16xf32>
    %add3A_170 = arith.addf %add3A_159, %mul3A_169 : vector<16xf32>
    %mul3A_171 = arith.mulf %gather3A_168, %gather3A_168 : vector<16xf32>
    %add3A_172 = arith.addf %add3A_161, %mul3A_171 : vector<16xf32>
    %add3A_173 = arith.constant 9 : i32
    %add3A_174 = vector.broadcast %add3A_173 : i32 to vector<16xi32>
    %add3A_175 = arith.addi %mul3A_70, %add3A_174 : vector<16xi32>
    %gather3A_176 = tpu.vector_load_idx %arg8[%add3A_63, %add3A_175] : memref<128x128xf32, #tpu.memory_space<vmem>>[vector<16xi32>, vector<16xi32>], vector<16xf32>,
    %broadcast_in_dim3A_177 = arith.constant 9 : i32
    %broadcast_in_dim3A_178 = vector.broadcast %broadcast_in_dim3A_177 : i32 to vector<16xi32>
    %gather3A_179 = tpu.vector_load_idx %arg9[%add3A_63, %broadcast_in_dim3A_178] : memref<128x32xf32, #tpu.memory_space<vmem>>[vector<16xi32>, vector<16xi32>], vector<16xf32>,
    %mul3A_180 = arith.mulf %gather3A_176, %gather3A_179 : vector<16xf32>
    %add3A_181 = arith.addf %add3A_170, %mul3A_180 : vector<16xf32>
    %mul3A_182 = arith.mulf %gather3A_179, %gather3A_179 : vector<16xf32>
    %add3A_183 = arith.addf %add3A_172, %mul3A_182 : vector<16xf32>
    %add3A_184 = arith.constant 10 : i32
    %add3A_185 = vector.broadcast %add3A_184 : i32 to vector<16xi32>
    %add3A_186 = arith.addi %mul3A_70, %add3A_185 : vector<16xi32>
    %gather3A_187 = tpu.vector_load_idx %arg8[%add3A_63, %add3A_186] : memref<128x128xf32, #tpu.memory_space<vmem>>[vector<16xi32>, vector<16xi32>], vector<16xf32>,
    %broadcast_in_dim3A_188 = arith.constant 10 : i32
    %broadcast_in_dim3A_189 = vector.broadcast %broadcast_in_dim3A_188 : i32 to vector<16xi32>
    %gather3A_190 = tpu.vector_load_idx %arg9[%add3A_63, %broadcast_in_dim3A_189] : memref<128x32xf32, #tpu.memory_space<vmem>>[vector<16xi32>, vector<16xi32>], vector<16xf32>,
    %mul3A_191 = arith.mulf %gather3A_187, %gather3A_190 : vector<16xf32>
    %add3A_192 = arith.addf %add3A_181, %mul3A_191 : vector<16xf32>
    %mul3A_193 = arith.mulf %gather3A_190, %gather3A_190 : vector<16xf32>
    %add3A_194 = arith.addf %add3A_183, %mul3A_193 : vector<16xf32>
    %add3A_195 = arith.constant 11 : i32
    %add3A_196 = vector.broadcast %add3A_195 : i32 to vector<16xi32>
    %add3A_197 = arith.addi %mul3A_70, %add3A_196 : vector<16xi32>
    %gather3A_198 = tpu.vector_load_idx %arg8[%add3A_63, %add3A_197] : memref<128x128xf32, #tpu.memory_space<vmem>>[vector<16xi32>, vector<16xi32>], vector<16xf32>,
    %broadcast_in_dim3A_199 = arith.constant 11 : i32
    %broadcast_in_dim3A_200 = vector.broadcast %broadcast_in_dim3A_199 : i32 to vector<16xi32>
    %gather3A_201 = tpu.vector_load_idx %arg9[%add3A_63, %broadcast_in_dim3A_200] : memref<128x32xf32, #tpu.memory_space<vmem>>[vector<16xi32>, vector<16xi32>], vector<16xf32>,
    %mul3A_202 = arith.mulf %gather3A_198, %gather3A_201 : vector<16xf32>
    %add3A_203 = arith.addf %add3A_192, %mul3A_202 : vector<16xf32>
    %mul3A_204 = arith.mulf %gather3A_201, %gather3A_201 : vector<16xf32>
    %add3A_205 = arith.addf %add3A_194, %mul3A_204 : vector<16xf32>
    %add3A_206 = arith.constant 12 : i32
    %add3A_207 = vector.broadcast %add3A_206 : i32 to vector<16xi32>
    %add3A_208 = arith.addi %mul3A_70, %add3A_207 : vector<16xi32>
    %gather3A_209 = tpu.vector_load_idx %arg8[%add3A_63, %add3A_208] : memref<128x128xf32, #tpu.memory_space<vmem>>[vector<16xi32>, vector<16xi32>], vector<16xf32>,
    %broadcast_in_dim3A_210 = arith.constant 12 : i32
    %broadcast_in_dim3A_211 = vector.broadcast %broadcast_in_dim3A_210 : i32 to vector<16xi32>
    %gather3A_212 = tpu.vector_load_idx %arg9[%add3A_63, %broadcast_in_dim3A_211] : memref<128x32xf32, #tpu.memory_space<vmem>>[vector<16xi32>, vector<16xi32>], vector<16xf32>,
    %mul3A_213 = arith.mulf %gather3A_209, %gather3A_212 : vector<16xf32>
    %add3A_214 = arith.addf %add3A_203, %mul3A_213 : vector<16xf32>
    %mul3A_215 = arith.mulf %gather3A_212, %gather3A_212 : vector<16xf32>
    %add3A_216 = arith.addf %add3A_205, %mul3A_215 : vector<16xf32>
    %add3A_217 = arith.constant 13 : i32
    %add3A_218 = vector.broadcast %add3A_217 : i32 to vector<16xi32>
    %add3A_219 = arith.addi %mul3A_70, %add3A_218 : vector<16xi32>
    %gather3A_220 = tpu.vector_load_idx %arg8[%add3A_63, %add3A_219] : memref<128x128xf32, #tpu.memory_space<vmem>>[vector<16xi32>, vector<16xi32>], vector<16xf32>,
    %broadcast_in_dim3A_221 = arith.constant 13 : i32
    %broadcast_in_dim3A_222 = vector.broadcast %broadcast_in_dim3A_221 : i32 to vector<16xi32>
    %gather3A_223 = tpu.vector_load_idx %arg9[%add3A_63, %broadcast_in_dim3A_222] : memref<128x32xf32, #tpu.memory_space<vmem>>[vector<16xi32>, vector<16xi32>], vector<16xf32>,
    %mul3A_224 = arith.mulf %gather3A_220, %gather3A_223 : vector<16xf32>
    %add3A_225 = arith.addf %add3A_214, %mul3A_224 : vector<16xf32>
    %mul3A_226 = arith.mulf %gather3A_223, %gather3A_223 : vector<16xf32>
    %add3A_227 = arith.addf %add3A_216, %mul3A_226 : vector<16xf32>
    %add3A_228 = arith.constant 14 : i32
    %add3A_229 = vector.broadcast %add3A_228 : i32 to vector<16xi32>
    %add3A_230 = arith.addi %mul3A_70, %add3A_229 : vector<16xi32>
    %gather3A_231 = tpu.vector_load_idx %arg8[%add3A_63, %add3A_230] : memref<128x128xf32, #tpu.memory_space<vmem>>[vector<16xi32>, vector<16xi32>], vector<16xf32>,
    %broadcast_in_dim3A_232 = arith.constant 14 : i32
    %broadcast_in_dim3A_233 = vector.broadcast %broadcast_in_dim3A_232 : i32 to vector<16xi32>
    %gather3A_234 = tpu.vector_load_idx %arg9[%add3A_63, %broadcast_in_dim3A_233] : memref<128x32xf32, #tpu.memory_space<vmem>>[vector<16xi32>, vector<16xi32>], vector<16xf32>,
    %mul3A_235 = arith.mulf %gather3A_231, %gather3A_234 : vector<16xf32>
    %add3A_236 = arith.addf %add3A_225, %mul3A_235 : vector<16xf32>
    %mul3A_237 = arith.mulf %gather3A_234, %gather3A_234 : vector<16xf32>
    %add3A_238 = arith.addf %add3A_227, %mul3A_237 : vector<16xf32>
    %add3A_239 = arith.constant 15 : i32
    %add3A_240 = vector.broadcast %add3A_239 : i32 to vector<16xi32>
    %add3A_241 = arith.addi %mul3A_70, %add3A_240 : vector<16xi32>
    %gather3A_242 = tpu.vector_load_idx %arg8[%add3A_63, %add3A_241] : memref<128x128xf32, #tpu.memory_space<vmem>>[vector<16xi32>, vector<16xi32>], vector<16xf32>,
    %broadcast_in_dim3A_243 = arith.constant 15 : i32
    %broadcast_in_dim3A_244 = vector.broadcast %broadcast_in_dim3A_243 : i32 to vector<16xi32>
    %gather3A_245 = tpu.vector_load_idx %arg9[%add3A_63, %broadcast_in_dim3A_244] : memref<128x32xf32, #tpu.memory_space<vmem>>[vector<16xi32>, vector<16xi32>], vector<16xf32>,
    %mul3A_246 = arith.mulf %gather3A_242, %gather3A_245 : vector<16xf32>
    %add3A_247 = arith.addf %add3A_236, %mul3A_246 : vector<16xf32>
    %mul3A_248 = arith.mulf %gather3A_245, %gather3A_245 : vector<16xf32>
    %add3A_249 = arith.addf %add3A_238, %mul3A_248 : vector<16xf32>
    %add3A_250 = arith.constant 16 : i32
    %add3A_251 = vector.broadcast %add3A_250 : i32 to vector<16xi32>
    %add3A_252 = arith.addi %mul3A_70, %add3A_251 : vector<16xi32>
    %gather3A_253 = tpu.vector_load_idx %arg8[%add3A_63, %add3A_252] : memref<128x128xf32, #tpu.memory_space<vmem>>[vector<16xi32>, vector<16xi32>], vector<16xf32>,
    %broadcast_in_dim3A_254 = arith.constant 16 : i32
    %broadcast_in_dim3A_255 = vector.broadcast %broadcast_in_dim3A_254 : i32 to vector<16xi32>
    %gather3A_256 = tpu.vector_load_idx %arg9[%add3A_63, %broadcast_in_dim3A_255] : memref<128x32xf32, #tpu.memory_space<vmem>>[vector<16xi32>, vector<16xi32>], vector<16xf32>,
    %mul3A_257 = arith.mulf %gather3A_253, %gather3A_256 : vector<16xf32>
    %add3A_258 = arith.addf %add3A_247, %mul3A_257 : vector<16xf32>
    %mul3A_259 = arith.mulf %gather3A_256, %gather3A_256 : vector<16xf32>
    %add3A_260 = arith.addf %add3A_249, %mul3A_259 : vector<16xf32>
    %add3A_261 = arith.constant 17 : i32
    %add3A_262 = vector.broadcast %add3A_261 : i32 to vector<16xi32>
    %add3A_263 = arith.addi %mul3A_70, %add3A_262 : vector<16xi32>
    %gather3A_264 = tpu.vector_load_idx %arg8[%add3A_63, %add3A_263] : memref<128x128xf32, #tpu.memory_space<vmem>>[vector<16xi32>, vector<16xi32>], vector<16xf32>,
    %broadcast_in_dim3A_265 = arith.constant 17 : i32
    %broadcast_in_dim3A_266 = vector.broadcast %broadcast_in_dim3A_265 : i32 to vector<16xi32>
    %gather3A_267 = tpu.vector_load_idx %arg9[%add3A_63, %broadcast_in_dim3A_266] : memref<128x32xf32, #tpu.memory_space<vmem>>[vector<16xi32>, vector<16xi32>], vector<16xf32>,
    %mul3A_268 = arith.mulf %gather3A_264, %gather3A_267 : vector<16xf32>
    %add3A_269 = arith.addf %add3A_258, %mul3A_268 : vector<16xf32>
    %mul3A_270 = arith.mulf %gather3A_267, %gather3A_267 : vector<16xf32>
    %add3A_271 = arith.addf %add3A_260, %mul3A_270 : vector<16xf32>
    %add3A_272 = arith.constant 18 : i32
    %add3A_273 = vector.broadcast %add3A_272 : i32 to vector<16xi32>
    %add3A_274 = arith.addi %mul3A_70, %add3A_273 : vector<16xi32>
    %gather3A_275 = tpu.vector_load_idx %arg8[%add3A_63, %add3A_274] : memref<128x128xf32, #tpu.memory_space<vmem>>[vector<16xi32>, vector<16xi32>], vector<16xf32>,
    %broadcast_in_dim3A_276 = arith.constant 18 : i32
    %broadcast_in_dim3A_277 = vector.broadcast %broadcast_in_dim3A_276 : i32 to vector<16xi32>
    %gather3A_278 = tpu.vector_load_idx %arg9[%add3A_63, %broadcast_in_dim3A_277] : memref<128x32xf32, #tpu.memory_space<vmem>>[vector<16xi32>, vector<16xi32>], vector<16xf32>,
    %mul3A_279 = arith.mulf %gather3A_275, %gather3A_278 : vector<16xf32>
    %add3A_280 = arith.addf %add3A_269, %mul3A_279 : vector<16xf32>
    %mul3A_281 = arith.mulf %gather3A_278, %gather3A_278 : vector<16xf32>
    %add3A_282 = arith.addf %add3A_271, %mul3A_281 : vector<16xf32>
    %add3A_283 = arith.constant 19 : i32
    %add3A_284 = vector.broadcast %add3A_283 : i32 to vector<16xi32>
    %add3A_285 = arith.addi %mul3A_70, %add3A_284 : vector<16xi32>
    %gather3A_286 = tpu.vector_load_idx %arg8[%add3A_63, %add3A_285] : memref<128x128xf32, #tpu.memory_space<vmem>>[vector<16xi32>, vector<16xi32>], vector<16xf32>,
    %broadcast_in_dim3A_287 = arith.constant 19 : i32
    %broadcast_in_dim3A_288 = vector.broadcast %broadcast_in_dim3A_287 : i32 to vector<16xi32>
    %gather3A_289 = tpu.vector_load_idx %arg9[%add3A_63, %broadcast_in_dim3A_288] : memref<128x32xf32, #tpu.memory_space<vmem>>[vector<16xi32>, vector<16xi32>], vector<16xf32>,
    %mul3A_290 = arith.mulf %gather3A_286, %gather3A_289 : vector<16xf32>
    %add3A_291 = arith.addf %add3A_280, %mul3A_290 : vector<16xf32>
    %mul3A_292 = arith.mulf %gather3A_289, %gather3A_289 : vector<16xf32>
    %add3A_293 = arith.addf %add3A_282, %mul3A_292 : vector<16xf32>
    %add3A_294 = arith.constant 20 : i32
    %add3A_295 = vector.broadcast %add3A_294 : i32 to vector<16xi32>
    %add3A_296 = arith.addi %mul3A_70, %add3A_295 : vector<16xi32>
    %gather3A_297 = tpu.vector_load_idx %arg8[%add3A_63, %add3A_296] : memref<128x128xf32, #tpu.memory_space<vmem>>[vector<16xi32>, vector<16xi32>], vector<16xf32>,
    %broadcast_in_dim3A_298 = arith.constant 20 : i32
    %broadcast_in_dim3A_299 = vector.broadcast %broadcast_in_dim3A_298 : i32 to vector<16xi32>
    %gather3A_300 = tpu.vector_load_idx %arg9[%add3A_63, %broadcast_in_dim3A_299] : memref<128x32xf32, #tpu.memory_space<vmem>>[vector<16xi32>, vector<16xi32>], vector<16xf32>,
    %mul3A_301 = arith.mulf %gather3A_297, %gather3A_300 : vector<16xf32>
    %add3A_302 = arith.addf %add3A_291, %mul3A_301 : vector<16xf32>
    %mul3A_303 = arith.mulf %gather3A_300, %gather3A_300 : vector<16xf32>
    %add3A_304 = arith.addf %add3A_293, %mul3A_303 : vector<16xf32>
    %add3A_305 = arith.constant 21 : i32
    %add3A_306 = vector.broadcast %add3A_305 : i32 to vector<16xi32>
    %add3A_307 = arith.addi %mul3A_70, %add3A_306 : vector<16xi32>
    %gather3A_308 = tpu.vector_load_idx %arg8[%add3A_63, %add3A_307] : memref<128x128xf32, #tpu.memory_space<vmem>>[vector<16xi32>, vector<16xi32>], vector<16xf32>,
    %broadcast_in_dim3A_309 = arith.constant 21 : i32
    %broadcast_in_dim3A_310 = vector.broadcast %broadcast_in_dim3A_309 : i32 to vector<16xi32>
    %gather3A_311 = tpu.vector_load_idx %arg9[%add3A_63, %broadcast_in_dim3A_310] : memref<128x32xf32, #tpu.memory_space<vmem>>[vector<16xi32>, vector<16xi32>], vector<16xf32>,
    %mul3A_312 = arith.mulf %gather3A_308, %gather3A_311 : vector<16xf32>
    %add3A_313 = arith.addf %add3A_302, %mul3A_312 : vector<16xf32>
    %mul3A_314 = arith.mulf %gather3A_311, %gather3A_311 : vector<16xf32>
    %add3A_315 = arith.addf %add3A_304, %mul3A_314 : vector<16xf32>
    %add3A_316 = arith.constant 22 : i32
    %add3A_317 = vector.broadcast %add3A_316 : i32 to vector<16xi32>
    %add3A_318 = arith.addi %mul3A_70, %add3A_317 : vector<16xi32>
    %gather3A_319 = tpu.vector_load_idx %arg8[%add3A_63, %add3A_318] : memref<128x128xf32, #tpu.memory_space<vmem>>[vector<16xi32>, vector<16xi32>], vector<16xf32>,
    %broadcast_in_dim3A_320 = arith.constant 22 : i32
    %broadcast_in_dim3A_321 = vector.broadcast %broadcast_in_dim3A_320 : i32 to vector<16xi32>
    %gather3A_322 = tpu.vector_load_idx %arg9[%add3A_63, %broadcast_in_dim3A_321] : memref<128x32xf32, #tpu.memory_space<vmem>>[vector<16xi32>, vector<16xi32>], vector<16xf32>,
    %mul3A_323 = arith.mulf %gather3A_319, %gather3A_322 : vector<16xf32>
    %add3A_324 = arith.addf %add3A_313, %mul3A_323 : vector<16xf32>
    %mul3A_325 = arith.mulf %gather3A_322, %gather3A_322 : vector<16xf32>
    %add3A_326 = arith.addf %add3A_315, %mul3A_325 : vector<16xf32>
    %add3A_327 = arith.constant 23 : i32
    %add3A_328 = vector.broadcast %add3A_327 : i32 to vector<16xi32>
    %add3A_329 = arith.addi %mul3A_70, %add3A_328 : vector<16xi32>
    %gather3A_330 = tpu.vector_load_idx %arg8[%add3A_63, %add3A_329] : memref<128x128xf32, #tpu.memory_space<vmem>>[vector<16xi32>, vector<16xi32>], vector<16xf32>,
    %broadcast_in_dim3A_331 = arith.constant 23 : i32
    %broadcast_in_dim3A_332 = vector.broadcast %broadcast_in_dim3A_331 : i32 to vector<16xi32>
    %gather3A_333 = tpu.vector_load_idx %arg9[%add3A_63, %broadcast_in_dim3A_332] : memref<128x32xf32, #tpu.memory_space<vmem>>[vector<16xi32>, vector<16xi32>], vector<16xf32>,
    %mul3A_334 = arith.mulf %gather3A_330, %gather3A_333 : vector<16xf32>
    %add3A_335 = arith.addf %add3A_324, %mul3A_334 : vector<16xf32>
    %mul3A_336 = arith.mulf %gather3A_333, %gather3A_333 : vector<16xf32>
    %add3A_337 = arith.addf %add3A_326, %mul3A_336 : vector<16xf32>
    %add3A_338 = arith.constant 24 : i32
    %add3A_339 = vector.broadcast %add3A_338 : i32 to vector<16xi32>
    %add3A_340 = arith.addi %mul3A_70, %add3A_339 : vector<16xi32>
    %gather3A_341 = tpu.vector_load_idx %arg8[%add3A_63, %add3A_340] : memref<128x128xf32, #tpu.memory_space<vmem>>[vector<16xi32>, vector<16xi32>], vector<16xf32>,
    %broadcast_in_dim3A_342 = arith.constant 24 : i32
    %broadcast_in_dim3A_343 = vector.broadcast %broadcast_in_dim3A_342 : i32 to vector<16xi32>
    %gather3A_344 = tpu.vector_load_idx %arg9[%add3A_63, %broadcast_in_dim3A_343] : memref<128x32xf32, #tpu.memory_space<vmem>>[vector<16xi32>, vector<16xi32>], vector<16xf32>,
    %mul3A_345 = arith.mulf %gather3A_341, %gather3A_344 : vector<16xf32>
    %add3A_346 = arith.addf %add3A_335, %mul3A_345 : vector<16xf32>
    %mul3A_347 = arith.mulf %gather3A_344, %gather3A_344 : vector<16xf32>
    %add3A_348 = arith.addf %add3A_337, %mul3A_347 : vector<16xf32>
    %add3A_349 = arith.constant 25 : i32
    %add3A_350 = vector.broadcast %add3A_349 : i32 to vector<16xi32>
    %add3A_351 = arith.addi %mul3A_70, %add3A_350 : vector<16xi32>
    %gather3A_352 = tpu.vector_load_idx %arg8[%add3A_63, %add3A_351] : memref<128x128xf32, #tpu.memory_space<vmem>>[vector<16xi32>, vector<16xi32>], vector<16xf32>,
    %broadcast_in_dim3A_353 = arith.constant 25 : i32
    %broadcast_in_dim3A_354 = vector.broadcast %broadcast_in_dim3A_353 : i32 to vector<16xi32>
    %gather3A_355 = tpu.vector_load_idx %arg9[%add3A_63, %broadcast_in_dim3A_354] : memref<128x32xf32, #tpu.memory_space<vmem>>[vector<16xi32>, vector<16xi32>], vector<16xf32>,
    %mul3A_356 = arith.mulf %gather3A_352, %gather3A_355 : vector<16xf32>
    %add3A_357 = arith.addf %add3A_346, %mul3A_356 : vector<16xf32>
    %mul3A_358 = arith.mulf %gather3A_355, %gather3A_355 : vector<16xf32>
    %add3A_359 = arith.addf %add3A_348, %mul3A_358 : vector<16xf32>
    %add3A_360 = arith.constant 26 : i32
    %add3A_361 = vector.broadcast %add3A_360 : i32 to vector<16xi32>
    %add3A_362 = arith.addi %mul3A_70, %add3A_361 : vector<16xi32>
    %gather3A_363 = tpu.vector_load_idx %arg8[%add3A_63, %add3A_362] : memref<128x128xf32, #tpu.memory_space<vmem>>[vector<16xi32>, vector<16xi32>], vector<16xf32>,
    %broadcast_in_dim3A_364 = arith.constant 26 : i32
    %broadcast_in_dim3A_365 = vector.broadcast %broadcast_in_dim3A_364 : i32 to vector<16xi32>
    %gather3A_366 = tpu.vector_load_idx %arg9[%add3A_63, %broadcast_in_dim3A_365] : memref<128x32xf32, #tpu.memory_space<vmem>>[vector<16xi32>, vector<16xi32>], vector<16xf32>,
    %mul3A_367 = arith.mulf %gather3A_363, %gather3A_366 : vector<16xf32>
    %add3A_368 = arith.addf %add3A_357, %mul3A_367 : vector<16xf32>
    %mul3A_369 = arith.mulf %gather3A_366, %gather3A_366 : vector<16xf32>
    %add3A_370 = arith.addf %add3A_359, %mul3A_369 : vector<16xf32>
    %add3A_371 = arith.constant 27 : i32
    %add3A_372 = vector.broadcast %add3A_371 : i32 to vector<16xi32>
    %add3A_373 = arith.addi %mul3A_70, %add3A_372 : vector<16xi32>
    %gather3A_374 = tpu.vector_load_idx %arg8[%add3A_63, %add3A_373] : memref<128x128xf32, #tpu.memory_space<vmem>>[vector<16xi32>, vector<16xi32>], vector<16xf32>,
    %broadcast_in_dim3A_375 = arith.constant 27 : i32
    %broadcast_in_dim3A_376 = vector.broadcast %broadcast_in_dim3A_375 : i32 to vector<16xi32>
    %gather3A_377 = tpu.vector_load_idx %arg9[%add3A_63, %broadcast_in_dim3A_376] : memref<128x32xf32, #tpu.memory_space<vmem>>[vector<16xi32>, vector<16xi32>], vector<16xf32>,
    %mul3A_378 = arith.mulf %gather3A_374, %gather3A_377 : vector<16xf32>
    %add3A_379 = arith.addf %add3A_368, %mul3A_378 : vector<16xf32>
    %mul3A_380 = arith.mulf %gather3A_377, %gather3A_377 : vector<16xf32>
    %add3A_381 = arith.addf %add3A_370, %mul3A_380 : vector<16xf32>
    %add3A_382 = arith.constant 28 : i32
    %add3A_383 = vector.broadcast %add3A_382 : i32 to vector<16xi32>
    %add3A_384 = arith.addi %mul3A_70, %add3A_383 : vector<16xi32>
    %gather3A_385 = tpu.vector_load_idx %arg8[%add3A_63, %add3A_384] : memref<128x128xf32, #tpu.memory_space<vmem>>[vector<16xi32>, vector<16xi32>], vector<16xf32>,
    %broadcast_in_dim3A_386 = arith.constant 28 : i32
    %broadcast_in_dim3A_387 = vector.broadcast %broadcast_in_dim3A_386 : i32 to vector<16xi32>
    %gather3A_388 = tpu.vector_load_idx %arg9[%add3A_63, %broadcast_in_dim3A_387] : memref<128x32xf32, #tpu.memory_space<vmem>>[vector<16xi32>, vector<16xi32>], vector<16xf32>,
    %mul3A_389 = arith.mulf %gather3A_385, %gather3A_388 : vector<16xf32>
    %add3A_390 = arith.addf %add3A_379, %mul3A_389 : vector<16xf32>
    %mul3A_391 = arith.mulf %gather3A_388, %gather3A_388 : vector<16xf32>
    %add3A_392 = arith.addf %add3A_381, %mul3A_391 : vector<16xf32>
    %add3A_393 = arith.constant 29 : i32
    %add3A_394 = vector.broadcast %add3A_393 : i32 to vector<16xi32>
    %add3A_395 = arith.addi %mul3A_70, %add3A_394 : vector<16xi32>
    %gather3A_396 = tpu.vector_load_idx %arg8[%add3A_63, %add3A_395] : memref<128x128xf32, #tpu.memory_space<vmem>>[vector<16xi32>, vector<16xi32>], vector<16xf32>,
    %broadcast_in_dim3A_397 = arith.constant 29 : i32
    %broadcast_in_dim3A_398 = vector.broadcast %broadcast_in_dim3A_397 : i32 to vector<16xi32>
    %gather3A_399 = tpu.vector_load_idx %arg9[%add3A_63, %broadcast_in_dim3A_398] : memref<128x32xf32, #tpu.memory_space<vmem>>[vector<16xi32>, vector<16xi32>], vector<16xf32>,
    %mul3A_400 = arith.mulf %gather3A_396, %gather3A_399 : vector<16xf32>
    %add3A_401 = arith.addf %add3A_390, %mul3A_400 : vector<16xf32>
    %mul3A_402 = arith.mulf %gather3A_399, %gather3A_399 : vector<16xf32>
    %add3A_403 = arith.addf %add3A_392, %mul3A_402 : vector<16xf32>
    %add3A_404 = arith.constant 30 : i32
    %add3A_405 = vector.broadcast %add3A_404 : i32 to vector<16xi32>
    %add3A_406 = arith.addi %mul3A_70, %add3A_405 : vector<16xi32>
    %gather3A_407 = tpu.vector_load_idx %arg8[%add3A_63, %add3A_406] : memref<128x128xf32, #tpu.memory_space<vmem>>[vector<16xi32>, vector<16xi32>], vector<16xf32>,
    %broadcast_in_dim3A_408 = arith.constant 30 : i32
    %broadcast_in_dim3A_409 = vector.broadcast %broadcast_in_dim3A_408 : i32 to vector<16xi32>
    %gather3A_410 = tpu.vector_load_idx %arg9[%add3A_63, %broadcast_in_dim3A_409] : memref<128x32xf32, #tpu.memory_space<vmem>>[vector<16xi32>, vector<16xi32>], vector<16xf32>,
    %mul3A_411 = arith.mulf %gather3A_407, %gather3A_410 : vector<16xf32>
    %add3A_412 = arith.addf %add3A_401, %mul3A_411 : vector<16xf32>
    %mul3A_413 = arith.mulf %gather3A_410, %gather3A_410 : vector<16xf32>
    %add3A_414 = arith.addf %add3A_403, %mul3A_413 : vector<16xf32>
    %add3A_415 = arith.constant 31 : i32
    %add3A_416 = vector.broadcast %add3A_415 : i32 to vector<16xi32>
    %add3A_417 = arith.addi %mul3A_70, %add3A_416 : vector<16xi32>
    %gather3A_418 = tpu.vector_load_idx %arg8[%add3A_63, %add3A_417] : memref<128x128xf32, #tpu.memory_space<vmem>>[vector<16xi32>, vector<16xi32>], vector<16xf32>,
    %broadcast_in_dim3A_419 = arith.constant 31 : i32
    %broadcast_in_dim3A_420 = vector.broadcast %broadcast_in_dim3A_419 : i32 to vector<16xi32>
    %gather3A_421 = tpu.vector_load_idx %arg9[%add3A_63, %broadcast_in_dim3A_420] : memref<128x32xf32, #tpu.memory_space<vmem>>[vector<16xi32>, vector<16xi32>], vector<16xf32>,
    %mul3A_422 = arith.mulf %gather3A_418, %gather3A_421 : vector<16xf32>
    %add3A_423 = arith.addf %add3A_412, %mul3A_422 : vector<16xf32>
    %mul3A_424 = arith.mulf %gather3A_421, %gather3A_421 : vector<16xf32>
    %add3A_425 = arith.addf %add3A_414, %mul3A_424 : vector<16xf32>
    %bitcast3A = vector.bitcast %add3A_425 : vector<16xf32> to vector<16xi32>
    %shift_right_arithmetic3A_426 = arith.constant 1 : i32
    %shift_right_arithmetic3A_427 = vector.broadcast %shift_right_arithmetic3A_426 : i32 to vector<16xi32>
    %shift_right_arithmetic3A_428 = arith.shrsi %bitcast3A, %shift_right_arithmetic3A_427 : vector<16xi32>
    %sub3A = arith.constant 1597463007 : i32
    %sub3A_429 = vector.broadcast %sub3A : i32 to vector<16xi32>
    %sub3A_430 = arith.subi %sub3A_429, %shift_right_arithmetic3A_428 : vector<16xi32>
    %bitcast3A_431 = vector.bitcast %sub3A_430 : vector<16xi32> to vector<16xf32>
    %mul3A_432 = arith.constant 5.000000e-01 : f32
    %mul3A_433 = vector.broadcast %mul3A_432 : f32 to vector<16xf32>
    %mul3A_434 = arith.mulf %mul3A_433, %add3A_425 : vector<16xf32>
    %mul3A_435 = arith.mulf %mul3A_434, %bitcast3A_431 : vector<16xf32>
    %mul3A_436 = arith.mulf %mul3A_435, %bitcast3A_431 : vector<16xf32>
    %sub3A_437 = arith.constant 1.500000e+00 : f32
    %sub3A_438 = vector.broadcast %sub3A_437 : f32 to vector<16xf32>
    %sub3A_439 = arith.subf %sub3A_438, %mul3A_436 : vector<16xf32>
    %mul3A_440 = arith.mulf %bitcast3A_431, %sub3A_439 : vector<16xf32>
    %mul3A_441 = arith.constant 5.000000e-01 : f32
    %mul3A_442 = vector.broadcast %mul3A_441 : f32 to vector<16xf32>
    %mul3A_443 = arith.mulf %mul3A_442, %add3A_425 : vector<16xf32>
    %mul3A_444 = arith.mulf %mul3A_443, %mul3A_440 : vector<16xf32>
    %mul3A_445 = arith.mulf %mul3A_444, %mul3A_440 : vector<16xf32>
    %sub3A_446 = arith.constant 1.500000e+00 : f32
    %sub3A_447 = vector.broadcast %sub3A_446 : f32 to vector<16xf32>
    %sub3A_448 = arith.subf %sub3A_447, %mul3A_445 : vector<16xf32>
    %mul3A_449 = arith.mulf %mul3A_440, %sub3A_448 : vector<16xf32>
    %mul3A_450 = arith.constant 5.000000e-01 : f32
    %mul3A_451 = vector.broadcast %mul3A_450 : f32 to vector<16xf32>
    %mul3A_452 = arith.mulf %mul3A_451, %add3A_425 : vector<16xf32>
    %mul3A_453 = arith.mulf %mul3A_452, %mul3A_449 : vector<16xf32>
    %mul3A_454 = arith.mulf %mul3A_453, %mul3A_449 : vector<16xf32>
    %sub3A_455 = arith.constant 1.500000e+00 : f32
    %sub3A_456 = vector.broadcast %sub3A_455 : f32 to vector<16xf32>
    %sub3A_457 = arith.subf %sub3A_456, %mul3A_454 : vector<16xf32>
    %mul3A_458 = arith.mulf %mul3A_449, %sub3A_457 : vector<16xf32>
    %mul3A_459 = arith.mulf %add3A_425, %mul3A_458 : vector<16xf32>
    %add3A_460 = arith.constant 9.99999996E-13 : f32
    %add3A_461 = vector.broadcast %add3A_460 : f32 to vector<16xf32>
    %add3A_462 = arith.addf %mul3A_459, %add3A_461 : vector<16xf32>
    %div3A = arith.divf %add3A_423, %add3A_462 : vector<16xf32>
    %add3A_463 = arith.addf %broadcast_in_dim3A_60, %div3A : vector<16xf32>
    %add3A_464 = arith.constant 16 : i32
    %add3A_465 = vector.broadcast %add3A_464 : i32 to vector<16xi32>
    %add3A_466 = arith.addi %iota3A, %add3A_465 : vector<16xi32>
    %get3A_467 = arith.constant 16 : index
    %get3A_468 = tpu.vector_load %arg6[%get3A_467] {strides = array<i32>} : memref<128xi32, #tpu.memory_space<vmem>>, vector<16xi32>,
    %and3A_469 = arith.constant 3 : i32
    %and3A_470 = vector.broadcast %and3A_469 : i32 to vector<16xi32>
    %and3A_471 = arith.andi %get3A_468, %and3A_470 : vector<16xi32>
    %mul3A_472 = arith.constant 32 : i32
    %mul3A_473 = vector.broadcast %mul3A_472 : i32 to vector<16xi32>
    %mul3A_474 = arith.muli %and3A_471, %mul3A_473 : vector<16xi32>
    %broadcast_in_dim3A_475 = arith.constant 0.000000e+00 : f32
    %broadcast_in_dim3A_476 = vector.broadcast %broadcast_in_dim3A_475 : f32 to vector<16xf32>
    %broadcast_in_dim3A_477 = arith.constant 0.000000e+00 : f32
    %broadcast_in_dim3A_478 = vector.broadcast %broadcast_in_dim3A_477 : f32 to vector<16xf32>
    %add3A_479 = arith.constant 0 : i32
    %add3A_480 = vector.broadcast %add3A_479 : i32 to vector<16xi32>
    %add3A_481 = arith.addi %mul3A_474, %add3A_480 : vector<16xi32>
    %gather3A_482 = tpu.vector_load_idx %arg8[%add3A_466, %add3A_481] : memref<128x128xf32, #tpu.memory_space<vmem>>[vector<16xi32>, vector<16xi32>], vector<16xf32>,
    %broadcast_in_dim3A_483 = arith.constant 0 : i32
    %broadcast_in_dim3A_484 = vector.broadcast %broadcast_in_dim3A_483 : i32 to vector<16xi32>
    %gather3A_485 = tpu.vector_load_idx %arg9[%add3A_466, %broadcast_in_dim3A_484] : memref<128x32xf32, #tpu.memory_space<vmem>>[vector<16xi32>, vector<16xi32>], vector<16xf32>,
    %mul3A_486 = arith.mulf %gather3A_482, %gather3A_485 : vector<16xf32>
    %add3A_487 = arith.addf %broadcast_in_dim3A_476, %mul3A_486 : vector<16xf32>
    %mul3A_488 = arith.mulf %gather3A_485, %gather3A_485 : vector<16xf32>
    %add3A_489 = arith.addf %broadcast_in_dim3A_478, %mul3A_488 : vector<16xf32>
    %add3A_490 = arith.constant 1 : i32
    %add3A_491 = vector.broadcast %add3A_490 : i32 to vector<16xi32>
    %add3A_492 = arith.addi %mul3A_474, %add3A_491 : vector<16xi32>
    %gather3A_493 = tpu.vector_load_idx %arg8[%add3A_466, %add3A_492] : memref<128x128xf32, #tpu.memory_space<vmem>>[vector<16xi32>, vector<16xi32>], vector<16xf32>,
    %broadcast_in_dim3A_494 = arith.constant 1 : i32
    %broadcast_in_dim3A_495 = vector.broadcast %broadcast_in_dim3A_494 : i32 to vector<16xi32>
    %gather3A_496 = tpu.vector_load_idx %arg9[%add3A_466, %broadcast_in_dim3A_495] : memref<128x32xf32, #tpu.memory_space<vmem>>[vector<16xi32>, vector<16xi32>], vector<16xf32>,
    %mul3A_497 = arith.mulf %gather3A_493, %gather3A_496 : vector<16xf32>
    %add3A_498 = arith.addf %add3A_487, %mul3A_497 : vector<16xf32>
    %mul3A_499 = arith.mulf %gather3A_496, %gather3A_496 : vector<16xf32>
    %add3A_500 = arith.addf %add3A_489, %mul3A_499 : vector<16xf32>
    %add3A_501 = arith.constant 2 : i32
    %add3A_502 = vector.broadcast %add3A_501 : i32 to vector<16xi32>
    %add3A_503 = arith.addi %mul3A_474, %add3A_502 : vector<16xi32>
    %gather3A_504 = tpu.vector_load_idx %arg8[%add3A_466, %add3A_503] : memref<128x128xf32, #tpu.memory_space<vmem>>[vector<16xi32>, vector<16xi32>], vector<16xf32>,
    %broadcast_in_dim3A_505 = arith.constant 2 : i32
    %broadcast_in_dim3A_506 = vector.broadcast %broadcast_in_dim3A_505 : i32 to vector<16xi32>
    %gather3A_507 = tpu.vector_load_idx %arg9[%add3A_466, %broadcast_in_dim3A_506] : memref<128x32xf32, #tpu.memory_space<vmem>>[vector<16xi32>, vector<16xi32>], vector<16xf32>,
    %mul3A_508 = arith.mulf %gather3A_504, %gather3A_507 : vector<16xf32>
    %add3A_509 = arith.addf %add3A_498, %mul3A_508 : vector<16xf32>
    %mul3A_510 = arith.mulf %gather3A_507, %gather3A_507 : vector<16xf32>
    %add3A_511 = arith.addf %add3A_500, %mul3A_510 : vector<16xf32>
    %add3A_512 = arith.constant 3 : i32
    %add3A_513 = vector.broadcast %add3A_512 : i32 to vector<16xi32>
    %add3A_514 = arith.addi %mul3A_474, %add3A_513 : vector<16xi32>
    %gather3A_515 = tpu.vector_load_idx %arg8[%add3A_466, %add3A_514] : memref<128x128xf32, #tpu.memory_space<vmem>>[vector<16xi32>, vector<16xi32>], vector<16xf32>,
    %broadcast_in_dim3A_516 = arith.constant 3 : i32
    %broadcast_in_dim3A_517 = vector.broadcast %broadcast_in_dim3A_516 : i32 to vector<16xi32>
    %gather3A_518 = tpu.vector_load_idx %arg9[%add3A_466, %broadcast_in_dim3A_517] : memref<128x32xf32, #tpu.memory_space<vmem>>[vector<16xi32>, vector<16xi32>], vector<16xf32>,
    %mul3A_519 = arith.mulf %gather3A_515, %gather3A_518 : vector<16xf32>
    %add3A_520 = arith.addf %add3A_509, %mul3A_519 : vector<16xf32>
    %mul3A_521 = arith.mulf %gather3A_518, %gather3A_518 : vector<16xf32>
    %add3A_522 = arith.addf %add3A_511, %mul3A_521 : vector<16xf32>
    %add3A_523 = arith.constant 4 : i32
    %add3A_524 = vector.broadcast %add3A_523 : i32 to vector<16xi32>
    %add3A_525 = arith.addi %mul3A_474, %add3A_524 : vector<16xi32>
    %gather3A_526 = tpu.vector_load_idx %arg8[%add3A_466, %add3A_525] : memref<128x128xf32, #tpu.memory_space<vmem>>[vector<16xi32>, vector<16xi32>], vector<16xf32>,
    %broadcast_in_dim3A_527 = arith.constant 4 : i32
    %broadcast_in_dim3A_528 = vector.broadcast %broadcast_in_dim3A_527 : i32 to vector<16xi32>
    %gather3A_529 = tpu.vector_load_idx %arg9[%add3A_466, %broadcast_in_dim3A_528] : memref<128x32xf32, #tpu.memory_space<vmem>>[vector<16xi32>, vector<16xi32>], vector<16xf32>,
    %mul3A_530 = arith.mulf %gather3A_526, %gather3A_529 : vector<16xf32>
    %add3A_531 = arith.addf %add3A_520, %mul3A_530 : vector<16xf32>
    %mul3A_532 = arith.mulf %gather3A_529, %gather3A_529 : vector<16xf32>
    %add3A_533 = arith.addf %add3A_522, %mul3A_532 : vector<16xf32>
    %add3A_534 = arith.constant 5 : i32
    %add3A_535 = vector.broadcast %add3A_534 : i32 to vector<16xi32>
    %add3A_536 = arith.addi %mul3A_474, %add3A_535 : vector<16xi32>
    %gather3A_537 = tpu.vector_load_idx %arg8[%add3A_466, %add3A_536] : memref<128x128xf32, #tpu.memory_space<vmem>>[vector<16xi32>, vector<16xi32>], vector<16xf32>,
    %broadcast_in_dim3A_538 = arith.constant 5 : i32
    %broadcast_in_dim3A_539 = vector.broadcast %broadcast_in_dim3A_538 : i32 to vector<16xi32>
    %gather3A_540 = tpu.vector_load_idx %arg9[%add3A_466, %broadcast_in_dim3A_539] : memref<128x32xf32, #tpu.memory_space<vmem>>[vector<16xi32>, vector<16xi32>], vector<16xf32>,
    %mul3A_541 = arith.mulf %gather3A_537, %gather3A_540 : vector<16xf32>
    %add3A_542 = arith.addf %add3A_531, %mul3A_541 : vector<16xf32>
    %mul3A_543 = arith.mulf %gather3A_540, %gather3A_540 : vector<16xf32>
    %add3A_544 = arith.addf %add3A_533, %mul3A_543 : vector<16xf32>
    %add3A_545 = arith.constant 6 : i32
    %add3A_546 = vector.broadcast %add3A_545 : i32 to vector<16xi32>
    %add3A_547 = arith.addi %mul3A_474, %add3A_546 : vector<16xi32>
    %gather3A_548 = tpu.vector_load_idx %arg8[%add3A_466, %add3A_547] : memref<128x128xf32, #tpu.memory_space<vmem>>[vector<16xi32>, vector<16xi32>], vector<16xf32>,
    %broadcast_in_dim3A_549 = arith.constant 6 : i32
    %broadcast_in_dim3A_550 = vector.broadcast %broadcast_in_dim3A_549 : i32 to vector<16xi32>
    %gather3A_551 = tpu.vector_load_idx %arg9[%add3A_466, %broadcast_in_dim3A_550] : memref<128x32xf32, #tpu.memory_space<vmem>>[vector<16xi32>, vector<16xi32>], vector<16xf32>,
    %mul3A_552 = arith.mulf %gather3A_548, %gather3A_551 : vector<16xf32>
    %add3A_553 = arith.addf %add3A_542, %mul3A_552 : vector<16xf32>
    %mul3A_554 = arith.mulf %gather3A_551, %gather3A_551 : vector<16xf32>
    %add3A_555 = arith.addf %add3A_544, %mul3A_554 : vector<16xf32>
    %add3A_556 = arith.constant 7 : i32
    %add3A_557 = vector.broadcast %add3A_556 : i32 to vector<16xi32>
    %add3A_558 = arith.addi %mul3A_474, %add3A_557 : vector<16xi32>
    %gather3A_559 = tpu.vector_load_idx %arg8[%add3A_466, %add3A_558] : memref<128x128xf32, #tpu.memory_space<vmem>>[vector<16xi32>, vector<16xi32>], vector<16xf32>,
    %broadcast_in_dim3A_560 = arith.constant 7 : i32
    %broadcast_in_dim3A_561 = vector.broadcast %broadcast_in_dim3A_560 : i32 to vector<16xi32>
    %gather3A_562 = tpu.vector_load_idx %arg9[%add3A_466, %broadcast_in_dim3A_561] : memref<128x32xf32, #tpu.memory_space<vmem>>[vector<16xi32>, vector<16xi32>], vector<16xf32>,
    %mul3A_563 = arith.mulf %gather3A_559, %gather3A_562 : vector<16xf32>
    %add3A_564 = arith.addf %add3A_553, %mul3A_563 : vector<16xf32>
    %mul3A_565 = arith.mulf %gather3A_562, %gather3A_562 : vector<16xf32>
    %add3A_566 = arith.addf %add3A_555, %mul3A_565 : vector<16xf32>
    %add3A_567 = arith.constant 8 : i32
    %add3A_568 = vector.broadcast %add3A_567 : i32 to vector<16xi32>
    %add3A_569 = arith.addi %mul3A_474, %add3A_568 : vector<16xi32>
    %gather3A_570 = tpu.vector_load_idx %arg8[%add3A_466, %add3A_569] : memref<128x128xf32, #tpu.memory_space<vmem>>[vector<16xi32>, vector<16xi32>], vector<16xf32>,
    %broadcast_in_dim3A_571 = arith.constant 8 : i32
    %broadcast_in_dim3A_572 = vector.broadcast %broadcast_in_dim3A_571 : i32 to vector<16xi32>
    %gather3A_573 = tpu.vector_load_idx %arg9[%add3A_466, %broadcast_in_dim3A_572] : memref<128x32xf32, #tpu.memory_space<vmem>>[vector<16xi32>, vector<16xi32>], vector<16xf32>,
    %mul3A_574 = arith.mulf %gather3A_570, %gather3A_573 : vector<16xf32>
    %add3A_575 = arith.addf %add3A_564, %mul3A_574 : vector<16xf32>
    %mul3A_576 = arith.mulf %gather3A_573, %gather3A_573 : vector<16xf32>
    %add3A_577 = arith.addf %add3A_566, %mul3A_576 : vector<16xf32>
    %add3A_578 = arith.constant 9 : i32
    %add3A_579 = vector.broadcast %add3A_578 : i32 to vector<16xi32>
    %add3A_580 = arith.addi %mul3A_474, %add3A_579 : vector<16xi32>
    %gather3A_581 = tpu.vector_load_idx %arg8[%add3A_466, %add3A_580] : memref<128x128xf32, #tpu.memory_space<vmem>>[vector<16xi32>, vector<16xi32>], vector<16xf32>,
    %broadcast_in_dim3A_582 = arith.constant 9 : i32
    %broadcast_in_dim3A_583 = vector.broadcast %broadcast_in_dim3A_582 : i32 to vector<16xi32>
    %gather3A_584 = tpu.vector_load_idx %arg9[%add3A_466, %broadcast_in_dim3A_583] : memref<128x32xf32, #tpu.memory_space<vmem>>[vector<16xi32>, vector<16xi32>], vector<16xf32>,
    %mul3A_585 = arith.mulf %gather3A_581, %gather3A_584 : vector<16xf32>
    %add3A_586 = arith.addf %add3A_575, %mul3A_585 : vector<16xf32>
    %mul3A_587 = arith.mulf %gather3A_584, %gather3A_584 : vector<16xf32>
    %add3A_588 = arith.addf %add3A_577, %mul3A_587 : vector<16xf32>
    %add3A_589 = arith.constant 10 : i32
    %add3A_590 = vector.broadcast %add3A_589 : i32 to vector<16xi32>
    %add3A_591 = arith.addi %mul3A_474, %add3A_590 : vector<16xi32>
    %gather3A_592 = tpu.vector_load_idx %arg8[%add3A_466, %add3A_591] : memref<128x128xf32, #tpu.memory_space<vmem>>[vector<16xi32>, vector<16xi32>], vector<16xf32>,
    %broadcast_in_dim3A_593 = arith.constant 10 : i32
    %broadcast_in_dim3A_594 = vector.broadcast %broadcast_in_dim3A_593 : i32 to vector<16xi32>
    %gather3A_595 = tpu.vector_load_idx %arg9[%add3A_466, %broadcast_in_dim3A_594] : memref<128x32xf32, #tpu.memory_space<vmem>>[vector<16xi32>, vector<16xi32>], vector<16xf32>,
    %mul3A_596 = arith.mulf %gather3A_592, %gather3A_595 : vector<16xf32>
    %add3A_597 = arith.addf %add3A_586, %mul3A_596 : vector<16xf32>
    %mul3A_598 = arith.mulf %gather3A_595, %gather3A_595 : vector<16xf32>
    %add3A_599 = arith.addf %add3A_588, %mul3A_598 : vector<16xf32>
    %add3A_600 = arith.constant 11 : i32
    %add3A_601 = vector.broadcast %add3A_600 : i32 to vector<16xi32>
    %add3A_602 = arith.addi %mul3A_474, %add3A_601 : vector<16xi32>
    %gather3A_603 = tpu.vector_load_idx %arg8[%add3A_466, %add3A_602] : memref<128x128xf32, #tpu.memory_space<vmem>>[vector<16xi32>, vector<16xi32>], vector<16xf32>,
    %broadcast_in_dim3A_604 = arith.constant 11 : i32
    %broadcast_in_dim3A_605 = vector.broadcast %broadcast_in_dim3A_604 : i32 to vector<16xi32>
    %gather3A_606 = tpu.vector_load_idx %arg9[%add3A_466, %broadcast_in_dim3A_605] : memref<128x32xf32, #tpu.memory_space<vmem>>[vector<16xi32>, vector<16xi32>], vector<16xf32>,
    %mul3A_607 = arith.mulf %gather3A_603, %gather3A_606 : vector<16xf32>
    %add3A_608 = arith.addf %add3A_597, %mul3A_607 : vector<16xf32>
    %mul3A_609 = arith.mulf %gather3A_606, %gather3A_606 : vector<16xf32>
    %add3A_610 = arith.addf %add3A_599, %mul3A_609 : vector<16xf32>
    %add3A_611 = arith.constant 12 : i32
    %add3A_612 = vector.broadcast %add3A_611 : i32 to vector<16xi32>
    %add3A_613 = arith.addi %mul3A_474, %add3A_612 : vector<16xi32>
    %gather3A_614 = tpu.vector_load_idx %arg8[%add3A_466, %add3A_613] : memref<128x128xf32, #tpu.memory_space<vmem>>[vector<16xi32>, vector<16xi32>], vector<16xf32>,
    %broadcast_in_dim3A_615 = arith.constant 12 : i32
    %broadcast_in_dim3A_616 = vector.broadcast %broadcast_in_dim3A_615 : i32 to vector<16xi32>
    %gather3A_617 = tpu.vector_load_idx %arg9[%add3A_466, %broadcast_in_dim3A_616] : memref<128x32xf32, #tpu.memory_space<vmem>>[vector<16xi32>, vector<16xi32>], vector<16xf32>,
    %mul3A_618 = arith.mulf %gather3A_614, %gather3A_617 : vector<16xf32>
    %add3A_619 = arith.addf %add3A_608, %mul3A_618 : vector<16xf32>
    %mul3A_620 = arith.mulf %gather3A_617, %gather3A_617 : vector<16xf32>
    %add3A_621 = arith.addf %add3A_610, %mul3A_620 : vector<16xf32>
    %add3A_622 = arith.constant 13 : i32
    %add3A_623 = vector.broadcast %add3A_622 : i32 to vector<16xi32>
    %add3A_624 = arith.addi %mul3A_474, %add3A_623 : vector<16xi32>
    %gather3A_625 = tpu.vector_load_idx %arg8[%add3A_466, %add3A_624] : memref<128x128xf32, #tpu.memory_space<vmem>>[vector<16xi32>, vector<16xi32>], vector<16xf32>,
    %broadcast_in_dim3A_626 = arith.constant 13 : i32
    %broadcast_in_dim3A_627 = vector.broadcast %broadcast_in_dim3A_626 : i32 to vector<16xi32>
    %gather3A_628 = tpu.vector_load_idx %arg9[%add3A_466, %broadcast_in_dim3A_627] : memref<128x32xf32, #tpu.memory_space<vmem>>[vector<16xi32>, vector<16xi32>], vector<16xf32>,
    %mul3A_629 = arith.mulf %gather3A_625, %gather3A_628 : vector<16xf32>
    %add3A_630 = arith.addf %add3A_619, %mul3A_629 : vector<16xf32>
    %mul3A_631 = arith.mulf %gather3A_628, %gather3A_628 : vector<16xf32>
    %add3A_632 = arith.addf %add3A_621, %mul3A_631 : vector<16xf32>
    %add3A_633 = arith.constant 14 : i32
    %add3A_634 = vector.broadcast %add3A_633 : i32 to vector<16xi32>
    %add3A_635 = arith.addi %mul3A_474, %add3A_634 : vector<16xi32>
    %gather3A_636 = tpu.vector_load_idx %arg8[%add3A_466, %add3A_635] : memref<128x128xf32, #tpu.memory_space<vmem>>[vector<16xi32>, vector<16xi32>], vector<16xf32>,
    %broadcast_in_dim3A_637 = arith.constant 14 : i32
    %broadcast_in_dim3A_638 = vector.broadcast %broadcast_in_dim3A_637 : i32 to vector<16xi32>
    %gather3A_639 = tpu.vector_load_idx %arg9[%add3A_466, %broadcast_in_dim3A_638] : memref<128x32xf32, #tpu.memory_space<vmem>>[vector<16xi32>, vector<16xi32>], vector<16xf32>,
    %mul3A_640 = arith.mulf %gather3A_636, %gather3A_639 : vector<16xf32>
    %add3A_641 = arith.addf %add3A_630, %mul3A_640 : vector<16xf32>
    %mul3A_642 = arith.mulf %gather3A_639, %gather3A_639 : vector<16xf32>
    %add3A_643 = arith.addf %add3A_632, %mul3A_642 : vector<16xf32>
    %add3A_644 = arith.constant 15 : i32
    %add3A_645 = vector.broadcast %add3A_644 : i32 to vector<16xi32>
    %add3A_646 = arith.addi %mul3A_474, %add3A_645 : vector<16xi32>
    %gather3A_647 = tpu.vector_load_idx %arg8[%add3A_466, %add3A_646] : memref<128x128xf32, #tpu.memory_space<vmem>>[vector<16xi32>, vector<16xi32>], vector<16xf32>,
    %broadcast_in_dim3A_648 = arith.constant 15 : i32
    %broadcast_in_dim3A_649 = vector.broadcast %broadcast_in_dim3A_648 : i32 to vector<16xi32>
    %gather3A_650 = tpu.vector_load_idx %arg9[%add3A_466, %broadcast_in_dim3A_649] : memref<128x32xf32, #tpu.memory_space<vmem>>[vector<16xi32>, vector<16xi32>], vector<16xf32>,
    %mul3A_651 = arith.mulf %gather3A_647, %gather3A_650 : vector<16xf32>
    %add3A_652 = arith.addf %add3A_641, %mul3A_651 : vector<16xf32>
    %mul3A_653 = arith.mulf %gather3A_650, %gather3A_650 : vector<16xf32>
    %add3A_654 = arith.addf %add3A_643, %mul3A_653 : vector<16xf32>
    %add3A_655 = arith.constant 16 : i32
    %add3A_656 = vector.broadcast %add3A_655 : i32 to vector<16xi32>
    %add3A_657 = arith.addi %mul3A_474, %add3A_656 : vector<16xi32>
    %gather3A_658 = tpu.vector_load_idx %arg8[%add3A_466, %add3A_657] : memref<128x128xf32, #tpu.memory_space<vmem>>[vector<16xi32>, vector<16xi32>], vector<16xf32>,
    %broadcast_in_dim3A_659 = arith.constant 16 : i32
    %broadcast_in_dim3A_660 = vector.broadcast %broadcast_in_dim3A_659 : i32 to vector<16xi32>
    %gather3A_661 = tpu.vector_load_idx %arg9[%add3A_466, %broadcast_in_dim3A_660] : memref<128x32xf32, #tpu.memory_space<vmem>>[vector<16xi32>, vector<16xi32>], vector<16xf32>,
    %mul3A_662 = arith.mulf %gather3A_658, %gather3A_661 : vector<16xf32>
    %add3A_663 = arith.addf %add3A_652, %mul3A_662 : vector<16xf32>
    %mul3A_664 = arith.mulf %gather3A_661, %gather3A_661 : vector<16xf32>
    %add3A_665 = arith.addf %add3A_654, %mul3A_664 : vector<16xf32>
    %add3A_666 = arith.constant 17 : i32
    %add3A_667 = vector.broadcast %add3A_666 : i32 to vector<16xi32>
    %add3A_668 = arith.addi %mul3A_474, %add3A_667 : vector<16xi32>
    %gather3A_669 = tpu.vector_load_idx %arg8[%add3A_466, %add3A_668] : memref<128x128xf32, #tpu.memory_space<vmem>>[vector<16xi32>, vector<16xi32>], vector<16xf32>,
    %broadcast_in_dim3A_670 = arith.constant 17 : i32
    %broadcast_in_dim3A_671 = vector.broadcast %broadcast_in_dim3A_670 : i32 to vector<16xi32>
    %gather3A_672 = tpu.vector_load_idx %arg9[%add3A_466, %broadcast_in_dim3A_671] : memref<128x32xf32, #tpu.memory_space<vmem>>[vector<16xi32>, vector<16xi32>], vector<16xf32>,
    %mul3A_673 = arith.mulf %gather3A_669, %gather3A_672 : vector<16xf32>
    %add3A_674 = arith.addf %add3A_663, %mul3A_673 : vector<16xf32>
    %mul3A_675 = arith.mulf %gather3A_672, %gather3A_672 : vector<16xf32>
    %add3A_676 = arith.addf %add3A_665, %mul3A_675 : vector<16xf32>
    %add3A_677 = arith.constant 18 : i32
    %add3A_678 = vector.broadcast %add3A_677 : i32 to vector<16xi32>
    %add3A_679 = arith.addi %mul3A_474, %add3A_678 : vector<16xi32>
    %gather3A_680 = tpu.vector_load_idx %arg8[%add3A_466, %add3A_679] : memref<128x128xf32, #tpu.memory_space<vmem>>[vector<16xi32>, vector<16xi32>], vector<16xf32>,
    %broadcast_in_dim3A_681 = arith.constant 18 : i32
    %broadcast_in_dim3A_682 = vector.broadcast %broadcast_in_dim3A_681 : i32 to vector<16xi32>
    %gather3A_683 = tpu.vector_load_idx %arg9[%add3A_466, %broadcast_in_dim3A_682] : memref<128x32xf32, #tpu.memory_space<vmem>>[vector<16xi32>, vector<16xi32>], vector<16xf32>,
    %mul3A_684 = arith.mulf %gather3A_680, %gather3A_683 : vector<16xf32>
    %add3A_685 = arith.addf %add3A_674, %mul3A_684 : vector<16xf32>
    %mul3A_686 = arith.mulf %gather3A_683, %gather3A_683 : vector<16xf32>
    %add3A_687 = arith.addf %add3A_676, %mul3A_686 : vector<16xf32>
    %add3A_688 = arith.constant 19 : i32
    %add3A_689 = vector.broadcast %add3A_688 : i32 to vector<16xi32>
    %add3A_690 = arith.addi %mul3A_474, %add3A_689 : vector<16xi32>
    %gather3A_691 = tpu.vector_load_idx %arg8[%add3A_466, %add3A_690] : memref<128x128xf32, #tpu.memory_space<vmem>>[vector<16xi32>, vector<16xi32>], vector<16xf32>,
    %broadcast_in_dim3A_692 = arith.constant 19 : i32
    %broadcast_in_dim3A_693 = vector.broadcast %broadcast_in_dim3A_692 : i32 to vector<16xi32>
    %gather3A_694 = tpu.vector_load_idx %arg9[%add3A_466, %broadcast_in_dim3A_693] : memref<128x32xf32, #tpu.memory_space<vmem>>[vector<16xi32>, vector<16xi32>], vector<16xf32>,
    %mul3A_695 = arith.mulf %gather3A_691, %gather3A_694 : vector<16xf32>
    %add3A_696 = arith.addf %add3A_685, %mul3A_695 : vector<16xf32>
    %mul3A_697 = arith.mulf %gather3A_694, %gather3A_694 : vector<16xf32>
    %add3A_698 = arith.addf %add3A_687, %mul3A_697 : vector<16xf32>
    %add3A_699 = arith.constant 20 : i32
    %add3A_700 = vector.broadcast %add3A_699 : i32 to vector<16xi32>
    %add3A_701 = arith.addi %mul3A_474, %add3A_700 : vector<16xi32>
    %gather3A_702 = tpu.vector_load_idx %arg8[%add3A_466, %add3A_701] : memref<128x128xf32, #tpu.memory_space<vmem>>[vector<16xi32>, vector<16xi32>], vector<16xf32>,
    %broadcast_in_dim3A_703 = arith.constant 20 : i32
    %broadcast_in_dim3A_704 = vector.broadcast %broadcast_in_dim3A_703 : i32 to vector<16xi32>
    %gather3A_705 = tpu.vector_load_idx %arg9[%add3A_466, %broadcast_in_dim3A_704] : memref<128x32xf32, #tpu.memory_space<vmem>>[vector<16xi32>, vector<16xi32>], vector<16xf32>,
    %mul3A_706 = arith.mulf %gather3A_702, %gather3A_705 : vector<16xf32>
    %add3A_707 = arith.addf %add3A_696, %mul3A_706 : vector<16xf32>
    %mul3A_708 = arith.mulf %gather3A_705, %gather3A_705 : vector<16xf32>
    %add3A_709 = arith.addf %add3A_698, %mul3A_708 : vector<16xf32>
    %add3A_710 = arith.constant 21 : i32
    %add3A_711 = vector.broadcast %add3A_710 : i32 to vector<16xi32>
    %add3A_712 = arith.addi %mul3A_474, %add3A_711 : vector<16xi32>
    %gather3A_713 = tpu.vector_load_idx %arg8[%add3A_466, %add3A_712] : memref<128x128xf32, #tpu.memory_space<vmem>>[vector<16xi32>, vector<16xi32>], vector<16xf32>,
    %broadcast_in_dim3A_714 = arith.constant 21 : i32
    %broadcast_in_dim3A_715 = vector.broadcast %broadcast_in_dim3A_714 : i32 to vector<16xi32>
    %gather3A_716 = tpu.vector_load_idx %arg9[%add3A_466, %broadcast_in_dim3A_715] : memref<128x32xf32, #tpu.memory_space<vmem>>[vector<16xi32>, vector<16xi32>], vector<16xf32>,
    %mul3A_717 = arith.mulf %gather3A_713, %gather3A_716 : vector<16xf32>
    %add3A_718 = arith.addf %add3A_707, %mul3A_717 : vector<16xf32>
    %mul3A_719 = arith.mulf %gather3A_716, %gather3A_716 : vector<16xf32>
    %add3A_720 = arith.addf %add3A_709, %mul3A_719 : vector<16xf32>
    %add3A_721 = arith.constant 22 : i32
    %add3A_722 = vector.broadcast %add3A_721 : i32 to vector<16xi32>
    %add3A_723 = arith.addi %mul3A_474, %add3A_722 : vector<16xi32>
    %gather3A_724 = tpu.vector_load_idx %arg8[%add3A_466, %add3A_723] : memref<128x128xf32, #tpu.memory_space<vmem>>[vector<16xi32>, vector<16xi32>], vector<16xf32>,
    %broadcast_in_dim3A_725 = arith.constant 22 : i32
    %broadcast_in_dim3A_726 = vector.broadcast %broadcast_in_dim3A_725 : i32 to vector<16xi32>
    %gather3A_727 = tpu.vector_load_idx %arg9[%add3A_466, %broadcast_in_dim3A_726] : memref<128x32xf32, #tpu.memory_space<vmem>>[vector<16xi32>, vector<16xi32>], vector<16xf32>,
    %mul3A_728 = arith.mulf %gather3A_724, %gather3A_727 : vector<16xf32>
    %add3A_729 = arith.addf %add3A_718, %mul3A_728 : vector<16xf32>
    %mul3A_730 = arith.mulf %gather3A_727, %gather3A_727 : vector<16xf32>
    %add3A_731 = arith.addf %add3A_720, %mul3A_730 : vector<16xf32>
    %add3A_732 = arith.constant 23 : i32
    %add3A_733 = vector.broadcast %add3A_732 : i32 to vector<16xi32>
    %add3A_734 = arith.addi %mul3A_474, %add3A_733 : vector<16xi32>
    %gather3A_735 = tpu.vector_load_idx %arg8[%add3A_466, %add3A_734] : memref<128x128xf32, #tpu.memory_space<vmem>>[vector<16xi32>, vector<16xi32>], vector<16xf32>,
    %broadcast_in_dim3A_736 = arith.constant 23 : i32
    %broadcast_in_dim3A_737 = vector.broadcast %broadcast_in_dim3A_736 : i32 to vector<16xi32>
    %gather3A_738 = tpu.vector_load_idx %arg9[%add3A_466, %broadcast_in_dim3A_737] : memref<128x32xf32, #tpu.memory_space<vmem>>[vector<16xi32>, vector<16xi32>], vector<16xf32>,
    %mul3A_739 = arith.mulf %gather3A_735, %gather3A_738 : vector<16xf32>
    %add3A_740 = arith.addf %add3A_729, %mul3A_739 : vector<16xf32>
    %mul3A_741 = arith.mulf %gather3A_738, %gather3A_738 : vector<16xf32>
    %add3A_742 = arith.addf %add3A_731, %mul3A_741 : vector<16xf32>
    %add3A_743 = arith.constant 24 : i32
    %add3A_744 = vector.broadcast %add3A_743 : i32 to vector<16xi32>
    %add3A_745 = arith.addi %mul3A_474, %add3A_744 : vector<16xi32>
    %gather3A_746 = tpu.vector_load_idx %arg8[%add3A_466, %add3A_745] : memref<128x128xf32, #tpu.memory_space<vmem>>[vector<16xi32>, vector<16xi32>], vector<16xf32>,
    %broadcast_in_dim3A_747 = arith.constant 24 : i32
    %broadcast_in_dim3A_748 = vector.broadcast %broadcast_in_dim3A_747 : i32 to vector<16xi32>
    %gather3A_749 = tpu.vector_load_idx %arg9[%add3A_466, %broadcast_in_dim3A_748] : memref<128x32xf32, #tpu.memory_space<vmem>>[vector<16xi32>, vector<16xi32>], vector<16xf32>,
    %mul3A_750 = arith.mulf %gather3A_746, %gather3A_749 : vector<16xf32>
    %add3A_751 = arith.addf %add3A_740, %mul3A_750 : vector<16xf32>
    %mul3A_752 = arith.mulf %gather3A_749, %gather3A_749 : vector<16xf32>
    %add3A_753 = arith.addf %add3A_742, %mul3A_752 : vector<16xf32>
    %add3A_754 = arith.constant 25 : i32
    %add3A_755 = vector.broadcast %add3A_754 : i32 to vector<16xi32>
    %add3A_756 = arith.addi %mul3A_474, %add3A_755 : vector<16xi32>
    %gather3A_757 = tpu.vector_load_idx %arg8[%add3A_466, %add3A_756] : memref<128x128xf32, #tpu.memory_space<vmem>>[vector<16xi32>, vector<16xi32>], vector<16xf32>,
    %broadcast_in_dim3A_758 = arith.constant 25 : i32
    %broadcast_in_dim3A_759 = vector.broadcast %broadcast_in_dim3A_758 : i32 to vector<16xi32>
    %gather3A_760 = tpu.vector_load_idx %arg9[%add3A_466, %broadcast_in_dim3A_759] : memref<128x32xf32, #tpu.memory_space<vmem>>[vector<16xi32>, vector<16xi32>], vector<16xf32>,
    %mul3A_761 = arith.mulf %gather3A_757, %gather3A_760 : vector<16xf32>
    %add3A_762 = arith.addf %add3A_751, %mul3A_761 : vector<16xf32>
    %mul3A_763 = arith.mulf %gather3A_760, %gather3A_760 : vector<16xf32>
    %add3A_764 = arith.addf %add3A_753, %mul3A_763 : vector<16xf32>
    %add3A_765 = arith.constant 26 : i32
    %add3A_766 = vector.broadcast %add3A_765 : i32 to vector<16xi32>
    %add3A_767 = arith.addi %mul3A_474, %add3A_766 : vector<16xi32>
    %gather3A_768 = tpu.vector_load_idx %arg8[%add3A_466, %add3A_767] : memref<128x128xf32, #tpu.memory_space<vmem>>[vector<16xi32>, vector<16xi32>], vector<16xf32>,
    %broadcast_in_dim3A_769 = arith.constant 26 : i32
    %broadcast_in_dim3A_770 = vector.broadcast %broadcast_in_dim3A_769 : i32 to vector<16xi32>
    %gather3A_771 = tpu.vector_load_idx %arg9[%add3A_466, %broadcast_in_dim3A_770] : memref<128x32xf32, #tpu.memory_space<vmem>>[vector<16xi32>, vector<16xi32>], vector<16xf32>,
    %mul3A_772 = arith.mulf %gather3A_768, %gather3A_771 : vector<16xf32>
    %add3A_773 = arith.addf %add3A_762, %mul3A_772 : vector<16xf32>
    %mul3A_774 = arith.mulf %gather3A_771, %gather3A_771 : vector<16xf32>
    %add3A_775 = arith.addf %add3A_764, %mul3A_774 : vector<16xf32>
    %add3A_776 = arith.constant 27 : i32
    %add3A_777 = vector.broadcast %add3A_776 : i32 to vector<16xi32>
    %add3A_778 = arith.addi %mul3A_474, %add3A_777 : vector<16xi32>
    %gather3A_779 = tpu.vector_load_idx %arg8[%add3A_466, %add3A_778] : memref<128x128xf32, #tpu.memory_space<vmem>>[vector<16xi32>, vector<16xi32>], vector<16xf32>,
    %broadcast_in_dim3A_780 = arith.constant 27 : i32
    %broadcast_in_dim3A_781 = vector.broadcast %broadcast_in_dim3A_780 : i32 to vector<16xi32>
    %gather3A_782 = tpu.vector_load_idx %arg9[%add3A_466, %broadcast_in_dim3A_781] : memref<128x32xf32, #tpu.memory_space<vmem>>[vector<16xi32>, vector<16xi32>], vector<16xf32>,
    %mul3A_783 = arith.mulf %gather3A_779, %gather3A_782 : vector<16xf32>
    %add3A_784 = arith.addf %add3A_773, %mul3A_783 : vector<16xf32>
    %mul3A_785 = arith.mulf %gather3A_782, %gather3A_782 : vector<16xf32>
    %add3A_786 = arith.addf %add3A_775, %mul3A_785 : vector<16xf32>
    %add3A_787 = arith.constant 28 : i32
    %add3A_788 = vector.broadcast %add3A_787 : i32 to vector<16xi32>
    %add3A_789 = arith.addi %mul3A_474, %add3A_788 : vector<16xi32>
    %gather3A_790 = tpu.vector_load_idx %arg8[%add3A_466, %add3A_789] : memref<128x128xf32, #tpu.memory_space<vmem>>[vector<16xi32>, vector<16xi32>], vector<16xf32>,
    %broadcast_in_dim3A_791 = arith.constant 28 : i32
    %broadcast_in_dim3A_792 = vector.broadcast %broadcast_in_dim3A_791 : i32 to vector<16xi32>
    %gather3A_793 = tpu.vector_load_idx %arg9[%add3A_466, %broadcast_in_dim3A_792] : memref<128x32xf32, #tpu.memory_space<vmem>>[vector<16xi32>, vector<16xi32>], vector<16xf32>,
    %mul3A_794 = arith.mulf %gather3A_790, %gather3A_793 : vector<16xf32>
    %add3A_795 = arith.addf %add3A_784, %mul3A_794 : vector<16xf32>
    %mul3A_796 = arith.mulf %gather3A_793, %gather3A_793 : vector<16xf32>
    %add3A_797 = arith.addf %add3A_786, %mul3A_796 : vector<16xf32>
    %add3A_798 = arith.constant 29 : i32
    %add3A_799 = vector.broadcast %add3A_798 : i32 to vector<16xi32>
    %add3A_800 = arith.addi %mul3A_474, %add3A_799 : vector<16xi32>
    %gather3A_801 = tpu.vector_load_idx %arg8[%add3A_466, %add3A_800] : memref<128x128xf32, #tpu.memory_space<vmem>>[vector<16xi32>, vector<16xi32>], vector<16xf32>,
    %broadcast_in_dim3A_802 = arith.constant 29 : i32
    %broadcast_in_dim3A_803 = vector.broadcast %broadcast_in_dim3A_802 : i32 to vector<16xi32>
    %gather3A_804 = tpu.vector_load_idx %arg9[%add3A_466, %broadcast_in_dim3A_803] : memref<128x32xf32, #tpu.memory_space<vmem>>[vector<16xi32>, vector<16xi32>], vector<16xf32>,
    %mul3A_805 = arith.mulf %gather3A_801, %gather3A_804 : vector<16xf32>
    %add3A_806 = arith.addf %add3A_795, %mul3A_805 : vector<16xf32>
    %mul3A_807 = arith.mulf %gather3A_804, %gather3A_804 : vector<16xf32>
    %add3A_808 = arith.addf %add3A_797, %mul3A_807 : vector<16xf32>
    %add3A_809 = arith.constant 30 : i32
    %add3A_810 = vector.broadcast %add3A_809 : i32 to vector<16xi32>
    %add3A_811 = arith.addi %mul3A_474, %add3A_810 : vector<16xi32>
    %gather3A_812 = tpu.vector_load_idx %arg8[%add3A_466, %add3A_811] : memref<128x128xf32, #tpu.memory_space<vmem>>[vector<16xi32>, vector<16xi32>], vector<16xf32>,
    %broadcast_in_dim3A_813 = arith.constant 30 : i32
    %broadcast_in_dim3A_814 = vector.broadcast %broadcast_in_dim3A_813 : i32 to vector<16xi32>
    %gather3A_815 = tpu.vector_load_idx %arg9[%add3A_466, %broadcast_in_dim3A_814] : memref<128x32xf32, #tpu.memory_space<vmem>>[vector<16xi32>, vector<16xi32>], vector<16xf32>,
    %mul3A_816 = arith.mulf %gather3A_812, %gather3A_815 : vector<16xf32>
    %add3A_817 = arith.addf %add3A_806, %mul3A_816 : vector<16xf32>
    %mul3A_818 = arith.mulf %gather3A_815, %gather3A_815 : vector<16xf32>
    %add3A_819 = arith.addf %add3A_808, %mul3A_818 : vector<16xf32>
    %add3A_820 = arith.constant 31 : i32
    %add3A_821 = vector.broadcast %add3A_820 : i32 to vector<16xi32>
    %add3A_822 = arith.addi %mul3A_474, %add3A_821 : vector<16xi32>
    %gather3A_823 = tpu.vector_load_idx %arg8[%add3A_466, %add3A_822] : memref<128x128xf32, #tpu.memory_space<vmem>>[vector<16xi32>, vector<16xi32>], vector<16xf32>,
    %broadcast_in_dim3A_824 = arith.constant 31 : i32
    %broadcast_in_dim3A_825 = vector.broadcast %broadcast_in_dim3A_824 : i32 to vector<16xi32>
    %gather3A_826 = tpu.vector_load_idx %arg9[%add3A_466, %broadcast_in_dim3A_825] : memref<128x32xf32, #tpu.memory_space<vmem>>[vector<16xi32>, vector<16xi32>], vector<16xf32>,
    %mul3A_827 = arith.mulf %gather3A_823, %gather3A_826 : vector<16xf32>
    %add3A_828 = arith.addf %add3A_817, %mul3A_827 : vector<16xf32>
    %mul3A_829 = arith.mulf %gather3A_826, %gather3A_826 : vector<16xf32>
    %add3A_830 = arith.addf %add3A_819, %mul3A_829 : vector<16xf32>
    %bitcast3A_831 = vector.bitcast %add3A_830 : vector<16xf32> to vector<16xi32>
    %shift_right_arithmetic3A_832 = arith.constant 1 : i32
    %shift_right_arithmetic3A_833 = vector.broadcast %shift_right_arithmetic3A_832 : i32 to vector<16xi32>
    %shift_right_arithmetic3A_834 = arith.shrsi %bitcast3A_831, %shift_right_arithmetic3A_833 : vector<16xi32>
    %sub3A_835 = arith.constant 1597463007 : i32
    %sub3A_836 = vector.broadcast %sub3A_835 : i32 to vector<16xi32>
    %sub3A_837 = arith.subi %sub3A_836, %shift_right_arithmetic3A_834 : vector<16xi32>
    %bitcast3A_838 = vector.bitcast %sub3A_837 : vector<16xi32> to vector<16xf32>
    %mul3A_839 = arith.constant 5.000000e-01 : f32
    %mul3A_840 = vector.broadcast %mul3A_839 : f32 to vector<16xf32>
    %mul3A_841 = arith.mulf %mul3A_840, %add3A_830 : vector<16xf32>
    %mul3A_842 = arith.mulf %mul3A_841, %bitcast3A_838 : vector<16xf32>
    %mul3A_843 = arith.mulf %mul3A_842, %bitcast3A_838 : vector<16xf32>
    %sub3A_844 = arith.constant 1.500000e+00 : f32
    %sub3A_845 = vector.broadcast %sub3A_844 : f32 to vector<16xf32>
    %sub3A_846 = arith.subf %sub3A_845, %mul3A_843 : vector<16xf32>
    %mul3A_847 = arith.mulf %bitcast3A_838, %sub3A_846 : vector<16xf32>
    %mul3A_848 = arith.constant 5.000000e-01 : f32
    %mul3A_849 = vector.broadcast %mul3A_848 : f32 to vector<16xf32>
    %mul3A_850 = arith.mulf %mul3A_849, %add3A_830 : vector<16xf32>
    %mul3A_851 = arith.mulf %mul3A_850, %mul3A_847 : vector<16xf32>
    %mul3A_852 = arith.mulf %mul3A_851, %mul3A_847 : vector<16xf32>
    %sub3A_853 = arith.constant 1.500000e+00 : f32
    %sub3A_854 = vector.broadcast %sub3A_853 : f32 to vector<16xf32>
    %sub3A_855 = arith.subf %sub3A_854, %mul3A_852 : vector<16xf32>
    %mul3A_856 = arith.mulf %mul3A_847, %sub3A_855 : vector<16xf32>
    %mul3A_857 = arith.constant 5.000000e-01 : f32
    %mul3A_858 = vector.broadcast %mul3A_857 : f32 to vector<16xf32>
    %mul3A_859 = arith.mulf %mul3A_858, %add3A_830 : vector<16xf32>
    %mul3A_860 = arith.mulf %mul3A_859, %mul3A_856 : vector<16xf32>
    %mul3A_861 = arith.mulf %mul3A_860, %mul3A_856 : vector<16xf32>
    %sub3A_862 = arith.constant 1.500000e+00 : f32
    %sub3A_863 = vector.broadcast %sub3A_862 : f32 to vector<16xf32>
    %sub3A_864 = arith.subf %sub3A_863, %mul3A_861 : vector<16xf32>
    %mul3A_865 = arith.mulf %mul3A_856, %sub3A_864 : vector<16xf32>
    %mul3A_866 = arith.mulf %add3A_830, %mul3A_865 : vector<16xf32>
    %add3A_867 = arith.constant 9.99999996E-13 : f32
    %add3A_868 = vector.broadcast %add3A_867 : f32 to vector<16xf32>
    %add3A_869 = arith.addf %mul3A_866, %add3A_868 : vector<16xf32>
    %div3A_870 = arith.divf %add3A_828, %add3A_869 : vector<16xf32>
    %add3A_871 = arith.addf %add3A_463, %div3A_870 : vector<16xf32>
    %add3A_872 = arith.constant 32 : i32
    %add3A_873 = vector.broadcast %add3A_872 : i32 to vector<16xi32>
    %add3A_874 = arith.addi %iota3A, %add3A_873 : vector<16xi32>
    %get3A_875 = arith.constant 32 : index
    %get3A_876 = tpu.vector_load %arg6[%get3A_875] {strides = array<i32>} : memref<128xi32, #tpu.memory_space<vmem>>, vector<16xi32>,
    %and3A_877 = arith.constant 3 : i32
    %and3A_878 = vector.broadcast %and3A_877 : i32 to vector<16xi32>
    %and3A_879 = arith.andi %get3A_876, %and3A_878 : vector<16xi32>
    %mul3A_880 = arith.constant 32 : i32
    %mul3A_881 = vector.broadcast %mul3A_880 : i32 to vector<16xi32>
    %mul3A_882 = arith.muli %and3A_879, %mul3A_881 : vector<16xi32>
    %broadcast_in_dim3A_883 = arith.constant 0.000000e+00 : f32
    %broadcast_in_dim3A_884 = vector.broadcast %broadcast_in_dim3A_883 : f32 to vector<16xf32>
    %broadcast_in_dim3A_885 = arith.constant 0.000000e+00 : f32
    %broadcast_in_dim3A_886 = vector.broadcast %broadcast_in_dim3A_885 : f32 to vector<16xf32>
    %add3A_887 = arith.constant 0 : i32
    %add3A_888 = vector.broadcast %add3A_887 : i32 to vector<16xi32>
    %add3A_889 = arith.addi %mul3A_882, %add3A_888 : vector<16xi32>
    %gather3A_890 = tpu.vector_load_idx %arg8[%add3A_874, %add3A_889] : memref<128x128xf32, #tpu.memory_space<vmem>>[vector<16xi32>, vector<16xi32>], vector<16xf32>,
    %broadcast_in_dim3A_891 = arith.constant 0 : i32
    %broadcast_in_dim3A_892 = vector.broadcast %broadcast_in_dim3A_891 : i32 to vector<16xi32>
    %gather3A_893 = tpu.vector_load_idx %arg9[%add3A_874, %broadcast_in_dim3A_892] : memref<128x32xf32, #tpu.memory_space<vmem>>[vector<16xi32>, vector<16xi32>], vector<16xf32>,
    %mul3A_894 = arith.mulf %gather3A_890, %gather3A_893 : vector<16xf32>
    %add3A_895 = arith.addf %broadcast_in_dim3A_884, %mul3A_894 : vector<16xf32>
    %mul3A_896 = arith.mulf %gather3A_893, %gather3A_893 : vector<16xf32>
    %add3A_897 = arith.addf %broadcast_in_dim3A_886, %mul3A_896 : vector<16xf32>
    %add3A_898 = arith.constant 1 : i32
    %add3A_899 = vector.broadcast %add3A_898 : i32 to vector<16xi32>
    %add3A_900 = arith.addi %mul3A_882, %add3A_899 : vector<16xi32>
    %gather3A_901 = tpu.vector_load_idx %arg8[%add3A_874, %add3A_900] : memref<128x128xf32, #tpu.memory_space<vmem>>[vector<16xi32>, vector<16xi32>], vector<16xf32>,
    %broadcast_in_dim3A_902 = arith.constant 1 : i32
    %broadcast_in_dim3A_903 = vector.broadcast %broadcast_in_dim3A_902 : i32 to vector<16xi32>
    %gather3A_904 = tpu.vector_load_idx %arg9[%add3A_874, %broadcast_in_dim3A_903] : memref<128x32xf32, #tpu.memory_space<vmem>>[vector<16xi32>, vector<16xi32>], vector<16xf32>,
    %mul3A_905 = arith.mulf %gather3A_901, %gather3A_904 : vector<16xf32>
    %add3A_906 = arith.addf %add3A_895, %mul3A_905 : vector<16xf32>
    %mul3A_907 = arith.mulf %gather3A_904, %gather3A_904 : vector<16xf32>
    %add3A_908 = arith.addf %add3A_897, %mul3A_907 : vector<16xf32>
    %add3A_909 = arith.constant 2 : i32
    %add3A_910 = vector.broadcast %add3A_909 : i32 to vector<16xi32>
    %add3A_911 = arith.addi %mul3A_882, %add3A_910 : vector<16xi32>
    %gather3A_912 = tpu.vector_load_idx %arg8[%add3A_874, %add3A_911] : memref<128x128xf32, #tpu.memory_space<vmem>>[vector<16xi32>, vector<16xi32>], vector<16xf32>,
    %broadcast_in_dim3A_913 = arith.constant 2 : i32
    %broadcast_in_dim3A_914 = vector.broadcast %broadcast_in_dim3A_913 : i32 to vector<16xi32>
    %gather3A_915 = tpu.vector_load_idx %arg9[%add3A_874, %broadcast_in_dim3A_914] : memref<128x32xf32, #tpu.memory_space<vmem>>[vector<16xi32>, vector<16xi32>], vector<16xf32>,
    %mul3A_916 = arith.mulf %gather3A_912, %gather3A_915 : vector<16xf32>
    %add3A_917 = arith.addf %add3A_906, %mul3A_916 : vector<16xf32>
    %mul3A_918 = arith.mulf %gather3A_915, %gather3A_915 : vector<16xf32>
    %add3A_919 = arith.addf %add3A_908, %mul3A_918 : vector<16xf32>
    %add3A_920 = arith.constant 3 : i32
    %add3A_921 = vector.broadcast %add3A_920 : i32 to vector<16xi32>
    %add3A_922 = arith.addi %mul3A_882, %add3A_921 : vector<16xi32>
    %gather3A_923 = tpu.vector_load_idx %arg8[%add3A_874, %add3A_922] : memref<128x128xf32, #tpu.memory_space<vmem>>[vector<16xi32>, vector<16xi32>], vector<16xf32>,
    %broadcast_in_dim3A_924 = arith.constant 3 : i32
    %broadcast_in_dim3A_925 = vector.broadcast %broadcast_in_dim3A_924 : i32 to vector<16xi32>
    %gather3A_926 = tpu.vector_load_idx %arg9[%add3A_874, %broadcast_in_dim3A_925] : memref<128x32xf32, #tpu.memory_space<vmem>>[vector<16xi32>, vector<16xi32>], vector<16xf32>,
    %mul3A_927 = arith.mulf %gather3A_923, %gather3A_926 : vector<16xf32>
    %add3A_928 = arith.addf %add3A_917, %mul3A_927 : vector<16xf32>
    %mul3A_929 = arith.mulf %gather3A_926, %gather3A_926 : vector<16xf32>
    %add3A_930 = arith.addf %add3A_919, %mul3A_929 : vector<16xf32>
    %add3A_931 = arith.constant 4 : i32
    %add3A_932 = vector.broadcast %add3A_931 : i32 to vector<16xi32>
    %add3A_933 = arith.addi %mul3A_882, %add3A_932 : vector<16xi32>
    %gather3A_934 = tpu.vector_load_idx %arg8[%add3A_874, %add3A_933] : memref<128x128xf32, #tpu.memory_space<vmem>>[vector<16xi32>, vector<16xi32>], vector<16xf32>,
    %broadcast_in_dim3A_935 = arith.constant 4 : i32
    %broadcast_in_dim3A_936 = vector.broadcast %broadcast_in_dim3A_935 : i32 to vector<16xi32>
    %gather3A_937 = tpu.vector_load_idx %arg9[%add3A_874, %broadcast_in_dim3A_936] : memref<128x32xf32, #tpu.memory_space<vmem>>[vector<16xi32>, vector<16xi32>], vector<16xf32>,
    %mul3A_938 = arith.mulf %gather3A_934, %gather3A_937 : vector<16xf32>
    %add3A_939 = arith.addf %add3A_928, %mul3A_938 : vector<16xf32>
    %mul3A_940 = arith.mulf %gather3A_937, %gather3A_937 : vector<16xf32>
    %add3A_941 = arith.addf %add3A_930, %mul3A_940 : vector<16xf32>
    %add3A_942 = arith.constant 5 : i32
    %add3A_943 = vector.broadcast %add3A_942 : i32 to vector<16xi32>
    %add3A_944 = arith.addi %mul3A_882, %add3A_943 : vector<16xi32>
    %gather3A_945 = tpu.vector_load_idx %arg8[%add3A_874, %add3A_944] : memref<128x128xf32, #tpu.memory_space<vmem>>[vector<16xi32>, vector<16xi32>], vector<16xf32>,
    %broadcast_in_dim3A_946 = arith.constant 5 : i32
    %broadcast_in_dim3A_947 = vector.broadcast %broadcast_in_dim3A_946 : i32 to vector<16xi32>
    %gather3A_948 = tpu.vector_load_idx %arg9[%add3A_874, %broadcast_in_dim3A_947] : memref<128x32xf32, #tpu.memory_space<vmem>>[vector<16xi32>, vector<16xi32>], vector<16xf32>,
    %mul3A_949 = arith.mulf %gather3A_945, %gather3A_948 : vector<16xf32>
    %add3A_950 = arith.addf %add3A_939, %mul3A_949 : vector<16xf32>
    %mul3A_951 = arith.mulf %gather3A_948, %gather3A_948 : vector<16xf32>
    %add3A_952 = arith.addf %add3A_941, %mul3A_951 : vector<16xf32>
    %add3A_953 = arith.constant 6 : i32
    %add3A_954 = vector.broadcast %add3A_953 : i32 to vector<16xi32>
    %add3A_955 = arith.addi %mul3A_882, %add3A_954 : vector<16xi32>
    %gather3A_956 = tpu.vector_load_idx %arg8[%add3A_874, %add3A_955] : memref<128x128xf32, #tpu.memory_space<vmem>>[vector<16xi32>, vector<16xi32>], vector<16xf32>,
    %broadcast_in_dim3A_957 = arith.constant 6 : i32
    %broadcast_in_dim3A_958 = vector.broadcast %broadcast_in_dim3A_957 : i32 to vector<16xi32>
    %gather3A_959 = tpu.vector_load_idx %arg9[%add3A_874, %broadcast_in_dim3A_958] : memref<128x32xf32, #tpu.memory_space<vmem>>[vector<16xi32>, vector<16xi32>], vector<16xf32>,
    %mul3A_960 = arith.mulf %gather3A_956, %gather3A_959 : vector<16xf32>
    %add3A_961 = arith.addf %add3A_950, %mul3A_960 : vector<16xf32>
    %mul3A_962 = arith.mulf %gather3A_959, %gather3A_959 : vector<16xf32>
    %add3A_963 = arith.addf %add3A_952, %mul3A_962 : vector<16xf32>
    %add3A_964 = arith.constant 7 : i32
    %add3A_965 = vector.broadcast %add3A_964 : i32 to vector<16xi32>
    %add3A_966 = arith.addi %mul3A_882, %add3A_965 : vector<16xi32>
    %gather3A_967 = tpu.vector_load_idx %arg8[%add3A_874, %add3A_966] : memref<128x128xf32, #tpu.memory_space<vmem>>[vector<16xi32>, vector<16xi32>], vector<16xf32>,
    %broadcast_in_dim3A_968 = arith.constant 7 : i32
    %broadcast_in_dim3A_969 = vector.broadcast %broadcast_in_dim3A_968 : i32 to vector<16xi32>
    %gather3A_970 = tpu.vector_load_idx %arg9[%add3A_874, %broadcast_in_dim3A_969] : memref<128x32xf32, #tpu.memory_space<vmem>>[vector<16xi32>, vector<16xi32>], vector<16xf32>,
    %mul3A_971 = arith.mulf %gather3A_967, %gather3A_970 : vector<16xf32>
    %add3A_972 = arith.addf %add3A_961, %mul3A_971 : vector<16xf32>
    %mul3A_973 = arith.mulf %gather3A_970, %gather3A_970 : vector<16xf32>
    %add3A_974 = arith.addf %add3A_963, %mul3A_973 : vector<16xf32>
    %add3A_975 = arith.constant 8 : i32
    %add3A_976 = vector.broadcast %add3A_975 : i32 to vector<16xi32>
    %add3A_977 = arith.addi %mul3A_882, %add3A_976 : vector<16xi32>
    %gather3A_978 = tpu.vector_load_idx %arg8[%add3A_874, %add3A_977] : memref<128x128xf32, #tpu.memory_space<vmem>>[vector<16xi32>, vector<16xi32>], vector<16xf32>,
    %broadcast_in_dim3A_979 = arith.constant 8 : i32
    %broadcast_in_dim3A_980 = vector.broadcast %broadcast_in_dim3A_979 : i32 to vector<16xi32>
    %gather3A_981 = tpu.vector_load_idx %arg9[%add3A_874, %broadcast_in_dim3A_980] : memref<128x32xf32, #tpu.memory_space<vmem>>[vector<16xi32>, vector<16xi32>], vector<16xf32>,
    %mul3A_982 = arith.mulf %gather3A_978, %gather3A_981 : vector<16xf32>
    %add3A_983 = arith.addf %add3A_972, %mul3A_982 : vector<16xf32>
    %mul3A_984 = arith.mulf %gather3A_981, %gather3A_981 : vector<16xf32>
    %add3A_985 = arith.addf %add3A_974, %mul3A_984 : vector<16xf32>
    %add3A_986 = arith.constant 9 : i32
    %add3A_987 = vector.broadcast %add3A_986 : i32 to vector<16xi32>
    %add3A_988 = arith.addi %mul3A_882, %add3A_987 : vector<16xi32>
    %gather3A_989 = tpu.vector_load_idx %arg8[%add3A_874, %add3A_988] : memref<128x128xf32, #tpu.memory_space<vmem>>[vector<16xi32>, vector<16xi32>], vector<16xf32>,
    %broadcast_in_dim3A_990 = arith.constant 9 : i32
    %broadcast_in_dim3A_991 = vector.broadcast %broadcast_in_dim3A_990 : i32 to vector<16xi32>
    %gather3A_992 = tpu.vector_load_idx %arg9[%add3A_874, %broadcast_in_dim3A_991] : memref<128x32xf32, #tpu.memory_space<vmem>>[vector<16xi32>, vector<16xi32>], vector<16xf32>,
    %mul3A_993 = arith.mulf %gather3A_989, %gather3A_992 : vector<16xf32>
    %add3A_994 = arith.addf %add3A_983, %mul3A_993 : vector<16xf32>
    %mul3A_995 = arith.mulf %gather3A_992, %gather3A_992 : vector<16xf32>
    %add3A_996 = arith.addf %add3A_985, %mul3A_995 : vector<16xf32>
    %add3A_997 = arith.constant 10 : i32
    %add3A_998 = vector.broadcast %add3A_997 : i32 to vector<16xi32>
    %add3A_999 = arith.addi %mul3A_882, %add3A_998 : vector<16xi32>
    %gather3A_1000 = tpu.vector_load_idx %arg8[%add3A_874, %add3A_999] : memref<128x128xf32, #tpu.memory_space<vmem>>[vector<16xi32>, vector<16xi32>], vector<16xf32>,
    %broadcast_in_dim3A_1001 = arith.constant 10 : i32
    %broadcast_in_dim3A_1002 = vector.broadcast %broadcast_in_dim3A_1001 : i32 to vector<16xi32>
    %gather3A_1003 = tpu.vector_load_idx %arg9[%add3A_874, %broadcast_in_dim3A_1002] : memref<128x32xf32, #tpu.memory_space<vmem>>[vector<16xi32>, vector<16xi32>], vector<16xf32>,
    %mul3A_1004 = arith.mulf %gather3A_1000, %gather3A_1003 : vector<16xf32>
    %add3A_1005 = arith.addf %add3A_994, %mul3A_1004 : vector<16xf32>
    %mul3A_1006 = arith.mulf %gather3A_1003, %gather3A_1003 : vector<16xf32>
    %add3A_1007 = arith.addf %add3A_996, %mul3A_1006 : vector<16xf32>
    %add3A_1008 = arith.constant 11 : i32
    %add3A_1009 = vector.broadcast %add3A_1008 : i32 to vector<16xi32>
    %add3A_1010 = arith.addi %mul3A_882, %add3A_1009 : vector<16xi32>
    %gather3A_1011 = tpu.vector_load_idx %arg8[%add3A_874, %add3A_1010] : memref<128x128xf32, #tpu.memory_space<vmem>>[vector<16xi32>, vector<16xi32>], vector<16xf32>,
    %broadcast_in_dim3A_1012 = arith.constant 11 : i32
    %broadcast_in_dim3A_1013 = vector.broadcast %broadcast_in_dim3A_1012 : i32 to vector<16xi32>
    %gather3A_1014 = tpu.vector_load_idx %arg9[%add3A_874, %broadcast_in_dim3A_1013] : memref<128x32xf32, #tpu.memory_space<vmem>>[vector<16xi32>, vector<16xi32>], vector<16xf32>,
    %mul3A_1015 = arith.mulf %gather3A_1011, %gather3A_1014 : vector<16xf32>
    %add3A_1016 = arith.addf %add3A_1005, %mul3A_1015 : vector<16xf32>
    %mul3A_1017 = arith.mulf %gather3A_1014, %gather3A_1014 : vector<16xf32>
    %add3A_1018 = arith.addf %add3A_1007, %mul3A_1017 : vector<16xf32>
    %add3A_1019 = arith.constant 12 : i32
    %add3A_1020 = vector.broadcast %add3A_1019 : i32 to vector<16xi32>
    %add3A_1021 = arith.addi %mul3A_882, %add3A_1020 : vector<16xi32>
    %gather3A_1022 = tpu.vector_load_idx %arg8[%add3A_874, %add3A_1021] : memref<128x128xf32, #tpu.memory_space<vmem>>[vector<16xi32>, vector<16xi32>], vector<16xf32>,
    %broadcast_in_dim3A_1023 = arith.constant 12 : i32
    %broadcast_in_dim3A_1024 = vector.broadcast %broadcast_in_dim3A_1023 : i32 to vector<16xi32>
    %gather3A_1025 = tpu.vector_load_idx %arg9[%add3A_874, %broadcast_in_dim3A_1024] : memref<128x32xf32, #tpu.memory_space<vmem>>[vector<16xi32>, vector<16xi32>], vector<16xf32>,
    %mul3A_1026 = arith.mulf %gather3A_1022, %gather3A_1025 : vector<16xf32>
    %add3A_1027 = arith.addf %add3A_1016, %mul3A_1026 : vector<16xf32>
    %mul3A_1028 = arith.mulf %gather3A_1025, %gather3A_1025 : vector<16xf32>
    %add3A_1029 = arith.addf %add3A_1018, %mul3A_1028 : vector<16xf32>
    %add3A_1030 = arith.constant 13 : i32
    %add3A_1031 = vector.broadcast %add3A_1030 : i32 to vector<16xi32>
    %add3A_1032 = arith.addi %mul3A_882, %add3A_1031 : vector<16xi32>
    %gather3A_1033 = tpu.vector_load_idx %arg8[%add3A_874, %add3A_1032] : memref<128x128xf32, #tpu.memory_space<vmem>>[vector<16xi32>, vector<16xi32>], vector<16xf32>,
    %broadcast_in_dim3A_1034 = arith.constant 13 : i32
    %broadcast_in_dim3A_1035 = vector.broadcast %broadcast_in_dim3A_1034 : i32 to vector<16xi32>
    %gather3A_1036 = tpu.vector_load_idx %arg9[%add3A_874, %broadcast_in_dim3A_1035] : memref<128x32xf32, #tpu.memory_space<vmem>>[vector<16xi32>, vector<16xi32>], vector<16xf32>,
    %mul3A_1037 = arith.mulf %gather3A_1033, %gather3A_1036 : vector<16xf32>
    %add3A_1038 = arith.addf %add3A_1027, %mul3A_1037 : vector<16xf32>
    %mul3A_1039 = arith.mulf %gather3A_1036, %gather3A_1036 : vector<16xf32>
    %add3A_1040 = arith.addf %add3A_1029, %mul3A_1039 : vector<16xf32>
    %add3A_1041 = arith.constant 14 : i32
    %add3A_1042 = vector.broadcast %add3A_1041 : i32 to vector<16xi32>
    %add3A_1043 = arith.addi %mul3A_882, %add3A_1042 : vector<16xi32>
    %gather3A_1044 = tpu.vector_load_idx %arg8[%add3A_874, %add3A_1043] : memref<128x128xf32, #tpu.memory_space<vmem>>[vector<16xi32>, vector<16xi32>], vector<16xf32>,
    %broadcast_in_dim3A_1045 = arith.constant 14 : i32
    %broadcast_in_dim3A_1046 = vector.broadcast %broadcast_in_dim3A_1045 : i32 to vector<16xi32>
    %gather3A_1047 = tpu.vector_load_idx %arg9[%add3A_874, %broadcast_in_dim3A_1046] : memref<128x32xf32, #tpu.memory_space<vmem>>[vector<16xi32>, vector<16xi32>], vector<16xf32>,
    %mul3A_1048 = arith.mulf %gather3A_1044, %gather3A_1047 : vector<16xf32>
    %add3A_1049 = arith.addf %add3A_1038, %mul3A_1048 : vector<16xf32>
    %mul3A_1050 = arith.mulf %gather3A_1047, %gather3A_1047 : vector<16xf32>
    %add3A_1051 = arith.addf %add3A_1040, %mul3A_1050 : vector<16xf32>
    %add3A_1052 = arith.constant 15 : i32
    %add3A_1053 = vector.broadcast %add3A_1052 : i32 to vector<16xi32>
    %add3A_1054 = arith.addi %mul3A_882, %add3A_1053 : vector<16xi32>
    %gather3A_1055 = tpu.vector_load_idx %arg8[%add3A_874, %add3A_1054] : memref<128x128xf32, #tpu.memory_space<vmem>>[vector<16xi32>, vector<16xi32>], vector<16xf32>,
    %broadcast_in_dim3A_1056 = arith.constant 15 : i32
    %broadcast_in_dim3A_1057 = vector.broadcast %broadcast_in_dim3A_1056 : i32 to vector<16xi32>
    %gather3A_1058 = tpu.vector_load_idx %arg9[%add3A_874, %broadcast_in_dim3A_1057] : memref<128x32xf32, #tpu.memory_space<vmem>>[vector<16xi32>, vector<16xi32>], vector<16xf32>,
    %mul3A_1059 = arith.mulf %gather3A_1055, %gather3A_1058 : vector<16xf32>
    %add3A_1060 = arith.addf %add3A_1049, %mul3A_1059 : vector<16xf32>
    %mul3A_1061 = arith.mulf %gather3A_1058, %gather3A_1058 : vector<16xf32>
    %add3A_1062 = arith.addf %add3A_1051, %mul3A_1061 : vector<16xf32>
    %add3A_1063 = arith.constant 16 : i32
    %add3A_1064 = vector.broadcast %add3A_1063 : i32 to vector<16xi32>
    %add3A_1065 = arith.addi %mul3A_882, %add3A_1064 : vector<16xi32>
    %gather3A_1066 = tpu.vector_load_idx %arg8[%add3A_874, %add3A_1065] : memref<128x128xf32, #tpu.memory_space<vmem>>[vector<16xi32>, vector<16xi32>], vector<16xf32>,
    %broadcast_in_dim3A_1067 = arith.constant 16 : i32
    %broadcast_in_dim3A_1068 = vector.broadcast %broadcast_in_dim3A_1067 : i32 to vector<16xi32>
    %gather3A_1069 = tpu.vector_load_idx %arg9[%add3A_874, %broadcast_in_dim3A_1068] : memref<128x32xf32, #tpu.memory_space<vmem>>[vector<16xi32>, vector<16xi32>], vector<16xf32>,
    %mul3A_1070 = arith.mulf %gather3A_1066, %gather3A_1069 : vector<16xf32>
    %add3A_1071 = arith.addf %add3A_1060, %mul3A_1070 : vector<16xf32>
    %mul3A_1072 = arith.mulf %gather3A_1069, %gather3A_1069 : vector<16xf32>
    %add3A_1073 = arith.addf %add3A_1062, %mul3A_1072 : vector<16xf32>
    %add3A_1074 = arith.constant 17 : i32
    %add3A_1075 = vector.broadcast %add3A_1074 : i32 to vector<16xi32>
    %add3A_1076 = arith.addi %mul3A_882, %add3A_1075 : vector<16xi32>
    %gather3A_1077 = tpu.vector_load_idx %arg8[%add3A_874, %add3A_1076] : memref<128x128xf32, #tpu.memory_space<vmem>>[vector<16xi32>, vector<16xi32>], vector<16xf32>,
    %broadcast_in_dim3A_1078 = arith.constant 17 : i32
    %broadcast_in_dim3A_1079 = vector.broadcast %broadcast_in_dim3A_1078 : i32 to vector<16xi32>
    %gather3A_1080 = tpu.vector_load_idx %arg9[%add3A_874, %broadcast_in_dim3A_1079] : memref<128x32xf32, #tpu.memory_space<vmem>>[vector<16xi32>, vector<16xi32>], vector<16xf32>,
    %mul3A_1081 = arith.mulf %gather3A_1077, %gather3A_1080 : vector<16xf32>
    %add3A_1082 = arith.addf %add3A_1071, %mul3A_1081 : vector<16xf32>
    %mul3A_1083 = arith.mulf %gather3A_1080, %gather3A_1080 : vector<16xf32>
    %add3A_1084 = arith.addf %add3A_1073, %mul3A_1083 : vector<16xf32>
    %add3A_1085 = arith.constant 18 : i32
    %add3A_1086 = vector.broadcast %add3A_1085 : i32 to vector<16xi32>
    %add3A_1087 = arith.addi %mul3A_882, %add3A_1086 : vector<16xi32>
    %gather3A_1088 = tpu.vector_load_idx %arg8[%add3A_874, %add3A_1087] : memref<128x128xf32, #tpu.memory_space<vmem>>[vector<16xi32>, vector<16xi32>], vector<16xf32>,
    %broadcast_in_dim3A_1089 = arith.constant 18 : i32
    %broadcast_in_dim3A_1090 = vector.broadcast %broadcast_in_dim3A_1089 : i32 to vector<16xi32>
    %gather3A_1091 = tpu.vector_load_idx %arg9[%add3A_874, %broadcast_in_dim3A_1090] : memref<128x32xf32, #tpu.memory_space<vmem>>[vector<16xi32>, vector<16xi32>], vector<16xf32>,
    %mul3A_1092 = arith.mulf %gather3A_1088, %gather3A_1091 : vector<16xf32>
    %add3A_1093 = arith.addf %add3A_1082, %mul3A_1092 : vector<16xf32>
    %mul3A_1094 = arith.mulf %gather3A_1091, %gather3A_1091 : vector<16xf32>
    %add3A_1095 = arith.addf %add3A_1084, %mul3A_1094 : vector<16xf32>
    %add3A_1096 = arith.constant 19 : i32
    %add3A_1097 = vector.broadcast %add3A_1096 : i32 to vector<16xi32>
    %add3A_1098 = arith.addi %mul3A_882, %add3A_1097 : vector<16xi32>
    %gather3A_1099 = tpu.vector_load_idx %arg8[%add3A_874, %add3A_1098] : memref<128x128xf32, #tpu.memory_space<vmem>>[vector<16xi32>, vector<16xi32>], vector<16xf32>,
    %broadcast_in_dim3A_1100 = arith.constant 19 : i32
    %broadcast_in_dim3A_1101 = vector.broadcast %broadcast_in_dim3A_1100 : i32 to vector<16xi32>
    %gather3A_1102 = tpu.vector_load_idx %arg9[%add3A_874, %broadcast_in_dim3A_1101] : memref<128x32xf32, #tpu.memory_space<vmem>>[vector<16xi32>, vector<16xi32>], vector<16xf32>,
    %mul3A_1103 = arith.mulf %gather3A_1099, %gather3A_1102 : vector<16xf32>
    %add3A_1104 = arith.addf %add3A_1093, %mul3A_1103 : vector<16xf32>
    %mul3A_1105 = arith.mulf %gather3A_1102, %gather3A_1102 : vector<16xf32>
    %add3A_1106 = arith.addf %add3A_1095, %mul3A_1105 : vector<16xf32>
    %add3A_1107 = arith.constant 20 : i32
    %add3A_1108 = vector.broadcast %add3A_1107 : i32 to vector<16xi32>
    %add3A_1109 = arith.addi %mul3A_882, %add3A_1108 : vector<16xi32>
    %gather3A_1110 = tpu.vector_load_idx %arg8[%add3A_874, %add3A_1109] : memref<128x128xf32, #tpu.memory_space<vmem>>[vector<16xi32>, vector<16xi32>], vector<16xf32>,
    %broadcast_in_dim3A_1111 = arith.constant 20 : i32
    %broadcast_in_dim3A_1112 = vector.broadcast %broadcast_in_dim3A_1111 : i32 to vector<16xi32>
    %gather3A_1113 = tpu.vector_load_idx %arg9[%add3A_874, %broadcast_in_dim3A_1112] : memref<128x32xf32, #tpu.memory_space<vmem>>[vector<16xi32>, vector<16xi32>], vector<16xf32>,
    %mul3A_1114 = arith.mulf %gather3A_1110, %gather3A_1113 : vector<16xf32>
    %add3A_1115 = arith.addf %add3A_1104, %mul3A_1114 : vector<16xf32>
    %mul3A_1116 = arith.mulf %gather3A_1113, %gather3A_1113 : vector<16xf32>
    %add3A_1117 = arith.addf %add3A_1106, %mul3A_1116 : vector<16xf32>
    %add3A_1118 = arith.constant 21 : i32
    %add3A_1119 = vector.broadcast %add3A_1118 : i32 to vector<16xi32>
    %add3A_1120 = arith.addi %mul3A_882, %add3A_1119 : vector<16xi32>
    %gather3A_1121 = tpu.vector_load_idx %arg8[%add3A_874, %add3A_1120] : memref<128x128xf32, #tpu.memory_space<vmem>>[vector<16xi32>, vector<16xi32>], vector<16xf32>,
    %broadcast_in_dim3A_1122 = arith.constant 21 : i32
    %broadcast_in_dim3A_1123 = vector.broadcast %broadcast_in_dim3A_1122 : i32 to vector<16xi32>
    %gather3A_1124 = tpu.vector_load_idx %arg9[%add3A_874, %broadcast_in_dim3A_1123] : memref<128x32xf32, #tpu.memory_space<vmem>>[vector<16xi32>, vector<16xi32>], vector<16xf32>,
    %mul3A_1125 = arith.mulf %gather3A_1121, %gather3A_1124 : vector<16xf32>
    %add3A_1126 = arith.addf %add3A_1115, %mul3A_1125 : vector<16xf32>
    %mul3A_1127 = arith.mulf %gather3A_1124, %gather3A_1124 : vector<16xf32>
    %add3A_1128 = arith.addf %add3A_1117, %mul3A_1127 : vector<16xf32>
    %add3A_1129 = arith.constant 22 : i32
    %add3A_1130 = vector.broadcast %add3A_1129 : i32 to vector<16xi32>
    %add3A_1131 = arith.addi %mul3A_882, %add3A_1130 : vector<16xi32>
    %gather3A_1132 = tpu.vector_load_idx %arg8[%add3A_874, %add3A_1131] : memref<128x128xf32, #tpu.memory_space<vmem>>[vector<16xi32>, vector<16xi32>], vector<16xf32>,
    %broadcast_in_dim3A_1133 = arith.constant 22 : i32
    %broadcast_in_dim3A_1134 = vector.broadcast %broadcast_in_dim3A_1133 : i32 to vector<16xi32>
    %gather3A_1135 = tpu.vector_load_idx %arg9[%add3A_874, %broadcast_in_dim3A_1134] : memref<128x32xf32, #tpu.memory_space<vmem>>[vector<16xi32>, vector<16xi32>], vector<16xf32>,
    %mul3A_1136 = arith.mulf %gather3A_1132, %gather3A_1135 : vector<16xf32>
    %add3A_1137 = arith.addf %add3A_1126, %mul3A_1136 : vector<16xf32>
    %mul3A_1138 = arith.mulf %gather3A_1135, %gather3A_1135 : vector<16xf32>
    %add3A_1139 = arith.addf %add3A_1128, %mul3A_1138 : vector<16xf32>
    %add3A_1140 = arith.constant 23 : i32
    %add3A_1141 = vector.broadcast %add3A_1140 : i32 to vector<16xi32>
    %add3A_1142 = arith.addi %mul3A_882, %add3A_1141 : vector<16xi32>
    %gather3A_1143 = tpu.vector_load_idx %arg8[%add3A_874, %add3A_1142] : memref<128x128xf32, #tpu.memory_space<vmem>>[vector<16xi32>, vector<16xi32>], vector<16xf32>,
    %broadcast_in_dim3A_1144 = arith.constant 23 : i32
    %broadcast_in_dim3A_1145 = vector.broadcast %broadcast_in_dim3A_1144 : i32 to vector<16xi32>
    %gather3A_1146 = tpu.vector_load_idx %arg9[%add3A_874, %broadcast_in_dim3A_1145] : memref<128x32xf32, #tpu.memory_space<vmem>>[vector<16xi32>, vector<16xi32>], vector<16xf32>,
    %mul3A_1147 = arith.mulf %gather3A_1143, %gather3A_1146 : vector<16xf32>
    %add3A_1148 = arith.addf %add3A_1137, %mul3A_1147 : vector<16xf32>
    %mul3A_1149 = arith.mulf %gather3A_1146, %gather3A_1146 : vector<16xf32>
    %add3A_1150 = arith.addf %add3A_1139, %mul3A_1149 : vector<16xf32>
    %add3A_1151 = arith.constant 24 : i32
    %add3A_1152 = vector.broadcast %add3A_1151 : i32 to vector<16xi32>
    %add3A_1153 = arith.addi %mul3A_882, %add3A_1152 : vector<16xi32>
    %gather3A_1154 = tpu.vector_load_idx %arg8[%add3A_874, %add3A_1153] : memref<128x128xf32, #tpu.memory_space<vmem>>[vector<16xi32>, vector<16xi32>], vector<16xf32>,
    %broadcast_in_dim3A_1155 = arith.constant 24 : i32
    %broadcast_in_dim3A_1156 = vector.broadcast %broadcast_in_dim3A_1155 : i32 to vector<16xi32>
    %gather3A_1157 = tpu.vector_load_idx %arg9[%add3A_874, %broadcast_in_dim3A_1156] : memref<128x32xf32, #tpu.memory_space<vmem>>[vector<16xi32>, vector<16xi32>], vector<16xf32>,
    %mul3A_1158 = arith.mulf %gather3A_1154, %gather3A_1157 : vector<16xf32>
    %add3A_1159 = arith.addf %add3A_1148, %mul3A_1158 : vector<16xf32>
    %mul3A_1160 = arith.mulf %gather3A_1157, %gather3A_1157 : vector<16xf32>
    %add3A_1161 = arith.addf %add3A_1150, %mul3A_1160 : vector<16xf32>
    %add3A_1162 = arith.constant 25 : i32
    %add3A_1163 = vector.broadcast %add3A_1162 : i32 to vector<16xi32>
    %add3A_1164 = arith.addi %mul3A_882, %add3A_1163 : vector<16xi32>
    %gather3A_1165 = tpu.vector_load_idx %arg8[%add3A_874, %add3A_1164] : memref<128x128xf32, #tpu.memory_space<vmem>>[vector<16xi32>, vector<16xi32>], vector<16xf32>,
    %broadcast_in_dim3A_1166 = arith.constant 25 : i32
    %broadcast_in_dim3A_1167 = vector.broadcast %broadcast_in_dim3A_1166 : i32 to vector<16xi32>
    %gather3A_1168 = tpu.vector_load_idx %arg9[%add3A_874, %broadcast_in_dim3A_1167] : memref<128x32xf32, #tpu.memory_space<vmem>>[vector<16xi32>, vector<16xi32>], vector<16xf32>,
    %mul3A_1169 = arith.mulf %gather3A_1165, %gather3A_1168 : vector<16xf32>
    %add3A_1170 = arith.addf %add3A_1159, %mul3A_1169 : vector<16xf32>
    %mul3A_1171 = arith.mulf %gather3A_1168, %gather3A_1168 : vector<16xf32>
    %add3A_1172 = arith.addf %add3A_1161, %mul3A_1171 : vector<16xf32>
    %add3A_1173 = arith.constant 26 : i32
    %add3A_1174 = vector.broadcast %add3A_1173 : i32 to vector<16xi32>
    %add3A_1175 = arith.addi %mul3A_882, %add3A_1174 : vector<16xi32>
    %gather3A_1176 = tpu.vector_load_idx %arg8[%add3A_874, %add3A_1175] : memref<128x128xf32, #tpu.memory_space<vmem>>[vector<16xi32>, vector<16xi32>], vector<16xf32>,
    %broadcast_in_dim3A_1177 = arith.constant 26 : i32
    %broadcast_in_dim3A_1178 = vector.broadcast %broadcast_in_dim3A_1177 : i32 to vector<16xi32>
    %gather3A_1179 = tpu.vector_load_idx %arg9[%add3A_874, %broadcast_in_dim3A_1178] : memref<128x32xf32, #tpu.memory_space<vmem>>[vector<16xi32>, vector<16xi32>], vector<16xf32>,
    %mul3A_1180 = arith.mulf %gather3A_1176, %gather3A_1179 : vector<16xf32>
    %add3A_1181 = arith.addf %add3A_1170, %mul3A_1180 : vector<16xf32>
    %mul3A_1182 = arith.mulf %gather3A_1179, %gather3A_1179 : vector<16xf32>
    %add3A_1183 = arith.addf %add3A_1172, %mul3A_1182 : vector<16xf32>
    %add3A_1184 = arith.constant 27 : i32
    %add3A_1185 = vector.broadcast %add3A_1184 : i32 to vector<16xi32>
    %add3A_1186 = arith.addi %mul3A_882, %add3A_1185 : vector<16xi32>
    %gather3A_1187 = tpu.vector_load_idx %arg8[%add3A_874, %add3A_1186] : memref<128x128xf32, #tpu.memory_space<vmem>>[vector<16xi32>, vector<16xi32>], vector<16xf32>,
    %broadcast_in_dim3A_1188 = arith.constant 27 : i32
    %broadcast_in_dim3A_1189 = vector.broadcast %broadcast_in_dim3A_1188 : i32 to vector<16xi32>
    %gather3A_1190 = tpu.vector_load_idx %arg9[%add3A_874, %broadcast_in_dim3A_1189] : memref<128x32xf32, #tpu.memory_space<vmem>>[vector<16xi32>, vector<16xi32>], vector<16xf32>,
    %mul3A_1191 = arith.mulf %gather3A_1187, %gather3A_1190 : vector<16xf32>
    %add3A_1192 = arith.addf %add3A_1181, %mul3A_1191 : vector<16xf32>
    %mul3A_1193 = arith.mulf %gather3A_1190, %gather3A_1190 : vector<16xf32>
    %add3A_1194 = arith.addf %add3A_1183, %mul3A_1193 : vector<16xf32>
    %add3A_1195 = arith.constant 28 : i32
    %add3A_1196 = vector.broadcast %add3A_1195 : i32 to vector<16xi32>
    %add3A_1197 = arith.addi %mul3A_882, %add3A_1196 : vector<16xi32>
    %gather3A_1198 = tpu.vector_load_idx %arg8[%add3A_874, %add3A_1197] : memref<128x128xf32, #tpu.memory_space<vmem>>[vector<16xi32>, vector<16xi32>], vector<16xf32>,
    %broadcast_in_dim3A_1199 = arith.constant 28 : i32
    %broadcast_in_dim3A_1200 = vector.broadcast %broadcast_in_dim3A_1199 : i32 to vector<16xi32>
    %gather3A_1201 = tpu.vector_load_idx %arg9[%add3A_874, %broadcast_in_dim3A_1200] : memref<128x32xf32, #tpu.memory_space<vmem>>[vector<16xi32>, vector<16xi32>], vector<16xf32>,
    %mul3A_1202 = arith.mulf %gather3A_1198, %gather3A_1201 : vector<16xf32>
    %add3A_1203 = arith.addf %add3A_1192, %mul3A_1202 : vector<16xf32>
    %mul3A_1204 = arith.mulf %gather3A_1201, %gather3A_1201 : vector<16xf32>
    %add3A_1205 = arith.addf %add3A_1194, %mul3A_1204 : vector<16xf32>
    %add3A_1206 = arith.constant 29 : i32
    %add3A_1207 = vector.broadcast %add3A_1206 : i32 to vector<16xi32>
    %add3A_1208 = arith.addi %mul3A_882, %add3A_1207 : vector<16xi32>
    %gather3A_1209 = tpu.vector_load_idx %arg8[%add3A_874, %add3A_1208] : memref<128x128xf32, #tpu.memory_space<vmem>>[vector<16xi32>, vector<16xi32>], vector<16xf32>,
    %broadcast_in_dim3A_1210 = arith.constant 29 : i32
    %broadcast_in_dim3A_1211 = vector.broadcast %broadcast_in_dim3A_1210 : i32 to vector<16xi32>
    %gather3A_1212 = tpu.vector_load_idx %arg9[%add3A_874, %broadcast_in_dim3A_1211] : memref<128x32xf32, #tpu.memory_space<vmem>>[vector<16xi32>, vector<16xi32>], vector<16xf32>,
    %mul3A_1213 = arith.mulf %gather3A_1209, %gather3A_1212 : vector<16xf32>
    %add3A_1214 = arith.addf %add3A_1203, %mul3A_1213 : vector<16xf32>
    %mul3A_1215 = arith.mulf %gather3A_1212, %gather3A_1212 : vector<16xf32>
    %add3A_1216 = arith.addf %add3A_1205, %mul3A_1215 : vector<16xf32>
    %add3A_1217 = arith.constant 30 : i32
    %add3A_1218 = vector.broadcast %add3A_1217 : i32 to vector<16xi32>
    %add3A_1219 = arith.addi %mul3A_882, %add3A_1218 : vector<16xi32>
    %gather3A_1220 = tpu.vector_load_idx %arg8[%add3A_874, %add3A_1219] : memref<128x128xf32, #tpu.memory_space<vmem>>[vector<16xi32>, vector<16xi32>], vector<16xf32>,
    %broadcast_in_dim3A_1221 = arith.constant 30 : i32
    %broadcast_in_dim3A_1222 = vector.broadcast %broadcast_in_dim3A_1221 : i32 to vector<16xi32>
    %gather3A_1223 = tpu.vector_load_idx %arg9[%add3A_874, %broadcast_in_dim3A_1222] : memref<128x32xf32, #tpu.memory_space<vmem>>[vector<16xi32>, vector<16xi32>], vector<16xf32>,
    %mul3A_1224 = arith.mulf %gather3A_1220, %gather3A_1223 : vector<16xf32>
    %add3A_1225 = arith.addf %add3A_1214, %mul3A_1224 : vector<16xf32>
    %mul3A_1226 = arith.mulf %gather3A_1223, %gather3A_1223 : vector<16xf32>
    %add3A_1227 = arith.addf %add3A_1216, %mul3A_1226 : vector<16xf32>
    %add3A_1228 = arith.constant 31 : i32
    %add3A_1229 = vector.broadcast %add3A_1228 : i32 to vector<16xi32>
    %add3A_1230 = arith.addi %mul3A_882, %add3A_1229 : vector<16xi32>
    %gather3A_1231 = tpu.vector_load_idx %arg8[%add3A_874, %add3A_1230] : memref<128x128xf32, #tpu.memory_space<vmem>>[vector<16xi32>, vector<16xi32>], vector<16xf32>,
    %broadcast_in_dim3A_1232 = arith.constant 31 : i32
    %broadcast_in_dim3A_1233 = vector.broadcast %broadcast_in_dim3A_1232 : i32 to vector<16xi32>
    %gather3A_1234 = tpu.vector_load_idx %arg9[%add3A_874, %broadcast_in_dim3A_1233] : memref<128x32xf32, #tpu.memory_space<vmem>>[vector<16xi32>, vector<16xi32>], vector<16xf32>,
    %mul3A_1235 = arith.mulf %gather3A_1231, %gather3A_1234 : vector<16xf32>
    %add3A_1236 = arith.addf %add3A_1225, %mul3A_1235 : vector<16xf32>
    %mul3A_1237 = arith.mulf %gather3A_1234, %gather3A_1234 : vector<16xf32>
    %add3A_1238 = arith.addf %add3A_1227, %mul3A_1237 : vector<16xf32>
    %bitcast3A_1239 = vector.bitcast %add3A_1238 : vector<16xf32> to vector<16xi32>
    %shift_right_arithmetic3A_1240 = arith.constant 1 : i32
    %shift_right_arithmetic3A_1241 = vector.broadcast %shift_right_arithmetic3A_1240 : i32 to vector<16xi32>
    %shift_right_arithmetic3A_1242 = arith.shrsi %bitcast3A_1239, %shift_right_arithmetic3A_1241 : vector<16xi32>
    %sub3A_1243 = arith.constant 1597463007 : i32
    %sub3A_1244 = vector.broadcast %sub3A_1243 : i32 to vector<16xi32>
    %sub3A_1245 = arith.subi %sub3A_1244, %shift_right_arithmetic3A_1242 : vector<16xi32>
    %bitcast3A_1246 = vector.bitcast %sub3A_1245 : vector<16xi32> to vector<16xf32>
    %mul3A_1247 = arith.constant 5.000000e-01 : f32
    %mul3A_1248 = vector.broadcast %mul3A_1247 : f32 to vector<16xf32>
    %mul3A_1249 = arith.mulf %mul3A_1248, %add3A_1238 : vector<16xf32>
    %mul3A_1250 = arith.mulf %mul3A_1249, %bitcast3A_1246 : vector<16xf32>
    %mul3A_1251 = arith.mulf %mul3A_1250, %bitcast3A_1246 : vector<16xf32>
    %sub3A_1252 = arith.constant 1.500000e+00 : f32
    %sub3A_1253 = vector.broadcast %sub3A_1252 : f32 to vector<16xf32>
    %sub3A_1254 = arith.subf %sub3A_1253, %mul3A_1251 : vector<16xf32>
    %mul3A_1255 = arith.mulf %bitcast3A_1246, %sub3A_1254 : vector<16xf32>
    %mul3A_1256 = arith.constant 5.000000e-01 : f32
    %mul3A_1257 = vector.broadcast %mul3A_1256 : f32 to vector<16xf32>
    %mul3A_1258 = arith.mulf %mul3A_1257, %add3A_1238 : vector<16xf32>
    %mul3A_1259 = arith.mulf %mul3A_1258, %mul3A_1255 : vector<16xf32>
    %mul3A_1260 = arith.mulf %mul3A_1259, %mul3A_1255 : vector<16xf32>
    %sub3A_1261 = arith.constant 1.500000e+00 : f32
    %sub3A_1262 = vector.broadcast %sub3A_1261 : f32 to vector<16xf32>
    %sub3A_1263 = arith.subf %sub3A_1262, %mul3A_1260 : vector<16xf32>
    %mul3A_1264 = arith.mulf %mul3A_1255, %sub3A_1263 : vector<16xf32>
    %mul3A_1265 = arith.constant 5.000000e-01 : f32
    %mul3A_1266 = vector.broadcast %mul3A_1265 : f32 to vector<16xf32>
    %mul3A_1267 = arith.mulf %mul3A_1266, %add3A_1238 : vector<16xf32>
    %mul3A_1268 = arith.mulf %mul3A_1267, %mul3A_1264 : vector<16xf32>
    %mul3A_1269 = arith.mulf %mul3A_1268, %mul3A_1264 : vector<16xf32>
    %sub3A_1270 = arith.constant 1.500000e+00 : f32
    %sub3A_1271 = vector.broadcast %sub3A_1270 : f32 to vector<16xf32>
    %sub3A_1272 = arith.subf %sub3A_1271, %mul3A_1269 : vector<16xf32>
    %mul3A_1273 = arith.mulf %mul3A_1264, %sub3A_1272 : vector<16xf32>
    %mul3A_1274 = arith.mulf %add3A_1238, %mul3A_1273 : vector<16xf32>
    %add3A_1275 = arith.constant 9.99999996E-13 : f32
    %add3A_1276 = vector.broadcast %add3A_1275 : f32 to vector<16xf32>
    %add3A_1277 = arith.addf %mul3A_1274, %add3A_1276 : vector<16xf32>
    %div3A_1278 = arith.divf %add3A_1236, %add3A_1277 : vector<16xf32>
    %add3A_1279 = arith.addf %add3A_871, %div3A_1278 : vector<16xf32>
    %add3A_1280 = arith.constant 48 : i32
    %add3A_1281 = vector.broadcast %add3A_1280 : i32 to vector<16xi32>
    %add3A_1282 = arith.addi %iota3A, %add3A_1281 : vector<16xi32>
    %get3A_1283 = arith.constant 48 : index
    %get3A_1284 = tpu.vector_load %arg6[%get3A_1283] {strides = array<i32>} : memref<128xi32, #tpu.memory_space<vmem>>, vector<16xi32>,
    %and3A_1285 = arith.constant 3 : i32
    %and3A_1286 = vector.broadcast %and3A_1285 : i32 to vector<16xi32>
    %and3A_1287 = arith.andi %get3A_1284, %and3A_1286 : vector<16xi32>
    %mul3A_1288 = arith.constant 32 : i32
    %mul3A_1289 = vector.broadcast %mul3A_1288 : i32 to vector<16xi32>
    %mul3A_1290 = arith.muli %and3A_1287, %mul3A_1289 : vector<16xi32>
    %broadcast_in_dim3A_1291 = arith.constant 0.000000e+00 : f32
    %broadcast_in_dim3A_1292 = vector.broadcast %broadcast_in_dim3A_1291 : f32 to vector<16xf32>
    %broadcast_in_dim3A_1293 = arith.constant 0.000000e+00 : f32
    %broadcast_in_dim3A_1294 = vector.broadcast %broadcast_in_dim3A_1293 : f32 to vector<16xf32>
    %add3A_1295 = arith.constant 0 : i32
    %add3A_1296 = vector.broadcast %add3A_1295 : i32 to vector<16xi32>
    %add3A_1297 = arith.addi %mul3A_1290, %add3A_1296 : vector<16xi32>
    %gather3A_1298 = tpu.vector_load_idx %arg8[%add3A_1282, %add3A_1297] : memref<128x128xf32, #tpu.memory_space<vmem>>[vector<16xi32>, vector<16xi32>], vector<16xf32>,
    %broadcast_in_dim3A_1299 = arith.constant 0 : i32
    %broadcast_in_dim3A_1300 = vector.broadcast %broadcast_in_dim3A_1299 : i32 to vector<16xi32>
    %gather3A_1301 = tpu.vector_load_idx %arg9[%add3A_1282, %broadcast_in_dim3A_1300] : memref<128x32xf32, #tpu.memory_space<vmem>>[vector<16xi32>, vector<16xi32>], vector<16xf32>,
    %mul3A_1302 = arith.mulf %gather3A_1298, %gather3A_1301 : vector<16xf32>
    %add3A_1303 = arith.addf %broadcast_in_dim3A_1292, %mul3A_1302 : vector<16xf32>
    %mul3A_1304 = arith.mulf %gather3A_1301, %gather3A_1301 : vector<16xf32>
    %add3A_1305 = arith.addf %broadcast_in_dim3A_1294, %mul3A_1304 : vector<16xf32>
    %add3A_1306 = arith.constant 1 : i32
    %add3A_1307 = vector.broadcast %add3A_1306 : i32 to vector<16xi32>
    %add3A_1308 = arith.addi %mul3A_1290, %add3A_1307 : vector<16xi32>
    %gather3A_1309 = tpu.vector_load_idx %arg8[%add3A_1282, %add3A_1308] : memref<128x128xf32, #tpu.memory_space<vmem>>[vector<16xi32>, vector<16xi32>], vector<16xf32>,
    %broadcast_in_dim3A_1310 = arith.constant 1 : i32
    %broadcast_in_dim3A_1311 = vector.broadcast %broadcast_in_dim3A_1310 : i32 to vector<16xi32>
    %gather3A_1312 = tpu.vector_load_idx %arg9[%add3A_1282, %broadcast_in_dim3A_1311] : memref<128x32xf32, #tpu.memory_space<vmem>>[vector<16xi32>, vector<16xi32>], vector<16xf32>,
    %mul3A_1313 = arith.mulf %gather3A_1309, %gather3A_1312 : vector<16xf32>
    %add3A_1314 = arith.addf %add3A_1303, %mul3A_1313 : vector<16xf32>
    %mul3A_1315 = arith.mulf %gather3A_1312, %gather3A_1312 : vector<16xf32>
    %add3A_1316 = arith.addf %add3A_1305, %mul3A_1315 : vector<16xf32>
    %add3A_1317 = arith.constant 2 : i32
    %add3A_1318 = vector.broadcast %add3A_1317 : i32 to vector<16xi32>
    %add3A_1319 = arith.addi %mul3A_1290, %add3A_1318 : vector<16xi32>
    %gather3A_1320 = tpu.vector_load_idx %arg8[%add3A_1282, %add3A_1319] : memref<128x128xf32, #tpu.memory_space<vmem>>[vector<16xi32>, vector<16xi32>], vector<16xf32>,
    %broadcast_in_dim3A_1321 = arith.constant 2 : i32
    %broadcast_in_dim3A_1322 = vector.broadcast %broadcast_in_dim3A_1321 : i32 to vector<16xi32>
    %gather3A_1323 = tpu.vector_load_idx %arg9[%add3A_1282, %broadcast_in_dim3A_1322] : memref<128x32xf32, #tpu.memory_space<vmem>>[vector<16xi32>, vector<16xi32>], vector<16xf32>,
    %mul3A_1324 = arith.mulf %gather3A_1320, %gather3A_1323 : vector<16xf32>
    %add3A_1325 = arith.addf %add3A_1314, %mul3A_1324 : vector<16xf32>
    %mul3A_1326 = arith.mulf %gather3A_1323, %gather3A_1323 : vector<16xf32>
    %add3A_1327 = arith.addf %add3A_1316, %mul3A_1326 : vector<16xf32>
    %add3A_1328 = arith.constant 3 : i32
    %add3A_1329 = vector.broadcast %add3A_1328 : i32 to vector<16xi32>
    %add3A_1330 = arith.addi %mul3A_1290, %add3A_1329 : vector<16xi32>
    %gather3A_1331 = tpu.vector_load_idx %arg8[%add3A_1282, %add3A_1330] : memref<128x128xf32, #tpu.memory_space<vmem>>[vector<16xi32>, vector<16xi32>], vector<16xf32>,
    %broadcast_in_dim3A_1332 = arith.constant 3 : i32
    %broadcast_in_dim3A_1333 = vector.broadcast %broadcast_in_dim3A_1332 : i32 to vector<16xi32>
    %gather3A_1334 = tpu.vector_load_idx %arg9[%add3A_1282, %broadcast_in_dim3A_1333] : memref<128x32xf32, #tpu.memory_space<vmem>>[vector<16xi32>, vector<16xi32>], vector<16xf32>,
    %mul3A_1335 = arith.mulf %gather3A_1331, %gather3A_1334 : vector<16xf32>
    %add3A_1336 = arith.addf %add3A_1325, %mul3A_1335 : vector<16xf32>
    %mul3A_1337 = arith.mulf %gather3A_1334, %gather3A_1334 : vector<16xf32>
    %add3A_1338 = arith.addf %add3A_1327, %mul3A_1337 : vector<16xf32>
    %add3A_1339 = arith.constant 4 : i32
    %add3A_1340 = vector.broadcast %add3A_1339 : i32 to vector<16xi32>
    %add3A_1341 = arith.addi %mul3A_1290, %add3A_1340 : vector<16xi32>
    %gather3A_1342 = tpu.vector_load_idx %arg8[%add3A_1282, %add3A_1341] : memref<128x128xf32, #tpu.memory_space<vmem>>[vector<16xi32>, vector<16xi32>], vector<16xf32>,
    %broadcast_in_dim3A_1343 = arith.constant 4 : i32
    %broadcast_in_dim3A_1344 = vector.broadcast %broadcast_in_dim3A_1343 : i32 to vector<16xi32>
    %gather3A_1345 = tpu.vector_load_idx %arg9[%add3A_1282, %broadcast_in_dim3A_1344] : memref<128x32xf32, #tpu.memory_space<vmem>>[vector<16xi32>, vector<16xi32>], vector<16xf32>,
    %mul3A_1346 = arith.mulf %gather3A_1342, %gather3A_1345 : vector<16xf32>
    %add3A_1347 = arith.addf %add3A_1336, %mul3A_1346 : vector<16xf32>
    %mul3A_1348 = arith.mulf %gather3A_1345, %gather3A_1345 : vector<16xf32>
    %add3A_1349 = arith.addf %add3A_1338, %mul3A_1348 : vector<16xf32>
    %add3A_1350 = arith.constant 5 : i32
    %add3A_1351 = vector.broadcast %add3A_1350 : i32 to vector<16xi32>
    %add3A_1352 = arith.addi %mul3A_1290, %add3A_1351 : vector<16xi32>
    %gather3A_1353 = tpu.vector_load_idx %arg8[%add3A_1282, %add3A_1352] : memref<128x128xf32, #tpu.memory_space<vmem>>[vector<16xi32>, vector<16xi32>], vector<16xf32>,
    %broadcast_in_dim3A_1354 = arith.constant 5 : i32
    %broadcast_in_dim3A_1355 = vector.broadcast %broadcast_in_dim3A_1354 : i32 to vector<16xi32>
    %gather3A_1356 = tpu.vector_load_idx %arg9[%add3A_1282, %broadcast_in_dim3A_1355] : memref<128x32xf32, #tpu.memory_space<vmem>>[vector<16xi32>, vector<16xi32>], vector<16xf32>,
    %mul3A_1357 = arith.mulf %gather3A_1353, %gather3A_1356 : vector<16xf32>
    %add3A_1358 = arith.addf %add3A_1347, %mul3A_1357 : vector<16xf32>
    %mul3A_1359 = arith.mulf %gather3A_1356, %gather3A_1356 : vector<16xf32>
    %add3A_1360 = arith.addf %add3A_1349, %mul3A_1359 : vector<16xf32>
    %add3A_1361 = arith.constant 6 : i32
    %add3A_1362 = vector.broadcast %add3A_1361 : i32 to vector<16xi32>
    %add3A_1363 = arith.addi %mul3A_1290, %add3A_1362 : vector<16xi32>
    %gather3A_1364 = tpu.vector_load_idx %arg8[%add3A_1282, %add3A_1363] : memref<128x128xf32, #tpu.memory_space<vmem>>[vector<16xi32>, vector<16xi32>], vector<16xf32>,
    %broadcast_in_dim3A_1365 = arith.constant 6 : i32
    %broadcast_in_dim3A_1366 = vector.broadcast %broadcast_in_dim3A_1365 : i32 to vector<16xi32>
    %gather3A_1367 = tpu.vector_load_idx %arg9[%add3A_1282, %broadcast_in_dim3A_1366] : memref<128x32xf32, #tpu.memory_space<vmem>>[vector<16xi32>, vector<16xi32>], vector<16xf32>,
    %mul3A_1368 = arith.mulf %gather3A_1364, %gather3A_1367 : vector<16xf32>
    %add3A_1369 = arith.addf %add3A_1358, %mul3A_1368 : vector<16xf32>
    %mul3A_1370 = arith.mulf %gather3A_1367, %gather3A_1367 : vector<16xf32>
    %add3A_1371 = arith.addf %add3A_1360, %mul3A_1370 : vector<16xf32>
    %add3A_1372 = arith.constant 7 : i32
    %add3A_1373 = vector.broadcast %add3A_1372 : i32 to vector<16xi32>
    %add3A_1374 = arith.addi %mul3A_1290, %add3A_1373 : vector<16xi32>
    %gather3A_1375 = tpu.vector_load_idx %arg8[%add3A_1282, %add3A_1374] : memref<128x128xf32, #tpu.memory_space<vmem>>[vector<16xi32>, vector<16xi32>], vector<16xf32>,
    %broadcast_in_dim3A_1376 = arith.constant 7 : i32
    %broadcast_in_dim3A_1377 = vector.broadcast %broadcast_in_dim3A_1376 : i32 to vector<16xi32>
    %gather3A_1378 = tpu.vector_load_idx %arg9[%add3A_1282, %broadcast_in_dim3A_1377] : memref<128x32xf32, #tpu.memory_space<vmem>>[vector<16xi32>, vector<16xi32>], vector<16xf32>,
    %mul3A_1379 = arith.mulf %gather3A_1375, %gather3A_1378 : vector<16xf32>
    %add3A_1380 = arith.addf %add3A_1369, %mul3A_1379 : vector<16xf32>
    %mul3A_1381 = arith.mulf %gather3A_1378, %gather3A_1378 : vector<16xf32>
    %add3A_1382 = arith.addf %add3A_1371, %mul3A_1381 : vector<16xf32>
    %add3A_1383 = arith.constant 8 : i32
    %add3A_1384 = vector.broadcast %add3A_1383 : i32 to vector<16xi32>
    %add3A_1385 = arith.addi %mul3A_1290, %add3A_1384 : vector<16xi32>
    %gather3A_1386 = tpu.vector_load_idx %arg8[%add3A_1282, %add3A_1385] : memref<128x128xf32, #tpu.memory_space<vmem>>[vector<16xi32>, vector<16xi32>], vector<16xf32>,
    %broadcast_in_dim3A_1387 = arith.constant 8 : i32
    %broadcast_in_dim3A_1388 = vector.broadcast %broadcast_in_dim3A_1387 : i32 to vector<16xi32>
    %gather3A_1389 = tpu.vector_load_idx %arg9[%add3A_1282, %broadcast_in_dim3A_1388] : memref<128x32xf32, #tpu.memory_space<vmem>>[vector<16xi32>, vector<16xi32>], vector<16xf32>,
    %mul3A_1390 = arith.mulf %gather3A_1386, %gather3A_1389 : vector<16xf32>
    %add3A_1391 = arith.addf %add3A_1380, %mul3A_1390 : vector<16xf32>
    %mul3A_1392 = arith.mulf %gather3A_1389, %gather3A_1389 : vector<16xf32>
    %add3A_1393 = arith.addf %add3A_1382, %mul3A_1392 : vector<16xf32>
    %add3A_1394 = arith.constant 9 : i32
    %add3A_1395 = vector.broadcast %add3A_1394 : i32 to vector<16xi32>
    %add3A_1396 = arith.addi %mul3A_1290, %add3A_1395 : vector<16xi32>
    %gather3A_1397 = tpu.vector_load_idx %arg8[%add3A_1282, %add3A_1396] : memref<128x128xf32, #tpu.memory_space<vmem>>[vector<16xi32>, vector<16xi32>], vector<16xf32>,
    %broadcast_in_dim3A_1398 = arith.constant 9 : i32
    %broadcast_in_dim3A_1399 = vector.broadcast %broadcast_in_dim3A_1398 : i32 to vector<16xi32>
    %gather3A_1400 = tpu.vector_load_idx %arg9[%add3A_1282, %broadcast_in_dim3A_1399] : memref<128x32xf32, #tpu.memory_space<vmem>>[vector<16xi32>, vector<16xi32>], vector<16xf32>,
    %mul3A_1401 = arith.mulf %gather3A_1397, %gather3A_1400 : vector<16xf32>
    %add3A_1402 = arith.addf %add3A_1391, %mul3A_1401 : vector<16xf32>
    %mul3A_1403 = arith.mulf %gather3A_1400, %gather3A_1400 : vector<16xf32>
    %add3A_1404 = arith.addf %add3A_1393, %mul3A_1403 : vector<16xf32>
    %add3A_1405 = arith.constant 10 : i32
    %add3A_1406 = vector.broadcast %add3A_1405 : i32 to vector<16xi32>
    %add3A_1407 = arith.addi %mul3A_1290, %add3A_1406 : vector<16xi32>
    %gather3A_1408 = tpu.vector_load_idx %arg8[%add3A_1282, %add3A_1407] : memref<128x128xf32, #tpu.memory_space<vmem>>[vector<16xi32>, vector<16xi32>], vector<16xf32>,
    %broadcast_in_dim3A_1409 = arith.constant 10 : i32
    %broadcast_in_dim3A_1410 = vector.broadcast %broadcast_in_dim3A_1409 : i32 to vector<16xi32>
    %gather3A_1411 = tpu.vector_load_idx %arg9[%add3A_1282, %broadcast_in_dim3A_1410] : memref<128x32xf32, #tpu.memory_space<vmem>>[vector<16xi32>, vector<16xi32>], vector<16xf32>,
    %mul3A_1412 = arith.mulf %gather3A_1408, %gather3A_1411 : vector<16xf32>
    %add3A_1413 = arith.addf %add3A_1402, %mul3A_1412 : vector<16xf32>
    %mul3A_1414 = arith.mulf %gather3A_1411, %gather3A_1411 : vector<16xf32>
    %add3A_1415 = arith.addf %add3A_1404, %mul3A_1414 : vector<16xf32>
    %add3A_1416 = arith.constant 11 : i32
    %add3A_1417 = vector.broadcast %add3A_1416 : i32 to vector<16xi32>
    %add3A_1418 = arith.addi %mul3A_1290, %add3A_1417 : vector<16xi32>
    %gather3A_1419 = tpu.vector_load_idx %arg8[%add3A_1282, %add3A_1418] : memref<128x128xf32, #tpu.memory_space<vmem>>[vector<16xi32>, vector<16xi32>], vector<16xf32>,
    %broadcast_in_dim3A_1420 = arith.constant 11 : i32
    %broadcast_in_dim3A_1421 = vector.broadcast %broadcast_in_dim3A_1420 : i32 to vector<16xi32>
    %gather3A_1422 = tpu.vector_load_idx %arg9[%add3A_1282, %broadcast_in_dim3A_1421] : memref<128x32xf32, #tpu.memory_space<vmem>>[vector<16xi32>, vector<16xi32>], vector<16xf32>,
    %mul3A_1423 = arith.mulf %gather3A_1419, %gather3A_1422 : vector<16xf32>
    %add3A_1424 = arith.addf %add3A_1413, %mul3A_1423 : vector<16xf32>
    %mul3A_1425 = arith.mulf %gather3A_1422, %gather3A_1422 : vector<16xf32>
    %add3A_1426 = arith.addf %add3A_1415, %mul3A_1425 : vector<16xf32>
    %add3A_1427 = arith.constant 12 : i32
    %add3A_1428 = vector.broadcast %add3A_1427 : i32 to vector<16xi32>
    %add3A_1429 = arith.addi %mul3A_1290, %add3A_1428 : vector<16xi32>
    %gather3A_1430 = tpu.vector_load_idx %arg8[%add3A_1282, %add3A_1429] : memref<128x128xf32, #tpu.memory_space<vmem>>[vector<16xi32>, vector<16xi32>], vector<16xf32>,
    %broadcast_in_dim3A_1431 = arith.constant 12 : i32
    %broadcast_in_dim3A_1432 = vector.broadcast %broadcast_in_dim3A_1431 : i32 to vector<16xi32>
    %gather3A_1433 = tpu.vector_load_idx %arg9[%add3A_1282, %broadcast_in_dim3A_1432] : memref<128x32xf32, #tpu.memory_space<vmem>>[vector<16xi32>, vector<16xi32>], vector<16xf32>,
    %mul3A_1434 = arith.mulf %gather3A_1430, %gather3A_1433 : vector<16xf32>
    %add3A_1435 = arith.addf %add3A_1424, %mul3A_1434 : vector<16xf32>
    %mul3A_1436 = arith.mulf %gather3A_1433, %gather3A_1433 : vector<16xf32>
    %add3A_1437 = arith.addf %add3A_1426, %mul3A_1436 : vector<16xf32>
    %add3A_1438 = arith.constant 13 : i32
    %add3A_1439 = vector.broadcast %add3A_1438 : i32 to vector<16xi32>
    %add3A_1440 = arith.addi %mul3A_1290, %add3A_1439 : vector<16xi32>
    %gather3A_1441 = tpu.vector_load_idx %arg8[%add3A_1282, %add3A_1440] : memref<128x128xf32, #tpu.memory_space<vmem>>[vector<16xi32>, vector<16xi32>], vector<16xf32>,
    %broadcast_in_dim3A_1442 = arith.constant 13 : i32
    %broadcast_in_dim3A_1443 = vector.broadcast %broadcast_in_dim3A_1442 : i32 to vector<16xi32>
    %gather3A_1444 = tpu.vector_load_idx %arg9[%add3A_1282, %broadcast_in_dim3A_1443] : memref<128x32xf32, #tpu.memory_space<vmem>>[vector<16xi32>, vector<16xi32>], vector<16xf32>,
    %mul3A_1445 = arith.mulf %gather3A_1441, %gather3A_1444 : vector<16xf32>
    %add3A_1446 = arith.addf %add3A_1435, %mul3A_1445 : vector<16xf32>
    %mul3A_1447 = arith.mulf %gather3A_1444, %gather3A_1444 : vector<16xf32>
    %add3A_1448 = arith.addf %add3A_1437, %mul3A_1447 : vector<16xf32>
    %add3A_1449 = arith.constant 14 : i32
    %add3A_1450 = vector.broadcast %add3A_1449 : i32 to vector<16xi32>
    %add3A_1451 = arith.addi %mul3A_1290, %add3A_1450 : vector<16xi32>
    %gather3A_1452 = tpu.vector_load_idx %arg8[%add3A_1282, %add3A_1451] : memref<128x128xf32, #tpu.memory_space<vmem>>[vector<16xi32>, vector<16xi32>], vector<16xf32>,
    %broadcast_in_dim3A_1453 = arith.constant 14 : i32
    %broadcast_in_dim3A_1454 = vector.broadcast %broadcast_in_dim3A_1453 : i32 to vector<16xi32>
    %gather3A_1455 = tpu.vector_load_idx %arg9[%add3A_1282, %broadcast_in_dim3A_1454] : memref<128x32xf32, #tpu.memory_space<vmem>>[vector<16xi32>, vector<16xi32>], vector<16xf32>,
    %mul3A_1456 = arith.mulf %gather3A_1452, %gather3A_1455 : vector<16xf32>
    %add3A_1457 = arith.addf %add3A_1446, %mul3A_1456 : vector<16xf32>
    %mul3A_1458 = arith.mulf %gather3A_1455, %gather3A_1455 : vector<16xf32>
    %add3A_1459 = arith.addf %add3A_1448, %mul3A_1458 : vector<16xf32>
    %add3A_1460 = arith.constant 15 : i32
    %add3A_1461 = vector.broadcast %add3A_1460 : i32 to vector<16xi32>
    %add3A_1462 = arith.addi %mul3A_1290, %add3A_1461 : vector<16xi32>
    %gather3A_1463 = tpu.vector_load_idx %arg8[%add3A_1282, %add3A_1462] : memref<128x128xf32, #tpu.memory_space<vmem>>[vector<16xi32>, vector<16xi32>], vector<16xf32>,
    %broadcast_in_dim3A_1464 = arith.constant 15 : i32
    %broadcast_in_dim3A_1465 = vector.broadcast %broadcast_in_dim3A_1464 : i32 to vector<16xi32>
    %gather3A_1466 = tpu.vector_load_idx %arg9[%add3A_1282, %broadcast_in_dim3A_1465] : memref<128x32xf32, #tpu.memory_space<vmem>>[vector<16xi32>, vector<16xi32>], vector<16xf32>,
    %mul3A_1467 = arith.mulf %gather3A_1463, %gather3A_1466 : vector<16xf32>
    %add3A_1468 = arith.addf %add3A_1457, %mul3A_1467 : vector<16xf32>
    %mul3A_1469 = arith.mulf %gather3A_1466, %gather3A_1466 : vector<16xf32>
    %add3A_1470 = arith.addf %add3A_1459, %mul3A_1469 : vector<16xf32>
    %add3A_1471 = arith.constant 16 : i32
    %add3A_1472 = vector.broadcast %add3A_1471 : i32 to vector<16xi32>
    %add3A_1473 = arith.addi %mul3A_1290, %add3A_1472 : vector<16xi32>
    %gather3A_1474 = tpu.vector_load_idx %arg8[%add3A_1282, %add3A_1473] : memref<128x128xf32, #tpu.memory_space<vmem>>[vector<16xi32>, vector<16xi32>], vector<16xf32>,
    %broadcast_in_dim3A_1475 = arith.constant 16 : i32
    %broadcast_in_dim3A_1476 = vector.broadcast %broadcast_in_dim3A_1475 : i32 to vector<16xi32>
    %gather3A_1477 = tpu.vector_load_idx %arg9[%add3A_1282, %broadcast_in_dim3A_1476] : memref<128x32xf32, #tpu.memory_space<vmem>>[vector<16xi32>, vector<16xi32>], vector<16xf32>,
    %mul3A_1478 = arith.mulf %gather3A_1474, %gather3A_1477 : vector<16xf32>
    %add3A_1479 = arith.addf %add3A_1468, %mul3A_1478 : vector<16xf32>
    %mul3A_1480 = arith.mulf %gather3A_1477, %gather3A_1477 : vector<16xf32>
    %add3A_1481 = arith.addf %add3A_1470, %mul3A_1480 : vector<16xf32>
    %add3A_1482 = arith.constant 17 : i32
    %add3A_1483 = vector.broadcast %add3A_1482 : i32 to vector<16xi32>
    %add3A_1484 = arith.addi %mul3A_1290, %add3A_1483 : vector<16xi32>
    %gather3A_1485 = tpu.vector_load_idx %arg8[%add3A_1282, %add3A_1484] : memref<128x128xf32, #tpu.memory_space<vmem>>[vector<16xi32>, vector<16xi32>], vector<16xf32>,
    %broadcast_in_dim3A_1486 = arith.constant 17 : i32
    %broadcast_in_dim3A_1487 = vector.broadcast %broadcast_in_dim3A_1486 : i32 to vector<16xi32>
    %gather3A_1488 = tpu.vector_load_idx %arg9[%add3A_1282, %broadcast_in_dim3A_1487] : memref<128x32xf32, #tpu.memory_space<vmem>>[vector<16xi32>, vector<16xi32>], vector<16xf32>,
    %mul3A_1489 = arith.mulf %gather3A_1485, %gather3A_1488 : vector<16xf32>
    %add3A_1490 = arith.addf %add3A_1479, %mul3A_1489 : vector<16xf32>
    %mul3A_1491 = arith.mulf %gather3A_1488, %gather3A_1488 : vector<16xf32>
    %add3A_1492 = arith.addf %add3A_1481, %mul3A_1491 : vector<16xf32>
    %add3A_1493 = arith.constant 18 : i32
    %add3A_1494 = vector.broadcast %add3A_1493 : i32 to vector<16xi32>
    %add3A_1495 = arith.addi %mul3A_1290, %add3A_1494 : vector<16xi32>
    %gather3A_1496 = tpu.vector_load_idx %arg8[%add3A_1282, %add3A_1495] : memref<128x128xf32, #tpu.memory_space<vmem>>[vector<16xi32>, vector<16xi32>], vector<16xf32>,
    %broadcast_in_dim3A_1497 = arith.constant 18 : i32
    %broadcast_in_dim3A_1498 = vector.broadcast %broadcast_in_dim3A_1497 : i32 to vector<16xi32>
    %gather3A_1499 = tpu.vector_load_idx %arg9[%add3A_1282, %broadcast_in_dim3A_1498] : memref<128x32xf32, #tpu.memory_space<vmem>>[vector<16xi32>, vector<16xi32>], vector<16xf32>,
    %mul3A_1500 = arith.mulf %gather3A_1496, %gather3A_1499 : vector<16xf32>
    %add3A_1501 = arith.addf %add3A_1490, %mul3A_1500 : vector<16xf32>
    %mul3A_1502 = arith.mulf %gather3A_1499, %gather3A_1499 : vector<16xf32>
    %add3A_1503 = arith.addf %add3A_1492, %mul3A_1502 : vector<16xf32>
    %add3A_1504 = arith.constant 19 : i32
    %add3A_1505 = vector.broadcast %add3A_1504 : i32 to vector<16xi32>
    %add3A_1506 = arith.addi %mul3A_1290, %add3A_1505 : vector<16xi32>
    %gather3A_1507 = tpu.vector_load_idx %arg8[%add3A_1282, %add3A_1506] : memref<128x128xf32, #tpu.memory_space<vmem>>[vector<16xi32>, vector<16xi32>], vector<16xf32>,
    %broadcast_in_dim3A_1508 = arith.constant 19 : i32
    %broadcast_in_dim3A_1509 = vector.broadcast %broadcast_in_dim3A_1508 : i32 to vector<16xi32>
    %gather3A_1510 = tpu.vector_load_idx %arg9[%add3A_1282, %broadcast_in_dim3A_1509] : memref<128x32xf32, #tpu.memory_space<vmem>>[vector<16xi32>, vector<16xi32>], vector<16xf32>,
    %mul3A_1511 = arith.mulf %gather3A_1507, %gather3A_1510 : vector<16xf32>
    %add3A_1512 = arith.addf %add3A_1501, %mul3A_1511 : vector<16xf32>
    %mul3A_1513 = arith.mulf %gather3A_1510, %gather3A_1510 : vector<16xf32>
    %add3A_1514 = arith.addf %add3A_1503, %mul3A_1513 : vector<16xf32>
    %add3A_1515 = arith.constant 20 : i32
    %add3A_1516 = vector.broadcast %add3A_1515 : i32 to vector<16xi32>
    %add3A_1517 = arith.addi %mul3A_1290, %add3A_1516 : vector<16xi32>
    %gather3A_1518 = tpu.vector_load_idx %arg8[%add3A_1282, %add3A_1517] : memref<128x128xf32, #tpu.memory_space<vmem>>[vector<16xi32>, vector<16xi32>], vector<16xf32>,
    %broadcast_in_dim3A_1519 = arith.constant 20 : i32
    %broadcast_in_dim3A_1520 = vector.broadcast %broadcast_in_dim3A_1519 : i32 to vector<16xi32>
    %gather3A_1521 = tpu.vector_load_idx %arg9[%add3A_1282, %broadcast_in_dim3A_1520] : memref<128x32xf32, #tpu.memory_space<vmem>>[vector<16xi32>, vector<16xi32>], vector<16xf32>,
    %mul3A_1522 = arith.mulf %gather3A_1518, %gather3A_1521 : vector<16xf32>
    %add3A_1523 = arith.addf %add3A_1512, %mul3A_1522 : vector<16xf32>
    %mul3A_1524 = arith.mulf %gather3A_1521, %gather3A_1521 : vector<16xf32>
    %add3A_1525 = arith.addf %add3A_1514, %mul3A_1524 : vector<16xf32>
    %add3A_1526 = arith.constant 21 : i32
    %add3A_1527 = vector.broadcast %add3A_1526 : i32 to vector<16xi32>
    %add3A_1528 = arith.addi %mul3A_1290, %add3A_1527 : vector<16xi32>
    %gather3A_1529 = tpu.vector_load_idx %arg8[%add3A_1282, %add3A_1528] : memref<128x128xf32, #tpu.memory_space<vmem>>[vector<16xi32>, vector<16xi32>], vector<16xf32>,
    %broadcast_in_dim3A_1530 = arith.constant 21 : i32
    %broadcast_in_dim3A_1531 = vector.broadcast %broadcast_in_dim3A_1530 : i32 to vector<16xi32>
    %gather3A_1532 = tpu.vector_load_idx %arg9[%add3A_1282, %broadcast_in_dim3A_1531] : memref<128x32xf32, #tpu.memory_space<vmem>>[vector<16xi32>, vector<16xi32>], vector<16xf32>,
    %mul3A_1533 = arith.mulf %gather3A_1529, %gather3A_1532 : vector<16xf32>
    %add3A_1534 = arith.addf %add3A_1523, %mul3A_1533 : vector<16xf32>
    %mul3A_1535 = arith.mulf %gather3A_1532, %gather3A_1532 : vector<16xf32>
    %add3A_1536 = arith.addf %add3A_1525, %mul3A_1535 : vector<16xf32>
    %add3A_1537 = arith.constant 22 : i32
    %add3A_1538 = vector.broadcast %add3A_1537 : i32 to vector<16xi32>
    %add3A_1539 = arith.addi %mul3A_1290, %add3A_1538 : vector<16xi32>
    %gather3A_1540 = tpu.vector_load_idx %arg8[%add3A_1282, %add3A_1539] : memref<128x128xf32, #tpu.memory_space<vmem>>[vector<16xi32>, vector<16xi32>], vector<16xf32>,
    %broadcast_in_dim3A_1541 = arith.constant 22 : i32
    %broadcast_in_dim3A_1542 = vector.broadcast %broadcast_in_dim3A_1541 : i32 to vector<16xi32>
    %gather3A_1543 = tpu.vector_load_idx %arg9[%add3A_1282, %broadcast_in_dim3A_1542] : memref<128x32xf32, #tpu.memory_space<vmem>>[vector<16xi32>, vector<16xi32>], vector<16xf32>,
    %mul3A_1544 = arith.mulf %gather3A_1540, %gather3A_1543 : vector<16xf32>
    %add3A_1545 = arith.addf %add3A_1534, %mul3A_1544 : vector<16xf32>
    %mul3A_1546 = arith.mulf %gather3A_1543, %gather3A_1543 : vector<16xf32>
    %add3A_1547 = arith.addf %add3A_1536, %mul3A_1546 : vector<16xf32>
    %add3A_1548 = arith.constant 23 : i32
    %add3A_1549 = vector.broadcast %add3A_1548 : i32 to vector<16xi32>
    %add3A_1550 = arith.addi %mul3A_1290, %add3A_1549 : vector<16xi32>
    %gather3A_1551 = tpu.vector_load_idx %arg8[%add3A_1282, %add3A_1550] : memref<128x128xf32, #tpu.memory_space<vmem>>[vector<16xi32>, vector<16xi32>], vector<16xf32>,
    %broadcast_in_dim3A_1552 = arith.constant 23 : i32
    %broadcast_in_dim3A_1553 = vector.broadcast %broadcast_in_dim3A_1552 : i32 to vector<16xi32>
    %gather3A_1554 = tpu.vector_load_idx %arg9[%add3A_1282, %broadcast_in_dim3A_1553] : memref<128x32xf32, #tpu.memory_space<vmem>>[vector<16xi32>, vector<16xi32>], vector<16xf32>,
    %mul3A_1555 = arith.mulf %gather3A_1551, %gather3A_1554 : vector<16xf32>
    %add3A_1556 = arith.addf %add3A_1545, %mul3A_1555 : vector<16xf32>
    %mul3A_1557 = arith.mulf %gather3A_1554, %gather3A_1554 : vector<16xf32>
    %add3A_1558 = arith.addf %add3A_1547, %mul3A_1557 : vector<16xf32>
    %add3A_1559 = arith.constant 24 : i32
    %add3A_1560 = vector.broadcast %add3A_1559 : i32 to vector<16xi32>
    %add3A_1561 = arith.addi %mul3A_1290, %add3A_1560 : vector<16xi32>
    %gather3A_1562 = tpu.vector_load_idx %arg8[%add3A_1282, %add3A_1561] : memref<128x128xf32, #tpu.memory_space<vmem>>[vector<16xi32>, vector<16xi32>], vector<16xf32>,
    %broadcast_in_dim3A_1563 = arith.constant 24 : i32
    %broadcast_in_dim3A_1564 = vector.broadcast %broadcast_in_dim3A_1563 : i32 to vector<16xi32>
    %gather3A_1565 = tpu.vector_load_idx %arg9[%add3A_1282, %broadcast_in_dim3A_1564] : memref<128x32xf32, #tpu.memory_space<vmem>>[vector<16xi32>, vector<16xi32>], vector<16xf32>,
    %mul3A_1566 = arith.mulf %gather3A_1562, %gather3A_1565 : vector<16xf32>
    %add3A_1567 = arith.addf %add3A_1556, %mul3A_1566 : vector<16xf32>
    %mul3A_1568 = arith.mulf %gather3A_1565, %gather3A_1565 : vector<16xf32>
    %add3A_1569 = arith.addf %add3A_1558, %mul3A_1568 : vector<16xf32>
    %add3A_1570 = arith.constant 25 : i32
    %add3A_1571 = vector.broadcast %add3A_1570 : i32 to vector<16xi32>
    %add3A_1572 = arith.addi %mul3A_1290, %add3A_1571 : vector<16xi32>
    %gather3A_1573 = tpu.vector_load_idx %arg8[%add3A_1282, %add3A_1572] : memref<128x128xf32, #tpu.memory_space<vmem>>[vector<16xi32>, vector<16xi32>], vector<16xf32>,
    %broadcast_in_dim3A_1574 = arith.constant 25 : i32
    %broadcast_in_dim3A_1575 = vector.broadcast %broadcast_in_dim3A_1574 : i32 to vector<16xi32>
    %gather3A_1576 = tpu.vector_load_idx %arg9[%add3A_1282, %broadcast_in_dim3A_1575] : memref<128x32xf32, #tpu.memory_space<vmem>>[vector<16xi32>, vector<16xi32>], vector<16xf32>,
    %mul3A_1577 = arith.mulf %gather3A_1573, %gather3A_1576 : vector<16xf32>
    %add3A_1578 = arith.addf %add3A_1567, %mul3A_1577 : vector<16xf32>
    %mul3A_1579 = arith.mulf %gather3A_1576, %gather3A_1576 : vector<16xf32>
    %add3A_1580 = arith.addf %add3A_1569, %mul3A_1579 : vector<16xf32>
    %add3A_1581 = arith.constant 26 : i32
    %add3A_1582 = vector.broadcast %add3A_1581 : i32 to vector<16xi32>
    %add3A_1583 = arith.addi %mul3A_1290, %add3A_1582 : vector<16xi32>
    %gather3A_1584 = tpu.vector_load_idx %arg8[%add3A_1282, %add3A_1583] : memref<128x128xf32, #tpu.memory_space<vmem>>[vector<16xi32>, vector<16xi32>], vector<16xf32>,
    %broadcast_in_dim3A_1585 = arith.constant 26 : i32
    %broadcast_in_dim3A_1586 = vector.broadcast %broadcast_in_dim3A_1585 : i32 to vector<16xi32>
    %gather3A_1587 = tpu.vector_load_idx %arg9[%add3A_1282, %broadcast_in_dim3A_1586] : memref<128x32xf32, #tpu.memory_space<vmem>>[vector<16xi32>, vector<16xi32>], vector<16xf32>,
    %mul3A_1588 = arith.mulf %gather3A_1584, %gather3A_1587 : vector<16xf32>
    %add3A_1589 = arith.addf %add3A_1578, %mul3A_1588 : vector<16xf32>
    %mul3A_1590 = arith.mulf %gather3A_1587, %gather3A_1587 : vector<16xf32>
    %add3A_1591 = arith.addf %add3A_1580, %mul3A_1590 : vector<16xf32>
    %add3A_1592 = arith.constant 27 : i32
    %add3A_1593 = vector.broadcast %add3A_1592 : i32 to vector<16xi32>
    %add3A_1594 = arith.addi %mul3A_1290, %add3A_1593 : vector<16xi32>
    %gather3A_1595 = tpu.vector_load_idx %arg8[%add3A_1282, %add3A_1594] : memref<128x128xf32, #tpu.memory_space<vmem>>[vector<16xi32>, vector<16xi32>], vector<16xf32>,
    %broadcast_in_dim3A_1596 = arith.constant 27 : i32
    %broadcast_in_dim3A_1597 = vector.broadcast %broadcast_in_dim3A_1596 : i32 to vector<16xi32>
    %gather3A_1598 = tpu.vector_load_idx %arg9[%add3A_1282, %broadcast_in_dim3A_1597] : memref<128x32xf32, #tpu.memory_space<vmem>>[vector<16xi32>, vector<16xi32>], vector<16xf32>,
    %mul3A_1599 = arith.mulf %gather3A_1595, %gather3A_1598 : vector<16xf32>
    %add3A_1600 = arith.addf %add3A_1589, %mul3A_1599 : vector<16xf32>
    %mul3A_1601 = arith.mulf %gather3A_1598, %gather3A_1598 : vector<16xf32>
    %add3A_1602 = arith.addf %add3A_1591, %mul3A_1601 : vector<16xf32>
    %add3A_1603 = arith.constant 28 : i32
    %add3A_1604 = vector.broadcast %add3A_1603 : i32 to vector<16xi32>
    %add3A_1605 = arith.addi %mul3A_1290, %add3A_1604 : vector<16xi32>
    %gather3A_1606 = tpu.vector_load_idx %arg8[%add3A_1282, %add3A_1605] : memref<128x128xf32, #tpu.memory_space<vmem>>[vector<16xi32>, vector<16xi32>], vector<16xf32>,
    %broadcast_in_dim3A_1607 = arith.constant 28 : i32
    %broadcast_in_dim3A_1608 = vector.broadcast %broadcast_in_dim3A_1607 : i32 to vector<16xi32>
    %gather3A_1609 = tpu.vector_load_idx %arg9[%add3A_1282, %broadcast_in_dim3A_1608] : memref<128x32xf32, #tpu.memory_space<vmem>>[vector<16xi32>, vector<16xi32>], vector<16xf32>,
    %mul3A_1610 = arith.mulf %gather3A_1606, %gather3A_1609 : vector<16xf32>
    %add3A_1611 = arith.addf %add3A_1600, %mul3A_1610 : vector<16xf32>
    %mul3A_1612 = arith.mulf %gather3A_1609, %gather3A_1609 : vector<16xf32>
    %add3A_1613 = arith.addf %add3A_1602, %mul3A_1612 : vector<16xf32>
    %add3A_1614 = arith.constant 29 : i32
    %add3A_1615 = vector.broadcast %add3A_1614 : i32 to vector<16xi32>
    %add3A_1616 = arith.addi %mul3A_1290, %add3A_1615 : vector<16xi32>
    %gather3A_1617 = tpu.vector_load_idx %arg8[%add3A_1282, %add3A_1616] : memref<128x128xf32, #tpu.memory_space<vmem>>[vector<16xi32>, vector<16xi32>], vector<16xf32>,
    %broadcast_in_dim3A_1618 = arith.constant 29 : i32
    %broadcast_in_dim3A_1619 = vector.broadcast %broadcast_in_dim3A_1618 : i32 to vector<16xi32>
    %gather3A_1620 = tpu.vector_load_idx %arg9[%add3A_1282, %broadcast_in_dim3A_1619] : memref<128x32xf32, #tpu.memory_space<vmem>>[vector<16xi32>, vector<16xi32>], vector<16xf32>,
    %mul3A_1621 = arith.mulf %gather3A_1617, %gather3A_1620 : vector<16xf32>
    %add3A_1622 = arith.addf %add3A_1611, %mul3A_1621 : vector<16xf32>
    %mul3A_1623 = arith.mulf %gather3A_1620, %gather3A_1620 : vector<16xf32>
    %add3A_1624 = arith.addf %add3A_1613, %mul3A_1623 : vector<16xf32>
    %add3A_1625 = arith.constant 30 : i32
    %add3A_1626 = vector.broadcast %add3A_1625 : i32 to vector<16xi32>
    %add3A_1627 = arith.addi %mul3A_1290, %add3A_1626 : vector<16xi32>
    %gather3A_1628 = tpu.vector_load_idx %arg8[%add3A_1282, %add3A_1627] : memref<128x128xf32, #tpu.memory_space<vmem>>[vector<16xi32>, vector<16xi32>], vector<16xf32>,
    %broadcast_in_dim3A_1629 = arith.constant 30 : i32
    %broadcast_in_dim3A_1630 = vector.broadcast %broadcast_in_dim3A_1629 : i32 to vector<16xi32>
    %gather3A_1631 = tpu.vector_load_idx %arg9[%add3A_1282, %broadcast_in_dim3A_1630] : memref<128x32xf32, #tpu.memory_space<vmem>>[vector<16xi32>, vector<16xi32>], vector<16xf32>,
    %mul3A_1632 = arith.mulf %gather3A_1628, %gather3A_1631 : vector<16xf32>
    %add3A_1633 = arith.addf %add3A_1622, %mul3A_1632 : vector<16xf32>
    %mul3A_1634 = arith.mulf %gather3A_1631, %gather3A_1631 : vector<16xf32>
    %add3A_1635 = arith.addf %add3A_1624, %mul3A_1634 : vector<16xf32>
    %add3A_1636 = arith.constant 31 : i32
    %add3A_1637 = vector.broadcast %add3A_1636 : i32 to vector<16xi32>
    %add3A_1638 = arith.addi %mul3A_1290, %add3A_1637 : vector<16xi32>
    %gather3A_1639 = tpu.vector_load_idx %arg8[%add3A_1282, %add3A_1638] : memref<128x128xf32, #tpu.memory_space<vmem>>[vector<16xi32>, vector<16xi32>], vector<16xf32>,
    %broadcast_in_dim3A_1640 = arith.constant 31 : i32
    %broadcast_in_dim3A_1641 = vector.broadcast %broadcast_in_dim3A_1640 : i32 to vector<16xi32>
    %gather3A_1642 = tpu.vector_load_idx %arg9[%add3A_1282, %broadcast_in_dim3A_1641] : memref<128x32xf32, #tpu.memory_space<vmem>>[vector<16xi32>, vector<16xi32>], vector<16xf32>,
    %mul3A_1643 = arith.mulf %gather3A_1639, %gather3A_1642 : vector<16xf32>
    %add3A_1644 = arith.addf %add3A_1633, %mul3A_1643 : vector<16xf32>
    %mul3A_1645 = arith.mulf %gather3A_1642, %gather3A_1642 : vector<16xf32>
    %add3A_1646 = arith.addf %add3A_1635, %mul3A_1645 : vector<16xf32>
    %bitcast3A_1647 = vector.bitcast %add3A_1646 : vector<16xf32> to vector<16xi32>
    %shift_right_arithmetic3A_1648 = arith.constant 1 : i32
    %shift_right_arithmetic3A_1649 = vector.broadcast %shift_right_arithmetic3A_1648 : i32 to vector<16xi32>
    %shift_right_arithmetic3A_1650 = arith.shrsi %bitcast3A_1647, %shift_right_arithmetic3A_1649 : vector<16xi32>
    %sub3A_1651 = arith.constant 1597463007 : i32
    %sub3A_1652 = vector.broadcast %sub3A_1651 : i32 to vector<16xi32>
    %sub3A_1653 = arith.subi %sub3A_1652, %shift_right_arithmetic3A_1650 : vector<16xi32>
    %bitcast3A_1654 = vector.bitcast %sub3A_1653 : vector<16xi32> to vector<16xf32>
    %mul3A_1655 = arith.constant 5.000000e-01 : f32
    %mul3A_1656 = vector.broadcast %mul3A_1655 : f32 to vector<16xf32>
    %mul3A_1657 = arith.mulf %mul3A_1656, %add3A_1646 : vector<16xf32>
    %mul3A_1658 = arith.mulf %mul3A_1657, %bitcast3A_1654 : vector<16xf32>
    %mul3A_1659 = arith.mulf %mul3A_1658, %bitcast3A_1654 : vector<16xf32>
    %sub3A_1660 = arith.constant 1.500000e+00 : f32
    %sub3A_1661 = vector.broadcast %sub3A_1660 : f32 to vector<16xf32>
    %sub3A_1662 = arith.subf %sub3A_1661, %mul3A_1659 : vector<16xf32>
    %mul3A_1663 = arith.mulf %bitcast3A_1654, %sub3A_1662 : vector<16xf32>
    %mul3A_1664 = arith.constant 5.000000e-01 : f32
    %mul3A_1665 = vector.broadcast %mul3A_1664 : f32 to vector<16xf32>
    %mul3A_1666 = arith.mulf %mul3A_1665, %add3A_1646 : vector<16xf32>
    %mul3A_1667 = arith.mulf %mul3A_1666, %mul3A_1663 : vector<16xf32>
    %mul3A_1668 = arith.mulf %mul3A_1667, %mul3A_1663 : vector<16xf32>
    %sub3A_1669 = arith.constant 1.500000e+00 : f32
    %sub3A_1670 = vector.broadcast %sub3A_1669 : f32 to vector<16xf32>
    %sub3A_1671 = arith.subf %sub3A_1670, %mul3A_1668 : vector<16xf32>
    %mul3A_1672 = arith.mulf %mul3A_1663, %sub3A_1671 : vector<16xf32>
    %mul3A_1673 = arith.constant 5.000000e-01 : f32
    %mul3A_1674 = vector.broadcast %mul3A_1673 : f32 to vector<16xf32>
    %mul3A_1675 = arith.mulf %mul3A_1674, %add3A_1646 : vector<16xf32>
    %mul3A_1676 = arith.mulf %mul3A_1675, %mul3A_1672 : vector<16xf32>
    %mul3A_1677 = arith.mulf %mul3A_1676, %mul3A_1672 : vector<16xf32>
    %sub3A_1678 = arith.constant 1.500000e+00 : f32
    %sub3A_1679 = vector.broadcast %sub3A_1678 : f32 to vector<16xf32>
    %sub3A_1680 = arith.subf %sub3A_1679, %mul3A_1677 : vector<16xf32>
    %mul3A_1681 = arith.mulf %mul3A_1672, %sub3A_1680 : vector<16xf32>
    %mul3A_1682 = arith.mulf %add3A_1646, %mul3A_1681 : vector<16xf32>
    %add3A_1683 = arith.constant 9.99999996E-13 : f32
    %add3A_1684 = vector.broadcast %add3A_1683 : f32 to vector<16xf32>
    %add3A_1685 = arith.addf %mul3A_1682, %add3A_1684 : vector<16xf32>
    %div3A_1686 = arith.divf %add3A_1644, %add3A_1685 : vector<16xf32>
    %add3A_1687 = arith.addf %add3A_1279, %div3A_1686 : vector<16xf32>
    %add3A_1688 = arith.constant 64 : i32
    %add3A_1689 = vector.broadcast %add3A_1688 : i32 to vector<16xi32>
    %add3A_1690 = arith.addi %iota3A, %add3A_1689 : vector<16xi32>
    %get3A_1691 = arith.constant 64 : index
    %get3A_1692 = tpu.vector_load %arg6[%get3A_1691] {strides = array<i32>} : memref<128xi32, #tpu.memory_space<vmem>>, vector<16xi32>,
    %and3A_1693 = arith.constant 3 : i32
    %and3A_1694 = vector.broadcast %and3A_1693 : i32 to vector<16xi32>
    %and3A_1695 = arith.andi %get3A_1692, %and3A_1694 : vector<16xi32>
    %mul3A_1696 = arith.constant 32 : i32
    %mul3A_1697 = vector.broadcast %mul3A_1696 : i32 to vector<16xi32>
    %mul3A_1698 = arith.muli %and3A_1695, %mul3A_1697 : vector<16xi32>
    %broadcast_in_dim3A_1699 = arith.constant 0.000000e+00 : f32
    %broadcast_in_dim3A_1700 = vector.broadcast %broadcast_in_dim3A_1699 : f32 to vector<16xf32>
    %broadcast_in_dim3A_1701 = arith.constant 0.000000e+00 : f32
    %broadcast_in_dim3A_1702 = vector.broadcast %broadcast_in_dim3A_1701 : f32 to vector<16xf32>
    %add3A_1703 = arith.constant 0 : i32
    %add3A_1704 = vector.broadcast %add3A_1703 : i32 to vector<16xi32>
    %add3A_1705 = arith.addi %mul3A_1698, %add3A_1704 : vector<16xi32>
    %gather3A_1706 = tpu.vector_load_idx %arg8[%add3A_1690, %add3A_1705] : memref<128x128xf32, #tpu.memory_space<vmem>>[vector<16xi32>, vector<16xi32>], vector<16xf32>,
    %broadcast_in_dim3A_1707 = arith.constant 0 : i32
    %broadcast_in_dim3A_1708 = vector.broadcast %broadcast_in_dim3A_1707 : i32 to vector<16xi32>
    %gather3A_1709 = tpu.vector_load_idx %arg9[%add3A_1690, %broadcast_in_dim3A_1708] : memref<128x32xf32, #tpu.memory_space<vmem>>[vector<16xi32>, vector<16xi32>], vector<16xf32>,
    %mul3A_1710 = arith.mulf %gather3A_1706, %gather3A_1709 : vector<16xf32>
    %add3A_1711 = arith.addf %broadcast_in_dim3A_1700, %mul3A_1710 : vector<16xf32>
    %mul3A_1712 = arith.mulf %gather3A_1709, %gather3A_1709 : vector<16xf32>
    %add3A_1713 = arith.addf %broadcast_in_dim3A_1702, %mul3A_1712 : vector<16xf32>
    %add3A_1714 = arith.constant 1 : i32
    %add3A_1715 = vector.broadcast %add3A_1714 : i32 to vector<16xi32>
    %add3A_1716 = arith.addi %mul3A_1698, %add3A_1715 : vector<16xi32>
    %gather3A_1717 = tpu.vector_load_idx %arg8[%add3A_1690, %add3A_1716] : memref<128x128xf32, #tpu.memory_space<vmem>>[vector<16xi32>, vector<16xi32>], vector<16xf32>,
    %broadcast_in_dim3A_1718 = arith.constant 1 : i32
    %broadcast_in_dim3A_1719 = vector.broadcast %broadcast_in_dim3A_1718 : i32 to vector<16xi32>
    %gather3A_1720 = tpu.vector_load_idx %arg9[%add3A_1690, %broadcast_in_dim3A_1719] : memref<128x32xf32, #tpu.memory_space<vmem>>[vector<16xi32>, vector<16xi32>], vector<16xf32>,
    %mul3A_1721 = arith.mulf %gather3A_1717, %gather3A_1720 : vector<16xf32>
    %add3A_1722 = arith.addf %add3A_1711, %mul3A_1721 : vector<16xf32>
    %mul3A_1723 = arith.mulf %gather3A_1720, %gather3A_1720 : vector<16xf32>
    %add3A_1724 = arith.addf %add3A_1713, %mul3A_1723 : vector<16xf32>
    %add3A_1725 = arith.constant 2 : i32
    %add3A_1726 = vector.broadcast %add3A_1725 : i32 to vector<16xi32>
    %add3A_1727 = arith.addi %mul3A_1698, %add3A_1726 : vector<16xi32>
    %gather3A_1728 = tpu.vector_load_idx %arg8[%add3A_1690, %add3A_1727] : memref<128x128xf32, #tpu.memory_space<vmem>>[vector<16xi32>, vector<16xi32>], vector<16xf32>,
    %broadcast_in_dim3A_1729 = arith.constant 2 : i32
    %broadcast_in_dim3A_1730 = vector.broadcast %broadcast_in_dim3A_1729 : i32 to vector<16xi32>
    %gather3A_1731 = tpu.vector_load_idx %arg9[%add3A_1690, %broadcast_in_dim3A_1730] : memref<128x32xf32, #tpu.memory_space<vmem>>[vector<16xi32>, vector<16xi32>], vector<16xf32>,
    %mul3A_1732 = arith.mulf %gather3A_1728, %gather3A_1731 : vector<16xf32>
    %add3A_1733 = arith.addf %add3A_1722, %mul3A_1732 : vector<16xf32>
    %mul3A_1734 = arith.mulf %gather3A_1731, %gather3A_1731 : vector<16xf32>
    %add3A_1735 = arith.addf %add3A_1724, %mul3A_1734 : vector<16xf32>
    %add3A_1736 = arith.constant 3 : i32
    %add3A_1737 = vector.broadcast %add3A_1736 : i32 to vector<16xi32>
    %add3A_1738 = arith.addi %mul3A_1698, %add3A_1737 : vector<16xi32>
    %gather3A_1739 = tpu.vector_load_idx %arg8[%add3A_1690, %add3A_1738] : memref<128x128xf32, #tpu.memory_space<vmem>>[vector<16xi32>, vector<16xi32>], vector<16xf32>,
    %broadcast_in_dim3A_1740 = arith.constant 3 : i32
    %broadcast_in_dim3A_1741 = vector.broadcast %broadcast_in_dim3A_1740 : i32 to vector<16xi32>
    %gather3A_1742 = tpu.vector_load_idx %arg9[%add3A_1690, %broadcast_in_dim3A_1741] : memref<128x32xf32, #tpu.memory_space<vmem>>[vector<16xi32>, vector<16xi32>], vector<16xf32>,
    %mul3A_1743 = arith.mulf %gather3A_1739, %gather3A_1742 : vector<16xf32>
    %add3A_1744 = arith.addf %add3A_1733, %mul3A_1743 : vector<16xf32>
    %mul3A_1745 = arith.mulf %gather3A_1742, %gather3A_1742 : vector<16xf32>
    %add3A_1746 = arith.addf %add3A_1735, %mul3A_1745 : vector<16xf32>
    %add3A_1747 = arith.constant 4 : i32
    %add3A_1748 = vector.broadcast %add3A_1747 : i32 to vector<16xi32>
    %add3A_1749 = arith.addi %mul3A_1698, %add3A_1748 : vector<16xi32>
    %gather3A_1750 = tpu.vector_load_idx %arg8[%add3A_1690, %add3A_1749] : memref<128x128xf32, #tpu.memory_space<vmem>>[vector<16xi32>, vector<16xi32>], vector<16xf32>,
    %broadcast_in_dim3A_1751 = arith.constant 4 : i32
    %broadcast_in_dim3A_1752 = vector.broadcast %broadcast_in_dim3A_1751 : i32 to vector<16xi32>
    %gather3A_1753 = tpu.vector_load_idx %arg9[%add3A_1690, %broadcast_in_dim3A_1752] : memref<128x32xf32, #tpu.memory_space<vmem>>[vector<16xi32>, vector<16xi32>], vector<16xf32>,
    %mul3A_1754 = arith.mulf %gather3A_1750, %gather3A_1753 : vector<16xf32>
    %add3A_1755 = arith.addf %add3A_1744, %mul3A_1754 : vector<16xf32>
    %mul3A_1756 = arith.mulf %gather3A_1753, %gather3A_1753 : vector<16xf32>
    %add3A_1757 = arith.addf %add3A_1746, %mul3A_1756 : vector<16xf32>
    %add3A_1758 = arith.constant 5 : i32
    %add3A_1759 = vector.broadcast %add3A_1758 : i32 to vector<16xi32>
    %add3A_1760 = arith.addi %mul3A_1698, %add3A_1759 : vector<16xi32>
    %gather3A_1761 = tpu.vector_load_idx %arg8[%add3A_1690, %add3A_1760] : memref<128x128xf32, #tpu.memory_space<vmem>>[vector<16xi32>, vector<16xi32>], vector<16xf32>,
    %broadcast_in_dim3A_1762 = arith.constant 5 : i32
    %broadcast_in_dim3A_1763 = vector.broadcast %broadcast_in_dim3A_1762 : i32 to vector<16xi32>
    %gather3A_1764 = tpu.vector_load_idx %arg9[%add3A_1690, %broadcast_in_dim3A_1763] : memref<128x32xf32, #tpu.memory_space<vmem>>[vector<16xi32>, vector<16xi32>], vector<16xf32>,
    %mul3A_1765 = arith.mulf %gather3A_1761, %gather3A_1764 : vector<16xf32>
    %add3A_1766 = arith.addf %add3A_1755, %mul3A_1765 : vector<16xf32>
    %mul3A_1767 = arith.mulf %gather3A_1764, %gather3A_1764 : vector<16xf32>
    %add3A_1768 = arith.addf %add3A_1757, %mul3A_1767 : vector<16xf32>
    %add3A_1769 = arith.constant 6 : i32
    %add3A_1770 = vector.broadcast %add3A_1769 : i32 to vector<16xi32>
    %add3A_1771 = arith.addi %mul3A_1698, %add3A_1770 : vector<16xi32>
    %gather3A_1772 = tpu.vector_load_idx %arg8[%add3A_1690, %add3A_1771] : memref<128x128xf32, #tpu.memory_space<vmem>>[vector<16xi32>, vector<16xi32>], vector<16xf32>,
    %broadcast_in_dim3A_1773 = arith.constant 6 : i32
    %broadcast_in_dim3A_1774 = vector.broadcast %broadcast_in_dim3A_1773 : i32 to vector<16xi32>
    %gather3A_1775 = tpu.vector_load_idx %arg9[%add3A_1690, %broadcast_in_dim3A_1774] : memref<128x32xf32, #tpu.memory_space<vmem>>[vector<16xi32>, vector<16xi32>], vector<16xf32>,
    %mul3A_1776 = arith.mulf %gather3A_1772, %gather3A_1775 : vector<16xf32>
    %add3A_1777 = arith.addf %add3A_1766, %mul3A_1776 : vector<16xf32>
    %mul3A_1778 = arith.mulf %gather3A_1775, %gather3A_1775 : vector<16xf32>
    %add3A_1779 = arith.addf %add3A_1768, %mul3A_1778 : vector<16xf32>
    %add3A_1780 = arith.constant 7 : i32
    %add3A_1781 = vector.broadcast %add3A_1780 : i32 to vector<16xi32>
    %add3A_1782 = arith.addi %mul3A_1698, %add3A_1781 : vector<16xi32>
    %gather3A_1783 = tpu.vector_load_idx %arg8[%add3A_1690, %add3A_1782] : memref<128x128xf32, #tpu.memory_space<vmem>>[vector<16xi32>, vector<16xi32>], vector<16xf32>,
    %broadcast_in_dim3A_1784 = arith.constant 7 : i32
    %broadcast_in_dim3A_1785 = vector.broadcast %broadcast_in_dim3A_1784 : i32 to vector<16xi32>
    %gather3A_1786 = tpu.vector_load_idx %arg9[%add3A_1690, %broadcast_in_dim3A_1785] : memref<128x32xf32, #tpu.memory_space<vmem>>[vector<16xi32>, vector<16xi32>], vector<16xf32>,
    %mul3A_1787 = arith.mulf %gather3A_1783, %gather3A_1786 : vector<16xf32>
    %add3A_1788 = arith.addf %add3A_1777, %mul3A_1787 : vector<16xf32>
    %mul3A_1789 = arith.mulf %gather3A_1786, %gather3A_1786 : vector<16xf32>
    %add3A_1790 = arith.addf %add3A_1779, %mul3A_1789 : vector<16xf32>
    %add3A_1791 = arith.constant 8 : i32
    %add3A_1792 = vector.broadcast %add3A_1791 : i32 to vector<16xi32>
    %add3A_1793 = arith.addi %mul3A_1698, %add3A_1792 : vector<16xi32>
    %gather3A_1794 = tpu.vector_load_idx %arg8[%add3A_1690, %add3A_1793] : memref<128x128xf32, #tpu.memory_space<vmem>>[vector<16xi32>, vector<16xi32>], vector<16xf32>,
    %broadcast_in_dim3A_1795 = arith.constant 8 : i32
    %broadcast_in_dim3A_1796 = vector.broadcast %broadcast_in_dim3A_1795 : i32 to vector<16xi32>
    %gather3A_1797 = tpu.vector_load_idx %arg9[%add3A_1690, %broadcast_in_dim3A_1796] : memref<128x32xf32, #tpu.memory_space<vmem>>[vector<16xi32>, vector<16xi32>], vector<16xf32>,
    %mul3A_1798 = arith.mulf %gather3A_1794, %gather3A_1797 : vector<16xf32>
    %add3A_1799 = arith.addf %add3A_1788, %mul3A_1798 : vector<16xf32>
    %mul3A_1800 = arith.mulf %gather3A_1797, %gather3A_1797 : vector<16xf32>
    %add3A_1801 = arith.addf %add3A_1790, %mul3A_1800 : vector<16xf32>
    %add3A_1802 = arith.constant 9 : i32
    %add3A_1803 = vector.broadcast %add3A_1802 : i32 to vector<16xi32>
    %add3A_1804 = arith.addi %mul3A_1698, %add3A_1803 : vector<16xi32>
    %gather3A_1805 = tpu.vector_load_idx %arg8[%add3A_1690, %add3A_1804] : memref<128x128xf32, #tpu.memory_space<vmem>>[vector<16xi32>, vector<16xi32>], vector<16xf32>,
    %broadcast_in_dim3A_1806 = arith.constant 9 : i32
    %broadcast_in_dim3A_1807 = vector.broadcast %broadcast_in_dim3A_1806 : i32 to vector<16xi32>
    %gather3A_1808 = tpu.vector_load_idx %arg9[%add3A_1690, %broadcast_in_dim3A_1807] : memref<128x32xf32, #tpu.memory_space<vmem>>[vector<16xi32>, vector<16xi32>], vector<16xf32>,
    %mul3A_1809 = arith.mulf %gather3A_1805, %gather3A_1808 : vector<16xf32>
    %add3A_1810 = arith.addf %add3A_1799, %mul3A_1809 : vector<16xf32>
    %mul3A_1811 = arith.mulf %gather3A_1808, %gather3A_1808 : vector<16xf32>
    %add3A_1812 = arith.addf %add3A_1801, %mul3A_1811 : vector<16xf32>
    %add3A_1813 = arith.constant 10 : i32
    %add3A_1814 = vector.broadcast %add3A_1813 : i32 to vector<16xi32>
    %add3A_1815 = arith.addi %mul3A_1698, %add3A_1814 : vector<16xi32>
    %gather3A_1816 = tpu.vector_load_idx %arg8[%add3A_1690, %add3A_1815] : memref<128x128xf32, #tpu.memory_space<vmem>>[vector<16xi32>, vector<16xi32>], vector<16xf32>,
    %broadcast_in_dim3A_1817 = arith.constant 10 : i32
    %broadcast_in_dim3A_1818 = vector.broadcast %broadcast_in_dim3A_1817 : i32 to vector<16xi32>
    %gather3A_1819 = tpu.vector_load_idx %arg9[%add3A_1690, %broadcast_in_dim3A_1818] : memref<128x32xf32, #tpu.memory_space<vmem>>[vector<16xi32>, vector<16xi32>], vector<16xf32>,
    %mul3A_1820 = arith.mulf %gather3A_1816, %gather3A_1819 : vector<16xf32>
    %add3A_1821 = arith.addf %add3A_1810, %mul3A_1820 : vector<16xf32>
    %mul3A_1822 = arith.mulf %gather3A_1819, %gather3A_1819 : vector<16xf32>
    %add3A_1823 = arith.addf %add3A_1812, %mul3A_1822 : vector<16xf32>
    %add3A_1824 = arith.constant 11 : i32
    %add3A_1825 = vector.broadcast %add3A_1824 : i32 to vector<16xi32>
    %add3A_1826 = arith.addi %mul3A_1698, %add3A_1825 : vector<16xi32>
    %gather3A_1827 = tpu.vector_load_idx %arg8[%add3A_1690, %add3A_1826] : memref<128x128xf32, #tpu.memory_space<vmem>>[vector<16xi32>, vector<16xi32>], vector<16xf32>,
    %broadcast_in_dim3A_1828 = arith.constant 11 : i32
    %broadcast_in_dim3A_1829 = vector.broadcast %broadcast_in_dim3A_1828 : i32 to vector<16xi32>
    %gather3A_1830 = tpu.vector_load_idx %arg9[%add3A_1690, %broadcast_in_dim3A_1829] : memref<128x32xf32, #tpu.memory_space<vmem>>[vector<16xi32>, vector<16xi32>], vector<16xf32>,
    %mul3A_1831 = arith.mulf %gather3A_1827, %gather3A_1830 : vector<16xf32>
    %add3A_1832 = arith.addf %add3A_1821, %mul3A_1831 : vector<16xf32>
    %mul3A_1833 = arith.mulf %gather3A_1830, %gather3A_1830 : vector<16xf32>
    %add3A_1834 = arith.addf %add3A_1823, %mul3A_1833 : vector<16xf32>
    %add3A_1835 = arith.constant 12 : i32
    %add3A_1836 = vector.broadcast %add3A_1835 : i32 to vector<16xi32>
    %add3A_1837 = arith.addi %mul3A_1698, %add3A_1836 : vector<16xi32>
    %gather3A_1838 = tpu.vector_load_idx %arg8[%add3A_1690, %add3A_1837] : memref<128x128xf32, #tpu.memory_space<vmem>>[vector<16xi32>, vector<16xi32>], vector<16xf32>,
    %broadcast_in_dim3A_1839 = arith.constant 12 : i32
    %broadcast_in_dim3A_1840 = vector.broadcast %broadcast_in_dim3A_1839 : i32 to vector<16xi32>
    %gather3A_1841 = tpu.vector_load_idx %arg9[%add3A_1690, %broadcast_in_dim3A_1840] : memref<128x32xf32, #tpu.memory_space<vmem>>[vector<16xi32>, vector<16xi32>], vector<16xf32>,
    %mul3A_1842 = arith.mulf %gather3A_1838, %gather3A_1841 : vector<16xf32>
    %add3A_1843 = arith.addf %add3A_1832, %mul3A_1842 : vector<16xf32>
    %mul3A_1844 = arith.mulf %gather3A_1841, %gather3A_1841 : vector<16xf32>
    %add3A_1845 = arith.addf %add3A_1834, %mul3A_1844 : vector<16xf32>
    %add3A_1846 = arith.constant 13 : i32
    %add3A_1847 = vector.broadcast %add3A_1846 : i32 to vector<16xi32>
    %add3A_1848 = arith.addi %mul3A_1698, %add3A_1847 : vector<16xi32>
    %gather3A_1849 = tpu.vector_load_idx %arg8[%add3A_1690, %add3A_1848] : memref<128x128xf32, #tpu.memory_space<vmem>>[vector<16xi32>, vector<16xi32>], vector<16xf32>,
    %broadcast_in_dim3A_1850 = arith.constant 13 : i32
    %broadcast_in_dim3A_1851 = vector.broadcast %broadcast_in_dim3A_1850 : i32 to vector<16xi32>
    %gather3A_1852 = tpu.vector_load_idx %arg9[%add3A_1690, %broadcast_in_dim3A_1851] : memref<128x32xf32, #tpu.memory_space<vmem>>[vector<16xi32>, vector<16xi32>], vector<16xf32>,
    %mul3A_1853 = arith.mulf %gather3A_1849, %gather3A_1852 : vector<16xf32>
    %add3A_1854 = arith.addf %add3A_1843, %mul3A_1853 : vector<16xf32>
    %mul3A_1855 = arith.mulf %gather3A_1852, %gather3A_1852 : vector<16xf32>
    %add3A_1856 = arith.addf %add3A_1845, %mul3A_1855 : vector<16xf32>
    %add3A_1857 = arith.constant 14 : i32
    %add3A_1858 = vector.broadcast %add3A_1857 : i32 to vector<16xi32>
    %add3A_1859 = arith.addi %mul3A_1698, %add3A_1858 : vector<16xi32>
    %gather3A_1860 = tpu.vector_load_idx %arg8[%add3A_1690, %add3A_1859] : memref<128x128xf32, #tpu.memory_space<vmem>>[vector<16xi32>, vector<16xi32>], vector<16xf32>,
    %broadcast_in_dim3A_1861 = arith.constant 14 : i32
    %broadcast_in_dim3A_1862 = vector.broadcast %broadcast_in_dim3A_1861 : i32 to vector<16xi32>
    %gather3A_1863 = tpu.vector_load_idx %arg9[%add3A_1690, %broadcast_in_dim3A_1862] : memref<128x32xf32, #tpu.memory_space<vmem>>[vector<16xi32>, vector<16xi32>], vector<16xf32>,
    %mul3A_1864 = arith.mulf %gather3A_1860, %gather3A_1863 : vector<16xf32>
    %add3A_1865 = arith.addf %add3A_1854, %mul3A_1864 : vector<16xf32>
    %mul3A_1866 = arith.mulf %gather3A_1863, %gather3A_1863 : vector<16xf32>
    %add3A_1867 = arith.addf %add3A_1856, %mul3A_1866 : vector<16xf32>
    %add3A_1868 = arith.constant 15 : i32
    %add3A_1869 = vector.broadcast %add3A_1868 : i32 to vector<16xi32>
    %add3A_1870 = arith.addi %mul3A_1698, %add3A_1869 : vector<16xi32>
    %gather3A_1871 = tpu.vector_load_idx %arg8[%add3A_1690, %add3A_1870] : memref<128x128xf32, #tpu.memory_space<vmem>>[vector<16xi32>, vector<16xi32>], vector<16xf32>,
    %broadcast_in_dim3A_1872 = arith.constant 15 : i32
    %broadcast_in_dim3A_1873 = vector.broadcast %broadcast_in_dim3A_1872 : i32 to vector<16xi32>
    %gather3A_1874 = tpu.vector_load_idx %arg9[%add3A_1690, %broadcast_in_dim3A_1873] : memref<128x32xf32, #tpu.memory_space<vmem>>[vector<16xi32>, vector<16xi32>], vector<16xf32>,
    %mul3A_1875 = arith.mulf %gather3A_1871, %gather3A_1874 : vector<16xf32>
    %add3A_1876 = arith.addf %add3A_1865, %mul3A_1875 : vector<16xf32>
    %mul3A_1877 = arith.mulf %gather3A_1874, %gather3A_1874 : vector<16xf32>
    %add3A_1878 = arith.addf %add3A_1867, %mul3A_1877 : vector<16xf32>
    %add3A_1879 = arith.constant 16 : i32
    %add3A_1880 = vector.broadcast %add3A_1879 : i32 to vector<16xi32>
    %add3A_1881 = arith.addi %mul3A_1698, %add3A_1880 : vector<16xi32>
    %gather3A_1882 = tpu.vector_load_idx %arg8[%add3A_1690, %add3A_1881] : memref<128x128xf32, #tpu.memory_space<vmem>>[vector<16xi32>, vector<16xi32>], vector<16xf32>,
    %broadcast_in_dim3A_1883 = arith.constant 16 : i32
    %broadcast_in_dim3A_1884 = vector.broadcast %broadcast_in_dim3A_1883 : i32 to vector<16xi32>
    %gather3A_1885 = tpu.vector_load_idx %arg9[%add3A_1690, %broadcast_in_dim3A_1884] : memref<128x32xf32, #tpu.memory_space<vmem>>[vector<16xi32>, vector<16xi32>], vector<16xf32>,
    %mul3A_1886 = arith.mulf %gather3A_1882, %gather3A_1885 : vector<16xf32>
    %add3A_1887 = arith.addf %add3A_1876, %mul3A_1886 : vector<16xf32>
    %mul3A_1888 = arith.mulf %gather3A_1885, %gather3A_1885 : vector<16xf32>
    %add3A_1889 = arith.addf %add3A_1878, %mul3A_1888 : vector<16xf32>
    %add3A_1890 = arith.constant 17 : i32
    %add3A_1891 = vector.broadcast %add3A_1890 : i32 to vector<16xi32>
    %add3A_1892 = arith.addi %mul3A_1698, %add3A_1891 : vector<16xi32>
    %gather3A_1893 = tpu.vector_load_idx %arg8[%add3A_1690, %add3A_1892] : memref<128x128xf32, #tpu.memory_space<vmem>>[vector<16xi32>, vector<16xi32>], vector<16xf32>,
    %broadcast_in_dim3A_1894 = arith.constant 17 : i32
    %broadcast_in_dim3A_1895 = vector.broadcast %broadcast_in_dim3A_1894 : i32 to vector<16xi32>
    %gather3A_1896 = tpu.vector_load_idx %arg9[%add3A_1690, %broadcast_in_dim3A_1895] : memref<128x32xf32, #tpu.memory_space<vmem>>[vector<16xi32>, vector<16xi32>], vector<16xf32>,
    %mul3A_1897 = arith.mulf %gather3A_1893, %gather3A_1896 : vector<16xf32>
    %add3A_1898 = arith.addf %add3A_1887, %mul3A_1897 : vector<16xf32>
    %mul3A_1899 = arith.mulf %gather3A_1896, %gather3A_1896 : vector<16xf32>
    %add3A_1900 = arith.addf %add3A_1889, %mul3A_1899 : vector<16xf32>
    %add3A_1901 = arith.constant 18 : i32
    %add3A_1902 = vector.broadcast %add3A_1901 : i32 to vector<16xi32>
    %add3A_1903 = arith.addi %mul3A_1698, %add3A_1902 : vector<16xi32>
    %gather3A_1904 = tpu.vector_load_idx %arg8[%add3A_1690, %add3A_1903] : memref<128x128xf32, #tpu.memory_space<vmem>>[vector<16xi32>, vector<16xi32>], vector<16xf32>,
    %broadcast_in_dim3A_1905 = arith.constant 18 : i32
    %broadcast_in_dim3A_1906 = vector.broadcast %broadcast_in_dim3A_1905 : i32 to vector<16xi32>
    %gather3A_1907 = tpu.vector_load_idx %arg9[%add3A_1690, %broadcast_in_dim3A_1906] : memref<128x32xf32, #tpu.memory_space<vmem>>[vector<16xi32>, vector<16xi32>], vector<16xf32>,
    %mul3A_1908 = arith.mulf %gather3A_1904, %gather3A_1907 : vector<16xf32>
    %add3A_1909 = arith.addf %add3A_1898, %mul3A_1908 : vector<16xf32>
    %mul3A_1910 = arith.mulf %gather3A_1907, %gather3A_1907 : vector<16xf32>
    %add3A_1911 = arith.addf %add3A_1900, %mul3A_1910 : vector<16xf32>
    %add3A_1912 = arith.constant 19 : i32
    %add3A_1913 = vector.broadcast %add3A_1912 : i32 to vector<16xi32>
    %add3A_1914 = arith.addi %mul3A_1698, %add3A_1913 : vector<16xi32>
    %gather3A_1915 = tpu.vector_load_idx %arg8[%add3A_1690, %add3A_1914] : memref<128x128xf32, #tpu.memory_space<vmem>>[vector<16xi32>, vector<16xi32>], vector<16xf32>,
    %broadcast_in_dim3A_1916 = arith.constant 19 : i32
    %broadcast_in_dim3A_1917 = vector.broadcast %broadcast_in_dim3A_1916 : i32 to vector<16xi32>
    %gather3A_1918 = tpu.vector_load_idx %arg9[%add3A_1690, %broadcast_in_dim3A_1917] : memref<128x32xf32, #tpu.memory_space<vmem>>[vector<16xi32>, vector<16xi32>], vector<16xf32>,
    %mul3A_1919 = arith.mulf %gather3A_1915, %gather3A_1918 : vector<16xf32>
    %add3A_1920 = arith.addf %add3A_1909, %mul3A_1919 : vector<16xf32>
    %mul3A_1921 = arith.mulf %gather3A_1918, %gather3A_1918 : vector<16xf32>
    %add3A_1922 = arith.addf %add3A_1911, %mul3A_1921 : vector<16xf32>
    %add3A_1923 = arith.constant 20 : i32
    %add3A_1924 = vector.broadcast %add3A_1923 : i32 to vector<16xi32>
    %add3A_1925 = arith.addi %mul3A_1698, %add3A_1924 : vector<16xi32>
    %gather3A_1926 = tpu.vector_load_idx %arg8[%add3A_1690, %add3A_1925] : memref<128x128xf32, #tpu.memory_space<vmem>>[vector<16xi32>, vector<16xi32>], vector<16xf32>,
    %broadcast_in_dim3A_1927 = arith.constant 20 : i32
    %broadcast_in_dim3A_1928 = vector.broadcast %broadcast_in_dim3A_1927 : i32 to vector<16xi32>
    %gather3A_1929 = tpu.vector_load_idx %arg9[%add3A_1690, %broadcast_in_dim3A_1928] : memref<128x32xf32, #tpu.memory_space<vmem>>[vector<16xi32>, vector<16xi32>], vector<16xf32>,
    %mul3A_1930 = arith.mulf %gather3A_1926, %gather3A_1929 : vector<16xf32>
    %add3A_1931 = arith.addf %add3A_1920, %mul3A_1930 : vector<16xf32>
    %mul3A_1932 = arith.mulf %gather3A_1929, %gather3A_1929 : vector<16xf32>
    %add3A_1933 = arith.addf %add3A_1922, %mul3A_1932 : vector<16xf32>
    %add3A_1934 = arith.constant 21 : i32
    %add3A_1935 = vector.broadcast %add3A_1934 : i32 to vector<16xi32>
    %add3A_1936 = arith.addi %mul3A_1698, %add3A_1935 : vector<16xi32>
    %gather3A_1937 = tpu.vector_load_idx %arg8[%add3A_1690, %add3A_1936] : memref<128x128xf32, #tpu.memory_space<vmem>>[vector<16xi32>, vector<16xi32>], vector<16xf32>,
    %broadcast_in_dim3A_1938 = arith.constant 21 : i32
    %broadcast_in_dim3A_1939 = vector.broadcast %broadcast_in_dim3A_1938 : i32 to vector<16xi32>
    %gather3A_1940 = tpu.vector_load_idx %arg9[%add3A_1690, %broadcast_in_dim3A_1939] : memref<128x32xf32, #tpu.memory_space<vmem>>[vector<16xi32>, vector<16xi32>], vector<16xf32>,
    %mul3A_1941 = arith.mulf %gather3A_1937, %gather3A_1940 : vector<16xf32>
    %add3A_1942 = arith.addf %add3A_1931, %mul3A_1941 : vector<16xf32>
    %mul3A_1943 = arith.mulf %gather3A_1940, %gather3A_1940 : vector<16xf32>
    %add3A_1944 = arith.addf %add3A_1933, %mul3A_1943 : vector<16xf32>
    %add3A_1945 = arith.constant 22 : i32
    %add3A_1946 = vector.broadcast %add3A_1945 : i32 to vector<16xi32>
    %add3A_1947 = arith.addi %mul3A_1698, %add3A_1946 : vector<16xi32>
    %gather3A_1948 = tpu.vector_load_idx %arg8[%add3A_1690, %add3A_1947] : memref<128x128xf32, #tpu.memory_space<vmem>>[vector<16xi32>, vector<16xi32>], vector<16xf32>,
    %broadcast_in_dim3A_1949 = arith.constant 22 : i32
    %broadcast_in_dim3A_1950 = vector.broadcast %broadcast_in_dim3A_1949 : i32 to vector<16xi32>
    %gather3A_1951 = tpu.vector_load_idx %arg9[%add3A_1690, %broadcast_in_dim3A_1950] : memref<128x32xf32, #tpu.memory_space<vmem>>[vector<16xi32>, vector<16xi32>], vector<16xf32>,
    %mul3A_1952 = arith.mulf %gather3A_1948, %gather3A_1951 : vector<16xf32>
    %add3A_1953 = arith.addf %add3A_1942, %mul3A_1952 : vector<16xf32>
    %mul3A_1954 = arith.mulf %gather3A_1951, %gather3A_1951 : vector<16xf32>
    %add3A_1955 = arith.addf %add3A_1944, %mul3A_1954 : vector<16xf32>
    %add3A_1956 = arith.constant 23 : i32
    %add3A_1957 = vector.broadcast %add3A_1956 : i32 to vector<16xi32>
    %add3A_1958 = arith.addi %mul3A_1698, %add3A_1957 : vector<16xi32>
    %gather3A_1959 = tpu.vector_load_idx %arg8[%add3A_1690, %add3A_1958] : memref<128x128xf32, #tpu.memory_space<vmem>>[vector<16xi32>, vector<16xi32>], vector<16xf32>,
    %broadcast_in_dim3A_1960 = arith.constant 23 : i32
    %broadcast_in_dim3A_1961 = vector.broadcast %broadcast_in_dim3A_1960 : i32 to vector<16xi32>
    %gather3A_1962 = tpu.vector_load_idx %arg9[%add3A_1690, %broadcast_in_dim3A_1961] : memref<128x32xf32, #tpu.memory_space<vmem>>[vector<16xi32>, vector<16xi32>], vector<16xf32>,
    %mul3A_1963 = arith.mulf %gather3A_1959, %gather3A_1962 : vector<16xf32>
    %add3A_1964 = arith.addf %add3A_1953, %mul3A_1963 : vector<16xf32>
    %mul3A_1965 = arith.mulf %gather3A_1962, %gather3A_1962 : vector<16xf32>
    %add3A_1966 = arith.addf %add3A_1955, %mul3A_1965 : vector<16xf32>
    %add3A_1967 = arith.constant 24 : i32
    %add3A_1968 = vector.broadcast %add3A_1967 : i32 to vector<16xi32>
    %add3A_1969 = arith.addi %mul3A_1698, %add3A_1968 : vector<16xi32>
    %gather3A_1970 = tpu.vector_load_idx %arg8[%add3A_1690, %add3A_1969] : memref<128x128xf32, #tpu.memory_space<vmem>>[vector<16xi32>, vector<16xi32>], vector<16xf32>,
    %broadcast_in_dim3A_1971 = arith.constant 24 : i32
    %broadcast_in_dim3A_1972 = vector.broadcast %broadcast_in_dim3A_1971 : i32 to vector<16xi32>
    %gather3A_1973 = tpu.vector_load_idx %arg9[%add3A_1690, %broadcast_in_dim3A_1972] : memref<128x32xf32, #tpu.memory_space<vmem>>[vector<16xi32>, vector<16xi32>], vector<16xf32>,
    %mul3A_1974 = arith.mulf %gather3A_1970, %gather3A_1973 : vector<16xf32>
    %add3A_1975 = arith.addf %add3A_1964, %mul3A_1974 : vector<16xf32>
    %mul3A_1976 = arith.mulf %gather3A_1973, %gather3A_1973 : vector<16xf32>
    %add3A_1977 = arith.addf %add3A_1966, %mul3A_1976 : vector<16xf32>
    %add3A_1978 = arith.constant 25 : i32
    %add3A_1979 = vector.broadcast %add3A_1978 : i32 to vector<16xi32>
    %add3A_1980 = arith.addi %mul3A_1698, %add3A_1979 : vector<16xi32>
    %gather3A_1981 = tpu.vector_load_idx %arg8[%add3A_1690, %add3A_1980] : memref<128x128xf32, #tpu.memory_space<vmem>>[vector<16xi32>, vector<16xi32>], vector<16xf32>,
    %broadcast_in_dim3A_1982 = arith.constant 25 : i32
    %broadcast_in_dim3A_1983 = vector.broadcast %broadcast_in_dim3A_1982 : i32 to vector<16xi32>
    %gather3A_1984 = tpu.vector_load_idx %arg9[%add3A_1690, %broadcast_in_dim3A_1983] : memref<128x32xf32, #tpu.memory_space<vmem>>[vector<16xi32>, vector<16xi32>], vector<16xf32>,
    %mul3A_1985 = arith.mulf %gather3A_1981, %gather3A_1984 : vector<16xf32>
    %add3A_1986 = arith.addf %add3A_1975, %mul3A_1985 : vector<16xf32>
    %mul3A_1987 = arith.mulf %gather3A_1984, %gather3A_1984 : vector<16xf32>
    %add3A_1988 = arith.addf %add3A_1977, %mul3A_1987 : vector<16xf32>
    %add3A_1989 = arith.constant 26 : i32
    %add3A_1990 = vector.broadcast %add3A_1989 : i32 to vector<16xi32>
    %add3A_1991 = arith.addi %mul3A_1698, %add3A_1990 : vector<16xi32>
    %gather3A_1992 = tpu.vector_load_idx %arg8[%add3A_1690, %add3A_1991] : memref<128x128xf32, #tpu.memory_space<vmem>>[vector<16xi32>, vector<16xi32>], vector<16xf32>,
    %broadcast_in_dim3A_1993 = arith.constant 26 : i32
    %broadcast_in_dim3A_1994 = vector.broadcast %broadcast_in_dim3A_1993 : i32 to vector<16xi32>
    %gather3A_1995 = tpu.vector_load_idx %arg9[%add3A_1690, %broadcast_in_dim3A_1994] : memref<128x32xf32, #tpu.memory_space<vmem>>[vector<16xi32>, vector<16xi32>], vector<16xf32>,
    %mul3A_1996 = arith.mulf %gather3A_1992, %gather3A_1995 : vector<16xf32>
    %add3A_1997 = arith.addf %add3A_1986, %mul3A_1996 : vector<16xf32>
    %mul3A_1998 = arith.mulf %gather3A_1995, %gather3A_1995 : vector<16xf32>
    %add3A_1999 = arith.addf %add3A_1988, %mul3A_1998 : vector<16xf32>
    %add3A_2000 = arith.constant 27 : i32
    %add3A_2001 = vector.broadcast %add3A_2000 : i32 to vector<16xi32>
    %add3A_2002 = arith.addi %mul3A_1698, %add3A_2001 : vector<16xi32>
    %gather3A_2003 = tpu.vector_load_idx %arg8[%add3A_1690, %add3A_2002] : memref<128x128xf32, #tpu.memory_space<vmem>>[vector<16xi32>, vector<16xi32>], vector<16xf32>,
    %broadcast_in_dim3A_2004 = arith.constant 27 : i32
    %broadcast_in_dim3A_2005 = vector.broadcast %broadcast_in_dim3A_2004 : i32 to vector<16xi32>
    %gather3A_2006 = tpu.vector_load_idx %arg9[%add3A_1690, %broadcast_in_dim3A_2005] : memref<128x32xf32, #tpu.memory_space<vmem>>[vector<16xi32>, vector<16xi32>], vector<16xf32>,
    %mul3A_2007 = arith.mulf %gather3A_2003, %gather3A_2006 : vector<16xf32>
    %add3A_2008 = arith.addf %add3A_1997, %mul3A_2007 : vector<16xf32>
    %mul3A_2009 = arith.mulf %gather3A_2006, %gather3A_2006 : vector<16xf32>
    %add3A_2010 = arith.addf %add3A_1999, %mul3A_2009 : vector<16xf32>
    %add3A_2011 = arith.constant 28 : i32
    %add3A_2012 = vector.broadcast %add3A_2011 : i32 to vector<16xi32>
    %add3A_2013 = arith.addi %mul3A_1698, %add3A_2012 : vector<16xi32>
    %gather3A_2014 = tpu.vector_load_idx %arg8[%add3A_1690, %add3A_2013] : memref<128x128xf32, #tpu.memory_space<vmem>>[vector<16xi32>, vector<16xi32>], vector<16xf32>,
    %broadcast_in_dim3A_2015 = arith.constant 28 : i32
    %broadcast_in_dim3A_2016 = vector.broadcast %broadcast_in_dim3A_2015 : i32 to vector<16xi32>
    %gather3A_2017 = tpu.vector_load_idx %arg9[%add3A_1690, %broadcast_in_dim3A_2016] : memref<128x32xf32, #tpu.memory_space<vmem>>[vector<16xi32>, vector<16xi32>], vector<16xf32>,
    %mul3A_2018 = arith.mulf %gather3A_2014, %gather3A_2017 : vector<16xf32>
    %add3A_2019 = arith.addf %add3A_2008, %mul3A_2018 : vector<16xf32>
    %mul3A_2020 = arith.mulf %gather3A_2017, %gather3A_2017 : vector<16xf32>
    %add3A_2021 = arith.addf %add3A_2010, %mul3A_2020 : vector<16xf32>
    %add3A_2022 = arith.constant 29 : i32
    %add3A_2023 = vector.broadcast %add3A_2022 : i32 to vector<16xi32>
    %add3A_2024 = arith.addi %mul3A_1698, %add3A_2023 : vector<16xi32>
    %gather3A_2025 = tpu.vector_load_idx %arg8[%add3A_1690, %add3A_2024] : memref<128x128xf32, #tpu.memory_space<vmem>>[vector<16xi32>, vector<16xi32>], vector<16xf32>,
    %broadcast_in_dim3A_2026 = arith.constant 29 : i32
    %broadcast_in_dim3A_2027 = vector.broadcast %broadcast_in_dim3A_2026 : i32 to vector<16xi32>
    %gather3A_2028 = tpu.vector_load_idx %arg9[%add3A_1690, %broadcast_in_dim3A_2027] : memref<128x32xf32, #tpu.memory_space<vmem>>[vector<16xi32>, vector<16xi32>], vector<16xf32>,
    %mul3A_2029 = arith.mulf %gather3A_2025, %gather3A_2028 : vector<16xf32>
    %add3A_2030 = arith.addf %add3A_2019, %mul3A_2029 : vector<16xf32>
    %mul3A_2031 = arith.mulf %gather3A_2028, %gather3A_2028 : vector<16xf32>
    %add3A_2032 = arith.addf %add3A_2021, %mul3A_2031 : vector<16xf32>
    %add3A_2033 = arith.constant 30 : i32
    %add3A_2034 = vector.broadcast %add3A_2033 : i32 to vector<16xi32>
    %add3A_2035 = arith.addi %mul3A_1698, %add3A_2034 : vector<16xi32>
    %gather3A_2036 = tpu.vector_load_idx %arg8[%add3A_1690, %add3A_2035] : memref<128x128xf32, #tpu.memory_space<vmem>>[vector<16xi32>, vector<16xi32>], vector<16xf32>,
    %broadcast_in_dim3A_2037 = arith.constant 30 : i32
    %broadcast_in_dim3A_2038 = vector.broadcast %broadcast_in_dim3A_2037 : i32 to vector<16xi32>
    %gather3A_2039 = tpu.vector_load_idx %arg9[%add3A_1690, %broadcast_in_dim3A_2038] : memref<128x32xf32, #tpu.memory_space<vmem>>[vector<16xi32>, vector<16xi32>], vector<16xf32>,
    %mul3A_2040 = arith.mulf %gather3A_2036, %gather3A_2039 : vector<16xf32>
    %add3A_2041 = arith.addf %add3A_2030, %mul3A_2040 : vector<16xf32>
    %mul3A_2042 = arith.mulf %gather3A_2039, %gather3A_2039 : vector<16xf32>
    %add3A_2043 = arith.addf %add3A_2032, %mul3A_2042 : vector<16xf32>
    %add3A_2044 = arith.constant 31 : i32
    %add3A_2045 = vector.broadcast %add3A_2044 : i32 to vector<16xi32>
    %add3A_2046 = arith.addi %mul3A_1698, %add3A_2045 : vector<16xi32>
    %gather3A_2047 = tpu.vector_load_idx %arg8[%add3A_1690, %add3A_2046] : memref<128x128xf32, #tpu.memory_space<vmem>>[vector<16xi32>, vector<16xi32>], vector<16xf32>,
    %broadcast_in_dim3A_2048 = arith.constant 31 : i32
    %broadcast_in_dim3A_2049 = vector.broadcast %broadcast_in_dim3A_2048 : i32 to vector<16xi32>
    %gather3A_2050 = tpu.vector_load_idx %arg9[%add3A_1690, %broadcast_in_dim3A_2049] : memref<128x32xf32, #tpu.memory_space<vmem>>[vector<16xi32>, vector<16xi32>], vector<16xf32>,
    %mul3A_2051 = arith.mulf %gather3A_2047, %gather3A_2050 : vector<16xf32>
    %add3A_2052 = arith.addf %add3A_2041, %mul3A_2051 : vector<16xf32>
    %mul3A_2053 = arith.mulf %gather3A_2050, %gather3A_2050 : vector<16xf32>
    %add3A_2054 = arith.addf %add3A_2043, %mul3A_2053 : vector<16xf32>
    %bitcast3A_2055 = vector.bitcast %add3A_2054 : vector<16xf32> to vector<16xi32>
    %shift_right_arithmetic3A_2056 = arith.constant 1 : i32
    %shift_right_arithmetic3A_2057 = vector.broadcast %shift_right_arithmetic3A_2056 : i32 to vector<16xi32>
    %shift_right_arithmetic3A_2058 = arith.shrsi %bitcast3A_2055, %shift_right_arithmetic3A_2057 : vector<16xi32>
    %sub3A_2059 = arith.constant 1597463007 : i32
    %sub3A_2060 = vector.broadcast %sub3A_2059 : i32 to vector<16xi32>
    %sub3A_2061 = arith.subi %sub3A_2060, %shift_right_arithmetic3A_2058 : vector<16xi32>
    %bitcast3A_2062 = vector.bitcast %sub3A_2061 : vector<16xi32> to vector<16xf32>
    %mul3A_2063 = arith.constant 5.000000e-01 : f32
    %mul3A_2064 = vector.broadcast %mul3A_2063 : f32 to vector<16xf32>
    %mul3A_2065 = arith.mulf %mul3A_2064, %add3A_2054 : vector<16xf32>
    %mul3A_2066 = arith.mulf %mul3A_2065, %bitcast3A_2062 : vector<16xf32>
    %mul3A_2067 = arith.mulf %mul3A_2066, %bitcast3A_2062 : vector<16xf32>
    %sub3A_2068 = arith.constant 1.500000e+00 : f32
    %sub3A_2069 = vector.broadcast %sub3A_2068 : f32 to vector<16xf32>
    %sub3A_2070 = arith.subf %sub3A_2069, %mul3A_2067 : vector<16xf32>
    %mul3A_2071 = arith.mulf %bitcast3A_2062, %sub3A_2070 : vector<16xf32>
    %mul3A_2072 = arith.constant 5.000000e-01 : f32
    %mul3A_2073 = vector.broadcast %mul3A_2072 : f32 to vector<16xf32>
    %mul3A_2074 = arith.mulf %mul3A_2073, %add3A_2054 : vector<16xf32>
    %mul3A_2075 = arith.mulf %mul3A_2074, %mul3A_2071 : vector<16xf32>
    %mul3A_2076 = arith.mulf %mul3A_2075, %mul3A_2071 : vector<16xf32>
    %sub3A_2077 = arith.constant 1.500000e+00 : f32
    %sub3A_2078 = vector.broadcast %sub3A_2077 : f32 to vector<16xf32>
    %sub3A_2079 = arith.subf %sub3A_2078, %mul3A_2076 : vector<16xf32>
    %mul3A_2080 = arith.mulf %mul3A_2071, %sub3A_2079 : vector<16xf32>
    %mul3A_2081 = arith.constant 5.000000e-01 : f32
    %mul3A_2082 = vector.broadcast %mul3A_2081 : f32 to vector<16xf32>
    %mul3A_2083 = arith.mulf %mul3A_2082, %add3A_2054 : vector<16xf32>
    %mul3A_2084 = arith.mulf %mul3A_2083, %mul3A_2080 : vector<16xf32>
    %mul3A_2085 = arith.mulf %mul3A_2084, %mul3A_2080 : vector<16xf32>
    %sub3A_2086 = arith.constant 1.500000e+00 : f32
    %sub3A_2087 = vector.broadcast %sub3A_2086 : f32 to vector<16xf32>
    %sub3A_2088 = arith.subf %sub3A_2087, %mul3A_2085 : vector<16xf32>
    %mul3A_2089 = arith.mulf %mul3A_2080, %sub3A_2088 : vector<16xf32>
    %mul3A_2090 = arith.mulf %add3A_2054, %mul3A_2089 : vector<16xf32>
    %add3A_2091 = arith.constant 9.99999996E-13 : f32
    %add3A_2092 = vector.broadcast %add3A_2091 : f32 to vector<16xf32>
    %add3A_2093 = arith.addf %mul3A_2090, %add3A_2092 : vector<16xf32>
    %div3A_2094 = arith.divf %add3A_2052, %add3A_2093 : vector<16xf32>
    %add3A_2095 = arith.addf %add3A_1687, %div3A_2094 : vector<16xf32>
    %add3A_2096 = arith.constant 80 : i32
    %add3A_2097 = vector.broadcast %add3A_2096 : i32 to vector<16xi32>
    %add3A_2098 = arith.addi %iota3A, %add3A_2097 : vector<16xi32>
    %get3A_2099 = arith.constant 80 : index
    %get3A_2100 = tpu.vector_load %arg6[%get3A_2099] {strides = array<i32>} : memref<128xi32, #tpu.memory_space<vmem>>, vector<16xi32>,
    %and3A_2101 = arith.constant 3 : i32
    %and3A_2102 = vector.broadcast %and3A_2101 : i32 to vector<16xi32>
    %and3A_2103 = arith.andi %get3A_2100, %and3A_2102 : vector<16xi32>
    %mul3A_2104 = arith.constant 32 : i32
    %mul3A_2105 = vector.broadcast %mul3A_2104 : i32 to vector<16xi32>
    %mul3A_2106 = arith.muli %and3A_2103, %mul3A_2105 : vector<16xi32>
    %broadcast_in_dim3A_2107 = arith.constant 0.000000e+00 : f32
    %broadcast_in_dim3A_2108 = vector.broadcast %broadcast_in_dim3A_2107 : f32 to vector<16xf32>
    %broadcast_in_dim3A_2109 = arith.constant 0.000000e+00 : f32
    %broadcast_in_dim3A_2110 = vector.broadcast %broadcast_in_dim3A_2109 : f32 to vector<16xf32>
    %add3A_2111 = arith.constant 0 : i32
    %add3A_2112 = vector.broadcast %add3A_2111 : i32 to vector<16xi32>
    %add3A_2113 = arith.addi %mul3A_2106, %add3A_2112 : vector<16xi32>
    %gather3A_2114 = tpu.vector_load_idx %arg8[%add3A_2098, %add3A_2113] : memref<128x128xf32, #tpu.memory_space<vmem>>[vector<16xi32>, vector<16xi32>], vector<16xf32>,
    %broadcast_in_dim3A_2115 = arith.constant 0 : i32
    %broadcast_in_dim3A_2116 = vector.broadcast %broadcast_in_dim3A_2115 : i32 to vector<16xi32>
    %gather3A_2117 = tpu.vector_load_idx %arg9[%add3A_2098, %broadcast_in_dim3A_2116] : memref<128x32xf32, #tpu.memory_space<vmem>>[vector<16xi32>, vector<16xi32>], vector<16xf32>,
    %mul3A_2118 = arith.mulf %gather3A_2114, %gather3A_2117 : vector<16xf32>
    %add3A_2119 = arith.addf %broadcast_in_dim3A_2108, %mul3A_2118 : vector<16xf32>
    %mul3A_2120 = arith.mulf %gather3A_2117, %gather3A_2117 : vector<16xf32>
    %add3A_2121 = arith.addf %broadcast_in_dim3A_2110, %mul3A_2120 : vector<16xf32>
    %add3A_2122 = arith.constant 1 : i32
    %add3A_2123 = vector.broadcast %add3A_2122 : i32 to vector<16xi32>
    %add3A_2124 = arith.addi %mul3A_2106, %add3A_2123 : vector<16xi32>
    %gather3A_2125 = tpu.vector_load_idx %arg8[%add3A_2098, %add3A_2124] : memref<128x128xf32, #tpu.memory_space<vmem>>[vector<16xi32>, vector<16xi32>], vector<16xf32>,
    %broadcast_in_dim3A_2126 = arith.constant 1 : i32
    %broadcast_in_dim3A_2127 = vector.broadcast %broadcast_in_dim3A_2126 : i32 to vector<16xi32>
    %gather3A_2128 = tpu.vector_load_idx %arg9[%add3A_2098, %broadcast_in_dim3A_2127] : memref<128x32xf32, #tpu.memory_space<vmem>>[vector<16xi32>, vector<16xi32>], vector<16xf32>,
    %mul3A_2129 = arith.mulf %gather3A_2125, %gather3A_2128 : vector<16xf32>
    %add3A_2130 = arith.addf %add3A_2119, %mul3A_2129 : vector<16xf32>
    %mul3A_2131 = arith.mulf %gather3A_2128, %gather3A_2128 : vector<16xf32>
    %add3A_2132 = arith.addf %add3A_2121, %mul3A_2131 : vector<16xf32>
    %add3A_2133 = arith.constant 2 : i32
    %add3A_2134 = vector.broadcast %add3A_2133 : i32 to vector<16xi32>
    %add3A_2135 = arith.addi %mul3A_2106, %add3A_2134 : vector<16xi32>
    %gather3A_2136 = tpu.vector_load_idx %arg8[%add3A_2098, %add3A_2135] : memref<128x128xf32, #tpu.memory_space<vmem>>[vector<16xi32>, vector<16xi32>], vector<16xf32>,
    %broadcast_in_dim3A_2137 = arith.constant 2 : i32
    %broadcast_in_dim3A_2138 = vector.broadcast %broadcast_in_dim3A_2137 : i32 to vector<16xi32>
    %gather3A_2139 = tpu.vector_load_idx %arg9[%add3A_2098, %broadcast_in_dim3A_2138] : memref<128x32xf32, #tpu.memory_space<vmem>>[vector<16xi32>, vector<16xi32>], vector<16xf32>,
    %mul3A_2140 = arith.mulf %gather3A_2136, %gather3A_2139 : vector<16xf32>
    %add3A_2141 = arith.addf %add3A_2130, %mul3A_2140 : vector<16xf32>
    %mul3A_2142 = arith.mulf %gather3A_2139, %gather3A_2139 : vector<16xf32>
    %add3A_2143 = arith.addf %add3A_2132, %mul3A_2142 : vector<16xf32>
    %add3A_2144 = arith.constant 3 : i32
    %add3A_2145 = vector.broadcast %add3A_2144 : i32 to vector<16xi32>
    %add3A_2146 = arith.addi %mul3A_2106, %add3A_2145 : vector<16xi32>
    %gather3A_2147 = tpu.vector_load_idx %arg8[%add3A_2098, %add3A_2146] : memref<128x128xf32, #tpu.memory_space<vmem>>[vector<16xi32>, vector<16xi32>], vector<16xf32>,
    %broadcast_in_dim3A_2148 = arith.constant 3 : i32
    %broadcast_in_dim3A_2149 = vector.broadcast %broadcast_in_dim3A_2148 : i32 to vector<16xi32>
    %gather3A_2150 = tpu.vector_load_idx %arg9[%add3A_2098, %broadcast_in_dim3A_2149] : memref<128x32xf32, #tpu.memory_space<vmem>>[vector<16xi32>, vector<16xi32>], vector<16xf32>,
    %mul3A_2151 = arith.mulf %gather3A_2147, %gather3A_2150 : vector<16xf32>
    %add3A_2152 = arith.addf %add3A_2141, %mul3A_2151 : vector<16xf32>
    %mul3A_2153 = arith.mulf %gather3A_2150, %gather3A_2150 : vector<16xf32>
    %add3A_2154 = arith.addf %add3A_2143, %mul3A_2153 : vector<16xf32>
    %add3A_2155 = arith.constant 4 : i32
    %add3A_2156 = vector.broadcast %add3A_2155 : i32 to vector<16xi32>
    %add3A_2157 = arith.addi %mul3A_2106, %add3A_2156 : vector<16xi32>
    %gather3A_2158 = tpu.vector_load_idx %arg8[%add3A_2098, %add3A_2157] : memref<128x128xf32, #tpu.memory_space<vmem>>[vector<16xi32>, vector<16xi32>], vector<16xf32>,
    %broadcast_in_dim3A_2159 = arith.constant 4 : i32
    %broadcast_in_dim3A_2160 = vector.broadcast %broadcast_in_dim3A_2159 : i32 to vector<16xi32>
    %gather3A_2161 = tpu.vector_load_idx %arg9[%add3A_2098, %broadcast_in_dim3A_2160] : memref<128x32xf32, #tpu.memory_space<vmem>>[vector<16xi32>, vector<16xi32>], vector<16xf32>,
    %mul3A_2162 = arith.mulf %gather3A_2158, %gather3A_2161 : vector<16xf32>
    %add3A_2163 = arith.addf %add3A_2152, %mul3A_2162 : vector<16xf32>
    %mul3A_2164 = arith.mulf %gather3A_2161, %gather3A_2161 : vector<16xf32>
    %add3A_2165 = arith.addf %add3A_2154, %mul3A_2164 : vector<16xf32>
    %add3A_2166 = arith.constant 5 : i32
    %add3A_2167 = vector.broadcast %add3A_2166 : i32 to vector<16xi32>
    %add3A_2168 = arith.addi %mul3A_2106, %add3A_2167 : vector<16xi32>
    %gather3A_2169 = tpu.vector_load_idx %arg8[%add3A_2098, %add3A_2168] : memref<128x128xf32, #tpu.memory_space<vmem>>[vector<16xi32>, vector<16xi32>], vector<16xf32>,
    %broadcast_in_dim3A_2170 = arith.constant 5 : i32
    %broadcast_in_dim3A_2171 = vector.broadcast %broadcast_in_dim3A_2170 : i32 to vector<16xi32>
    %gather3A_2172 = tpu.vector_load_idx %arg9[%add3A_2098, %broadcast_in_dim3A_2171] : memref<128x32xf32, #tpu.memory_space<vmem>>[vector<16xi32>, vector<16xi32>], vector<16xf32>,
    %mul3A_2173 = arith.mulf %gather3A_2169, %gather3A_2172 : vector<16xf32>
    %add3A_2174 = arith.addf %add3A_2163, %mul3A_2173 : vector<16xf32>
    %mul3A_2175 = arith.mulf %gather3A_2172, %gather3A_2172 : vector<16xf32>
    %add3A_2176 = arith.addf %add3A_2165, %mul3A_2175 : vector<16xf32>
    %add3A_2177 = arith.constant 6 : i32
    %add3A_2178 = vector.broadcast %add3A_2177 : i32 to vector<16xi32>
    %add3A_2179 = arith.addi %mul3A_2106, %add3A_2178 : vector<16xi32>
    %gather3A_2180 = tpu.vector_load_idx %arg8[%add3A_2098, %add3A_2179] : memref<128x128xf32, #tpu.memory_space<vmem>>[vector<16xi32>, vector<16xi32>], vector<16xf32>,
    %broadcast_in_dim3A_2181 = arith.constant 6 : i32
    %broadcast_in_dim3A_2182 = vector.broadcast %broadcast_in_dim3A_2181 : i32 to vector<16xi32>
    %gather3A_2183 = tpu.vector_load_idx %arg9[%add3A_2098, %broadcast_in_dim3A_2182] : memref<128x32xf32, #tpu.memory_space<vmem>>[vector<16xi32>, vector<16xi32>], vector<16xf32>,
    %mul3A_2184 = arith.mulf %gather3A_2180, %gather3A_2183 : vector<16xf32>
    %add3A_2185 = arith.addf %add3A_2174, %mul3A_2184 : vector<16xf32>
    %mul3A_2186 = arith.mulf %gather3A_2183, %gather3A_2183 : vector<16xf32>
    %add3A_2187 = arith.addf %add3A_2176, %mul3A_2186 : vector<16xf32>
    %add3A_2188 = arith.constant 7 : i32
    %add3A_2189 = vector.broadcast %add3A_2188 : i32 to vector<16xi32>
    %add3A_2190 = arith.addi %mul3A_2106, %add3A_2189 : vector<16xi32>
    %gather3A_2191 = tpu.vector_load_idx %arg8[%add3A_2098, %add3A_2190] : memref<128x128xf32, #tpu.memory_space<vmem>>[vector<16xi32>, vector<16xi32>], vector<16xf32>,
    %broadcast_in_dim3A_2192 = arith.constant 7 : i32
    %broadcast_in_dim3A_2193 = vector.broadcast %broadcast_in_dim3A_2192 : i32 to vector<16xi32>
    %gather3A_2194 = tpu.vector_load_idx %arg9[%add3A_2098, %broadcast_in_dim3A_2193] : memref<128x32xf32, #tpu.memory_space<vmem>>[vector<16xi32>, vector<16xi32>], vector<16xf32>,
    %mul3A_2195 = arith.mulf %gather3A_2191, %gather3A_2194 : vector<16xf32>
    %add3A_2196 = arith.addf %add3A_2185, %mul3A_2195 : vector<16xf32>
    %mul3A_2197 = arith.mulf %gather3A_2194, %gather3A_2194 : vector<16xf32>
    %add3A_2198 = arith.addf %add3A_2187, %mul3A_2197 : vector<16xf32>
    %add3A_2199 = arith.constant 8 : i32
    %add3A_2200 = vector.broadcast %add3A_2199 : i32 to vector<16xi32>
    %add3A_2201 = arith.addi %mul3A_2106, %add3A_2200 : vector<16xi32>
    %gather3A_2202 = tpu.vector_load_idx %arg8[%add3A_2098, %add3A_2201] : memref<128x128xf32, #tpu.memory_space<vmem>>[vector<16xi32>, vector<16xi32>], vector<16xf32>,
    %broadcast_in_dim3A_2203 = arith.constant 8 : i32
    %broadcast_in_dim3A_2204 = vector.broadcast %broadcast_in_dim3A_2203 : i32 to vector<16xi32>
    %gather3A_2205 = tpu.vector_load_idx %arg9[%add3A_2098, %broadcast_in_dim3A_2204] : memref<128x32xf32, #tpu.memory_space<vmem>>[vector<16xi32>, vector<16xi32>], vector<16xf32>,
    %mul3A_2206 = arith.mulf %gather3A_2202, %gather3A_2205 : vector<16xf32>
    %add3A_2207 = arith.addf %add3A_2196, %mul3A_2206 : vector<16xf32>
    %mul3A_2208 = arith.mulf %gather3A_2205, %gather3A_2205 : vector<16xf32>
    %add3A_2209 = arith.addf %add3A_2198, %mul3A_2208 : vector<16xf32>
    %add3A_2210 = arith.constant 9 : i32
    %add3A_2211 = vector.broadcast %add3A_2210 : i32 to vector<16xi32>
    %add3A_2212 = arith.addi %mul3A_2106, %add3A_2211 : vector<16xi32>
    %gather3A_2213 = tpu.vector_load_idx %arg8[%add3A_2098, %add3A_2212] : memref<128x128xf32, #tpu.memory_space<vmem>>[vector<16xi32>, vector<16xi32>], vector<16xf32>,
    %broadcast_in_dim3A_2214 = arith.constant 9 : i32
    %broadcast_in_dim3A_2215 = vector.broadcast %broadcast_in_dim3A_2214 : i32 to vector<16xi32>
    %gather3A_2216 = tpu.vector_load_idx %arg9[%add3A_2098, %broadcast_in_dim3A_2215] : memref<128x32xf32, #tpu.memory_space<vmem>>[vector<16xi32>, vector<16xi32>], vector<16xf32>,
    %mul3A_2217 = arith.mulf %gather3A_2213, %gather3A_2216 : vector<16xf32>
    %add3A_2218 = arith.addf %add3A_2207, %mul3A_2217 : vector<16xf32>
    %mul3A_2219 = arith.mulf %gather3A_2216, %gather3A_2216 : vector<16xf32>
    %add3A_2220 = arith.addf %add3A_2209, %mul3A_2219 : vector<16xf32>
    %add3A_2221 = arith.constant 10 : i32
    %add3A_2222 = vector.broadcast %add3A_2221 : i32 to vector<16xi32>
    %add3A_2223 = arith.addi %mul3A_2106, %add3A_2222 : vector<16xi32>
    %gather3A_2224 = tpu.vector_load_idx %arg8[%add3A_2098, %add3A_2223] : memref<128x128xf32, #tpu.memory_space<vmem>>[vector<16xi32>, vector<16xi32>], vector<16xf32>,
    %broadcast_in_dim3A_2225 = arith.constant 10 : i32
    %broadcast_in_dim3A_2226 = vector.broadcast %broadcast_in_dim3A_2225 : i32 to vector<16xi32>
    %gather3A_2227 = tpu.vector_load_idx %arg9[%add3A_2098, %broadcast_in_dim3A_2226] : memref<128x32xf32, #tpu.memory_space<vmem>>[vector<16xi32>, vector<16xi32>], vector<16xf32>,
    %mul3A_2228 = arith.mulf %gather3A_2224, %gather3A_2227 : vector<16xf32>
    %add3A_2229 = arith.addf %add3A_2218, %mul3A_2228 : vector<16xf32>
    %mul3A_2230 = arith.mulf %gather3A_2227, %gather3A_2227 : vector<16xf32>
    %add3A_2231 = arith.addf %add3A_2220, %mul3A_2230 : vector<16xf32>
    %add3A_2232 = arith.constant 11 : i32
    %add3A_2233 = vector.broadcast %add3A_2232 : i32 to vector<16xi32>
    %add3A_2234 = arith.addi %mul3A_2106, %add3A_2233 : vector<16xi32>
    %gather3A_2235 = tpu.vector_load_idx %arg8[%add3A_2098, %add3A_2234] : memref<128x128xf32, #tpu.memory_space<vmem>>[vector<16xi32>, vector<16xi32>], vector<16xf32>,
    %broadcast_in_dim3A_2236 = arith.constant 11 : i32
    %broadcast_in_dim3A_2237 = vector.broadcast %broadcast_in_dim3A_2236 : i32 to vector<16xi32>
    %gather3A_2238 = tpu.vector_load_idx %arg9[%add3A_2098, %broadcast_in_dim3A_2237] : memref<128x32xf32, #tpu.memory_space<vmem>>[vector<16xi32>, vector<16xi32>], vector<16xf32>,
    %mul3A_2239 = arith.mulf %gather3A_2235, %gather3A_2238 : vector<16xf32>
    %add3A_2240 = arith.addf %add3A_2229, %mul3A_2239 : vector<16xf32>
    %mul3A_2241 = arith.mulf %gather3A_2238, %gather3A_2238 : vector<16xf32>
    %add3A_2242 = arith.addf %add3A_2231, %mul3A_2241 : vector<16xf32>
    %add3A_2243 = arith.constant 12 : i32
    %add3A_2244 = vector.broadcast %add3A_2243 : i32 to vector<16xi32>
    %add3A_2245 = arith.addi %mul3A_2106, %add3A_2244 : vector<16xi32>
    %gather3A_2246 = tpu.vector_load_idx %arg8[%add3A_2098, %add3A_2245] : memref<128x128xf32, #tpu.memory_space<vmem>>[vector<16xi32>, vector<16xi32>], vector<16xf32>,
    %broadcast_in_dim3A_2247 = arith.constant 12 : i32
    %broadcast_in_dim3A_2248 = vector.broadcast %broadcast_in_dim3A_2247 : i32 to vector<16xi32>
    %gather3A_2249 = tpu.vector_load_idx %arg9[%add3A_2098, %broadcast_in_dim3A_2248] : memref<128x32xf32, #tpu.memory_space<vmem>>[vector<16xi32>, vector<16xi32>], vector<16xf32>,
    %mul3A_2250 = arith.mulf %gather3A_2246, %gather3A_2249 : vector<16xf32>
    %add3A_2251 = arith.addf %add3A_2240, %mul3A_2250 : vector<16xf32>
    %mul3A_2252 = arith.mulf %gather3A_2249, %gather3A_2249 : vector<16xf32>
    %add3A_2253 = arith.addf %add3A_2242, %mul3A_2252 : vector<16xf32>
    %add3A_2254 = arith.constant 13 : i32
    %add3A_2255 = vector.broadcast %add3A_2254 : i32 to vector<16xi32>
    %add3A_2256 = arith.addi %mul3A_2106, %add3A_2255 : vector<16xi32>
    %gather3A_2257 = tpu.vector_load_idx %arg8[%add3A_2098, %add3A_2256] : memref<128x128xf32, #tpu.memory_space<vmem>>[vector<16xi32>, vector<16xi32>], vector<16xf32>,
    %broadcast_in_dim3A_2258 = arith.constant 13 : i32
    %broadcast_in_dim3A_2259 = vector.broadcast %broadcast_in_dim3A_2258 : i32 to vector<16xi32>
    %gather3A_2260 = tpu.vector_load_idx %arg9[%add3A_2098, %broadcast_in_dim3A_2259] : memref<128x32xf32, #tpu.memory_space<vmem>>[vector<16xi32>, vector<16xi32>], vector<16xf32>,
    %mul3A_2261 = arith.mulf %gather3A_2257, %gather3A_2260 : vector<16xf32>
    %add3A_2262 = arith.addf %add3A_2251, %mul3A_2261 : vector<16xf32>
    %mul3A_2263 = arith.mulf %gather3A_2260, %gather3A_2260 : vector<16xf32>
    %add3A_2264 = arith.addf %add3A_2253, %mul3A_2263 : vector<16xf32>
    %add3A_2265 = arith.constant 14 : i32
    %add3A_2266 = vector.broadcast %add3A_2265 : i32 to vector<16xi32>
    %add3A_2267 = arith.addi %mul3A_2106, %add3A_2266 : vector<16xi32>
    %gather3A_2268 = tpu.vector_load_idx %arg8[%add3A_2098, %add3A_2267] : memref<128x128xf32, #tpu.memory_space<vmem>>[vector<16xi32>, vector<16xi32>], vector<16xf32>,
    %broadcast_in_dim3A_2269 = arith.constant 14 : i32
    %broadcast_in_dim3A_2270 = vector.broadcast %broadcast_in_dim3A_2269 : i32 to vector<16xi32>
    %gather3A_2271 = tpu.vector_load_idx %arg9[%add3A_2098, %broadcast_in_dim3A_2270] : memref<128x32xf32, #tpu.memory_space<vmem>>[vector<16xi32>, vector<16xi32>], vector<16xf32>,
    %mul3A_2272 = arith.mulf %gather3A_2268, %gather3A_2271 : vector<16xf32>
    %add3A_2273 = arith.addf %add3A_2262, %mul3A_2272 : vector<16xf32>
    %mul3A_2274 = arith.mulf %gather3A_2271, %gather3A_2271 : vector<16xf32>
    %add3A_2275 = arith.addf %add3A_2264, %mul3A_2274 : vector<16xf32>
    %add3A_2276 = arith.constant 15 : i32
    %add3A_2277 = vector.broadcast %add3A_2276 : i32 to vector<16xi32>
    %add3A_2278 = arith.addi %mul3A_2106, %add3A_2277 : vector<16xi32>
    %gather3A_2279 = tpu.vector_load_idx %arg8[%add3A_2098, %add3A_2278] : memref<128x128xf32, #tpu.memory_space<vmem>>[vector<16xi32>, vector<16xi32>], vector<16xf32>,
    %broadcast_in_dim3A_2280 = arith.constant 15 : i32
    %broadcast_in_dim3A_2281 = vector.broadcast %broadcast_in_dim3A_2280 : i32 to vector<16xi32>
    %gather3A_2282 = tpu.vector_load_idx %arg9[%add3A_2098, %broadcast_in_dim3A_2281] : memref<128x32xf32, #tpu.memory_space<vmem>>[vector<16xi32>, vector<16xi32>], vector<16xf32>,
    %mul3A_2283 = arith.mulf %gather3A_2279, %gather3A_2282 : vector<16xf32>
    %add3A_2284 = arith.addf %add3A_2273, %mul3A_2283 : vector<16xf32>
    %mul3A_2285 = arith.mulf %gather3A_2282, %gather3A_2282 : vector<16xf32>
    %add3A_2286 = arith.addf %add3A_2275, %mul3A_2285 : vector<16xf32>
    %add3A_2287 = arith.constant 16 : i32
    %add3A_2288 = vector.broadcast %add3A_2287 : i32 to vector<16xi32>
    %add3A_2289 = arith.addi %mul3A_2106, %add3A_2288 : vector<16xi32>
    %gather3A_2290 = tpu.vector_load_idx %arg8[%add3A_2098, %add3A_2289] : memref<128x128xf32, #tpu.memory_space<vmem>>[vector<16xi32>, vector<16xi32>], vector<16xf32>,
    %broadcast_in_dim3A_2291 = arith.constant 16 : i32
    %broadcast_in_dim3A_2292 = vector.broadcast %broadcast_in_dim3A_2291 : i32 to vector<16xi32>
    %gather3A_2293 = tpu.vector_load_idx %arg9[%add3A_2098, %broadcast_in_dim3A_2292] : memref<128x32xf32, #tpu.memory_space<vmem>>[vector<16xi32>, vector<16xi32>], vector<16xf32>,
    %mul3A_2294 = arith.mulf %gather3A_2290, %gather3A_2293 : vector<16xf32>
    %add3A_2295 = arith.addf %add3A_2284, %mul3A_2294 : vector<16xf32>
    %mul3A_2296 = arith.mulf %gather3A_2293, %gather3A_2293 : vector<16xf32>
    %add3A_2297 = arith.addf %add3A_2286, %mul3A_2296 : vector<16xf32>
    %add3A_2298 = arith.constant 17 : i32
    %add3A_2299 = vector.broadcast %add3A_2298 : i32 to vector<16xi32>
    %add3A_2300 = arith.addi %mul3A_2106, %add3A_2299 : vector<16xi32>
    %gather3A_2301 = tpu.vector_load_idx %arg8[%add3A_2098, %add3A_2300] : memref<128x128xf32, #tpu.memory_space<vmem>>[vector<16xi32>, vector<16xi32>], vector<16xf32>,
    %broadcast_in_dim3A_2302 = arith.constant 17 : i32
    %broadcast_in_dim3A_2303 = vector.broadcast %broadcast_in_dim3A_2302 : i32 to vector<16xi32>
    %gather3A_2304 = tpu.vector_load_idx %arg9[%add3A_2098, %broadcast_in_dim3A_2303] : memref<128x32xf32, #tpu.memory_space<vmem>>[vector<16xi32>, vector<16xi32>], vector<16xf32>,
    %mul3A_2305 = arith.mulf %gather3A_2301, %gather3A_2304 : vector<16xf32>
    %add3A_2306 = arith.addf %add3A_2295, %mul3A_2305 : vector<16xf32>
    %mul3A_2307 = arith.mulf %gather3A_2304, %gather3A_2304 : vector<16xf32>
    %add3A_2308 = arith.addf %add3A_2297, %mul3A_2307 : vector<16xf32>
    %add3A_2309 = arith.constant 18 : i32
    %add3A_2310 = vector.broadcast %add3A_2309 : i32 to vector<16xi32>
    %add3A_2311 = arith.addi %mul3A_2106, %add3A_2310 : vector<16xi32>
    %gather3A_2312 = tpu.vector_load_idx %arg8[%add3A_2098, %add3A_2311] : memref<128x128xf32, #tpu.memory_space<vmem>>[vector<16xi32>, vector<16xi32>], vector<16xf32>,
    %broadcast_in_dim3A_2313 = arith.constant 18 : i32
    %broadcast_in_dim3A_2314 = vector.broadcast %broadcast_in_dim3A_2313 : i32 to vector<16xi32>
    %gather3A_2315 = tpu.vector_load_idx %arg9[%add3A_2098, %broadcast_in_dim3A_2314] : memref<128x32xf32, #tpu.memory_space<vmem>>[vector<16xi32>, vector<16xi32>], vector<16xf32>,
    %mul3A_2316 = arith.mulf %gather3A_2312, %gather3A_2315 : vector<16xf32>
    %add3A_2317 = arith.addf %add3A_2306, %mul3A_2316 : vector<16xf32>
    %mul3A_2318 = arith.mulf %gather3A_2315, %gather3A_2315 : vector<16xf32>
    %add3A_2319 = arith.addf %add3A_2308, %mul3A_2318 : vector<16xf32>
    %add3A_2320 = arith.constant 19 : i32
    %add3A_2321 = vector.broadcast %add3A_2320 : i32 to vector<16xi32>
    %add3A_2322 = arith.addi %mul3A_2106, %add3A_2321 : vector<16xi32>
    %gather3A_2323 = tpu.vector_load_idx %arg8[%add3A_2098, %add3A_2322] : memref<128x128xf32, #tpu.memory_space<vmem>>[vector<16xi32>, vector<16xi32>], vector<16xf32>,
    %broadcast_in_dim3A_2324 = arith.constant 19 : i32
    %broadcast_in_dim3A_2325 = vector.broadcast %broadcast_in_dim3A_2324 : i32 to vector<16xi32>
    %gather3A_2326 = tpu.vector_load_idx %arg9[%add3A_2098, %broadcast_in_dim3A_2325] : memref<128x32xf32, #tpu.memory_space<vmem>>[vector<16xi32>, vector<16xi32>], vector<16xf32>,
    %mul3A_2327 = arith.mulf %gather3A_2323, %gather3A_2326 : vector<16xf32>
    %add3A_2328 = arith.addf %add3A_2317, %mul3A_2327 : vector<16xf32>
    %mul3A_2329 = arith.mulf %gather3A_2326, %gather3A_2326 : vector<16xf32>
    %add3A_2330 = arith.addf %add3A_2319, %mul3A_2329 : vector<16xf32>
    %add3A_2331 = arith.constant 20 : i32
    %add3A_2332 = vector.broadcast %add3A_2331 : i32 to vector<16xi32>
    %add3A_2333 = arith.addi %mul3A_2106, %add3A_2332 : vector<16xi32>
    %gather3A_2334 = tpu.vector_load_idx %arg8[%add3A_2098, %add3A_2333] : memref<128x128xf32, #tpu.memory_space<vmem>>[vector<16xi32>, vector<16xi32>], vector<16xf32>,
    %broadcast_in_dim3A_2335 = arith.constant 20 : i32
    %broadcast_in_dim3A_2336 = vector.broadcast %broadcast_in_dim3A_2335 : i32 to vector<16xi32>
    %gather3A_2337 = tpu.vector_load_idx %arg9[%add3A_2098, %broadcast_in_dim3A_2336] : memref<128x32xf32, #tpu.memory_space<vmem>>[vector<16xi32>, vector<16xi32>], vector<16xf32>,
    %mul3A_2338 = arith.mulf %gather3A_2334, %gather3A_2337 : vector<16xf32>
    %add3A_2339 = arith.addf %add3A_2328, %mul3A_2338 : vector<16xf32>
    %mul3A_2340 = arith.mulf %gather3A_2337, %gather3A_2337 : vector<16xf32>
    %add3A_2341 = arith.addf %add3A_2330, %mul3A_2340 : vector<16xf32>
    %add3A_2342 = arith.constant 21 : i32
    %add3A_2343 = vector.broadcast %add3A_2342 : i32 to vector<16xi32>
    %add3A_2344 = arith.addi %mul3A_2106, %add3A_2343 : vector<16xi32>
    %gather3A_2345 = tpu.vector_load_idx %arg8[%add3A_2098, %add3A_2344] : memref<128x128xf32, #tpu.memory_space<vmem>>[vector<16xi32>, vector<16xi32>], vector<16xf32>,
    %broadcast_in_dim3A_2346 = arith.constant 21 : i32
    %broadcast_in_dim3A_2347 = vector.broadcast %broadcast_in_dim3A_2346 : i32 to vector<16xi32>
    %gather3A_2348 = tpu.vector_load_idx %arg9[%add3A_2098, %broadcast_in_dim3A_2347] : memref<128x32xf32, #tpu.memory_space<vmem>>[vector<16xi32>, vector<16xi32>], vector<16xf32>,
    %mul3A_2349 = arith.mulf %gather3A_2345, %gather3A_2348 : vector<16xf32>
    %add3A_2350 = arith.addf %add3A_2339, %mul3A_2349 : vector<16xf32>
    %mul3A_2351 = arith.mulf %gather3A_2348, %gather3A_2348 : vector<16xf32>
    %add3A_2352 = arith.addf %add3A_2341, %mul3A_2351 : vector<16xf32>
    %add3A_2353 = arith.constant 22 : i32
    %add3A_2354 = vector.broadcast %add3A_2353 : i32 to vector<16xi32>
    %add3A_2355 = arith.addi %mul3A_2106, %add3A_2354 : vector<16xi32>
    %gather3A_2356 = tpu.vector_load_idx %arg8[%add3A_2098, %add3A_2355] : memref<128x128xf32, #tpu.memory_space<vmem>>[vector<16xi32>, vector<16xi32>], vector<16xf32>,
    %broadcast_in_dim3A_2357 = arith.constant 22 : i32
    %broadcast_in_dim3A_2358 = vector.broadcast %broadcast_in_dim3A_2357 : i32 to vector<16xi32>
    %gather3A_2359 = tpu.vector_load_idx %arg9[%add3A_2098, %broadcast_in_dim3A_2358] : memref<128x32xf32, #tpu.memory_space<vmem>>[vector<16xi32>, vector<16xi32>], vector<16xf32>,
    %mul3A_2360 = arith.mulf %gather3A_2356, %gather3A_2359 : vector<16xf32>
    %add3A_2361 = arith.addf %add3A_2350, %mul3A_2360 : vector<16xf32>
    %mul3A_2362 = arith.mulf %gather3A_2359, %gather3A_2359 : vector<16xf32>
    %add3A_2363 = arith.addf %add3A_2352, %mul3A_2362 : vector<16xf32>
    %add3A_2364 = arith.constant 23 : i32
    %add3A_2365 = vector.broadcast %add3A_2364 : i32 to vector<16xi32>
    %add3A_2366 = arith.addi %mul3A_2106, %add3A_2365 : vector<16xi32>
    %gather3A_2367 = tpu.vector_load_idx %arg8[%add3A_2098, %add3A_2366] : memref<128x128xf32, #tpu.memory_space<vmem>>[vector<16xi32>, vector<16xi32>], vector<16xf32>,
    %broadcast_in_dim3A_2368 = arith.constant 23 : i32
    %broadcast_in_dim3A_2369 = vector.broadcast %broadcast_in_dim3A_2368 : i32 to vector<16xi32>
    %gather3A_2370 = tpu.vector_load_idx %arg9[%add3A_2098, %broadcast_in_dim3A_2369] : memref<128x32xf32, #tpu.memory_space<vmem>>[vector<16xi32>, vector<16xi32>], vector<16xf32>,
    %mul3A_2371 = arith.mulf %gather3A_2367, %gather3A_2370 : vector<16xf32>
    %add3A_2372 = arith.addf %add3A_2361, %mul3A_2371 : vector<16xf32>
    %mul3A_2373 = arith.mulf %gather3A_2370, %gather3A_2370 : vector<16xf32>
    %add3A_2374 = arith.addf %add3A_2363, %mul3A_2373 : vector<16xf32>
    %add3A_2375 = arith.constant 24 : i32
    %add3A_2376 = vector.broadcast %add3A_2375 : i32 to vector<16xi32>
    %add3A_2377 = arith.addi %mul3A_2106, %add3A_2376 : vector<16xi32>
    %gather3A_2378 = tpu.vector_load_idx %arg8[%add3A_2098, %add3A_2377] : memref<128x128xf32, #tpu.memory_space<vmem>>[vector<16xi32>, vector<16xi32>], vector<16xf32>,
    %broadcast_in_dim3A_2379 = arith.constant 24 : i32
    %broadcast_in_dim3A_2380 = vector.broadcast %broadcast_in_dim3A_2379 : i32 to vector<16xi32>
    %gather3A_2381 = tpu.vector_load_idx %arg9[%add3A_2098, %broadcast_in_dim3A_2380] : memref<128x32xf32, #tpu.memory_space<vmem>>[vector<16xi32>, vector<16xi32>], vector<16xf32>,
    %mul3A_2382 = arith.mulf %gather3A_2378, %gather3A_2381 : vector<16xf32>
    %add3A_2383 = arith.addf %add3A_2372, %mul3A_2382 : vector<16xf32>
    %mul3A_2384 = arith.mulf %gather3A_2381, %gather3A_2381 : vector<16xf32>
    %add3A_2385 = arith.addf %add3A_2374, %mul3A_2384 : vector<16xf32>
    %add3A_2386 = arith.constant 25 : i32
    %add3A_2387 = vector.broadcast %add3A_2386 : i32 to vector<16xi32>
    %add3A_2388 = arith.addi %mul3A_2106, %add3A_2387 : vector<16xi32>
    %gather3A_2389 = tpu.vector_load_idx %arg8[%add3A_2098, %add3A_2388] : memref<128x128xf32, #tpu.memory_space<vmem>>[vector<16xi32>, vector<16xi32>], vector<16xf32>,
    %broadcast_in_dim3A_2390 = arith.constant 25 : i32
    %broadcast_in_dim3A_2391 = vector.broadcast %broadcast_in_dim3A_2390 : i32 to vector<16xi32>
    %gather3A_2392 = tpu.vector_load_idx %arg9[%add3A_2098, %broadcast_in_dim3A_2391] : memref<128x32xf32, #tpu.memory_space<vmem>>[vector<16xi32>, vector<16xi32>], vector<16xf32>,
    %mul3A_2393 = arith.mulf %gather3A_2389, %gather3A_2392 : vector<16xf32>
    %add3A_2394 = arith.addf %add3A_2383, %mul3A_2393 : vector<16xf32>
    %mul3A_2395 = arith.mulf %gather3A_2392, %gather3A_2392 : vector<16xf32>
    %add3A_2396 = arith.addf %add3A_2385, %mul3A_2395 : vector<16xf32>
    %add3A_2397 = arith.constant 26 : i32
    %add3A_2398 = vector.broadcast %add3A_2397 : i32 to vector<16xi32>
    %add3A_2399 = arith.addi %mul3A_2106, %add3A_2398 : vector<16xi32>
    %gather3A_2400 = tpu.vector_load_idx %arg8[%add3A_2098, %add3A_2399] : memref<128x128xf32, #tpu.memory_space<vmem>>[vector<16xi32>, vector<16xi32>], vector<16xf32>,
    %broadcast_in_dim3A_2401 = arith.constant 26 : i32
    %broadcast_in_dim3A_2402 = vector.broadcast %broadcast_in_dim3A_2401 : i32 to vector<16xi32>
    %gather3A_2403 = tpu.vector_load_idx %arg9[%add3A_2098, %broadcast_in_dim3A_2402] : memref<128x32xf32, #tpu.memory_space<vmem>>[vector<16xi32>, vector<16xi32>], vector<16xf32>,
    %mul3A_2404 = arith.mulf %gather3A_2400, %gather3A_2403 : vector<16xf32>
    %add3A_2405 = arith.addf %add3A_2394, %mul3A_2404 : vector<16xf32>
    %mul3A_2406 = arith.mulf %gather3A_2403, %gather3A_2403 : vector<16xf32>
    %add3A_2407 = arith.addf %add3A_2396, %mul3A_2406 : vector<16xf32>
    %add3A_2408 = arith.constant 27 : i32
    %add3A_2409 = vector.broadcast %add3A_2408 : i32 to vector<16xi32>
    %add3A_2410 = arith.addi %mul3A_2106, %add3A_2409 : vector<16xi32>
    %gather3A_2411 = tpu.vector_load_idx %arg8[%add3A_2098, %add3A_2410] : memref<128x128xf32, #tpu.memory_space<vmem>>[vector<16xi32>, vector<16xi32>], vector<16xf32>,
    %broadcast_in_dim3A_2412 = arith.constant 27 : i32
    %broadcast_in_dim3A_2413 = vector.broadcast %broadcast_in_dim3A_2412 : i32 to vector<16xi32>
    %gather3A_2414 = tpu.vector_load_idx %arg9[%add3A_2098, %broadcast_in_dim3A_2413] : memref<128x32xf32, #tpu.memory_space<vmem>>[vector<16xi32>, vector<16xi32>], vector<16xf32>,
    %mul3A_2415 = arith.mulf %gather3A_2411, %gather3A_2414 : vector<16xf32>
    %add3A_2416 = arith.addf %add3A_2405, %mul3A_2415 : vector<16xf32>
    %mul3A_2417 = arith.mulf %gather3A_2414, %gather3A_2414 : vector<16xf32>
    %add3A_2418 = arith.addf %add3A_2407, %mul3A_2417 : vector<16xf32>
    %add3A_2419 = arith.constant 28 : i32
    %add3A_2420 = vector.broadcast %add3A_2419 : i32 to vector<16xi32>
    %add3A_2421 = arith.addi %mul3A_2106, %add3A_2420 : vector<16xi32>
    %gather3A_2422 = tpu.vector_load_idx %arg8[%add3A_2098, %add3A_2421] : memref<128x128xf32, #tpu.memory_space<vmem>>[vector<16xi32>, vector<16xi32>], vector<16xf32>,
    %broadcast_in_dim3A_2423 = arith.constant 28 : i32
    %broadcast_in_dim3A_2424 = vector.broadcast %broadcast_in_dim3A_2423 : i32 to vector<16xi32>
    %gather3A_2425 = tpu.vector_load_idx %arg9[%add3A_2098, %broadcast_in_dim3A_2424] : memref<128x32xf32, #tpu.memory_space<vmem>>[vector<16xi32>, vector<16xi32>], vector<16xf32>,
    %mul3A_2426 = arith.mulf %gather3A_2422, %gather3A_2425 : vector<16xf32>
    %add3A_2427 = arith.addf %add3A_2416, %mul3A_2426 : vector<16xf32>
    %mul3A_2428 = arith.mulf %gather3A_2425, %gather3A_2425 : vector<16xf32>
    %add3A_2429 = arith.addf %add3A_2418, %mul3A_2428 : vector<16xf32>
    %add3A_2430 = arith.constant 29 : i32
    %add3A_2431 = vector.broadcast %add3A_2430 : i32 to vector<16xi32>
    %add3A_2432 = arith.addi %mul3A_2106, %add3A_2431 : vector<16xi32>
    %gather3A_2433 = tpu.vector_load_idx %arg8[%add3A_2098, %add3A_2432] : memref<128x128xf32, #tpu.memory_space<vmem>>[vector<16xi32>, vector<16xi32>], vector<16xf32>,
    %broadcast_in_dim3A_2434 = arith.constant 29 : i32
    %broadcast_in_dim3A_2435 = vector.broadcast %broadcast_in_dim3A_2434 : i32 to vector<16xi32>
    %gather3A_2436 = tpu.vector_load_idx %arg9[%add3A_2098, %broadcast_in_dim3A_2435] : memref<128x32xf32, #tpu.memory_space<vmem>>[vector<16xi32>, vector<16xi32>], vector<16xf32>,
    %mul3A_2437 = arith.mulf %gather3A_2433, %gather3A_2436 : vector<16xf32>
    %add3A_2438 = arith.addf %add3A_2427, %mul3A_2437 : vector<16xf32>
    %mul3A_2439 = arith.mulf %gather3A_2436, %gather3A_2436 : vector<16xf32>
    %add3A_2440 = arith.addf %add3A_2429, %mul3A_2439 : vector<16xf32>
    %add3A_2441 = arith.constant 30 : i32
    %add3A_2442 = vector.broadcast %add3A_2441 : i32 to vector<16xi32>
    %add3A_2443 = arith.addi %mul3A_2106, %add3A_2442 : vector<16xi32>
    %gather3A_2444 = tpu.vector_load_idx %arg8[%add3A_2098, %add3A_2443] : memref<128x128xf32, #tpu.memory_space<vmem>>[vector<16xi32>, vector<16xi32>], vector<16xf32>,
    %broadcast_in_dim3A_2445 = arith.constant 30 : i32
    %broadcast_in_dim3A_2446 = vector.broadcast %broadcast_in_dim3A_2445 : i32 to vector<16xi32>
    %gather3A_2447 = tpu.vector_load_idx %arg9[%add3A_2098, %broadcast_in_dim3A_2446] : memref<128x32xf32, #tpu.memory_space<vmem>>[vector<16xi32>, vector<16xi32>], vector<16xf32>,
    %mul3A_2448 = arith.mulf %gather3A_2444, %gather3A_2447 : vector<16xf32>
    %add3A_2449 = arith.addf %add3A_2438, %mul3A_2448 : vector<16xf32>
    %mul3A_2450 = arith.mulf %gather3A_2447, %gather3A_2447 : vector<16xf32>
    %add3A_2451 = arith.addf %add3A_2440, %mul3A_2450 : vector<16xf32>
    %add3A_2452 = arith.constant 31 : i32
    %add3A_2453 = vector.broadcast %add3A_2452 : i32 to vector<16xi32>
    %add3A_2454 = arith.addi %mul3A_2106, %add3A_2453 : vector<16xi32>
    %gather3A_2455 = tpu.vector_load_idx %arg8[%add3A_2098, %add3A_2454] : memref<128x128xf32, #tpu.memory_space<vmem>>[vector<16xi32>, vector<16xi32>], vector<16xf32>,
    %broadcast_in_dim3A_2456 = arith.constant 31 : i32
    %broadcast_in_dim3A_2457 = vector.broadcast %broadcast_in_dim3A_2456 : i32 to vector<16xi32>
    %gather3A_2458 = tpu.vector_load_idx %arg9[%add3A_2098, %broadcast_in_dim3A_2457] : memref<128x32xf32, #tpu.memory_space<vmem>>[vector<16xi32>, vector<16xi32>], vector<16xf32>,
    %mul3A_2459 = arith.mulf %gather3A_2455, %gather3A_2458 : vector<16xf32>
    %add3A_2460 = arith.addf %add3A_2449, %mul3A_2459 : vector<16xf32>
    %mul3A_2461 = arith.mulf %gather3A_2458, %gather3A_2458 : vector<16xf32>
    %add3A_2462 = arith.addf %add3A_2451, %mul3A_2461 : vector<16xf32>
    %bitcast3A_2463 = vector.bitcast %add3A_2462 : vector<16xf32> to vector<16xi32>
    %shift_right_arithmetic3A_2464 = arith.constant 1 : i32
    %shift_right_arithmetic3A_2465 = vector.broadcast %shift_right_arithmetic3A_2464 : i32 to vector<16xi32>
    %shift_right_arithmetic3A_2466 = arith.shrsi %bitcast3A_2463, %shift_right_arithmetic3A_2465 : vector<16xi32>
    %sub3A_2467 = arith.constant 1597463007 : i32
    %sub3A_2468 = vector.broadcast %sub3A_2467 : i32 to vector<16xi32>
    %sub3A_2469 = arith.subi %sub3A_2468, %shift_right_arithmetic3A_2466 : vector<16xi32>
    %bitcast3A_2470 = vector.bitcast %sub3A_2469 : vector<16xi32> to vector<16xf32>
    %mul3A_2471 = arith.constant 5.000000e-01 : f32
    %mul3A_2472 = vector.broadcast %mul3A_2471 : f32 to vector<16xf32>
    %mul3A_2473 = arith.mulf %mul3A_2472, %add3A_2462 : vector<16xf32>
    %mul3A_2474 = arith.mulf %mul3A_2473, %bitcast3A_2470 : vector<16xf32>
    %mul3A_2475 = arith.mulf %mul3A_2474, %bitcast3A_2470 : vector<16xf32>
    %sub3A_2476 = arith.constant 1.500000e+00 : f32
    %sub3A_2477 = vector.broadcast %sub3A_2476 : f32 to vector<16xf32>
    %sub3A_2478 = arith.subf %sub3A_2477, %mul3A_2475 : vector<16xf32>
    %mul3A_2479 = arith.mulf %bitcast3A_2470, %sub3A_2478 : vector<16xf32>
    %mul3A_2480 = arith.constant 5.000000e-01 : f32
    %mul3A_2481 = vector.broadcast %mul3A_2480 : f32 to vector<16xf32>
    %mul3A_2482 = arith.mulf %mul3A_2481, %add3A_2462 : vector<16xf32>
    %mul3A_2483 = arith.mulf %mul3A_2482, %mul3A_2479 : vector<16xf32>
    %mul3A_2484 = arith.mulf %mul3A_2483, %mul3A_2479 : vector<16xf32>
    %sub3A_2485 = arith.constant 1.500000e+00 : f32
    %sub3A_2486 = vector.broadcast %sub3A_2485 : f32 to vector<16xf32>
    %sub3A_2487 = arith.subf %sub3A_2486, %mul3A_2484 : vector<16xf32>
    %mul3A_2488 = arith.mulf %mul3A_2479, %sub3A_2487 : vector<16xf32>
    %mul3A_2489 = arith.constant 5.000000e-01 : f32
    %mul3A_2490 = vector.broadcast %mul3A_2489 : f32 to vector<16xf32>
    %mul3A_2491 = arith.mulf %mul3A_2490, %add3A_2462 : vector<16xf32>
    %mul3A_2492 = arith.mulf %mul3A_2491, %mul3A_2488 : vector<16xf32>
    %mul3A_2493 = arith.mulf %mul3A_2492, %mul3A_2488 : vector<16xf32>
    %sub3A_2494 = arith.constant 1.500000e+00 : f32
    %sub3A_2495 = vector.broadcast %sub3A_2494 : f32 to vector<16xf32>
    %sub3A_2496 = arith.subf %sub3A_2495, %mul3A_2493 : vector<16xf32>
    %mul3A_2497 = arith.mulf %mul3A_2488, %sub3A_2496 : vector<16xf32>
    %mul3A_2498 = arith.mulf %add3A_2462, %mul3A_2497 : vector<16xf32>
    %add3A_2499 = arith.constant 9.99999996E-13 : f32
    %add3A_2500 = vector.broadcast %add3A_2499 : f32 to vector<16xf32>
    %add3A_2501 = arith.addf %mul3A_2498, %add3A_2500 : vector<16xf32>
    %div3A_2502 = arith.divf %add3A_2460, %add3A_2501 : vector<16xf32>
    %add3A_2503 = arith.addf %add3A_2095, %div3A_2502 : vector<16xf32>
    %add3A_2504 = arith.constant 96 : i32
    %add3A_2505 = vector.broadcast %add3A_2504 : i32 to vector<16xi32>
    %add3A_2506 = arith.addi %iota3A, %add3A_2505 : vector<16xi32>
    %get3A_2507 = arith.constant 96 : index
    %get3A_2508 = tpu.vector_load %arg6[%get3A_2507] {strides = array<i32>} : memref<128xi32, #tpu.memory_space<vmem>>, vector<16xi32>,
    %and3A_2509 = arith.constant 3 : i32
    %and3A_2510 = vector.broadcast %and3A_2509 : i32 to vector<16xi32>
    %and3A_2511 = arith.andi %get3A_2508, %and3A_2510 : vector<16xi32>
    %mul3A_2512 = arith.constant 32 : i32
    %mul3A_2513 = vector.broadcast %mul3A_2512 : i32 to vector<16xi32>
    %mul3A_2514 = arith.muli %and3A_2511, %mul3A_2513 : vector<16xi32>
    %broadcast_in_dim3A_2515 = arith.constant 0.000000e+00 : f32
    %broadcast_in_dim3A_2516 = vector.broadcast %broadcast_in_dim3A_2515 : f32 to vector<16xf32>
    %broadcast_in_dim3A_2517 = arith.constant 0.000000e+00 : f32
    %broadcast_in_dim3A_2518 = vector.broadcast %broadcast_in_dim3A_2517 : f32 to vector<16xf32>
    %add3A_2519 = arith.constant 0 : i32
    %add3A_2520 = vector.broadcast %add3A_2519 : i32 to vector<16xi32>
    %add3A_2521 = arith.addi %mul3A_2514, %add3A_2520 : vector<16xi32>
    %gather3A_2522 = tpu.vector_load_idx %arg8[%add3A_2506, %add3A_2521] : memref<128x128xf32, #tpu.memory_space<vmem>>[vector<16xi32>, vector<16xi32>], vector<16xf32>,
    %broadcast_in_dim3A_2523 = arith.constant 0 : i32
    %broadcast_in_dim3A_2524 = vector.broadcast %broadcast_in_dim3A_2523 : i32 to vector<16xi32>
    %gather3A_2525 = tpu.vector_load_idx %arg9[%add3A_2506, %broadcast_in_dim3A_2524] : memref<128x32xf32, #tpu.memory_space<vmem>>[vector<16xi32>, vector<16xi32>], vector<16xf32>,
    %mul3A_2526 = arith.mulf %gather3A_2522, %gather3A_2525 : vector<16xf32>
    %add3A_2527 = arith.addf %broadcast_in_dim3A_2516, %mul3A_2526 : vector<16xf32>
    %mul3A_2528 = arith.mulf %gather3A_2525, %gather3A_2525 : vector<16xf32>
    %add3A_2529 = arith.addf %broadcast_in_dim3A_2518, %mul3A_2528 : vector<16xf32>
    %add3A_2530 = arith.constant 1 : i32
    %add3A_2531 = vector.broadcast %add3A_2530 : i32 to vector<16xi32>
    %add3A_2532 = arith.addi %mul3A_2514, %add3A_2531 : vector<16xi32>
    %gather3A_2533 = tpu.vector_load_idx %arg8[%add3A_2506, %add3A_2532] : memref<128x128xf32, #tpu.memory_space<vmem>>[vector<16xi32>, vector<16xi32>], vector<16xf32>,
    %broadcast_in_dim3A_2534 = arith.constant 1 : i32
    %broadcast_in_dim3A_2535 = vector.broadcast %broadcast_in_dim3A_2534 : i32 to vector<16xi32>
    %gather3A_2536 = tpu.vector_load_idx %arg9[%add3A_2506, %broadcast_in_dim3A_2535] : memref<128x32xf32, #tpu.memory_space<vmem>>[vector<16xi32>, vector<16xi32>], vector<16xf32>,
    %mul3A_2537 = arith.mulf %gather3A_2533, %gather3A_2536 : vector<16xf32>
    %add3A_2538 = arith.addf %add3A_2527, %mul3A_2537 : vector<16xf32>
    %mul3A_2539 = arith.mulf %gather3A_2536, %gather3A_2536 : vector<16xf32>
    %add3A_2540 = arith.addf %add3A_2529, %mul3A_2539 : vector<16xf32>
    %add3A_2541 = arith.constant 2 : i32
    %add3A_2542 = vector.broadcast %add3A_2541 : i32 to vector<16xi32>
    %add3A_2543 = arith.addi %mul3A_2514, %add3A_2542 : vector<16xi32>
    %gather3A_2544 = tpu.vector_load_idx %arg8[%add3A_2506, %add3A_2543] : memref<128x128xf32, #tpu.memory_space<vmem>>[vector<16xi32>, vector<16xi32>], vector<16xf32>,
    %broadcast_in_dim3A_2545 = arith.constant 2 : i32
    %broadcast_in_dim3A_2546 = vector.broadcast %broadcast_in_dim3A_2545 : i32 to vector<16xi32>
    %gather3A_2547 = tpu.vector_load_idx %arg9[%add3A_2506, %broadcast_in_dim3A_2546] : memref<128x32xf32, #tpu.memory_space<vmem>>[vector<16xi32>, vector<16xi32>], vector<16xf32>,
    %mul3A_2548 = arith.mulf %gather3A_2544, %gather3A_2547 : vector<16xf32>
    %add3A_2549 = arith.addf %add3A_2538, %mul3A_2548 : vector<16xf32>
    %mul3A_2550 = arith.mulf %gather3A_2547, %gather3A_2547 : vector<16xf32>
    %add3A_2551 = arith.addf %add3A_2540, %mul3A_2550 : vector<16xf32>
    %add3A_2552 = arith.constant 3 : i32
    %add3A_2553 = vector.broadcast %add3A_2552 : i32 to vector<16xi32>
    %add3A_2554 = arith.addi %mul3A_2514, %add3A_2553 : vector<16xi32>
    %gather3A_2555 = tpu.vector_load_idx %arg8[%add3A_2506, %add3A_2554] : memref<128x128xf32, #tpu.memory_space<vmem>>[vector<16xi32>, vector<16xi32>], vector<16xf32>,
    %broadcast_in_dim3A_2556 = arith.constant 3 : i32
    %broadcast_in_dim3A_2557 = vector.broadcast %broadcast_in_dim3A_2556 : i32 to vector<16xi32>
    %gather3A_2558 = tpu.vector_load_idx %arg9[%add3A_2506, %broadcast_in_dim3A_2557] : memref<128x32xf32, #tpu.memory_space<vmem>>[vector<16xi32>, vector<16xi32>], vector<16xf32>,
    %mul3A_2559 = arith.mulf %gather3A_2555, %gather3A_2558 : vector<16xf32>
    %add3A_2560 = arith.addf %add3A_2549, %mul3A_2559 : vector<16xf32>
    %mul3A_2561 = arith.mulf %gather3A_2558, %gather3A_2558 : vector<16xf32>
    %add3A_2562 = arith.addf %add3A_2551, %mul3A_2561 : vector<16xf32>
    %add3A_2563 = arith.constant 4 : i32
    %add3A_2564 = vector.broadcast %add3A_2563 : i32 to vector<16xi32>
    %add3A_2565 = arith.addi %mul3A_2514, %add3A_2564 : vector<16xi32>
    %gather3A_2566 = tpu.vector_load_idx %arg8[%add3A_2506, %add3A_2565] : memref<128x128xf32, #tpu.memory_space<vmem>>[vector<16xi32>, vector<16xi32>], vector<16xf32>,
    %broadcast_in_dim3A_2567 = arith.constant 4 : i32
    %broadcast_in_dim3A_2568 = vector.broadcast %broadcast_in_dim3A_2567 : i32 to vector<16xi32>
    %gather3A_2569 = tpu.vector_load_idx %arg9[%add3A_2506, %broadcast_in_dim3A_2568] : memref<128x32xf32, #tpu.memory_space<vmem>>[vector<16xi32>, vector<16xi32>], vector<16xf32>,
    %mul3A_2570 = arith.mulf %gather3A_2566, %gather3A_2569 : vector<16xf32>
    %add3A_2571 = arith.addf %add3A_2560, %mul3A_2570 : vector<16xf32>
    %mul3A_2572 = arith.mulf %gather3A_2569, %gather3A_2569 : vector<16xf32>
    %add3A_2573 = arith.addf %add3A_2562, %mul3A_2572 : vector<16xf32>
    %add3A_2574 = arith.constant 5 : i32
    %add3A_2575 = vector.broadcast %add3A_2574 : i32 to vector<16xi32>
    %add3A_2576 = arith.addi %mul3A_2514, %add3A_2575 : vector<16xi32>
    %gather3A_2577 = tpu.vector_load_idx %arg8[%add3A_2506, %add3A_2576] : memref<128x128xf32, #tpu.memory_space<vmem>>[vector<16xi32>, vector<16xi32>], vector<16xf32>,
    %broadcast_in_dim3A_2578 = arith.constant 5 : i32
    %broadcast_in_dim3A_2579 = vector.broadcast %broadcast_in_dim3A_2578 : i32 to vector<16xi32>
    %gather3A_2580 = tpu.vector_load_idx %arg9[%add3A_2506, %broadcast_in_dim3A_2579] : memref<128x32xf32, #tpu.memory_space<vmem>>[vector<16xi32>, vector<16xi32>], vector<16xf32>,
    %mul3A_2581 = arith.mulf %gather3A_2577, %gather3A_2580 : vector<16xf32>
    %add3A_2582 = arith.addf %add3A_2571, %mul3A_2581 : vector<16xf32>
    %mul3A_2583 = arith.mulf %gather3A_2580, %gather3A_2580 : vector<16xf32>
    %add3A_2584 = arith.addf %add3A_2573, %mul3A_2583 : vector<16xf32>
    %add3A_2585 = arith.constant 6 : i32
    %add3A_2586 = vector.broadcast %add3A_2585 : i32 to vector<16xi32>
    %add3A_2587 = arith.addi %mul3A_2514, %add3A_2586 : vector<16xi32>
    %gather3A_2588 = tpu.vector_load_idx %arg8[%add3A_2506, %add3A_2587] : memref<128x128xf32, #tpu.memory_space<vmem>>[vector<16xi32>, vector<16xi32>], vector<16xf32>,
    %broadcast_in_dim3A_2589 = arith.constant 6 : i32
    %broadcast_in_dim3A_2590 = vector.broadcast %broadcast_in_dim3A_2589 : i32 to vector<16xi32>
    %gather3A_2591 = tpu.vector_load_idx %arg9[%add3A_2506, %broadcast_in_dim3A_2590] : memref<128x32xf32, #tpu.memory_space<vmem>>[vector<16xi32>, vector<16xi32>], vector<16xf32>,
    %mul3A_2592 = arith.mulf %gather3A_2588, %gather3A_2591 : vector<16xf32>
    %add3A_2593 = arith.addf %add3A_2582, %mul3A_2592 : vector<16xf32>
    %mul3A_2594 = arith.mulf %gather3A_2591, %gather3A_2591 : vector<16xf32>
    %add3A_2595 = arith.addf %add3A_2584, %mul3A_2594 : vector<16xf32>
    %add3A_2596 = arith.constant 7 : i32
    %add3A_2597 = vector.broadcast %add3A_2596 : i32 to vector<16xi32>
    %add3A_2598 = arith.addi %mul3A_2514, %add3A_2597 : vector<16xi32>
    %gather3A_2599 = tpu.vector_load_idx %arg8[%add3A_2506, %add3A_2598] : memref<128x128xf32, #tpu.memory_space<vmem>>[vector<16xi32>, vector<16xi32>], vector<16xf32>,
    %broadcast_in_dim3A_2600 = arith.constant 7 : i32
    %broadcast_in_dim3A_2601 = vector.broadcast %broadcast_in_dim3A_2600 : i32 to vector<16xi32>
    %gather3A_2602 = tpu.vector_load_idx %arg9[%add3A_2506, %broadcast_in_dim3A_2601] : memref<128x32xf32, #tpu.memory_space<vmem>>[vector<16xi32>, vector<16xi32>], vector<16xf32>,
    %mul3A_2603 = arith.mulf %gather3A_2599, %gather3A_2602 : vector<16xf32>
    %add3A_2604 = arith.addf %add3A_2593, %mul3A_2603 : vector<16xf32>
    %mul3A_2605 = arith.mulf %gather3A_2602, %gather3A_2602 : vector<16xf32>
    %add3A_2606 = arith.addf %add3A_2595, %mul3A_2605 : vector<16xf32>
    %add3A_2607 = arith.constant 8 : i32
    %add3A_2608 = vector.broadcast %add3A_2607 : i32 to vector<16xi32>
    %add3A_2609 = arith.addi %mul3A_2514, %add3A_2608 : vector<16xi32>
    %gather3A_2610 = tpu.vector_load_idx %arg8[%add3A_2506, %add3A_2609] : memref<128x128xf32, #tpu.memory_space<vmem>>[vector<16xi32>, vector<16xi32>], vector<16xf32>,
    %broadcast_in_dim3A_2611 = arith.constant 8 : i32
    %broadcast_in_dim3A_2612 = vector.broadcast %broadcast_in_dim3A_2611 : i32 to vector<16xi32>
    %gather3A_2613 = tpu.vector_load_idx %arg9[%add3A_2506, %broadcast_in_dim3A_2612] : memref<128x32xf32, #tpu.memory_space<vmem>>[vector<16xi32>, vector<16xi32>], vector<16xf32>,
    %mul3A_2614 = arith.mulf %gather3A_2610, %gather3A_2613 : vector<16xf32>
    %add3A_2615 = arith.addf %add3A_2604, %mul3A_2614 : vector<16xf32>
    %mul3A_2616 = arith.mulf %gather3A_2613, %gather3A_2613 : vector<16xf32>
    %add3A_2617 = arith.addf %add3A_2606, %mul3A_2616 : vector<16xf32>
    %add3A_2618 = arith.constant 9 : i32
    %add3A_2619 = vector.broadcast %add3A_2618 : i32 to vector<16xi32>
    %add3A_2620 = arith.addi %mul3A_2514, %add3A_2619 : vector<16xi32>
    %gather3A_2621 = tpu.vector_load_idx %arg8[%add3A_2506, %add3A_2620] : memref<128x128xf32, #tpu.memory_space<vmem>>[vector<16xi32>, vector<16xi32>], vector<16xf32>,
    %broadcast_in_dim3A_2622 = arith.constant 9 : i32
    %broadcast_in_dim3A_2623 = vector.broadcast %broadcast_in_dim3A_2622 : i32 to vector<16xi32>
    %gather3A_2624 = tpu.vector_load_idx %arg9[%add3A_2506, %broadcast_in_dim3A_2623] : memref<128x32xf32, #tpu.memory_space<vmem>>[vector<16xi32>, vector<16xi32>], vector<16xf32>,
    %mul3A_2625 = arith.mulf %gather3A_2621, %gather3A_2624 : vector<16xf32>
    %add3A_2626 = arith.addf %add3A_2615, %mul3A_2625 : vector<16xf32>
    %mul3A_2627 = arith.mulf %gather3A_2624, %gather3A_2624 : vector<16xf32>
    %add3A_2628 = arith.addf %add3A_2617, %mul3A_2627 : vector<16xf32>
    %add3A_2629 = arith.constant 10 : i32
    %add3A_2630 = vector.broadcast %add3A_2629 : i32 to vector<16xi32>
    %add3A_2631 = arith.addi %mul3A_2514, %add3A_2630 : vector<16xi32>
    %gather3A_2632 = tpu.vector_load_idx %arg8[%add3A_2506, %add3A_2631] : memref<128x128xf32, #tpu.memory_space<vmem>>[vector<16xi32>, vector<16xi32>], vector<16xf32>,
    %broadcast_in_dim3A_2633 = arith.constant 10 : i32
    %broadcast_in_dim3A_2634 = vector.broadcast %broadcast_in_dim3A_2633 : i32 to vector<16xi32>
    %gather3A_2635 = tpu.vector_load_idx %arg9[%add3A_2506, %broadcast_in_dim3A_2634] : memref<128x32xf32, #tpu.memory_space<vmem>>[vector<16xi32>, vector<16xi32>], vector<16xf32>,
    %mul3A_2636 = arith.mulf %gather3A_2632, %gather3A_2635 : vector<16xf32>
    %add3A_2637 = arith.addf %add3A_2626, %mul3A_2636 : vector<16xf32>
    %mul3A_2638 = arith.mulf %gather3A_2635, %gather3A_2635 : vector<16xf32>
    %add3A_2639 = arith.addf %add3A_2628, %mul3A_2638 : vector<16xf32>
    %add3A_2640 = arith.constant 11 : i32
    %add3A_2641 = vector.broadcast %add3A_2640 : i32 to vector<16xi32>
    %add3A_2642 = arith.addi %mul3A_2514, %add3A_2641 : vector<16xi32>
    %gather3A_2643 = tpu.vector_load_idx %arg8[%add3A_2506, %add3A_2642] : memref<128x128xf32, #tpu.memory_space<vmem>>[vector<16xi32>, vector<16xi32>], vector<16xf32>,
    %broadcast_in_dim3A_2644 = arith.constant 11 : i32
    %broadcast_in_dim3A_2645 = vector.broadcast %broadcast_in_dim3A_2644 : i32 to vector<16xi32>
    %gather3A_2646 = tpu.vector_load_idx %arg9[%add3A_2506, %broadcast_in_dim3A_2645] : memref<128x32xf32, #tpu.memory_space<vmem>>[vector<16xi32>, vector<16xi32>], vector<16xf32>,
    %mul3A_2647 = arith.mulf %gather3A_2643, %gather3A_2646 : vector<16xf32>
    %add3A_2648 = arith.addf %add3A_2637, %mul3A_2647 : vector<16xf32>
    %mul3A_2649 = arith.mulf %gather3A_2646, %gather3A_2646 : vector<16xf32>
    %add3A_2650 = arith.addf %add3A_2639, %mul3A_2649 : vector<16xf32>
    %add3A_2651 = arith.constant 12 : i32
    %add3A_2652 = vector.broadcast %add3A_2651 : i32 to vector<16xi32>
    %add3A_2653 = arith.addi %mul3A_2514, %add3A_2652 : vector<16xi32>
    %gather3A_2654 = tpu.vector_load_idx %arg8[%add3A_2506, %add3A_2653] : memref<128x128xf32, #tpu.memory_space<vmem>>[vector<16xi32>, vector<16xi32>], vector<16xf32>,
    %broadcast_in_dim3A_2655 = arith.constant 12 : i32
    %broadcast_in_dim3A_2656 = vector.broadcast %broadcast_in_dim3A_2655 : i32 to vector<16xi32>
    %gather3A_2657 = tpu.vector_load_idx %arg9[%add3A_2506, %broadcast_in_dim3A_2656] : memref<128x32xf32, #tpu.memory_space<vmem>>[vector<16xi32>, vector<16xi32>], vector<16xf32>,
    %mul3A_2658 = arith.mulf %gather3A_2654, %gather3A_2657 : vector<16xf32>
    %add3A_2659 = arith.addf %add3A_2648, %mul3A_2658 : vector<16xf32>
    %mul3A_2660 = arith.mulf %gather3A_2657, %gather3A_2657 : vector<16xf32>
    %add3A_2661 = arith.addf %add3A_2650, %mul3A_2660 : vector<16xf32>
    %add3A_2662 = arith.constant 13 : i32
    %add3A_2663 = vector.broadcast %add3A_2662 : i32 to vector<16xi32>
    %add3A_2664 = arith.addi %mul3A_2514, %add3A_2663 : vector<16xi32>
    %gather3A_2665 = tpu.vector_load_idx %arg8[%add3A_2506, %add3A_2664] : memref<128x128xf32, #tpu.memory_space<vmem>>[vector<16xi32>, vector<16xi32>], vector<16xf32>,
    %broadcast_in_dim3A_2666 = arith.constant 13 : i32
    %broadcast_in_dim3A_2667 = vector.broadcast %broadcast_in_dim3A_2666 : i32 to vector<16xi32>
    %gather3A_2668 = tpu.vector_load_idx %arg9[%add3A_2506, %broadcast_in_dim3A_2667] : memref<128x32xf32, #tpu.memory_space<vmem>>[vector<16xi32>, vector<16xi32>], vector<16xf32>,
    %mul3A_2669 = arith.mulf %gather3A_2665, %gather3A_2668 : vector<16xf32>
    %add3A_2670 = arith.addf %add3A_2659, %mul3A_2669 : vector<16xf32>
    %mul3A_2671 = arith.mulf %gather3A_2668, %gather3A_2668 : vector<16xf32>
    %add3A_2672 = arith.addf %add3A_2661, %mul3A_2671 : vector<16xf32>
    %add3A_2673 = arith.constant 14 : i32
    %add3A_2674 = vector.broadcast %add3A_2673 : i32 to vector<16xi32>
    %add3A_2675 = arith.addi %mul3A_2514, %add3A_2674 : vector<16xi32>
    %gather3A_2676 = tpu.vector_load_idx %arg8[%add3A_2506, %add3A_2675] : memref<128x128xf32, #tpu.memory_space<vmem>>[vector<16xi32>, vector<16xi32>], vector<16xf32>,
    %broadcast_in_dim3A_2677 = arith.constant 14 : i32
    %broadcast_in_dim3A_2678 = vector.broadcast %broadcast_in_dim3A_2677 : i32 to vector<16xi32>
    %gather3A_2679 = tpu.vector_load_idx %arg9[%add3A_2506, %broadcast_in_dim3A_2678] : memref<128x32xf32, #tpu.memory_space<vmem>>[vector<16xi32>, vector<16xi32>], vector<16xf32>,
    %mul3A_2680 = arith.mulf %gather3A_2676, %gather3A_2679 : vector<16xf32>
    %add3A_2681 = arith.addf %add3A_2670, %mul3A_2680 : vector<16xf32>
    %mul3A_2682 = arith.mulf %gather3A_2679, %gather3A_2679 : vector<16xf32>
    %add3A_2683 = arith.addf %add3A_2672, %mul3A_2682 : vector<16xf32>
    %add3A_2684 = arith.constant 15 : i32
    %add3A_2685 = vector.broadcast %add3A_2684 : i32 to vector<16xi32>
    %add3A_2686 = arith.addi %mul3A_2514, %add3A_2685 : vector<16xi32>
    %gather3A_2687 = tpu.vector_load_idx %arg8[%add3A_2506, %add3A_2686] : memref<128x128xf32, #tpu.memory_space<vmem>>[vector<16xi32>, vector<16xi32>], vector<16xf32>,
    %broadcast_in_dim3A_2688 = arith.constant 15 : i32
    %broadcast_in_dim3A_2689 = vector.broadcast %broadcast_in_dim3A_2688 : i32 to vector<16xi32>
    %gather3A_2690 = tpu.vector_load_idx %arg9[%add3A_2506, %broadcast_in_dim3A_2689] : memref<128x32xf32, #tpu.memory_space<vmem>>[vector<16xi32>, vector<16xi32>], vector<16xf32>,
    %mul3A_2691 = arith.mulf %gather3A_2687, %gather3A_2690 : vector<16xf32>
    %add3A_2692 = arith.addf %add3A_2681, %mul3A_2691 : vector<16xf32>
    %mul3A_2693 = arith.mulf %gather3A_2690, %gather3A_2690 : vector<16xf32>
    %add3A_2694 = arith.addf %add3A_2683, %mul3A_2693 : vector<16xf32>
    %add3A_2695 = arith.constant 16 : i32
    %add3A_2696 = vector.broadcast %add3A_2695 : i32 to vector<16xi32>
    %add3A_2697 = arith.addi %mul3A_2514, %add3A_2696 : vector<16xi32>
    %gather3A_2698 = tpu.vector_load_idx %arg8[%add3A_2506, %add3A_2697] : memref<128x128xf32, #tpu.memory_space<vmem>>[vector<16xi32>, vector<16xi32>], vector<16xf32>,
    %broadcast_in_dim3A_2699 = arith.constant 16 : i32
    %broadcast_in_dim3A_2700 = vector.broadcast %broadcast_in_dim3A_2699 : i32 to vector<16xi32>
    %gather3A_2701 = tpu.vector_load_idx %arg9[%add3A_2506, %broadcast_in_dim3A_2700] : memref<128x32xf32, #tpu.memory_space<vmem>>[vector<16xi32>, vector<16xi32>], vector<16xf32>,
    %mul3A_2702 = arith.mulf %gather3A_2698, %gather3A_2701 : vector<16xf32>
    %add3A_2703 = arith.addf %add3A_2692, %mul3A_2702 : vector<16xf32>
    %mul3A_2704 = arith.mulf %gather3A_2701, %gather3A_2701 : vector<16xf32>
    %add3A_2705 = arith.addf %add3A_2694, %mul3A_2704 : vector<16xf32>
    %add3A_2706 = arith.constant 17 : i32
    %add3A_2707 = vector.broadcast %add3A_2706 : i32 to vector<16xi32>
    %add3A_2708 = arith.addi %mul3A_2514, %add3A_2707 : vector<16xi32>
    %gather3A_2709 = tpu.vector_load_idx %arg8[%add3A_2506, %add3A_2708] : memref<128x128xf32, #tpu.memory_space<vmem>>[vector<16xi32>, vector<16xi32>], vector<16xf32>,
    %broadcast_in_dim3A_2710 = arith.constant 17 : i32
    %broadcast_in_dim3A_2711 = vector.broadcast %broadcast_in_dim3A_2710 : i32 to vector<16xi32>
    %gather3A_2712 = tpu.vector_load_idx %arg9[%add3A_2506, %broadcast_in_dim3A_2711] : memref<128x32xf32, #tpu.memory_space<vmem>>[vector<16xi32>, vector<16xi32>], vector<16xf32>,
    %mul3A_2713 = arith.mulf %gather3A_2709, %gather3A_2712 : vector<16xf32>
    %add3A_2714 = arith.addf %add3A_2703, %mul3A_2713 : vector<16xf32>
    %mul3A_2715 = arith.mulf %gather3A_2712, %gather3A_2712 : vector<16xf32>
    %add3A_2716 = arith.addf %add3A_2705, %mul3A_2715 : vector<16xf32>
    %add3A_2717 = arith.constant 18 : i32
    %add3A_2718 = vector.broadcast %add3A_2717 : i32 to vector<16xi32>
    %add3A_2719 = arith.addi %mul3A_2514, %add3A_2718 : vector<16xi32>
    %gather3A_2720 = tpu.vector_load_idx %arg8[%add3A_2506, %add3A_2719] : memref<128x128xf32, #tpu.memory_space<vmem>>[vector<16xi32>, vector<16xi32>], vector<16xf32>,
    %broadcast_in_dim3A_2721 = arith.constant 18 : i32
    %broadcast_in_dim3A_2722 = vector.broadcast %broadcast_in_dim3A_2721 : i32 to vector<16xi32>
    %gather3A_2723 = tpu.vector_load_idx %arg9[%add3A_2506, %broadcast_in_dim3A_2722] : memref<128x32xf32, #tpu.memory_space<vmem>>[vector<16xi32>, vector<16xi32>], vector<16xf32>,
    %mul3A_2724 = arith.mulf %gather3A_2720, %gather3A_2723 : vector<16xf32>
    %add3A_2725 = arith.addf %add3A_2714, %mul3A_2724 : vector<16xf32>
    %mul3A_2726 = arith.mulf %gather3A_2723, %gather3A_2723 : vector<16xf32>
    %add3A_2727 = arith.addf %add3A_2716, %mul3A_2726 : vector<16xf32>
    %add3A_2728 = arith.constant 19 : i32
    %add3A_2729 = vector.broadcast %add3A_2728 : i32 to vector<16xi32>
    %add3A_2730 = arith.addi %mul3A_2514, %add3A_2729 : vector<16xi32>
    %gather3A_2731 = tpu.vector_load_idx %arg8[%add3A_2506, %add3A_2730] : memref<128x128xf32, #tpu.memory_space<vmem>>[vector<16xi32>, vector<16xi32>], vector<16xf32>,
    %broadcast_in_dim3A_2732 = arith.constant 19 : i32
    %broadcast_in_dim3A_2733 = vector.broadcast %broadcast_in_dim3A_2732 : i32 to vector<16xi32>
    %gather3A_2734 = tpu.vector_load_idx %arg9[%add3A_2506, %broadcast_in_dim3A_2733] : memref<128x32xf32, #tpu.memory_space<vmem>>[vector<16xi32>, vector<16xi32>], vector<16xf32>,
    %mul3A_2735 = arith.mulf %gather3A_2731, %gather3A_2734 : vector<16xf32>
    %add3A_2736 = arith.addf %add3A_2725, %mul3A_2735 : vector<16xf32>
    %mul3A_2737 = arith.mulf %gather3A_2734, %gather3A_2734 : vector<16xf32>
    %add3A_2738 = arith.addf %add3A_2727, %mul3A_2737 : vector<16xf32>
    %add3A_2739 = arith.constant 20 : i32
    %add3A_2740 = vector.broadcast %add3A_2739 : i32 to vector<16xi32>
    %add3A_2741 = arith.addi %mul3A_2514, %add3A_2740 : vector<16xi32>
    %gather3A_2742 = tpu.vector_load_idx %arg8[%add3A_2506, %add3A_2741] : memref<128x128xf32, #tpu.memory_space<vmem>>[vector<16xi32>, vector<16xi32>], vector<16xf32>,
    %broadcast_in_dim3A_2743 = arith.constant 20 : i32
    %broadcast_in_dim3A_2744 = vector.broadcast %broadcast_in_dim3A_2743 : i32 to vector<16xi32>
    %gather3A_2745 = tpu.vector_load_idx %arg9[%add3A_2506, %broadcast_in_dim3A_2744] : memref<128x32xf32, #tpu.memory_space<vmem>>[vector<16xi32>, vector<16xi32>], vector<16xf32>,
    %mul3A_2746 = arith.mulf %gather3A_2742, %gather3A_2745 : vector<16xf32>
    %add3A_2747 = arith.addf %add3A_2736, %mul3A_2746 : vector<16xf32>
    %mul3A_2748 = arith.mulf %gather3A_2745, %gather3A_2745 : vector<16xf32>
    %add3A_2749 = arith.addf %add3A_2738, %mul3A_2748 : vector<16xf32>
    %add3A_2750 = arith.constant 21 : i32
    %add3A_2751 = vector.broadcast %add3A_2750 : i32 to vector<16xi32>
    %add3A_2752 = arith.addi %mul3A_2514, %add3A_2751 : vector<16xi32>
    %gather3A_2753 = tpu.vector_load_idx %arg8[%add3A_2506, %add3A_2752] : memref<128x128xf32, #tpu.memory_space<vmem>>[vector<16xi32>, vector<16xi32>], vector<16xf32>,
    %broadcast_in_dim3A_2754 = arith.constant 21 : i32
    %broadcast_in_dim3A_2755 = vector.broadcast %broadcast_in_dim3A_2754 : i32 to vector<16xi32>
    %gather3A_2756 = tpu.vector_load_idx %arg9[%add3A_2506, %broadcast_in_dim3A_2755] : memref<128x32xf32, #tpu.memory_space<vmem>>[vector<16xi32>, vector<16xi32>], vector<16xf32>,
    %mul3A_2757 = arith.mulf %gather3A_2753, %gather3A_2756 : vector<16xf32>
    %add3A_2758 = arith.addf %add3A_2747, %mul3A_2757 : vector<16xf32>
    %mul3A_2759 = arith.mulf %gather3A_2756, %gather3A_2756 : vector<16xf32>
    %add3A_2760 = arith.addf %add3A_2749, %mul3A_2759 : vector<16xf32>
    %add3A_2761 = arith.constant 22 : i32
    %add3A_2762 = vector.broadcast %add3A_2761 : i32 to vector<16xi32>
    %add3A_2763 = arith.addi %mul3A_2514, %add3A_2762 : vector<16xi32>
    %gather3A_2764 = tpu.vector_load_idx %arg8[%add3A_2506, %add3A_2763] : memref<128x128xf32, #tpu.memory_space<vmem>>[vector<16xi32>, vector<16xi32>], vector<16xf32>,
    %broadcast_in_dim3A_2765 = arith.constant 22 : i32
    %broadcast_in_dim3A_2766 = vector.broadcast %broadcast_in_dim3A_2765 : i32 to vector<16xi32>
    %gather3A_2767 = tpu.vector_load_idx %arg9[%add3A_2506, %broadcast_in_dim3A_2766] : memref<128x32xf32, #tpu.memory_space<vmem>>[vector<16xi32>, vector<16xi32>], vector<16xf32>,
    %mul3A_2768 = arith.mulf %gather3A_2764, %gather3A_2767 : vector<16xf32>
    %add3A_2769 = arith.addf %add3A_2758, %mul3A_2768 : vector<16xf32>
    %mul3A_2770 = arith.mulf %gather3A_2767, %gather3A_2767 : vector<16xf32>
    %add3A_2771 = arith.addf %add3A_2760, %mul3A_2770 : vector<16xf32>
    %add3A_2772 = arith.constant 23 : i32
    %add3A_2773 = vector.broadcast %add3A_2772 : i32 to vector<16xi32>
    %add3A_2774 = arith.addi %mul3A_2514, %add3A_2773 : vector<16xi32>
    %gather3A_2775 = tpu.vector_load_idx %arg8[%add3A_2506, %add3A_2774] : memref<128x128xf32, #tpu.memory_space<vmem>>[vector<16xi32>, vector<16xi32>], vector<16xf32>,
    %broadcast_in_dim3A_2776 = arith.constant 23 : i32
    %broadcast_in_dim3A_2777 = vector.broadcast %broadcast_in_dim3A_2776 : i32 to vector<16xi32>
    %gather3A_2778 = tpu.vector_load_idx %arg9[%add3A_2506, %broadcast_in_dim3A_2777] : memref<128x32xf32, #tpu.memory_space<vmem>>[vector<16xi32>, vector<16xi32>], vector<16xf32>,
    %mul3A_2779 = arith.mulf %gather3A_2775, %gather3A_2778 : vector<16xf32>
    %add3A_2780 = arith.addf %add3A_2769, %mul3A_2779 : vector<16xf32>
    %mul3A_2781 = arith.mulf %gather3A_2778, %gather3A_2778 : vector<16xf32>
    %add3A_2782 = arith.addf %add3A_2771, %mul3A_2781 : vector<16xf32>
    %add3A_2783 = arith.constant 24 : i32
    %add3A_2784 = vector.broadcast %add3A_2783 : i32 to vector<16xi32>
    %add3A_2785 = arith.addi %mul3A_2514, %add3A_2784 : vector<16xi32>
    %gather3A_2786 = tpu.vector_load_idx %arg8[%add3A_2506, %add3A_2785] : memref<128x128xf32, #tpu.memory_space<vmem>>[vector<16xi32>, vector<16xi32>], vector<16xf32>,
    %broadcast_in_dim3A_2787 = arith.constant 24 : i32
    %broadcast_in_dim3A_2788 = vector.broadcast %broadcast_in_dim3A_2787 : i32 to vector<16xi32>
    %gather3A_2789 = tpu.vector_load_idx %arg9[%add3A_2506, %broadcast_in_dim3A_2788] : memref<128x32xf32, #tpu.memory_space<vmem>>[vector<16xi32>, vector<16xi32>], vector<16xf32>,
    %mul3A_2790 = arith.mulf %gather3A_2786, %gather3A_2789 : vector<16xf32>
    %add3A_2791 = arith.addf %add3A_2780, %mul3A_2790 : vector<16xf32>
    %mul3A_2792 = arith.mulf %gather3A_2789, %gather3A_2789 : vector<16xf32>
    %add3A_2793 = arith.addf %add3A_2782, %mul3A_2792 : vector<16xf32>
    %add3A_2794 = arith.constant 25 : i32
    %add3A_2795 = vector.broadcast %add3A_2794 : i32 to vector<16xi32>
    %add3A_2796 = arith.addi %mul3A_2514, %add3A_2795 : vector<16xi32>
    %gather3A_2797 = tpu.vector_load_idx %arg8[%add3A_2506, %add3A_2796] : memref<128x128xf32, #tpu.memory_space<vmem>>[vector<16xi32>, vector<16xi32>], vector<16xf32>,
    %broadcast_in_dim3A_2798 = arith.constant 25 : i32
    %broadcast_in_dim3A_2799 = vector.broadcast %broadcast_in_dim3A_2798 : i32 to vector<16xi32>
    %gather3A_2800 = tpu.vector_load_idx %arg9[%add3A_2506, %broadcast_in_dim3A_2799] : memref<128x32xf32, #tpu.memory_space<vmem>>[vector<16xi32>, vector<16xi32>], vector<16xf32>,
    %mul3A_2801 = arith.mulf %gather3A_2797, %gather3A_2800 : vector<16xf32>
    %add3A_2802 = arith.addf %add3A_2791, %mul3A_2801 : vector<16xf32>
    %mul3A_2803 = arith.mulf %gather3A_2800, %gather3A_2800 : vector<16xf32>
    %add3A_2804 = arith.addf %add3A_2793, %mul3A_2803 : vector<16xf32>
    %add3A_2805 = arith.constant 26 : i32
    %add3A_2806 = vector.broadcast %add3A_2805 : i32 to vector<16xi32>
    %add3A_2807 = arith.addi %mul3A_2514, %add3A_2806 : vector<16xi32>
    %gather3A_2808 = tpu.vector_load_idx %arg8[%add3A_2506, %add3A_2807] : memref<128x128xf32, #tpu.memory_space<vmem>>[vector<16xi32>, vector<16xi32>], vector<16xf32>,
    %broadcast_in_dim3A_2809 = arith.constant 26 : i32
    %broadcast_in_dim3A_2810 = vector.broadcast %broadcast_in_dim3A_2809 : i32 to vector<16xi32>
    %gather3A_2811 = tpu.vector_load_idx %arg9[%add3A_2506, %broadcast_in_dim3A_2810] : memref<128x32xf32, #tpu.memory_space<vmem>>[vector<16xi32>, vector<16xi32>], vector<16xf32>,
    %mul3A_2812 = arith.mulf %gather3A_2808, %gather3A_2811 : vector<16xf32>
    %add3A_2813 = arith.addf %add3A_2802, %mul3A_2812 : vector<16xf32>
    %mul3A_2814 = arith.mulf %gather3A_2811, %gather3A_2811 : vector<16xf32>
    %add3A_2815 = arith.addf %add3A_2804, %mul3A_2814 : vector<16xf32>
    %add3A_2816 = arith.constant 27 : i32
    %add3A_2817 = vector.broadcast %add3A_2816 : i32 to vector<16xi32>
    %add3A_2818 = arith.addi %mul3A_2514, %add3A_2817 : vector<16xi32>
    %gather3A_2819 = tpu.vector_load_idx %arg8[%add3A_2506, %add3A_2818] : memref<128x128xf32, #tpu.memory_space<vmem>>[vector<16xi32>, vector<16xi32>], vector<16xf32>,
    %broadcast_in_dim3A_2820 = arith.constant 27 : i32
    %broadcast_in_dim3A_2821 = vector.broadcast %broadcast_in_dim3A_2820 : i32 to vector<16xi32>
    %gather3A_2822 = tpu.vector_load_idx %arg9[%add3A_2506, %broadcast_in_dim3A_2821] : memref<128x32xf32, #tpu.memory_space<vmem>>[vector<16xi32>, vector<16xi32>], vector<16xf32>,
    %mul3A_2823 = arith.mulf %gather3A_2819, %gather3A_2822 : vector<16xf32>
    %add3A_2824 = arith.addf %add3A_2813, %mul3A_2823 : vector<16xf32>
    %mul3A_2825 = arith.mulf %gather3A_2822, %gather3A_2822 : vector<16xf32>
    %add3A_2826 = arith.addf %add3A_2815, %mul3A_2825 : vector<16xf32>
    %add3A_2827 = arith.constant 28 : i32
    %add3A_2828 = vector.broadcast %add3A_2827 : i32 to vector<16xi32>
    %add3A_2829 = arith.addi %mul3A_2514, %add3A_2828 : vector<16xi32>
    %gather3A_2830 = tpu.vector_load_idx %arg8[%add3A_2506, %add3A_2829] : memref<128x128xf32, #tpu.memory_space<vmem>>[vector<16xi32>, vector<16xi32>], vector<16xf32>,
    %broadcast_in_dim3A_2831 = arith.constant 28 : i32
    %broadcast_in_dim3A_2832 = vector.broadcast %broadcast_in_dim3A_2831 : i32 to vector<16xi32>
    %gather3A_2833 = tpu.vector_load_idx %arg9[%add3A_2506, %broadcast_in_dim3A_2832] : memref<128x32xf32, #tpu.memory_space<vmem>>[vector<16xi32>, vector<16xi32>], vector<16xf32>,
    %mul3A_2834 = arith.mulf %gather3A_2830, %gather3A_2833 : vector<16xf32>
    %add3A_2835 = arith.addf %add3A_2824, %mul3A_2834 : vector<16xf32>
    %mul3A_2836 = arith.mulf %gather3A_2833, %gather3A_2833 : vector<16xf32>
    %add3A_2837 = arith.addf %add3A_2826, %mul3A_2836 : vector<16xf32>
    %add3A_2838 = arith.constant 29 : i32
    %add3A_2839 = vector.broadcast %add3A_2838 : i32 to vector<16xi32>
    %add3A_2840 = arith.addi %mul3A_2514, %add3A_2839 : vector<16xi32>
    %gather3A_2841 = tpu.vector_load_idx %arg8[%add3A_2506, %add3A_2840] : memref<128x128xf32, #tpu.memory_space<vmem>>[vector<16xi32>, vector<16xi32>], vector<16xf32>,
    %broadcast_in_dim3A_2842 = arith.constant 29 : i32
    %broadcast_in_dim3A_2843 = vector.broadcast %broadcast_in_dim3A_2842 : i32 to vector<16xi32>
    %gather3A_2844 = tpu.vector_load_idx %arg9[%add3A_2506, %broadcast_in_dim3A_2843] : memref<128x32xf32, #tpu.memory_space<vmem>>[vector<16xi32>, vector<16xi32>], vector<16xf32>,
    %mul3A_2845 = arith.mulf %gather3A_2841, %gather3A_2844 : vector<16xf32>
    %add3A_2846 = arith.addf %add3A_2835, %mul3A_2845 : vector<16xf32>
    %mul3A_2847 = arith.mulf %gather3A_2844, %gather3A_2844 : vector<16xf32>
    %add3A_2848 = arith.addf %add3A_2837, %mul3A_2847 : vector<16xf32>
    %add3A_2849 = arith.constant 30 : i32
    %add3A_2850 = vector.broadcast %add3A_2849 : i32 to vector<16xi32>
    %add3A_2851 = arith.addi %mul3A_2514, %add3A_2850 : vector<16xi32>
    %gather3A_2852 = tpu.vector_load_idx %arg8[%add3A_2506, %add3A_2851] : memref<128x128xf32, #tpu.memory_space<vmem>>[vector<16xi32>, vector<16xi32>], vector<16xf32>,
    %broadcast_in_dim3A_2853 = arith.constant 30 : i32
    %broadcast_in_dim3A_2854 = vector.broadcast %broadcast_in_dim3A_2853 : i32 to vector<16xi32>
    %gather3A_2855 = tpu.vector_load_idx %arg9[%add3A_2506, %broadcast_in_dim3A_2854] : memref<128x32xf32, #tpu.memory_space<vmem>>[vector<16xi32>, vector<16xi32>], vector<16xf32>,
    %mul3A_2856 = arith.mulf %gather3A_2852, %gather3A_2855 : vector<16xf32>
    %add3A_2857 = arith.addf %add3A_2846, %mul3A_2856 : vector<16xf32>
    %mul3A_2858 = arith.mulf %gather3A_2855, %gather3A_2855 : vector<16xf32>
    %add3A_2859 = arith.addf %add3A_2848, %mul3A_2858 : vector<16xf32>
    %add3A_2860 = arith.constant 31 : i32
    %add3A_2861 = vector.broadcast %add3A_2860 : i32 to vector<16xi32>
    %add3A_2862 = arith.addi %mul3A_2514, %add3A_2861 : vector<16xi32>
    %gather3A_2863 = tpu.vector_load_idx %arg8[%add3A_2506, %add3A_2862] : memref<128x128xf32, #tpu.memory_space<vmem>>[vector<16xi32>, vector<16xi32>], vector<16xf32>,
    %broadcast_in_dim3A_2864 = arith.constant 31 : i32
    %broadcast_in_dim3A_2865 = vector.broadcast %broadcast_in_dim3A_2864 : i32 to vector<16xi32>
    %gather3A_2866 = tpu.vector_load_idx %arg9[%add3A_2506, %broadcast_in_dim3A_2865] : memref<128x32xf32, #tpu.memory_space<vmem>>[vector<16xi32>, vector<16xi32>], vector<16xf32>,
    %mul3A_2867 = arith.mulf %gather3A_2863, %gather3A_2866 : vector<16xf32>
    %add3A_2868 = arith.addf %add3A_2857, %mul3A_2867 : vector<16xf32>
    %mul3A_2869 = arith.mulf %gather3A_2866, %gather3A_2866 : vector<16xf32>
    %add3A_2870 = arith.addf %add3A_2859, %mul3A_2869 : vector<16xf32>
    %bitcast3A_2871 = vector.bitcast %add3A_2870 : vector<16xf32> to vector<16xi32>
    %shift_right_arithmetic3A_2872 = arith.constant 1 : i32
    %shift_right_arithmetic3A_2873 = vector.broadcast %shift_right_arithmetic3A_2872 : i32 to vector<16xi32>
    %shift_right_arithmetic3A_2874 = arith.shrsi %bitcast3A_2871, %shift_right_arithmetic3A_2873 : vector<16xi32>
    %sub3A_2875 = arith.constant 1597463007 : i32
    %sub3A_2876 = vector.broadcast %sub3A_2875 : i32 to vector<16xi32>
    %sub3A_2877 = arith.subi %sub3A_2876, %shift_right_arithmetic3A_2874 : vector<16xi32>
    %bitcast3A_2878 = vector.bitcast %sub3A_2877 : vector<16xi32> to vector<16xf32>
    %mul3A_2879 = arith.constant 5.000000e-01 : f32
    %mul3A_2880 = vector.broadcast %mul3A_2879 : f32 to vector<16xf32>
    %mul3A_2881 = arith.mulf %mul3A_2880, %add3A_2870 : vector<16xf32>
    %mul3A_2882 = arith.mulf %mul3A_2881, %bitcast3A_2878 : vector<16xf32>
    %mul3A_2883 = arith.mulf %mul3A_2882, %bitcast3A_2878 : vector<16xf32>
    %sub3A_2884 = arith.constant 1.500000e+00 : f32
    %sub3A_2885 = vector.broadcast %sub3A_2884 : f32 to vector<16xf32>
    %sub3A_2886 = arith.subf %sub3A_2885, %mul3A_2883 : vector<16xf32>
    %mul3A_2887 = arith.mulf %bitcast3A_2878, %sub3A_2886 : vector<16xf32>
    %mul3A_2888 = arith.constant 5.000000e-01 : f32
    %mul3A_2889 = vector.broadcast %mul3A_2888 : f32 to vector<16xf32>
    %mul3A_2890 = arith.mulf %mul3A_2889, %add3A_2870 : vector<16xf32>
    %mul3A_2891 = arith.mulf %mul3A_2890, %mul3A_2887 : vector<16xf32>
    %mul3A_2892 = arith.mulf %mul3A_2891, %mul3A_2887 : vector<16xf32>
    %sub3A_2893 = arith.constant 1.500000e+00 : f32
    %sub3A_2894 = vector.broadcast %sub3A_2893 : f32 to vector<16xf32>
    %sub3A_2895 = arith.subf %sub3A_2894, %mul3A_2892 : vector<16xf32>
    %mul3A_2896 = arith.mulf %mul3A_2887, %sub3A_2895 : vector<16xf32>
    %mul3A_2897 = arith.constant 5.000000e-01 : f32
    %mul3A_2898 = vector.broadcast %mul3A_2897 : f32 to vector<16xf32>
    %mul3A_2899 = arith.mulf %mul3A_2898, %add3A_2870 : vector<16xf32>
    %mul3A_2900 = arith.mulf %mul3A_2899, %mul3A_2896 : vector<16xf32>
    %mul3A_2901 = arith.mulf %mul3A_2900, %mul3A_2896 : vector<16xf32>
    %sub3A_2902 = arith.constant 1.500000e+00 : f32
    %sub3A_2903 = vector.broadcast %sub3A_2902 : f32 to vector<16xf32>
    %sub3A_2904 = arith.subf %sub3A_2903, %mul3A_2901 : vector<16xf32>
    %mul3A_2905 = arith.mulf %mul3A_2896, %sub3A_2904 : vector<16xf32>
    %mul3A_2906 = arith.mulf %add3A_2870, %mul3A_2905 : vector<16xf32>
    %add3A_2907 = arith.constant 9.99999996E-13 : f32
    %add3A_2908 = vector.broadcast %add3A_2907 : f32 to vector<16xf32>
    %add3A_2909 = arith.addf %mul3A_2906, %add3A_2908 : vector<16xf32>
    %div3A_2910 = arith.divf %add3A_2868, %add3A_2909 : vector<16xf32>
    %add3A_2911 = arith.addf %add3A_2503, %div3A_2910 : vector<16xf32>
    %add3A_2912 = arith.constant 112 : i32
    %add3A_2913 = vector.broadcast %add3A_2912 : i32 to vector<16xi32>
    %add3A_2914 = arith.addi %iota3A, %add3A_2913 : vector<16xi32>
    %get3A_2915 = arith.constant 112 : index
    %get3A_2916 = tpu.vector_load %arg6[%get3A_2915] {strides = array<i32>} : memref<128xi32, #tpu.memory_space<vmem>>, vector<16xi32>,
    %and3A_2917 = arith.constant 3 : i32
    %and3A_2918 = vector.broadcast %and3A_2917 : i32 to vector<16xi32>
    %and3A_2919 = arith.andi %get3A_2916, %and3A_2918 : vector<16xi32>
    %mul3A_2920 = arith.constant 32 : i32
    %mul3A_2921 = vector.broadcast %mul3A_2920 : i32 to vector<16xi32>
    %mul3A_2922 = arith.muli %and3A_2919, %mul3A_2921 : vector<16xi32>
    %broadcast_in_dim3A_2923 = arith.constant 0.000000e+00 : f32
    %broadcast_in_dim3A_2924 = vector.broadcast %broadcast_in_dim3A_2923 : f32 to vector<16xf32>
    %broadcast_in_dim3A_2925 = arith.constant 0.000000e+00 : f32
    %broadcast_in_dim3A_2926 = vector.broadcast %broadcast_in_dim3A_2925 : f32 to vector<16xf32>
    %add3A_2927 = arith.constant 0 : i32
    %add3A_2928 = vector.broadcast %add3A_2927 : i32 to vector<16xi32>
    %add3A_2929 = arith.addi %mul3A_2922, %add3A_2928 : vector<16xi32>
    %gather3A_2930 = tpu.vector_load_idx %arg8[%add3A_2914, %add3A_2929] : memref<128x128xf32, #tpu.memory_space<vmem>>[vector<16xi32>, vector<16xi32>], vector<16xf32>,
    %broadcast_in_dim3A_2931 = arith.constant 0 : i32
    %broadcast_in_dim3A_2932 = vector.broadcast %broadcast_in_dim3A_2931 : i32 to vector<16xi32>
    %gather3A_2933 = tpu.vector_load_idx %arg9[%add3A_2914, %broadcast_in_dim3A_2932] : memref<128x32xf32, #tpu.memory_space<vmem>>[vector<16xi32>, vector<16xi32>], vector<16xf32>,
    %mul3A_2934 = arith.mulf %gather3A_2930, %gather3A_2933 : vector<16xf32>
    %add3A_2935 = arith.addf %broadcast_in_dim3A_2924, %mul3A_2934 : vector<16xf32>
    %mul3A_2936 = arith.mulf %gather3A_2933, %gather3A_2933 : vector<16xf32>
    %add3A_2937 = arith.addf %broadcast_in_dim3A_2926, %mul3A_2936 : vector<16xf32>
    %add3A_2938 = arith.constant 1 : i32
    %add3A_2939 = vector.broadcast %add3A_2938 : i32 to vector<16xi32>
    %add3A_2940 = arith.addi %mul3A_2922, %add3A_2939 : vector<16xi32>
    %gather3A_2941 = tpu.vector_load_idx %arg8[%add3A_2914, %add3A_2940] : memref<128x128xf32, #tpu.memory_space<vmem>>[vector<16xi32>, vector<16xi32>], vector<16xf32>,
    %broadcast_in_dim3A_2942 = arith.constant 1 : i32
    %broadcast_in_dim3A_2943 = vector.broadcast %broadcast_in_dim3A_2942 : i32 to vector<16xi32>
    %gather3A_2944 = tpu.vector_load_idx %arg9[%add3A_2914, %broadcast_in_dim3A_2943] : memref<128x32xf32, #tpu.memory_space<vmem>>[vector<16xi32>, vector<16xi32>], vector<16xf32>,
    %mul3A_2945 = arith.mulf %gather3A_2941, %gather3A_2944 : vector<16xf32>
    %add3A_2946 = arith.addf %add3A_2935, %mul3A_2945 : vector<16xf32>
    %mul3A_2947 = arith.mulf %gather3A_2944, %gather3A_2944 : vector<16xf32>
    %add3A_2948 = arith.addf %add3A_2937, %mul3A_2947 : vector<16xf32>
    %add3A_2949 = arith.constant 2 : i32
    %add3A_2950 = vector.broadcast %add3A_2949 : i32 to vector<16xi32>
    %add3A_2951 = arith.addi %mul3A_2922, %add3A_2950 : vector<16xi32>
    %gather3A_2952 = tpu.vector_load_idx %arg8[%add3A_2914, %add3A_2951] : memref<128x128xf32, #tpu.memory_space<vmem>>[vector<16xi32>, vector<16xi32>], vector<16xf32>,
    %broadcast_in_dim3A_2953 = arith.constant 2 : i32
    %broadcast_in_dim3A_2954 = vector.broadcast %broadcast_in_dim3A_2953 : i32 to vector<16xi32>
    %gather3A_2955 = tpu.vector_load_idx %arg9[%add3A_2914, %broadcast_in_dim3A_2954] : memref<128x32xf32, #tpu.memory_space<vmem>>[vector<16xi32>, vector<16xi32>], vector<16xf32>,
    %mul3A_2956 = arith.mulf %gather3A_2952, %gather3A_2955 : vector<16xf32>
    %add3A_2957 = arith.addf %add3A_2946, %mul3A_2956 : vector<16xf32>
    %mul3A_2958 = arith.mulf %gather3A_2955, %gather3A_2955 : vector<16xf32>
    %add3A_2959 = arith.addf %add3A_2948, %mul3A_2958 : vector<16xf32>
    %add3A_2960 = arith.constant 3 : i32
    %add3A_2961 = vector.broadcast %add3A_2960 : i32 to vector<16xi32>
    %add3A_2962 = arith.addi %mul3A_2922, %add3A_2961 : vector<16xi32>
    %gather3A_2963 = tpu.vector_load_idx %arg8[%add3A_2914, %add3A_2962] : memref<128x128xf32, #tpu.memory_space<vmem>>[vector<16xi32>, vector<16xi32>], vector<16xf32>,
    %broadcast_in_dim3A_2964 = arith.constant 3 : i32
    %broadcast_in_dim3A_2965 = vector.broadcast %broadcast_in_dim3A_2964 : i32 to vector<16xi32>
    %gather3A_2966 = tpu.vector_load_idx %arg9[%add3A_2914, %broadcast_in_dim3A_2965] : memref<128x32xf32, #tpu.memory_space<vmem>>[vector<16xi32>, vector<16xi32>], vector<16xf32>,
    %mul3A_2967 = arith.mulf %gather3A_2963, %gather3A_2966 : vector<16xf32>
    %add3A_2968 = arith.addf %add3A_2957, %mul3A_2967 : vector<16xf32>
    %mul3A_2969 = arith.mulf %gather3A_2966, %gather3A_2966 : vector<16xf32>
    %add3A_2970 = arith.addf %add3A_2959, %mul3A_2969 : vector<16xf32>
    %add3A_2971 = arith.constant 4 : i32
    %add3A_2972 = vector.broadcast %add3A_2971 : i32 to vector<16xi32>
    %add3A_2973 = arith.addi %mul3A_2922, %add3A_2972 : vector<16xi32>
    %gather3A_2974 = tpu.vector_load_idx %arg8[%add3A_2914, %add3A_2973] : memref<128x128xf32, #tpu.memory_space<vmem>>[vector<16xi32>, vector<16xi32>], vector<16xf32>,
    %broadcast_in_dim3A_2975 = arith.constant 4 : i32
    %broadcast_in_dim3A_2976 = vector.broadcast %broadcast_in_dim3A_2975 : i32 to vector<16xi32>
    %gather3A_2977 = tpu.vector_load_idx %arg9[%add3A_2914, %broadcast_in_dim3A_2976] : memref<128x32xf32, #tpu.memory_space<vmem>>[vector<16xi32>, vector<16xi32>], vector<16xf32>,
    %mul3A_2978 = arith.mulf %gather3A_2974, %gather3A_2977 : vector<16xf32>
    %add3A_2979 = arith.addf %add3A_2968, %mul3A_2978 : vector<16xf32>
    %mul3A_2980 = arith.mulf %gather3A_2977, %gather3A_2977 : vector<16xf32>
    %add3A_2981 = arith.addf %add3A_2970, %mul3A_2980 : vector<16xf32>
    %add3A_2982 = arith.constant 5 : i32
    %add3A_2983 = vector.broadcast %add3A_2982 : i32 to vector<16xi32>
    %add3A_2984 = arith.addi %mul3A_2922, %add3A_2983 : vector<16xi32>
    %gather3A_2985 = tpu.vector_load_idx %arg8[%add3A_2914, %add3A_2984] : memref<128x128xf32, #tpu.memory_space<vmem>>[vector<16xi32>, vector<16xi32>], vector<16xf32>,
    %broadcast_in_dim3A_2986 = arith.constant 5 : i32
    %broadcast_in_dim3A_2987 = vector.broadcast %broadcast_in_dim3A_2986 : i32 to vector<16xi32>
    %gather3A_2988 = tpu.vector_load_idx %arg9[%add3A_2914, %broadcast_in_dim3A_2987] : memref<128x32xf32, #tpu.memory_space<vmem>>[vector<16xi32>, vector<16xi32>], vector<16xf32>,
    %mul3A_2989 = arith.mulf %gather3A_2985, %gather3A_2988 : vector<16xf32>
    %add3A_2990 = arith.addf %add3A_2979, %mul3A_2989 : vector<16xf32>
    %mul3A_2991 = arith.mulf %gather3A_2988, %gather3A_2988 : vector<16xf32>
    %add3A_2992 = arith.addf %add3A_2981, %mul3A_2991 : vector<16xf32>
    %add3A_2993 = arith.constant 6 : i32
    %add3A_2994 = vector.broadcast %add3A_2993 : i32 to vector<16xi32>
    %add3A_2995 = arith.addi %mul3A_2922, %add3A_2994 : vector<16xi32>
    %gather3A_2996 = tpu.vector_load_idx %arg8[%add3A_2914, %add3A_2995] : memref<128x128xf32, #tpu.memory_space<vmem>>[vector<16xi32>, vector<16xi32>], vector<16xf32>,
    %broadcast_in_dim3A_2997 = arith.constant 6 : i32
    %broadcast_in_dim3A_2998 = vector.broadcast %broadcast_in_dim3A_2997 : i32 to vector<16xi32>
    %gather3A_2999 = tpu.vector_load_idx %arg9[%add3A_2914, %broadcast_in_dim3A_2998] : memref<128x32xf32, #tpu.memory_space<vmem>>[vector<16xi32>, vector<16xi32>], vector<16xf32>,
    %mul3A_3000 = arith.mulf %gather3A_2996, %gather3A_2999 : vector<16xf32>
    %add3A_3001 = arith.addf %add3A_2990, %mul3A_3000 : vector<16xf32>
    %mul3A_3002 = arith.mulf %gather3A_2999, %gather3A_2999 : vector<16xf32>
    %add3A_3003 = arith.addf %add3A_2992, %mul3A_3002 : vector<16xf32>
    %add3A_3004 = arith.constant 7 : i32
    %add3A_3005 = vector.broadcast %add3A_3004 : i32 to vector<16xi32>
    %add3A_3006 = arith.addi %mul3A_2922, %add3A_3005 : vector<16xi32>
    %gather3A_3007 = tpu.vector_load_idx %arg8[%add3A_2914, %add3A_3006] : memref<128x128xf32, #tpu.memory_space<vmem>>[vector<16xi32>, vector<16xi32>], vector<16xf32>,
    %broadcast_in_dim3A_3008 = arith.constant 7 : i32
    %broadcast_in_dim3A_3009 = vector.broadcast %broadcast_in_dim3A_3008 : i32 to vector<16xi32>
    %gather3A_3010 = tpu.vector_load_idx %arg9[%add3A_2914, %broadcast_in_dim3A_3009] : memref<128x32xf32, #tpu.memory_space<vmem>>[vector<16xi32>, vector<16xi32>], vector<16xf32>,
    %mul3A_3011 = arith.mulf %gather3A_3007, %gather3A_3010 : vector<16xf32>
    %add3A_3012 = arith.addf %add3A_3001, %mul3A_3011 : vector<16xf32>
    %mul3A_3013 = arith.mulf %gather3A_3010, %gather3A_3010 : vector<16xf32>
    %add3A_3014 = arith.addf %add3A_3003, %mul3A_3013 : vector<16xf32>
    %add3A_3015 = arith.constant 8 : i32
    %add3A_3016 = vector.broadcast %add3A_3015 : i32 to vector<16xi32>
    %add3A_3017 = arith.addi %mul3A_2922, %add3A_3016 : vector<16xi32>
    %gather3A_3018 = tpu.vector_load_idx %arg8[%add3A_2914, %add3A_3017] : memref<128x128xf32, #tpu.memory_space<vmem>>[vector<16xi32>, vector<16xi32>], vector<16xf32>,
    %broadcast_in_dim3A_3019 = arith.constant 8 : i32
    %broadcast_in_dim3A_3020 = vector.broadcast %broadcast_in_dim3A_3019 : i32 to vector<16xi32>
    %gather3A_3021 = tpu.vector_load_idx %arg9[%add3A_2914, %broadcast_in_dim3A_3020] : memref<128x32xf32, #tpu.memory_space<vmem>>[vector<16xi32>, vector<16xi32>], vector<16xf32>,
    %mul3A_3022 = arith.mulf %gather3A_3018, %gather3A_3021 : vector<16xf32>
    %add3A_3023 = arith.addf %add3A_3012, %mul3A_3022 : vector<16xf32>
    %mul3A_3024 = arith.mulf %gather3A_3021, %gather3A_3021 : vector<16xf32>
    %add3A_3025 = arith.addf %add3A_3014, %mul3A_3024 : vector<16xf32>
    %add3A_3026 = arith.constant 9 : i32
    %add3A_3027 = vector.broadcast %add3A_3026 : i32 to vector<16xi32>
    %add3A_3028 = arith.addi %mul3A_2922, %add3A_3027 : vector<16xi32>
    %gather3A_3029 = tpu.vector_load_idx %arg8[%add3A_2914, %add3A_3028] : memref<128x128xf32, #tpu.memory_space<vmem>>[vector<16xi32>, vector<16xi32>], vector<16xf32>,
    %broadcast_in_dim3A_3030 = arith.constant 9 : i32
    %broadcast_in_dim3A_3031 = vector.broadcast %broadcast_in_dim3A_3030 : i32 to vector<16xi32>
    %gather3A_3032 = tpu.vector_load_idx %arg9[%add3A_2914, %broadcast_in_dim3A_3031] : memref<128x32xf32, #tpu.memory_space<vmem>>[vector<16xi32>, vector<16xi32>], vector<16xf32>,
    %mul3A_3033 = arith.mulf %gather3A_3029, %gather3A_3032 : vector<16xf32>
    %add3A_3034 = arith.addf %add3A_3023, %mul3A_3033 : vector<16xf32>
    %mul3A_3035 = arith.mulf %gather3A_3032, %gather3A_3032 : vector<16xf32>
    %add3A_3036 = arith.addf %add3A_3025, %mul3A_3035 : vector<16xf32>
    %add3A_3037 = arith.constant 10 : i32
    %add3A_3038 = vector.broadcast %add3A_3037 : i32 to vector<16xi32>
    %add3A_3039 = arith.addi %mul3A_2922, %add3A_3038 : vector<16xi32>
    %gather3A_3040 = tpu.vector_load_idx %arg8[%add3A_2914, %add3A_3039] : memref<128x128xf32, #tpu.memory_space<vmem>>[vector<16xi32>, vector<16xi32>], vector<16xf32>,
    %broadcast_in_dim3A_3041 = arith.constant 10 : i32
    %broadcast_in_dim3A_3042 = vector.broadcast %broadcast_in_dim3A_3041 : i32 to vector<16xi32>
    %gather3A_3043 = tpu.vector_load_idx %arg9[%add3A_2914, %broadcast_in_dim3A_3042] : memref<128x32xf32, #tpu.memory_space<vmem>>[vector<16xi32>, vector<16xi32>], vector<16xf32>,
    %mul3A_3044 = arith.mulf %gather3A_3040, %gather3A_3043 : vector<16xf32>
    %add3A_3045 = arith.addf %add3A_3034, %mul3A_3044 : vector<16xf32>
    %mul3A_3046 = arith.mulf %gather3A_3043, %gather3A_3043 : vector<16xf32>
    %add3A_3047 = arith.addf %add3A_3036, %mul3A_3046 : vector<16xf32>
    %add3A_3048 = arith.constant 11 : i32
    %add3A_3049 = vector.broadcast %add3A_3048 : i32 to vector<16xi32>
    %add3A_3050 = arith.addi %mul3A_2922, %add3A_3049 : vector<16xi32>
    %gather3A_3051 = tpu.vector_load_idx %arg8[%add3A_2914, %add3A_3050] : memref<128x128xf32, #tpu.memory_space<vmem>>[vector<16xi32>, vector<16xi32>], vector<16xf32>,
    %broadcast_in_dim3A_3052 = arith.constant 11 : i32
    %broadcast_in_dim3A_3053 = vector.broadcast %broadcast_in_dim3A_3052 : i32 to vector<16xi32>
    %gather3A_3054 = tpu.vector_load_idx %arg9[%add3A_2914, %broadcast_in_dim3A_3053] : memref<128x32xf32, #tpu.memory_space<vmem>>[vector<16xi32>, vector<16xi32>], vector<16xf32>,
    %mul3A_3055 = arith.mulf %gather3A_3051, %gather3A_3054 : vector<16xf32>
    %add3A_3056 = arith.addf %add3A_3045, %mul3A_3055 : vector<16xf32>
    %mul3A_3057 = arith.mulf %gather3A_3054, %gather3A_3054 : vector<16xf32>
    %add3A_3058 = arith.addf %add3A_3047, %mul3A_3057 : vector<16xf32>
    %add3A_3059 = arith.constant 12 : i32
    %add3A_3060 = vector.broadcast %add3A_3059 : i32 to vector<16xi32>
    %add3A_3061 = arith.addi %mul3A_2922, %add3A_3060 : vector<16xi32>
    %gather3A_3062 = tpu.vector_load_idx %arg8[%add3A_2914, %add3A_3061] : memref<128x128xf32, #tpu.memory_space<vmem>>[vector<16xi32>, vector<16xi32>], vector<16xf32>,
    %broadcast_in_dim3A_3063 = arith.constant 12 : i32
    %broadcast_in_dim3A_3064 = vector.broadcast %broadcast_in_dim3A_3063 : i32 to vector<16xi32>
    %gather3A_3065 = tpu.vector_load_idx %arg9[%add3A_2914, %broadcast_in_dim3A_3064] : memref<128x32xf32, #tpu.memory_space<vmem>>[vector<16xi32>, vector<16xi32>], vector<16xf32>,
    %mul3A_3066 = arith.mulf %gather3A_3062, %gather3A_3065 : vector<16xf32>
    %add3A_3067 = arith.addf %add3A_3056, %mul3A_3066 : vector<16xf32>
    %mul3A_3068 = arith.mulf %gather3A_3065, %gather3A_3065 : vector<16xf32>
    %add3A_3069 = arith.addf %add3A_3058, %mul3A_3068 : vector<16xf32>
    %add3A_3070 = arith.constant 13 : i32
    %add3A_3071 = vector.broadcast %add3A_3070 : i32 to vector<16xi32>
    %add3A_3072 = arith.addi %mul3A_2922, %add3A_3071 : vector<16xi32>
    %gather3A_3073 = tpu.vector_load_idx %arg8[%add3A_2914, %add3A_3072] : memref<128x128xf32, #tpu.memory_space<vmem>>[vector<16xi32>, vector<16xi32>], vector<16xf32>,
    %broadcast_in_dim3A_3074 = arith.constant 13 : i32
    %broadcast_in_dim3A_3075 = vector.broadcast %broadcast_in_dim3A_3074 : i32 to vector<16xi32>
    %gather3A_3076 = tpu.vector_load_idx %arg9[%add3A_2914, %broadcast_in_dim3A_3075] : memref<128x32xf32, #tpu.memory_space<vmem>>[vector<16xi32>, vector<16xi32>], vector<16xf32>,
    %mul3A_3077 = arith.mulf %gather3A_3073, %gather3A_3076 : vector<16xf32>
    %add3A_3078 = arith.addf %add3A_3067, %mul3A_3077 : vector<16xf32>
    %mul3A_3079 = arith.mulf %gather3A_3076, %gather3A_3076 : vector<16xf32>
    %add3A_3080 = arith.addf %add3A_3069, %mul3A_3079 : vector<16xf32>
    %add3A_3081 = arith.constant 14 : i32
    %add3A_3082 = vector.broadcast %add3A_3081 : i32 to vector<16xi32>
    %add3A_3083 = arith.addi %mul3A_2922, %add3A_3082 : vector<16xi32>
    %gather3A_3084 = tpu.vector_load_idx %arg8[%add3A_2914, %add3A_3083] : memref<128x128xf32, #tpu.memory_space<vmem>>[vector<16xi32>, vector<16xi32>], vector<16xf32>,
    %broadcast_in_dim3A_3085 = arith.constant 14 : i32
    %broadcast_in_dim3A_3086 = vector.broadcast %broadcast_in_dim3A_3085 : i32 to vector<16xi32>
    %gather3A_3087 = tpu.vector_load_idx %arg9[%add3A_2914, %broadcast_in_dim3A_3086] : memref<128x32xf32, #tpu.memory_space<vmem>>[vector<16xi32>, vector<16xi32>], vector<16xf32>,
    %mul3A_3088 = arith.mulf %gather3A_3084, %gather3A_3087 : vector<16xf32>
    %add3A_3089 = arith.addf %add3A_3078, %mul3A_3088 : vector<16xf32>
    %mul3A_3090 = arith.mulf %gather3A_3087, %gather3A_3087 : vector<16xf32>
    %add3A_3091 = arith.addf %add3A_3080, %mul3A_3090 : vector<16xf32>
    %add3A_3092 = arith.constant 15 : i32
    %add3A_3093 = vector.broadcast %add3A_3092 : i32 to vector<16xi32>
    %add3A_3094 = arith.addi %mul3A_2922, %add3A_3093 : vector<16xi32>
    %gather3A_3095 = tpu.vector_load_idx %arg8[%add3A_2914, %add3A_3094] : memref<128x128xf32, #tpu.memory_space<vmem>>[vector<16xi32>, vector<16xi32>], vector<16xf32>,
    %broadcast_in_dim3A_3096 = arith.constant 15 : i32
    %broadcast_in_dim3A_3097 = vector.broadcast %broadcast_in_dim3A_3096 : i32 to vector<16xi32>
    %gather3A_3098 = tpu.vector_load_idx %arg9[%add3A_2914, %broadcast_in_dim3A_3097] : memref<128x32xf32, #tpu.memory_space<vmem>>[vector<16xi32>, vector<16xi32>], vector<16xf32>,
    %mul3A_3099 = arith.mulf %gather3A_3095, %gather3A_3098 : vector<16xf32>
    %add3A_3100 = arith.addf %add3A_3089, %mul3A_3099 : vector<16xf32>
    %mul3A_3101 = arith.mulf %gather3A_3098, %gather3A_3098 : vector<16xf32>
    %add3A_3102 = arith.addf %add3A_3091, %mul3A_3101 : vector<16xf32>
    %add3A_3103 = arith.constant 16 : i32
    %add3A_3104 = vector.broadcast %add3A_3103 : i32 to vector<16xi32>
    %add3A_3105 = arith.addi %mul3A_2922, %add3A_3104 : vector<16xi32>
    %gather3A_3106 = tpu.vector_load_idx %arg8[%add3A_2914, %add3A_3105] : memref<128x128xf32, #tpu.memory_space<vmem>>[vector<16xi32>, vector<16xi32>], vector<16xf32>,
    %broadcast_in_dim3A_3107 = arith.constant 16 : i32
    %broadcast_in_dim3A_3108 = vector.broadcast %broadcast_in_dim3A_3107 : i32 to vector<16xi32>
    %gather3A_3109 = tpu.vector_load_idx %arg9[%add3A_2914, %broadcast_in_dim3A_3108] : memref<128x32xf32, #tpu.memory_space<vmem>>[vector<16xi32>, vector<16xi32>], vector<16xf32>,
    %mul3A_3110 = arith.mulf %gather3A_3106, %gather3A_3109 : vector<16xf32>
    %add3A_3111 = arith.addf %add3A_3100, %mul3A_3110 : vector<16xf32>
    %mul3A_3112 = arith.mulf %gather3A_3109, %gather3A_3109 : vector<16xf32>
    %add3A_3113 = arith.addf %add3A_3102, %mul3A_3112 : vector<16xf32>
    %add3A_3114 = arith.constant 17 : i32
    %add3A_3115 = vector.broadcast %add3A_3114 : i32 to vector<16xi32>
    %add3A_3116 = arith.addi %mul3A_2922, %add3A_3115 : vector<16xi32>
    %gather3A_3117 = tpu.vector_load_idx %arg8[%add3A_2914, %add3A_3116] : memref<128x128xf32, #tpu.memory_space<vmem>>[vector<16xi32>, vector<16xi32>], vector<16xf32>,
    %broadcast_in_dim3A_3118 = arith.constant 17 : i32
    %broadcast_in_dim3A_3119 = vector.broadcast %broadcast_in_dim3A_3118 : i32 to vector<16xi32>
    %gather3A_3120 = tpu.vector_load_idx %arg9[%add3A_2914, %broadcast_in_dim3A_3119] : memref<128x32xf32, #tpu.memory_space<vmem>>[vector<16xi32>, vector<16xi32>], vector<16xf32>,
    %mul3A_3121 = arith.mulf %gather3A_3117, %gather3A_3120 : vector<16xf32>
    %add3A_3122 = arith.addf %add3A_3111, %mul3A_3121 : vector<16xf32>
    %mul3A_3123 = arith.mulf %gather3A_3120, %gather3A_3120 : vector<16xf32>
    %add3A_3124 = arith.addf %add3A_3113, %mul3A_3123 : vector<16xf32>
    %add3A_3125 = arith.constant 18 : i32
    %add3A_3126 = vector.broadcast %add3A_3125 : i32 to vector<16xi32>
    %add3A_3127 = arith.addi %mul3A_2922, %add3A_3126 : vector<16xi32>
    %gather3A_3128 = tpu.vector_load_idx %arg8[%add3A_2914, %add3A_3127] : memref<128x128xf32, #tpu.memory_space<vmem>>[vector<16xi32>, vector<16xi32>], vector<16xf32>,
    %broadcast_in_dim3A_3129 = arith.constant 18 : i32
    %broadcast_in_dim3A_3130 = vector.broadcast %broadcast_in_dim3A_3129 : i32 to vector<16xi32>
    %gather3A_3131 = tpu.vector_load_idx %arg9[%add3A_2914, %broadcast_in_dim3A_3130] : memref<128x32xf32, #tpu.memory_space<vmem>>[vector<16xi32>, vector<16xi32>], vector<16xf32>,
    %mul3A_3132 = arith.mulf %gather3A_3128, %gather3A_3131 : vector<16xf32>
    %add3A_3133 = arith.addf %add3A_3122, %mul3A_3132 : vector<16xf32>
    %mul3A_3134 = arith.mulf %gather3A_3131, %gather3A_3131 : vector<16xf32>
    %add3A_3135 = arith.addf %add3A_3124, %mul3A_3134 : vector<16xf32>
    %add3A_3136 = arith.constant 19 : i32
    %add3A_3137 = vector.broadcast %add3A_3136 : i32 to vector<16xi32>
    %add3A_3138 = arith.addi %mul3A_2922, %add3A_3137 : vector<16xi32>
    %gather3A_3139 = tpu.vector_load_idx %arg8[%add3A_2914, %add3A_3138] : memref<128x128xf32, #tpu.memory_space<vmem>>[vector<16xi32>, vector<16xi32>], vector<16xf32>,
    %broadcast_in_dim3A_3140 = arith.constant 19 : i32
    %broadcast_in_dim3A_3141 = vector.broadcast %broadcast_in_dim3A_3140 : i32 to vector<16xi32>
    %gather3A_3142 = tpu.vector_load_idx %arg9[%add3A_2914, %broadcast_in_dim3A_3141] : memref<128x32xf32, #tpu.memory_space<vmem>>[vector<16xi32>, vector<16xi32>], vector<16xf32>,
    %mul3A_3143 = arith.mulf %gather3A_3139, %gather3A_3142 : vector<16xf32>
    %add3A_3144 = arith.addf %add3A_3133, %mul3A_3143 : vector<16xf32>
    %mul3A_3145 = arith.mulf %gather3A_3142, %gather3A_3142 : vector<16xf32>
    %add3A_3146 = arith.addf %add3A_3135, %mul3A_3145 : vector<16xf32>
    %add3A_3147 = arith.constant 20 : i32
    %add3A_3148 = vector.broadcast %add3A_3147 : i32 to vector<16xi32>
    %add3A_3149 = arith.addi %mul3A_2922, %add3A_3148 : vector<16xi32>
    %gather3A_3150 = tpu.vector_load_idx %arg8[%add3A_2914, %add3A_3149] : memref<128x128xf32, #tpu.memory_space<vmem>>[vector<16xi32>, vector<16xi32>], vector<16xf32>,
    %broadcast_in_dim3A_3151 = arith.constant 20 : i32
    %broadcast_in_dim3A_3152 = vector.broadcast %broadcast_in_dim3A_3151 : i32 to vector<16xi32>
    %gather3A_3153 = tpu.vector_load_idx %arg9[%add3A_2914, %broadcast_in_dim3A_3152] : memref<128x32xf32, #tpu.memory_space<vmem>>[vector<16xi32>, vector<16xi32>], vector<16xf32>,
    %mul3A_3154 = arith.mulf %gather3A_3150, %gather3A_3153 : vector<16xf32>
    %add3A_3155 = arith.addf %add3A_3144, %mul3A_3154 : vector<16xf32>
    %mul3A_3156 = arith.mulf %gather3A_3153, %gather3A_3153 : vector<16xf32>
    %add3A_3157 = arith.addf %add3A_3146, %mul3A_3156 : vector<16xf32>
    %add3A_3158 = arith.constant 21 : i32
    %add3A_3159 = vector.broadcast %add3A_3158 : i32 to vector<16xi32>
    %add3A_3160 = arith.addi %mul3A_2922, %add3A_3159 : vector<16xi32>
    %gather3A_3161 = tpu.vector_load_idx %arg8[%add3A_2914, %add3A_3160] : memref<128x128xf32, #tpu.memory_space<vmem>>[vector<16xi32>, vector<16xi32>], vector<16xf32>,
    %broadcast_in_dim3A_3162 = arith.constant 21 : i32
    %broadcast_in_dim3A_3163 = vector.broadcast %broadcast_in_dim3A_3162 : i32 to vector<16xi32>
    %gather3A_3164 = tpu.vector_load_idx %arg9[%add3A_2914, %broadcast_in_dim3A_3163] : memref<128x32xf32, #tpu.memory_space<vmem>>[vector<16xi32>, vector<16xi32>], vector<16xf32>,
    %mul3A_3165 = arith.mulf %gather3A_3161, %gather3A_3164 : vector<16xf32>
    %add3A_3166 = arith.addf %add3A_3155, %mul3A_3165 : vector<16xf32>
    %mul3A_3167 = arith.mulf %gather3A_3164, %gather3A_3164 : vector<16xf32>
    %add3A_3168 = arith.addf %add3A_3157, %mul3A_3167 : vector<16xf32>
    %add3A_3169 = arith.constant 22 : i32
    %add3A_3170 = vector.broadcast %add3A_3169 : i32 to vector<16xi32>
    %add3A_3171 = arith.addi %mul3A_2922, %add3A_3170 : vector<16xi32>
    %gather3A_3172 = tpu.vector_load_idx %arg8[%add3A_2914, %add3A_3171] : memref<128x128xf32, #tpu.memory_space<vmem>>[vector<16xi32>, vector<16xi32>], vector<16xf32>,
    %broadcast_in_dim3A_3173 = arith.constant 22 : i32
    %broadcast_in_dim3A_3174 = vector.broadcast %broadcast_in_dim3A_3173 : i32 to vector<16xi32>
    %gather3A_3175 = tpu.vector_load_idx %arg9[%add3A_2914, %broadcast_in_dim3A_3174] : memref<128x32xf32, #tpu.memory_space<vmem>>[vector<16xi32>, vector<16xi32>], vector<16xf32>,
    %mul3A_3176 = arith.mulf %gather3A_3172, %gather3A_3175 : vector<16xf32>
    %add3A_3177 = arith.addf %add3A_3166, %mul3A_3176 : vector<16xf32>
    %mul3A_3178 = arith.mulf %gather3A_3175, %gather3A_3175 : vector<16xf32>
    %add3A_3179 = arith.addf %add3A_3168, %mul3A_3178 : vector<16xf32>
    %add3A_3180 = arith.constant 23 : i32
    %add3A_3181 = vector.broadcast %add3A_3180 : i32 to vector<16xi32>
    %add3A_3182 = arith.addi %mul3A_2922, %add3A_3181 : vector<16xi32>
    %gather3A_3183 = tpu.vector_load_idx %arg8[%add3A_2914, %add3A_3182] : memref<128x128xf32, #tpu.memory_space<vmem>>[vector<16xi32>, vector<16xi32>], vector<16xf32>,
    %broadcast_in_dim3A_3184 = arith.constant 23 : i32
    %broadcast_in_dim3A_3185 = vector.broadcast %broadcast_in_dim3A_3184 : i32 to vector<16xi32>
    %gather3A_3186 = tpu.vector_load_idx %arg9[%add3A_2914, %broadcast_in_dim3A_3185] : memref<128x32xf32, #tpu.memory_space<vmem>>[vector<16xi32>, vector<16xi32>], vector<16xf32>,
    %mul3A_3187 = arith.mulf %gather3A_3183, %gather3A_3186 : vector<16xf32>
    %add3A_3188 = arith.addf %add3A_3177, %mul3A_3187 : vector<16xf32>
    %mul3A_3189 = arith.mulf %gather3A_3186, %gather3A_3186 : vector<16xf32>
    %add3A_3190 = arith.addf %add3A_3179, %mul3A_3189 : vector<16xf32>
    %add3A_3191 = arith.constant 24 : i32
    %add3A_3192 = vector.broadcast %add3A_3191 : i32 to vector<16xi32>
    %add3A_3193 = arith.addi %mul3A_2922, %add3A_3192 : vector<16xi32>
    %gather3A_3194 = tpu.vector_load_idx %arg8[%add3A_2914, %add3A_3193] : memref<128x128xf32, #tpu.memory_space<vmem>>[vector<16xi32>, vector<16xi32>], vector<16xf32>,
    %broadcast_in_dim3A_3195 = arith.constant 24 : i32
    %broadcast_in_dim3A_3196 = vector.broadcast %broadcast_in_dim3A_3195 : i32 to vector<16xi32>
    %gather3A_3197 = tpu.vector_load_idx %arg9[%add3A_2914, %broadcast_in_dim3A_3196] : memref<128x32xf32, #tpu.memory_space<vmem>>[vector<16xi32>, vector<16xi32>], vector<16xf32>,
    %mul3A_3198 = arith.mulf %gather3A_3194, %gather3A_3197 : vector<16xf32>
    %add3A_3199 = arith.addf %add3A_3188, %mul3A_3198 : vector<16xf32>
    %mul3A_3200 = arith.mulf %gather3A_3197, %gather3A_3197 : vector<16xf32>
    %add3A_3201 = arith.addf %add3A_3190, %mul3A_3200 : vector<16xf32>
    %add3A_3202 = arith.constant 25 : i32
    %add3A_3203 = vector.broadcast %add3A_3202 : i32 to vector<16xi32>
    %add3A_3204 = arith.addi %mul3A_2922, %add3A_3203 : vector<16xi32>
    %gather3A_3205 = tpu.vector_load_idx %arg8[%add3A_2914, %add3A_3204] : memref<128x128xf32, #tpu.memory_space<vmem>>[vector<16xi32>, vector<16xi32>], vector<16xf32>,
    %broadcast_in_dim3A_3206 = arith.constant 25 : i32
    %broadcast_in_dim3A_3207 = vector.broadcast %broadcast_in_dim3A_3206 : i32 to vector<16xi32>
    %gather3A_3208 = tpu.vector_load_idx %arg9[%add3A_2914, %broadcast_in_dim3A_3207] : memref<128x32xf32, #tpu.memory_space<vmem>>[vector<16xi32>, vector<16xi32>], vector<16xf32>,
    %mul3A_3209 = arith.mulf %gather3A_3205, %gather3A_3208 : vector<16xf32>
    %add3A_3210 = arith.addf %add3A_3199, %mul3A_3209 : vector<16xf32>
    %mul3A_3211 = arith.mulf %gather3A_3208, %gather3A_3208 : vector<16xf32>
    %add3A_3212 = arith.addf %add3A_3201, %mul3A_3211 : vector<16xf32>
    %add3A_3213 = arith.constant 26 : i32
    %add3A_3214 = vector.broadcast %add3A_3213 : i32 to vector<16xi32>
    %add3A_3215 = arith.addi %mul3A_2922, %add3A_3214 : vector<16xi32>
    %gather3A_3216 = tpu.vector_load_idx %arg8[%add3A_2914, %add3A_3215] : memref<128x128xf32, #tpu.memory_space<vmem>>[vector<16xi32>, vector<16xi32>], vector<16xf32>,
    %broadcast_in_dim3A_3217 = arith.constant 26 : i32
    %broadcast_in_dim3A_3218 = vector.broadcast %broadcast_in_dim3A_3217 : i32 to vector<16xi32>
    %gather3A_3219 = tpu.vector_load_idx %arg9[%add3A_2914, %broadcast_in_dim3A_3218] : memref<128x32xf32, #tpu.memory_space<vmem>>[vector<16xi32>, vector<16xi32>], vector<16xf32>,
    %mul3A_3220 = arith.mulf %gather3A_3216, %gather3A_3219 : vector<16xf32>
    %add3A_3221 = arith.addf %add3A_3210, %mul3A_3220 : vector<16xf32>
    %mul3A_3222 = arith.mulf %gather3A_3219, %gather3A_3219 : vector<16xf32>
    %add3A_3223 = arith.addf %add3A_3212, %mul3A_3222 : vector<16xf32>
    %add3A_3224 = arith.constant 27 : i32
    %add3A_3225 = vector.broadcast %add3A_3224 : i32 to vector<16xi32>
    %add3A_3226 = arith.addi %mul3A_2922, %add3A_3225 : vector<16xi32>
    %gather3A_3227 = tpu.vector_load_idx %arg8[%add3A_2914, %add3A_3226] : memref<128x128xf32, #tpu.memory_space<vmem>>[vector<16xi32>, vector<16xi32>], vector<16xf32>,
    %broadcast_in_dim3A_3228 = arith.constant 27 : i32
    %broadcast_in_dim3A_3229 = vector.broadcast %broadcast_in_dim3A_3228 : i32 to vector<16xi32>
    %gather3A_3230 = tpu.vector_load_idx %arg9[%add3A_2914, %broadcast_in_dim3A_3229] : memref<128x32xf32, #tpu.memory_space<vmem>>[vector<16xi32>, vector<16xi32>], vector<16xf32>,
    %mul3A_3231 = arith.mulf %gather3A_3227, %gather3A_3230 : vector<16xf32>
    %add3A_3232 = arith.addf %add3A_3221, %mul3A_3231 : vector<16xf32>
    %mul3A_3233 = arith.mulf %gather3A_3230, %gather3A_3230 : vector<16xf32>
    %add3A_3234 = arith.addf %add3A_3223, %mul3A_3233 : vector<16xf32>
    %add3A_3235 = arith.constant 28 : i32
    %add3A_3236 = vector.broadcast %add3A_3235 : i32 to vector<16xi32>
    %add3A_3237 = arith.addi %mul3A_2922, %add3A_3236 : vector<16xi32>
    %gather3A_3238 = tpu.vector_load_idx %arg8[%add3A_2914, %add3A_3237] : memref<128x128xf32, #tpu.memory_space<vmem>>[vector<16xi32>, vector<16xi32>], vector<16xf32>,
    %broadcast_in_dim3A_3239 = arith.constant 28 : i32
    %broadcast_in_dim3A_3240 = vector.broadcast %broadcast_in_dim3A_3239 : i32 to vector<16xi32>
    %gather3A_3241 = tpu.vector_load_idx %arg9[%add3A_2914, %broadcast_in_dim3A_3240] : memref<128x32xf32, #tpu.memory_space<vmem>>[vector<16xi32>, vector<16xi32>], vector<16xf32>,
    %mul3A_3242 = arith.mulf %gather3A_3238, %gather3A_3241 : vector<16xf32>
    %add3A_3243 = arith.addf %add3A_3232, %mul3A_3242 : vector<16xf32>
    %mul3A_3244 = arith.mulf %gather3A_3241, %gather3A_3241 : vector<16xf32>
    %add3A_3245 = arith.addf %add3A_3234, %mul3A_3244 : vector<16xf32>
    %add3A_3246 = arith.constant 29 : i32
    %add3A_3247 = vector.broadcast %add3A_3246 : i32 to vector<16xi32>
    %add3A_3248 = arith.addi %mul3A_2922, %add3A_3247 : vector<16xi32>
    %gather3A_3249 = tpu.vector_load_idx %arg8[%add3A_2914, %add3A_3248] : memref<128x128xf32, #tpu.memory_space<vmem>>[vector<16xi32>, vector<16xi32>], vector<16xf32>,
    %broadcast_in_dim3A_3250 = arith.constant 29 : i32
    %broadcast_in_dim3A_3251 = vector.broadcast %broadcast_in_dim3A_3250 : i32 to vector<16xi32>
    %gather3A_3252 = tpu.vector_load_idx %arg9[%add3A_2914, %broadcast_in_dim3A_3251] : memref<128x32xf32, #tpu.memory_space<vmem>>[vector<16xi32>, vector<16xi32>], vector<16xf32>,
    %mul3A_3253 = arith.mulf %gather3A_3249, %gather3A_3252 : vector<16xf32>
    %add3A_3254 = arith.addf %add3A_3243, %mul3A_3253 : vector<16xf32>
    %mul3A_3255 = arith.mulf %gather3A_3252, %gather3A_3252 : vector<16xf32>
    %add3A_3256 = arith.addf %add3A_3245, %mul3A_3255 : vector<16xf32>
    %add3A_3257 = arith.constant 30 : i32
    %add3A_3258 = vector.broadcast %add3A_3257 : i32 to vector<16xi32>
    %add3A_3259 = arith.addi %mul3A_2922, %add3A_3258 : vector<16xi32>
    %gather3A_3260 = tpu.vector_load_idx %arg8[%add3A_2914, %add3A_3259] : memref<128x128xf32, #tpu.memory_space<vmem>>[vector<16xi32>, vector<16xi32>], vector<16xf32>,
    %broadcast_in_dim3A_3261 = arith.constant 30 : i32
    %broadcast_in_dim3A_3262 = vector.broadcast %broadcast_in_dim3A_3261 : i32 to vector<16xi32>
    %gather3A_3263 = tpu.vector_load_idx %arg9[%add3A_2914, %broadcast_in_dim3A_3262] : memref<128x32xf32, #tpu.memory_space<vmem>>[vector<16xi32>, vector<16xi32>], vector<16xf32>,
    %mul3A_3264 = arith.mulf %gather3A_3260, %gather3A_3263 : vector<16xf32>
    %add3A_3265 = arith.addf %add3A_3254, %mul3A_3264 : vector<16xf32>
    %mul3A_3266 = arith.mulf %gather3A_3263, %gather3A_3263 : vector<16xf32>
    %add3A_3267 = arith.addf %add3A_3256, %mul3A_3266 : vector<16xf32>
    %add3A_3268 = arith.constant 31 : i32
    %add3A_3269 = vector.broadcast %add3A_3268 : i32 to vector<16xi32>
    %add3A_3270 = arith.addi %mul3A_2922, %add3A_3269 : vector<16xi32>
    %gather3A_3271 = tpu.vector_load_idx %arg8[%add3A_2914, %add3A_3270] : memref<128x128xf32, #tpu.memory_space<vmem>>[vector<16xi32>, vector<16xi32>], vector<16xf32>,
    %broadcast_in_dim3A_3272 = arith.constant 31 : i32
    %broadcast_in_dim3A_3273 = vector.broadcast %broadcast_in_dim3A_3272 : i32 to vector<16xi32>
    %gather3A_3274 = tpu.vector_load_idx %arg9[%add3A_2914, %broadcast_in_dim3A_3273] : memref<128x32xf32, #tpu.memory_space<vmem>>[vector<16xi32>, vector<16xi32>], vector<16xf32>,
    %mul3A_3275 = arith.mulf %gather3A_3271, %gather3A_3274 : vector<16xf32>
    %add3A_3276 = arith.addf %add3A_3265, %mul3A_3275 : vector<16xf32>
    %mul3A_3277 = arith.mulf %gather3A_3274, %gather3A_3274 : vector<16xf32>
    %add3A_3278 = arith.addf %add3A_3267, %mul3A_3277 : vector<16xf32>
    %bitcast3A_3279 = vector.bitcast %add3A_3278 : vector<16xf32> to vector<16xi32>
    %shift_right_arithmetic3A_3280 = arith.constant 1 : i32
    %shift_right_arithmetic3A_3281 = vector.broadcast %shift_right_arithmetic3A_3280 : i32 to vector<16xi32>
    %shift_right_arithmetic3A_3282 = arith.shrsi %bitcast3A_3279, %shift_right_arithmetic3A_3281 : vector<16xi32>
    %sub3A_3283 = arith.constant 1597463007 : i32
    %sub3A_3284 = vector.broadcast %sub3A_3283 : i32 to vector<16xi32>
    %sub3A_3285 = arith.subi %sub3A_3284, %shift_right_arithmetic3A_3282 : vector<16xi32>
    %bitcast3A_3286 = vector.bitcast %sub3A_3285 : vector<16xi32> to vector<16xf32>
    %mul3A_3287 = arith.constant 5.000000e-01 : f32
    %mul3A_3288 = vector.broadcast %mul3A_3287 : f32 to vector<16xf32>
    %mul3A_3289 = arith.mulf %mul3A_3288, %add3A_3278 : vector<16xf32>
    %mul3A_3290 = arith.mulf %mul3A_3289, %bitcast3A_3286 : vector<16xf32>
    %mul3A_3291 = arith.mulf %mul3A_3290, %bitcast3A_3286 : vector<16xf32>
    %sub3A_3292 = arith.constant 1.500000e+00 : f32
    %sub3A_3293 = vector.broadcast %sub3A_3292 : f32 to vector<16xf32>
    %sub3A_3294 = arith.subf %sub3A_3293, %mul3A_3291 : vector<16xf32>
    %mul3A_3295 = arith.mulf %bitcast3A_3286, %sub3A_3294 : vector<16xf32>
    %mul3A_3296 = arith.constant 5.000000e-01 : f32
    %mul3A_3297 = vector.broadcast %mul3A_3296 : f32 to vector<16xf32>
    %mul3A_3298 = arith.mulf %mul3A_3297, %add3A_3278 : vector<16xf32>
    %mul3A_3299 = arith.mulf %mul3A_3298, %mul3A_3295 : vector<16xf32>
    %mul3A_3300 = arith.mulf %mul3A_3299, %mul3A_3295 : vector<16xf32>
    %sub3A_3301 = arith.constant 1.500000e+00 : f32
    %sub3A_3302 = vector.broadcast %sub3A_3301 : f32 to vector<16xf32>
    %sub3A_3303 = arith.subf %sub3A_3302, %mul3A_3300 : vector<16xf32>
    %mul3A_3304 = arith.mulf %mul3A_3295, %sub3A_3303 : vector<16xf32>
    %mul3A_3305 = arith.constant 5.000000e-01 : f32
    %mul3A_3306 = vector.broadcast %mul3A_3305 : f32 to vector<16xf32>
    %mul3A_3307 = arith.mulf %mul3A_3306, %add3A_3278 : vector<16xf32>
    %mul3A_3308 = arith.mulf %mul3A_3307, %mul3A_3304 : vector<16xf32>
    %mul3A_3309 = arith.mulf %mul3A_3308, %mul3A_3304 : vector<16xf32>
    %sub3A_3310 = arith.constant 1.500000e+00 : f32
    %sub3A_3311 = vector.broadcast %sub3A_3310 : f32 to vector<16xf32>
    %sub3A_3312 = arith.subf %sub3A_3311, %mul3A_3309 : vector<16xf32>
    %mul3A_3313 = arith.mulf %mul3A_3304, %sub3A_3312 : vector<16xf32>
    %mul3A_3314 = arith.mulf %add3A_3278, %mul3A_3313 : vector<16xf32>
    %add3A_3315 = arith.constant 9.99999996E-13 : f32
    %add3A_3316 = vector.broadcast %add3A_3315 : f32 to vector<16xf32>
    %add3A_3317 = arith.addf %mul3A_3314, %add3A_3316 : vector<16xf32>
    %div3A_3318 = arith.divf %add3A_3276, %add3A_3317 : vector<16xf32>
    %add3A_3319 = arith.addf %add3A_2911, %div3A_3318 : vector<16xf32>
    %swap3A_3320 = arith.constant 0 : index
    %swap3A_3321 = tpu.vector_load %arg10[%swap3A_3320] {strides = array<i32>} : memref<16xf32, #tpu.memory_space<vmem>>, vector<16xf32>,
    tpu.vector_store %arg10[%swap3A_3320], %add3A_3319 {strides = array<i32>} : memref<16xf32, #tpu.memory_space<vmem>>, vector<16xf32>,
    "tpu.region"() ({
      %run_scoped3A = tpu.sem_alloc : memref<!tpu.dma_semaphore, #tpu.memory_space<semaphore_mem>>
      %dma_start3A_3322 = arith.constant 0 : i32
      %dma_start3A_3323 = tpu.memref_slice %arg5[%add3A, %dma_start3A_3322] : memref<32x16xf32, #tpu.memory_space<hbm>> -> memref<1x16xf32, #tpu.memory_space<hbm>>
      %dma_start3A_3324 = tpu.memref_squeeze %dma_start3A_3323 : memref<1x16xf32, #tpu.memory_space<hbm>> -> memref<16xf32, #tpu.memory_space<hbm>>
      %dma_start3A_3325 = arith.constant 0 : i32
      %dma_start3A_3326 = tpu.memref_slice %arg5[%add3A, %dma_start3A_3325] : memref<32x16xf32, #tpu.memory_space<hbm>> -> memref<1x16xf32, #tpu.memory_space<hbm>>
      %dma_start3A_3327 = tpu.memref_squeeze %dma_start3A_3326 : memref<1x16xf32, #tpu.memory_space<hbm>> -> memref<16xf32, #tpu.memory_space<hbm>>
      tpu.enqueue_dma source(%arg10 : memref<16xf32, #tpu.memory_space<vmem>>) target(%dma_start3A_3327 : memref<16xf32, #tpu.memory_space<hbm>>) target_semaphore(%run_scoped3A : memref<!tpu.dma_semaphore, #tpu.memory_space<semaphore_mem>>)
      %dma_wait3A_3328 = arith.constant 0 : i32
      %dma_wait3A_3329 = tpu.memref_slice %arg5[%add3A, %dma_wait3A_3328] : memref<32x16xf32, #tpu.memory_space<hbm>> -> memref<1x16xf32, #tpu.memory_space<hbm>>
      %dma_wait3A_3330 = tpu.memref_squeeze %dma_wait3A_3329 : memref<1x16xf32, #tpu.memory_space<hbm>> -> memref<16xf32, #tpu.memory_space<hbm>>
      %dma_wait3A_3331 = arith.constant 0 : i32
      %dma_wait3A_3332 = tpu.memref_slice %arg5[%add3A, %dma_wait3A_3331] : memref<32x16xf32, #tpu.memory_space<hbm>> -> memref<1x16xf32, #tpu.memory_space<hbm>>
      %dma_wait3A_3333 = tpu.memref_squeeze %dma_wait3A_3332 : memref<1x16xf32, #tpu.memory_space<hbm>> -> memref<16xf32, #tpu.memory_space<hbm>>
      tpu.wait_dma2 semaphore(%run_scoped3A : memref<!tpu.dma_semaphore, #tpu.memory_space<semaphore_mem>>) src(%arg10 : memref<16xf32, #tpu.memory_space<vmem>>) dst(%dma_wait3A_3333 : memref<16xf32, #tpu.memory_space<hbm>>)
      tpu.yield
    }) : () -> ()
    return
  }
}

module attributes {stable_mosaic.version = 14 : i64} {
  func.func @_tc_body(%arg0: i32, %arg1: memref<1024x32xf32, #tpu.memory_space<vmem>>, %arg2: memref<8192x32xf32, #tpu.memory_space<vmem>>, %arg3: memref<1x1xf32, #tpu.memory_space<vmem>>) attributes {dimension_semantics = [#tpu.dimension_semantics<arbitrary>], iteration_bounds = array<i64: 4>, scalar_prefetch = 0 : i64, scratch_operands = 0 : i64, tpu.core_type = #tpu.core_type<tc>, window_params = [{transform_indices = @transform_0, window_bounds = array<i64: 1024, 32>}, {pipeline_mode = #tpu.pipeline_mode<synchronous>, transform_indices = @transform_1, window_bounds = array<i64: 8192, 32>}, {pipeline_mode = #tpu.pipeline_mode<synchronous>, transform_indices = @transform_2, window_bounds = array<i64: 1, 1>}]} {
    %get3A = arith.constant 0 : index
    %get3A_0 = arith.constant 0 : index
    %get3A_1 = vector.load %arg1[%get3A, %get3A_0] : memref<1024x32xf32, #tpu.memory_space<vmem>>, vector<1024x32xf32>
    %mul3A = arith.mulf %get3A_1, %get3A_1 : vector<1024x32xf32>
    %reduce_sum3A = arith.constant dense<0.000000e+00> : vector<1024xf32>
    %reduce_sum3A_2 = vector.multi_reduction <add>, %mul3A, %reduce_sum3A [1] : vector<1024x32xf32> to vector<1024xf32>
    %broadcast_in_dim3A = vector.shape_cast %reduce_sum3A_2 : vector<1024xf32> to vector<1024x1xf32>
    %sqrt3A = math.sqrt %broadcast_in_dim3A : vector<1024x1xf32>
    %mul3A_3 = arith.constant 2.885390e+01 : f32
    %mul3A_4 = vector.broadcast %mul3A_3 : f32 to vector<1024x32xf32>
    %mul3A_5 = arith.mulf %get3A_1, %mul3A_4 : vector<1024x32xf32>
    %add3A = arith.constant 9.99999996E-13 : f32
    %add3A_6 = vector.broadcast %add3A : f32 to vector<1024x1xf32>
    %add3A_7 = arith.addf %sqrt3A, %add3A_6 : vector<1024x1xf32>
    %div3A = vector.broadcast %add3A_7 : vector<1024x1xf32> to vector<1024x32xf32>
    %div3A_8 = arith.divf %mul3A_5, %div3A : vector<1024x32xf32>
    %convert_element_type3A = arith.truncf %div3A_8 : vector<1024x32xf32> to vector<1024x32xbf16>
    %get3A_9 = arith.constant 0 : index
    %get3A_10 = arith.constant 0 : index
    %get3A_11 = vector.load %arg2[%get3A_9, %get3A_10] : memref<8192x32xf32, #tpu.memory_space<vmem>>, vector<8192x32xf32>
    %convert_element_type3A_12 = arith.truncf %get3A_11 : vector<8192x32xf32> to vector<8192x32xbf16>
    %dot_general3A = arith.constant dense<0.000000e+00> : vector<1024x8192xf32>
    %dot_general3A_13 = tpu.matmul %convert_element_type3A, %convert_element_type3A_12, %dot_general3A {dimension_numbers = #tpu.dot_dimension_numbers<[1], [1], [0], [0], [0, 0, 1, 0], [], []>, transpose_lhs_hint = false} : vector<1024x32xbf16>, vector<8192x32xbf16>, vector<1024x8192xf32> -> vector<1024x8192xf32>
    %exp23A = math.exp2 %dot_general3A_13 : vector<1024x8192xf32>
    %reduce_sum3A_14 = arith.constant dense<0.000000e+00> : vector<1024xf32>
    %reduce_sum3A_15 = vector.multi_reduction <add>, %exp23A, %reduce_sum3A_14 [1] : vector<1024x8192xf32> to vector<1024xf32>
    %broadcast_in_dim3A_16 = vector.shape_cast %reduce_sum3A_15 : vector<1024xf32> to vector<1024x1xf32>
    %log3A = math.log %broadcast_in_dim3A_16 : vector<1024x1xf32>
    %reduce_sum3A_17 = vector.shape_cast %log3A : vector<1024x1xf32> to vector<1x1024x1xf32>
    %reduce_sum3A_18 = arith.constant dense<0.000000e+00> : vector<1xf32>
    %reduce_sum3A_19 = vector.multi_reduction <add>, %reduce_sum3A_17, %reduce_sum3A_18 [1, 2] : vector<1x1024x1xf32> to vector<1xf32>
    %reduce_sum3A_20 = vector.shape_cast %reduce_sum3A_19 : vector<1xf32> to vector<1x1x1xf32>
    %reduce_sum3A_21 = vector.extract %reduce_sum3A_20[0, 0, 0] : f32 from vector<1x1x1xf32>
    %broadcast_in_dim3A_22 = vector.broadcast %reduce_sum3A_21 : f32 to vector<1x1xf32>
    %mul3A_23 = arith.constant 2.44140625E-4 : f32
    %mul3A_24 = vector.broadcast %mul3A_23 : f32 to vector<1x1xf32>
    %mul3A_25 = arith.mulf %broadcast_in_dim3A_22, %mul3A_24 : vector<1x1xf32>
    %eq3A = arith.constant 0 : i32
    %eq3A_26 = arith.cmpi eq, %arg0, %eq3A : i32
    %convert_element_type3A_27 = arith.extui %eq3A_26 : i1 to i32
    %cond3A = arith.constant 0 : i32
    %cond3A_28 = arith.cmpi ne, %convert_element_type3A_27, %cond3A : i32
    scf.if %cond3A_28 {
      %broadcast_in_dim3A_35 = arith.constant 0.000000e+00 : f32
      %broadcast_in_dim3A_36 = vector.broadcast %broadcast_in_dim3A_35 : f32 to vector<1x1xf32>
      %swap3A_37 = arith.constant 0 : index
      %swap3A_38 = arith.constant 0 : index
      %swap3A_39 = vector.load %arg3[%swap3A_37, %swap3A_38] : memref<1x1xf32, #tpu.memory_space<vmem>>, vector<1x1xf32>
      tpu.vector_store %arg3[%swap3A_37, %swap3A_38], %broadcast_in_dim3A_36 {strides = array<i32>} : memref<1x1xf32, #tpu.memory_space<vmem>>, vector<1x1xf32>,
    } else {
    }
    %get3A_29 = arith.constant 0 : index
    %get3A_30 = arith.constant 0 : index
    %get3A_31 = vector.load %arg3[%get3A_29, %get3A_30] : memref<1x1xf32, #tpu.memory_space<vmem>>, vector<1x1xf32>
    %add3A_32 = arith.addf %get3A_31, %mul3A_25 : vector<1x1xf32>
    %swap3A = arith.constant 0 : index
    %swap3A_33 = arith.constant 0 : index
    %swap3A_34 = vector.load %arg3[%swap3A, %swap3A_33] : memref<1x1xf32, #tpu.memory_space<vmem>>, vector<1x1xf32>
    tpu.vector_store %arg3[%swap3A, %swap3A_33], %add3A_32 {strides = array<i32>} : memref<1x1xf32, #tpu.memory_space<vmem>>, vector<1x1xf32>,
    return
  }
  func.func @transform_0(%arg0: i32) -> (i32, i32) {
    %c0_i32 = arith.constant 0 : i32
    %c0_i32_0 = arith.constant 0 : i32
    return %arg0, %c0_i32 : i32, i32
  }
  func.func @transform_1(%arg0: i32) -> (i32, i32) {
    %c0_i32 = arith.constant 0 : i32
    %c0_i32_0 = arith.constant 0 : i32
    %c0_i32_1 = arith.constant 0 : i32
    return %c0_i32, %c0_i32_0 : i32, i32
  }
  func.func @transform_2(%arg0: i32) -> (i32, i32) {
    %c0_i32 = arith.constant 0 : i32
    %c0_i32_0 = arith.constant 0 : i32
    %c0_i32_1 = arith.constant 0 : i32
    return %c0_i32, %c0_i32_0 : i32, i32
  }
}

</mosaic_0001>

<sc_bundles>
// kernel: kernel.4.cloned.1.call-start
scs
__scs_entry_jumppad:
0x0: {  	(pc) =	sbr.rel $0x88, $3  }
0x1: {  	(tag) =	ssettag $0x0;
	lr =	simm.s32 $0x1  }
0x2: {  	[smem:$0x3F9E] =	sst lr;
	_ =	strace $0xD0000000  }
0x3: {  	_ = 	snop  }
0x4: {  	_ = 	snop  }
0x5: {  	_ = 	snop  }
0x6: {  	_ = 	snop  }
0x7: {  	_ = 	snop  }
__scs_overlays_trampoline_lowered:
0x8: {  	[smem:$0x3FAD] =	sst s0  }
0x9: {  	[smem:$0x3FAE] =	sst s1  }
0xa: {  	[smem:$0x3FAF] =	sst s2  }
0xb: {  	[smem:$0x3FB0] =	sst s3  }
0xc: {  	[smem:$0x3FB1] =	sst s4  }
0xd: {  	[smem:$0x3FB2] =	sst s5  }
0xe: {  	[smem:$0x3FB3] =	sst s6  }
0xf: {  	[smem:$0x3FB4] =	sst s7  }
0x10: {  	[smem:$0x3FB5] =	sst s8  }
0x11: {  	[smem:$0x3FB6] =	sst s9;
	s0 =	simm.s32 @!p0 $0x0  }
0x12: {  	s1 =	sld [smem:$0x3F9C];
	s0 =	simm.s32 @p0 $0x1  }
0x13: {  	[smem:$0x3FB7] =	sst s0;
	s0 =	simm.s32 @!p1 $0x0  }
0x14: {  	s2 =	sld [smem:$0x3F9B];
	s0 =	simm.s32 @p1 $0x1  }
0x15: {  	[smem:$0x3FB8] =	sst s0;
	s0 =	simm.s32 @!p2 $0x0  }
0x16: {  	s3 =	sld [smem:$0x3FDB];
	s0 =	simm.s32 @p2 $0x1  }
0x17: {  	s4 =	simm.s32 $0x1BF5;
	[smem:$0x3FBA] =	sst s0  }
0x18: {  	s0 =	sld [smem:$0x3F9D];
	_ =	swait.ge [sflag:s4], $0x0  }
0x19: {  	s7 =	sld [smem:$0x3F9E]  }
0x1a: {  	s8 =	sadd.s32 $0xFFFFE003, lr  }
0x1b: {  	s9 =	sadd.s32 $0xFFFFFEF7, lr;
	s5 =	simm.s32 $0xFFFFFFFF;
	p2 =	slt.u32 s8, $0xFFFFF086  }
0x1c: {  	p1 =	slt.u32 s9, $0xF7A;
	s5 =	simm.s32 @!p2 $0x0  }
0x1d: {  	s5 =	simm.s32 @p1 $0x1;
	p0 =	seq.s32 s7, s2  }
0x1e: {  	s7 =	smul.u32 @!p0 $0xF7A, s2;
	p2 =	seq.s32 @!p0 s5, $0x0  }
0x1f: {  	s9 =	smul.u32 $0xF7A, s1;
	s8 =	simm.s32 @!p0 $0x1BF5;
	p2 =	por !p2, p0  }
0x20: {  	[sflag:s8] =	ssyncset.s32 @!p0 $0xFFFFF086;
	s6 =	sadd.s32 @!p0 s3, s7;
	s7 =	simm.s32 @!p0 $0x108  }
0x21: {  	s3 =	sadd.s32 s3, s9;
	s6 =	sadd.s32 @!p0 $0x88, s6;
	s7 =	simm.s32 @p2 $0x1082  }
0x22: {  	[simem:s7], [sflag:s8] =	dma.local @!p0 [hbm:s6], $0xF7A  }
0x23: {  	s9 =	sor.u32 $0xD0000000, s2;
	s6 =	simm.s32 $0x108;
	_ =	swait.ge @!p0 [sflag:s8], $0x0  }
0x24: {  	s3 =	sadd.s32 $0x88, s3;
	s6 =	simm.s32 @!p1 $0x1082;
	[sflag:s4] =	ssyncset.s32 $0xFFFFF086  }
0x25: {  	[simem:s6], [sflag:s4] =	dma.local [hbm:s3], $0xF7A  }
0x26: {  	[smem:$0x3F9E] =	sst s1;
	(tag) =	ssettag s2;
	_ =	strace s9  }
0x27: {  	s1 =	sld [smem:$0x3FAE]  }
0x28: {  	s2 =	sld [smem:$0x3FAF]  }
0x29: {  	s4 =	sld [smem:$0x3FB1]  }
0x2a: {  	p0 =	seq.s32 s5, $0x0;
	s5 =	sld [smem:$0x3FB2]  }
0x2b: {  	s6 =	sld [smem:$0x3FB3]  }
0x2c: {  	s7 =	sld [smem:$0x3FB4]  }
0x2d: {  	s3 =	simm.s32 $0x108;
	s8 =	sld [smem:$0x3FB5]  }
0x2e: {  	s3 =	simm.s32 @!p0 $0x1082;
	s9 =	sld [smem:$0x3FB6]  }
0x2f: {  	lr =	sadd.s32 s0, s3;
	s0 =	sld [smem:$0x3FAD]  }
0x30: {  	s3 =	sld [smem:$0x3FB0]  }
0x31: {  	[smem:$0x3FB9] =	sst s10  }
0x32: {  	s10 =	sld [smem:$0x3FB7];
	_ =	sdelay $0x3  }
0x33: {  	p0 =	seq.s32 s10, $0x1;
	s10 =	sld [smem:$0x3FB9];
	_ =	sdelay $0x3  }
0x34: {  	[smem:$0x3FB9] =	sst s10  }
0x35: {  	s10 =	sld [smem:$0x3FB8];
	_ =	sdelay $0x3  }
0x36: {  	p1 =	seq.s32 s10, $0x1;
	s10 =	sld [smem:$0x3FB9];
	_ =	sdelay $0x3  }
0x37: {  	[smem:$0x3FB9] =	sst s10  }
0x38: {  	s10 =	sld [smem:$0x3FBA]  }
0x39: {  	_ = 	snop;
	(pc) =	sbr.ind lr, $3  }
0x3a: {  	_ = 	snop  }
0x3b: {  	_ = 	snop  }
0x3c: {  	p2 =	seq.s32 s10, $0x1;
	s10 =	sld [smem:$0x3FB9]  }
0x3d: {  	_ =	shalt  }
0x3e: {  	_ =	shalt  }
0x3f: {  	_ =	shalt  }
0x40: {  	_ =	shalt  }
0x41: {  	_ =	shalt  }
0x42: {  	_ =	shalt  }
0x43: {  	_ =	shalt  }
0x44: {  	_ =	shalt  }
0x45: {  	_ =	shalt  }
0x46: {  	_ =	shalt  }
0x47: {  	_ =	shalt  }
0x48: {  	_ =	shalt  }
0x49: {  	_ =	shalt  }
0x4a: {  	_ =	shalt  }
0x4b: {  	_ =	shalt  }
0x4c: {  	_ =	shalt  }
0x4d: {  	_ =	shalt  }
0x4e: {  	_ =	shalt  }
0x4f: {  	_ =	shalt  }
0x50: {  	_ =	shalt  }
0x51: {  	_ =	shalt  }
0x52: {  	_ =	shalt  }
0x53: {  	_ =	shalt  }
0x54: {  	_ =	shalt  }
0x55: {  	_ =	shalt  }
0x56: {  	_ =	shalt  }
0x57: {  	_ =	shalt  }
0x58: {  	_ =	shalt  }
0x59: {  	_ =	shalt  }
0x5a: {  	_ =	shalt  }
0x5b: {  	_ =	shalt  }
0x5c: {  	_ =	shalt  }
0x5d: {  	_ =	shalt  }
0x5e: {  	_ =	shalt  }
0x5f: {  	_ =	shalt  }
0x60: {  	_ =	shalt  }
0x61: {  	_ =	shalt  }
0x62: {  	_ =	shalt  }
0x63: {  	_ =	shalt  }
0x64: {  	_ =	shalt  }
0x65: {  	_ =	shalt  }
0x66: {  	_ =	shalt  }
0x67: {  	_ =	shalt  }
0x68: {  	_ =	shalt  }
0x69: {  	_ =	shalt  }
0x6a: {  	_ =	shalt  }
0x6b: {  	_ =	shalt  }
0x6c: {  	_ =	shalt  }
0x6d: {  	_ =	shalt  }
0x6e: {  	_ =	shalt  }
0x6f: {  	_ =	shalt  }
0x70: {  	_ =	shalt  }
0x71: {  	_ =	shalt  }
0x72: {  	_ =	shalt  }
0x73: {  	_ =	shalt  }
0x74: {  	_ =	shalt  }
0x75: {  	_ =	shalt  }
0x76: {  	_ =	shalt  }
0x77: {  	_ =	shalt  }
0x78: {  	_ =	shalt  }
0x79: {  	_ =	shalt  }
0x7a: {  	_ =	shalt  }
0x7b: {  	_ =	shalt  }
0x7c: {  	_ =	shalt  }
0x7d: {  	_ =	shalt  }
0x7e: {  	_ =	shalt  }
0x7f: {  	_ =	shalt  }
0x80: {  	_ =	shalt  }
0x81: {  	_ =	shalt  }
0x82: {  	_ =	shalt  }
0x83: {  	_ =	shalt  }
0x84: {  	_ =	shalt  }
0x85: {  	_ =	shalt  }
0x86: {  	_ =	shalt  }
0x87: {  	_ =	shalt  }
.Lfunc_end0:
.L_simem_size_0:
called_computation_lowered:
.L_overlay_start_0:
0x88: {  	s2 =	sld [smem:$0x3FD9]  }
0x89: {  	s3 =	sld [smem:$0x3FFE];
	_ =	sdelay $0x1  }
0x8a: {  	s1 =	srdreg.scid  }
0x8b: {  	s0 =	sand.u32 $0x1, s1  }
0x8c: {  	s17 =	sshll.u32 s0, $0xA;
	s2 =	sadd.s32 s3, s2  }
0x8d: {  	s2 =	sadd.s32 s2, s17  }
0x8e: {  	[smem:$0x3FC5] =	sst s2  }
0x8f: {  	_ = 	snop  }
0x90: {  	s2 =	sld [smem:$0x3FC8];
	(tm) =	ssettm $0x1  }
0x91: {  	s18 =	sld [smem:$0x3FFB];
	_ =	sdelay $0x3  }
0x92: {  	_ =	strace s18  }
0x93: {  	s3 =	sld [smem:$0x3FFC];
	_ =	sdelay $0x3  }
0x94: {  	_ =	strace s3  }
0x95: {  	s3 =	sld [smem:$0x3FFD];
	_ =	sdelay $0x3  }
0x96: {  	_ =	strace s3  }
0x97: {  	_ =	strace $0x8FFFFFFF  }
0x98: {  	s19 =	sld [smem:$0x3FDB];
	_ =	sdelay $0x1  }
0x99: {  	s4 =	simm.s32 $_scs_section_size  }
0x9a: {  	s5 =	simm.s32 $_size__tile_overlayer_lowered;
	s6 =	simm.s32 $_tile_overlayer_lowered  }
0x9b: {  	s22 =	simm.s32 $0x1BFF;
	s21 =	sshll.u32 s6, $0x1;
	s3 =	sadd.s32 s4, s19  }
0x9c: {  	s7 =	simm.s32 $0x0;
	s20 =	sshll.u32 s5, $0x1;
	s5 =	sadd.s32 s21, s3  }
0x9d: {  	[timem:s7], [sflag:s22] =	dma.local [hbm:s5], s20  }
0x9e: {  	_ =	swait.ge [sflag:s22], s20  }
0x9f: {  	s4 =	ssub.s32 $0x0, s20;
	[sflag:s22] =	ssyncset.done $0x0  }
0xa0: {  	[sflag:s22] =	ssyncadd.s32 s4;
	_ =	sdelay $0x1  }
0xa1: {  	s23 =	simm.s32 $0x1B8B  }
0xa2: {  	_ =	swait.ge [sflag:s23], $0x1  }
0xa3: {  	[sflag:s23] =	ssyncset.done $0x0  }
0xa4: {  	s25 =	simm.s32 $0x1B8E;
	s24 =	sld [smem:$0x3FFE];
	[sflag:s23] =	ssyncadd.s32 $0xFFFFFFFF  }
0xa5: {  	s26 =	simm.s32 $execute0_lowered;
	[smem:$0x3FD2] =	sst s25  }
0xa6: {  	s5 =	sshll.u32 s26, $0x1;
	_ =	strace $0x80000046;
	[dreg:$0x1] =	wrdreg $0xFFFFFFFF  }
0xa7: {  	s28 =	simm.s32 $_size_execute0_lowered;
	s3 =	sadd.s32 s3, s5;
	[dreg:$0x0] =	wrdreg $0x0  }
0xa8: {  	s5 =	sshll.u32 s28, $0x1;
	[dreg:$0x2] =	wrdreg s3  }
0xa9: {  	[dreg:$0x3] =	wrdreg s5  }
0xaa: {  	[dreg:$0x4] =	wrdreg $0xC0  }
0xab: {  	_ =	task [dreg:s7], $0x5FFFF  }
0xac: {  	[dreg:$0x1] =	wrdreg $0xFFFFFFFF  }
0xad: {  	[dreg:$0x0] =	wrdreg $0x60  }
0xae: {  	[dreg:$0x2] =	wrdreg s24  }
0xaf: {  	[dreg:$0x3] =	wrdreg s2  }
0xb0: {  	[dreg:$0x4] =	wrdreg $0x9  }
0xb1: {  	_ =	task.clear_ibuf [dreg:s7], $0x5FFFF;
	_ =	strace $0x90000046  }
0xb2: {  	s29 =	simm.s32 $0x9;
	_ =	strace $0x80000048  }
0xb3: {  	_ =	swait.ge [sflag:s29], $0x1  }
0xb4: {  	[sflag:s29] =	ssyncadd.s32 $0xFFFFFFFF  }
0xb5: {  	_ =	strace $0x90000048  }
0xb6: {  	_ =	sfence  }
0xb7: {  	s30 =	sld [smem:$0x0];
	_ =	sdelay $0x2  }
0xb8: {  	s31 =	sshll.u32 s1, $0xD;
	s1 =	sshrl.u32 s1, $0x2  }
0xb9: {  	s3 =	sand.u32 $0x4000, s31;
	s1 =	sadd.s32 s1, s30  }
0xba: {  	s0 =	sor.u32 s3, s0;
	s1 =	sshll.u32 s1, $0x11  }
0xbb: {  	s0 =	sor.u32 s1, s0  }
0xbc: {  	s0 =	sadd.s32 $0x8F2B, s0  }
0xbd: {  	[sflag:s0] =	ssyncadd.remote.s32 $0x1  }
0xbe: {  	_ =	sfence.sel $0xFFFF  }
0xbf: {  	[dreg:$0x0] =	wrdreg $0xFFFFFFFF;
	(pc) =	sbr.abs _section_cstart, $3  }
0xc0: {  	[dreg:$0x1] =	wrdreg $0xFFFFFFFF  }
0xc1: {  	_ =	task.clear_ibuf [dreg:s7], $0x2FFFF;
	_ =	strace $0x9FFFFFFF  }
0xc2: {  	(tm) =	ssettm $0x7FFFFFFF  }
0xc3: {  	_ =	shalt  }
tec
execute0_lowered:
.L_overlay_start_1:
0x0: {  	(tag) =	ssettag $0x1  }
0x1: {  	v0 =	vlaneseq.u32  }
0x2: {  	v0 =	vmul.u32 $0x80, v0;
	_ =	sdelay $0x1  }
0x3: {  	v1 =	vor.u32 $0x1, v0  }
0x4: {  	[tilespmem:$0x1FC10] =	vst v1;
	v1 =	vor.u32 $0x2, v0  }
0x5: {  	[tilespmem:$0x1FC20] =	vst v1;
	v1 =	vor.u32 $0x3, v0  }
0x6: {  	[tilespmem:$0x1FC30] =	vst v1;
	v1 =	vor.u32 $0x4, v0  }
0x7: {  	[tilespmem:$0x1FC40] =	vst v1;
	v1 =	vor.u32 $0x5, v0  }
0x8: {  	[tilespmem:$0x1FC50] =	vst v1;
	v1 =	vor.u32 $0x6, v0  }
0x9: {  	[tilespmem:$0x1FC60] =	vst v1;
	v1 =	vor.u32 $0x7, v0  }
0xa: {  	[tilespmem:$0x1FC70] =	vst v1;
	v1 =	vor.u32 $0x8, v0  }
0xb: {  	[tilespmem:$0x1FC80] =	vst v1;
	v1 =	vor.u32 $0x9, v0  }
0xc: {  	[tilespmem:$0x1FC90] =	vst v1;
	v1 =	vor.u32 $0xA, v0  }
0xd: {  	[tilespmem:$0x1FCA0] =	vst v1;
	v1 =	vor.u32 $0xB, v0  }
0xe: {  	[tilespmem:$0x1FCB0] =	vst v1;
	v1 =	vor.u32 $0xC, v0  }
0xf: {  	[tilespmem:$0x1FCC0] =	vst v1;
	v1 =	vor.u32 $0xD, v0  }
0x10: {  	[tilespmem:$0x1FCD0] =	vst v1;
	v1 =	vor.u32 $0xE, v0  }
0x11: {  	[tilespmem:$0x1FCE0] =	vst v1;
	v1 =	vor.u32 $0xF, v0  }
0x12: {  	[tilespmem:$0x1FCF0] =	vst v1;
	v1 =	vor.u32 $0x10, v0  }
0x13: {  	[tilespmem:$0x1FD00] =	vst v1;
	v1 =	vor.u32 $0x11, v0  }
0x14: {  	[tilespmem:$0x1FD10] =	vst v1;
	v1 =	vor.u32 $0x12, v0  }
0x15: {  	[tilespmem:$0x1FD20] =	vst v1;
	v1 =	vor.u32 $0x13, v0  }
0x16: {  	[tilespmem:$0x1FD30] =	vst v1;
	v1 =	vor.u32 $0x14, v0  }
0x17: {  	[tilespmem:$0x1FD40] =	vst v1;
	v1 =	vor.u32 $0x15, v0  }
0x18: {  	[tilespmem:$0x1FD50] =	vst v1;
	v1 =	vor.u32 $0x16, v0  }
0x19: {  	[tilespmem:$0x1FD60] =	vst v1;
	v1 =	vor.u32 $0x17, v0  }
0x1a: {  	[tilespmem:$0x1FD70] =	vst v1;
	v1 =	vor.u32 $0x18, v0  }
0x1b: {  	[tilespmem:$0x1FD80] =	vst v1;
	v1 =	vor.u32 $0x19, v0  }
0x1c: {  	[tilespmem:$0x1FD90] =	vst v1;
	v1 =	vor.u32 $0x1A, v0  }
0x1d: {  	[tilespmem:$0x1FDA0] =	vst v1;
	v1 =	vor.u32 $0x1B, v0  }
0x1e: {  	[tilespmem:$0x1FDB0] =	vst v1;
	v1 =	vor.u32 $0x1C, v0  }
0x1f: {  	[tilespmem:$0x1FDC0] =	vst v1;
	v1 =	vor.u32 $0x1D, v0  }
0x20: {  	[tilespmem:$0x1FDD0] =	vst v1;
	v1 =	vor.u32 $0x1E, v0  }
0x21: {  	[tilespmem:$0x1FDE0] =	vst v1;
	v1 =	vor.u32 $0x1F, v0  }
0x22: {  	[tilespmem:$0x1FDF0] =	vst v1;
	v1 =	vor.u32 $0x800, v0  }
0x23: {  	[tilespmem:$0x1FE00] =	vst v1;
	v1 =	vor.u32 $0x801, v0  }
0x24: {  	[tilespmem:$0x1FE10] =	vst v1;
	v1 =	vor.u32 $0x802, v0  }
0x25: {  	[tilespmem:$0x1FE20] =	vst v1;
	v1 =	vor.u32 $0x803, v0  }
0x26: {  	[tilespmem:$0x1FE30] =	vst v1;
	v1 =	vor.u32 $0x804, v0  }
0x27: {  	[tilespmem:$0x1FE40] =	vst v1;
	v1 =	vor.u32 $0x805, v0  }
0x28: {  	[tilespmem:$0x1FE50] =	vst v1;
	v1 =	vor.u32 $0x806, v0  }
0x29: {  	[tilespmem:$0x1FE60] =	vst v1;
	v1 =	vor.u32 $0x807, v0  }
0x2a: {  	[tilespmem:$0x1FE70] =	vst v1;
	v1 =	vor.u32 $0x808, v0  }
0x2b: {  	s4 =	rddreg [dreg:$0x0];
	[tilespmem:$0x1FE80] =	vst v1;
	v1 =	vor.u32 $0x809, v0  }
0x2c: {  	s5 =	rddreg [dreg:$0x1];
	s2 =	simm.s32 $0x0;
	[tilespmem:$0x1FE90] =	vst v1;
	v1 =	vor.u32 $0x80A, v0  }
0x2d: {  	[smem:$0x7FF] =	sst s2;
	[tilespmem:$0x1FEA0] =	vst v1;
	v1 =	vor.u32 $0x80B, v0  }
0x2e: {  	s0 =	rddreg [dreg:$0x2];
	_ =	strace $0x80000047;
	[tilespmem:$0x1FEB0] =	vst v1;
	v1 =	vor.u32 $0x80C, v0  }
0x2f: {  	[tilespmem:$0x1FEC0] =	vst v1;
	v1 =	vor.u32 $0x80D, v0  }
0x30: {  	[tilespmem:$0x1FED0] =	vst v1;
	v1 =	vor.u32 $0x80E, v0  }
0x31: {  	[tilespmem:$0x1FEE0] =	vst v1;
	v1 =	vor.u32 $0x80F, v0  }
0x32: {  	[tilespmem:$0x1FEF0] =	vst v1;
	v1 =	vor.u32 $0x810, v0  }
0x33: {  	[tilespmem:$0x1FF00] =	vst v1;
	v1 =	vor.u32 $0x811, v0  }
0x34: {  	[tilespmem:$0x1FF10] =	vst v1;
	v1 =	vor.u32 $0x812, v0  }
0x35: {  	[tilespmem:$0x1FF20] =	vst v1;
	v1 =	vor.u32 $0x813, v0  }
0x36: {  	[tilespmem:$0x1FF30] =	vst v1;
	v1 =	vor.u32 $0x814, v0  }
0x37: {  	[tilespmem:$0x1FF40] =	vst v1;
	v1 =	vor.u32 $0x815, v0  }
0x38: {  	[tilespmem:$0x1FF50] =	vst v1;
	v1 =	vor.u32 $0x816, v0  }
0x39: {  	[tilespmem:$0x1FF60] =	vst v1;
	v1 =	vor.u32 $0x817, v0  }
0x3a: {  	[tilespmem:$0x1FF70] =	vst v1;
	v1 =	vor.u32 $0x818, v0  }
0x3b: {  	s3 =	srdreg.scid;
	s1 =	stileid.u32;
	[tilespmem:$0x1FF80] =	vst v1;
	v1 =	vor.u32 $0x819, v0  }
0x3c: {  	s11 =	simm.s32 $0x100;
	s6 =	sand.u32 $0x1, s3;
	s31 =	sshll.u32 s1, $0x1;
	[tilespmem:$0x1FF90] =	vst v1;
	v1 =	vor.u32 $0x81A, v0  }
0x3d: {  	s12 =	simm.s32 $0x1;
	s13 =	simm.s32 $0x8100;
	s7 =	sor.u32 s6, s31;
	[tilespmem:$0x1FFA0] =	vst v1;
	v1 =	vor.u32 $0x81B, v0  }
0x3e: {  	s3 =	sadd.s32 $0x10200, s4;
	s6 =	ssub.s32 $0x2, s6;
	s8 =	sshll.u32 s7, $0xB;
	[tilespmem:$0x1FFB0] =	vst v1;
	v1 =	vor.u32 $0x81C, v0  }
0x3f: {  	s7 =	sshll.u32 s7, $0x4;
	s9 =	sshrl.u32 s6, $0x1;
	s8 =	sadd.s32 s8, s4;
	[tilespmem:$0x1FFC0] =	vst v1;
	v1 =	vor.u32 $0x81D, v0  }
0x40: {  	s10 =	sadd.s32 s7, s4;
	s9 =	ssub.s32 s6, s9;
	s4 =	sadd.s32 s5, s7;
	[tilespmem:$0x1FFD0] =	vst v1;
	v1 =	vor.u32 $0x81E, v0  }
0x41: {  	s5 =	sadd.s32 $0x200, s8;
	s6 =	sadd.s32 $0x18200, s10;
	s7 =	smax.u32 s9, $0x1;
	[tilespmem:$0x1FFE0] =	vst v1;
	v1 =	vor.u32 $0x81F, v0  }
0x42: {  	s8 =	simm.s32 $0x2;
	s9 =	simm.s32 $0x4100;
	s10 =	simm.s32 $0x80;
	[tilespmem:$0x1FFF0] =	vst v1  }
.LBB2_1:
0x43: {  	[tilespmem:s2], [sflag:$0x2] =	stream.linear.gather [hbm4b:s4+s2], $0x80, $0x38;
	[tilespmem:$0x8180] =	vst v63  }
0x44: {  	_ =	swait.ge [sflag:s8], $0x80  }
0x45: {  	[sflag:s8] =	ssyncset.done $0x0  }
0x46: {  	[sflag:s8] =	ssyncadd.s32 $0xFFFFFF80  }
0x47: {  	[tilespmem:s9], [sflag:$0x2] =	stream.linear.gather [hbm4b:s5+s2], $0x4000, $0x38;
	[tilespmem:$0x8180] =	vst v63  }
0x48: {  	_ =	swait.ge [sflag:s8], $0x4000  }
0x49: {  	[sflag:s8] =	ssyncset.done $0x0  }
0x4a: {  	[sflag:s8] =	ssyncadd.s32 $0xFFFFC000  }
0x4b: {  	v1 =	vld [tilespmem:$0x0]  }
0x4c: {  	v2 =	vld [tilespmem:$0x10]  }
0x4d: {  	v3 =	vld [tilespmem:$0x20]  }
0x4e: {  	v4 =	vld [tilespmem:$0x30]  }
0x4f: {  	v5 =	vld [tilespmem:$0x40]  }
0x50: {  	v6 =	vld [tilespmem:$0x50];
	v1 =	vshra.s32 v1, $0x2  }
0x51: {  	[tilespmem:$0x80] =	vst v1;
	v1 =	vshra.s32 v2, $0x2;
	v2 =	vld [tilespmem:$0x60]  }
0x52: {  	[tilespmem:$0x90] =	vst v1;
	v1 =	vshra.s32 v3, $0x2;
	v3 =	vld [tilespmem:$0x70]  }
0x53: {  	[tilespmem:$0xA0] =	vst v1;
	v1 =	vshra.s32 v4, $0x2  }
0x54: {  	[tilespmem:$0xB0] =	vst v1;
	v1 =	vshra.s32 v5, $0x2  }
0x55: {  	[tilespmem:$0xC0] =	vst v1;
	v1 =	vshra.s32 v6, $0x2  }
0x56: {  	[tilespmem:$0xD0] =	vst v1;
	v1 =	vshra.s32 v2, $0x2  }
0x57: {  	[tilespmem:$0xE0] =	vst v1;
	v1 =	vshra.s32 v3, $0x2  }
0x58: {  	[tilespmem:$0xF0] =	vst v1  }
0x59: {  	[tilespmem:s11], [sflag:$0x1] =	stream.indirect.gather [hbm4b:s3+s10], $0x80, s10, s10, $0xb8;
	[tilespmem:$0x8180] =	vst v63  }
0x5a: {  	_ =	swait.ge [sflag:s12], $0x4000  }
0x5b: {  	v7 =	vld [tilespmem:$0x1FC10]  }
0x5c: {  	v9 =	vld [tilespmem:$0x1FC20]  }
0x5d: {  	v11 =	vld [tilespmem:$0x1FC30]  }
0x5e: {  	v13 =	vld [tilespmem:$0x1FC40]  }
0x5f: {  	v15 =	vld [tilespmem:$0x1FC50]  }
0x60: {  	v17 =	vld [tilespmem:$0x1FC60]  }
0x61: {  	v19 =	vld [tilespmem:$0x1FC70]  }
0x62: {  	v21 =	vld [tilespmem:$0x1FC80]  }
0x63: {  	v23 =	vld [tilespmem:$0x1FC90]  }
0x64: {  	v25 =	vld [tilespmem:$0x1FCA0]  }
0x65: {  	v26 =	vld [tilespmem:$0x1FCB0]  }
0x66: {  	v27 =	vld [tilespmem:$0x1FCC0]  }
0x67: {  	v28 =	vld [tilespmem:$0x1FCD0]  }
0x68: {  	v54 =	vld [tilespmem:$0x1FCE0]  }
0x69: {  	v58 =	vld [tilespmem:$0x1FCF0]  }
0x6a: {  	v35 =	vld [tilespmem:$0x1FD00]  }
0x6b: {  	v38 =	vld [tilespmem:$0x1FD10]  }
0x6c: {  	v62 =	vld [tilespmem:$0x1FD20]  }
0x6d: {  	[sflag:s12] =	ssyncset.done $0x0;
	v42 =	vld [tilespmem:$0x1FD30]  }
0x6e: {  	v29 =	vld [tilespmem:$0x1FD80];
	[sflag:s12] =	ssyncadd.s32 $0xFFFFC000  }
0x6f: {  	v1 =	vld [tilespmem:$0x0]  }
0x70: {  	v31 =	vld [tilespmem:$0x1FE00]  }
0x71: {  	v47 =	vld.idx.msk [tilespmem:v0+s9+$0x0], $0xffff  }
0x72: {  	v49 =	vld.idx.msk [tilespmem:v25+s9+$0x0], $0xffff  }
0x73: {  	v53 =	vld.idx.msk [tilespmem:v26+s9+$0x0], $0xffff  }
0x74: {  	v1 =	vshll.u32 v1, $0x5;
	v41 =	vld.idx.msk [tilespmem:v58+s9+$0x0], $0xffff  }
0x75: {  	v1 =	vand.u32 $0x60, v1;
	v34 =	vld.idx.msk [tilespmem:v35+s9+$0x0], $0xffff  }
0x76: {  	v3 =	vor.u32 v7, v1;
	v7 =	vld.idx.msk [tilespmem:v7+s9+$0x0], $0xffff  }
0x77: {  	v46 =	vor.u32 v9, v1;
	v9 =	vld.idx.msk [tilespmem:v9+s9+$0x0], $0xffff  }
0x78: {  	v48 =	vor.u32 v11, v1;
	v11 =	vld.idx.msk [tilespmem:v11+s9+$0x0], $0xffff  }
0x79: {  	v8 =	vor.u32 v13, v1;
	v13 =	vld.idx.msk [tilespmem:v13+s9+$0x0], $0xffff  }
0x7a: {  	v10 =	vor.u32 v15, v1;
	v15 =	vld.idx.msk [tilespmem:v15+s9+$0x0], $0xffff  }
0x7b: {  	v12 =	vor.u32 v17, v1;
	v17 =	vld.idx.msk [tilespmem:v17+s9+$0x0], $0xffff  }
0x7c: {  	v2 =	vor.u32 v0, v1;
	v14 =	vor.u32 v19, v1;
	v19 =	vld.idx.msk [tilespmem:v19+s9+$0x0], $0xffff  }
0x7d: {  	v16 =	vor.u32 v21, v1;
	v21 =	vld.idx.msk [tilespmem:v21+s9+$0x0], $0xffff  }
0x7e: {  	v18 =	vor.u32 v23, v1;
	v23 =	vld.idx.msk [tilespmem:v23+s9+$0x0], $0xffff  }
0x7f: {  	v36 =	vor.u32 v35, v1;
	v35 =	vld [tilespmem:$0x1FD40]  }
0x80: {  	v22 =	vor.u32 v26, v1;
	v26 =	vld.idx.msk [tilespmem:v31+s9+$0x0], $0xffff  }
0x81: {  	v2 =	vld.idx.msk [tilespmem:v2+s11+$0x0], $0xffff  }
0x82: {  	v3 =	vld.idx.msk [tilespmem:v3+s11+$0x0], $0xffff  }
0x83: {  	v4 =	vld.idx.msk [tilespmem:v46+s11+$0x0], $0xffff  }
0x84: {  	v6 =	vld.idx.msk [tilespmem:v48+s11+$0x0], $0xffff  }
0x85: {  	v8 =	vld.idx.msk [tilespmem:v8+s11+$0x0], $0xffff  }
0x86: {  	v20 =	vor.u32 v25, v1;
	v10 =	vld.idx.msk [tilespmem:v10+s11+$0x0], $0xffff  }
0x87: {  	v12 =	vld.idx.msk [tilespmem:v12+s11+$0x0], $0xffff  }
0x88: {  	v24 =	vor.u32 v27, v1;
	v14 =	vld.idx.msk [tilespmem:v14+s11+$0x0], $0xffff  }
0x89: {  	v50 =	vor.u32 v28, v1;
	v16 =	vld.idx.msk [tilespmem:v16+s11+$0x0], $0xffff  }
0x8a: {  	v18 =	vld.idx.msk [tilespmem:v18+s11+$0x0], $0xffff  }
0x8b: {  	v39 =	vor.u32 v38, v1;
	v20 =	vld.idx.msk [tilespmem:v20+s11+$0x0], $0xffff  }
0x8c: {  	v52 =	vld.idx.msk [tilespmem:v22+s11+$0x0], $0xffff  }
0x8d: {  	v57 =	vld.idx.msk [tilespmem:v24+s11+$0x0], $0xffff  }
0x8e: {  	v63 =	vor.u32 v62, v1;
	v61 =	vld.idx.msk [tilespmem:v50+s11+$0x0], $0xffff  }
0x8f: {  	v33 =	vld.idx.msk [tilespmem:v36+s11+$0x0], $0xffff  }
0x90: {  	v45 =	vld.idx.msk [tilespmem:v39+s11+$0x0], $0xffff  }
0x91: {  	v5 =	vmul.f32 v47, v47;
	v46 =	vld.idx.msk [tilespmem:v38+s9+$0x0], $0xffff;
	v2 =	vmul.f32 v47, v2  }
0x92: {  	v3 =	vmul.f32 v7, v3;
	v7 =	vmul.f32 v7, v7;
	v47 =	vld [tilespmem:$0x1FD50]  }
0x93: {  	v38 =	vld.idx.msk [tilespmem:v63+s11+$0x0], $0xffff;
	v2 =	vadd.f32 $0.0e+00, v2  }
0x94: {  	v51 =	vmul.f32 v9, v9;
	v39 =	vld.idx.msk [tilespmem:v62+s9+$0x0], $0xffff;
	v5 =	vadd.f32 v7, v5  }
0x95: {  	v50 =	vld.idx.msk [tilespmem:v42+s9+$0x0], $0xffff;
	v2 =	vadd.f32 v3, v2;
	v3 =	vmul.f32 v9, v4  }
0x96: {  	v43 =	vor.u32 v42, v1;
	v56 =	vmul.f32 v11, v11;
	v42 =	vld [tilespmem:$0x1FD90];
	v5 =	vadd.f32 v51, v5  }
0x97: {  	v55 =	vor.u32 v54, v1;
	v51 =	vld [tilespmem:$0x1FD60];
	v2 =	vadd.f32 v3, v2;
	v3 =	vmul.f32 v11, v6  }
0x98: {  	v60 =	vmul.f32 v13, v13;
	v5 =	vadd.f32 v56, v5;
	v56 =	vld [tilespmem:$0x1FD70]  }
0x99: {  	v2 =	vadd.f32 v3, v2;
	v3 =	vmul.f32 v13, v8;
	v8 =	vld.idx.msk [tilespmem:v27+s9+$0x0], $0xffff  }
0x9a: {  	v36 =	vor.u32 v35, v1;
	v5 =	vadd.f32 v60, v5;
	v60 =	vld.idx.msk [tilespmem:v47+s9+$0x0], $0xffff  }
0x9b: {  	v37 =	vmul.f32 v15, v15;
	v2 =	vadd.f32 v3, v2;
	v3 =	vmul.f32 v15, v10;
	v10 =	vld.idx.msk [tilespmem:v28+s9+$0x0], $0xffff  }
0x9c: {  	v15 =	vld.idx.msk [tilespmem:v55+s11+$0x0], $0xffff  }
0x9d: {  	v40 =	vmul.f32 v17, v17;
	v5 =	vadd.f32 v37, v5;
	v55 =	vld.idx.msk [tilespmem:v35+s9+$0x0], $0xffff  }
0x9e: {  	v59 =	vor.u32 v58, v1;
	v2 =	vadd.f32 v3, v2;
	v3 =	vmul.f32 v17, v12;
	v12 =	vld.idx.msk [tilespmem:v54+s9+$0x0], $0xffff  }
0x9f: {  	v32 =	vmul.f32 v19, v19;
	v48 =	vor.u32 v47, v1;
	v5 =	vadd.f32 v40, v5;
	v54 =	vld.idx.msk [tilespmem:v36+s11+$0x0], $0xffff  }
0xa0: {  	v36 =	vld [tilespmem:$0x1FE40];
	v2 =	vadd.f32 v3, v2;
	v3 =	vmul.f32 v19, v14  }
0xa1: {  	v44 =	vmul.f32 v21, v21;
	v28 =	vld.idx.msk [tilespmem:v42+s9+$0x0], $0xffff;
	v5 =	vadd.f32 v32, v5  }
0xa2: {  	v32 =	vld [tilespmem:$0x1FE10];
	v2 =	vadd.f32 v3, v2;
	v3 =	vmul.f32 v21, v16  }
0xa3: {  	v37 =	vmul.f32 v23, v23;
	v17 =	vld.idx.msk [tilespmem:v59+s11+$0x0], $0xffff;
	v5 =	vadd.f32 v44, v5  }
0xa4: {  	v59 =	vld.idx.msk [tilespmem:v48+s11+$0x0], $0xffff;
	v2 =	vadd.f32 v3, v2;
	v3 =	vmul.f32 v23, v18  }
0xa5: {  	v4 =	vmul.f32 v49, v49;
	v5 =	vadd.f32 v37, v5;
	v37 =	vld [tilespmem:$0x1FE50]  }
0xa6: {  	v2 =	vadd.f32 v3, v2;
	v3 =	vmul.f32 v49, v20;
	v49 =	vld.idx.msk [tilespmem:v43+s11+$0x0], $0xffff;
	v43 =	vor.u32 v42, v1  }
0xa7: {  	v21 =	vld.idx.msk [tilespmem:v29+s9+$0x0], $0xffff  }
0xa8: {  	v24 =	vld.idx.msk [tilespmem:v36+s9+$0x0], $0xffff  }
0xa9: {  	v42 =	vld [tilespmem:$0x1FE80];
	v2 =	vadd.f32 v3, v2;
	v3 =	vmul.f32 v53, v52;
	v52 =	vor.u32 v51, v1  }
0xaa: {  	v27 =	vld.idx.msk [tilespmem:v32+s9+$0x0], $0xffff  }
0xab: {  	v2 =	vadd.f32 v3, v2;
	v3 =	vmul.f32 v8, v57;
	v18 =	vld.idx.msk [tilespmem:v43+s11+$0x0], $0xffff  }
0xac: {  	v4 =	vadd.f32 v4, v5;
	v53 =	vmul.f32 v53, v53;
	v43 =	vld [tilespmem:$0x1FE90]  }
0xad: {  	v57 =	vor.u32 v56, v1;
	v2 =	vadd.f32 v3, v2;
	v3 =	vmul.f32 v10, v61;
	v25 =	vld.idx.msk [tilespmem:v37+s9+$0x0], $0xffff  }
0xae: {  	v58 =	vmul.f32 v8, v8;
	v4 =	vadd.f32 v53, v4;
	v63 =	vld.idx.msk [tilespmem:v52+s11+$0x0], $0xffff  }
0xaf: {  	v2 =	vadd.f32 v3, v2;
	v3 =	vmul.f32 v12, v15;
	v15 =	vld.idx.msk [tilespmem:v51+s9+$0x0], $0xffff  }
0xb0: {  	v62 =	vmul.f32 v10, v10;
	v61 =	vor.u32 v29, v1;
	v4 =	vadd.f32 v58, v4;
	v51 =	vld [tilespmem:$0x1FDB0]  }
0xb1: {  	v20 =	vld.idx.msk [tilespmem:v42+s9+$0x0], $0xffff  }
0xb2: {  	v40 =	vmul.f32 v12, v12;
	v4 =	vadd.f32 v62, v4;
	v12 =	vld.idx.msk [tilespmem:v57+s11+$0x0], $0xffff  }
0xb3: {  	v2 =	vadd.f32 v3, v2;
	v3 =	vmul.f32 v41, v17;
	v17 =	vld.idx.msk [tilespmem:v56+s9+$0x0], $0xffff  }
0xb4: {  	v4 =	vadd.f32 v40, v4;
	v40 =	vld [tilespmem:$0x1FDF0]  }
0xb5: {  	v14 =	vld.idx.msk [tilespmem:v61+s11+$0x0], $0xffff  }
0xb6: {  	v61 =	vld [tilespmem:$0x1FDC0]  }
0xb7: {  	v41 =	vmul.f32 v41, v41;
	v2 =	vadd.f32 v3, v2;
	v3 =	vmul.f32 v34, v33;
	v33 =	vld [tilespmem:$0x1FE20]  }
0xb8: {  	v44 =	vmul.f32 v34, v34;
	v34 =	vld [tilespmem:$0x1FE30]  }
0xb9: {  	v4 =	vadd.f32 v41, v4;
	v41 =	vld [tilespmem:$0x1FE70]  }
0xba: {  	v2 =	vadd.f32 v3, v2;
	v3 =	vmul.f32 v46, v45;
	v45 =	vmul.f32 v46, v46;
	v46 =	vld [tilespmem:$0x1FDA0]  }
0xbb: {  	v52 =	vor.u32 v51, v1;
	v4 =	vadd.f32 v44, v4;
	v44 =	vld [tilespmem:$0x1FEA0]  }
0xbc: {  	v2 =	vadd.f32 v3, v2;
	v3 =	vmul.f32 v39, v38;
	v38 =	vld [tilespmem:$0x1FE60]  }
0xbd: {  	v30 =	vld.idx.msk [tilespmem:v51+s9+$0x0], $0xffff  }
0xbe: {  	v48 =	vmul.f32 v39, v39;
	v39 =	vld [tilespmem:$0x10]  }
0xbf: {  	v4 =	vadd.f32 v45, v4;
	v45 =	vld [tilespmem:$0x1FEB0]  }
0xc0: {  	v8 =	vld.idx.msk [tilespmem:v52+s11+$0x0], $0xffff  }
0xc1: {  	v35 =	vmul.f32 v17, v12;
	v4 =	vadd.f32 v48, v4;
	v48 =	vmul.f32 v17, v17;
	v17 =	vld.idx.msk [tilespmem:v43+s9+$0x0], $0xffff  }
0xc2: {  	v7 =	vmul.f32 v50, v49;
	v2 =	vadd.f32 v3, v2;
	v9 =	vld.idx.msk [tilespmem:v61+s9+$0x0], $0xffff  }
0xc3: {  	v50 =	vmul.f32 v50, v50;
	v47 =	vor.u32 v46, v1;
	v22 =	vld.idx.msk [tilespmem:v33+s9+$0x0], $0xffff  }
0xc4: {  	v54 =	vmul.f32 v55, v54;
	v55 =	vmul.f32 v55, v55;
	v23 =	vld.idx.msk [tilespmem:v34+s9+$0x0], $0xffff;
	v2 =	vadd.f32 v7, v2  }
0xc5: {  	v49 =	vmul.f32 v27, v27;
	v57 =	vmul.f32 v60, v59;
	v4 =	vadd.f32 v50, v4;
	v29 =	vld.idx.msk [tilespmem:v46+s9+$0x0], $0xffff  }
0xc6: {  	v62 =	vor.u32 v61, v1;
	v3 =	vmul.f32 v26, v26;
	v2 =	vadd.f32 v54, v2;
	v46 =	vld [tilespmem:$0x1FEC0]  }
0xc7: {  	v58 =	vmul.f32 v60, v60;
	v60 =	vmul.f32 v15, v63;
	v19 =	vld.idx.msk [tilespmem:v41+s9+$0x0], $0xffff;
	v4 =	vadd.f32 v55, v4  }
0xc8: {  	v3 =	vadd.f32 v49, v3;
	v7 =	vld.idx.msk [tilespmem:v47+s11+$0x0], $0xffff;
	v2 =	vadd.f32 v57, v2;
	v53 =	vmul.f32 v22, v22  }
0xc9: {  	v15 =	vmul.f32 v15, v15;
	v16 =	vld.idx.msk [tilespmem:v38+s9+$0x0], $0xffff;
	v4 =	vadd.f32 v58, v4  }
0xca: {  	v10 =	vld.idx.msk [tilespmem:v45+s9+$0x0], $0xffff;
	v56 =	vmul.f32 v23, v23;
	v2 =	vadd.f32 v60, v2;
	v3 =	vadd.f32 v53, v3  }
0xcb: {  	v4 =	vadd.f32 v15, v4;
	v15 =	vld.idx.msk [tilespmem:v62+s11+$0x0], $0xffff  }
0xcc: {  	v59 =	vmul.f32 v24, v24;
	v2 =	vadd.f32 v35, v2;
	v35 =	vld [tilespmem:$0x1FDD0];
	v3 =	vadd.f32 v56, v3  }
0xcd: {  	v49 =	vmul.f32 v21, v14;
	v54 =	vmul.f32 v21, v21;
	v4 =	vadd.f32 v48, v4;
	v48 =	vld [tilespmem:$0x1FEE0]  }
0xce: {  	v63 =	vmul.f32 v25, v25;
	v56 =	vmul.f32 v28, v28;
	v11 =	vld.idx.msk [tilespmem:v46+s9+$0x0], $0xffff;
	v3 =	vadd.f32 v59, v3  }
0xcf: {  	v51 =	vadd.f32 v49, v2;
	v2 =	vshll.u32 v39, $0x5;
	v4 =	vadd.f32 v54, v4;
	v39 =	vld [tilespmem:$0x1FDE0]  }
0xd0: {  	v47 =	vmul.f32 v16, v16;
	v49 =	vld [tilespmem:$0x1FEF0];
	v2 =	vand.u32 $0x60, v2;
	v3 =	vadd.f32 v63, v3  }
0xd1: {  	v57 =	vor.u32 v31, v2;
	v14 =	vadd.f32 v56, v4;
	v4 =	vld.idx.msk [tilespmem:v40+s9+$0x0], $0xffff  }
0xd2: {  	v50 =	vmul.f32 v19, v19;
	v32 =	vor.u32 v32, v2;
	v6 =	vadd.f32 v47, v3;
	v47 =	vld [tilespmem:$0x1FED0]  }
0xd3: {  	v3 =	vld.idx.msk [tilespmem:v44+s9+$0x0], $0xffff  }
0xd4: {  	v18 =	vmul.f32 v28, v18;
	v52 =	vadd.f32 v50, v6;
	v6 =	vld.idx.msk [tilespmem:v35+s9+$0x0], $0xffff  }
0xd5: {  	v53 =	vmul.f32 v20, v20;
	v59 =	vmul.f32 v29, v29;
	v50 =	vld [tilespmem:$0x1FF00]  }
0xd6: {  	v61 =	vmul.f32 v30, v30;
	v55 =	vmul.f32 v17, v17;
	v62 =	vld.idx.msk [tilespmem:v57+s11+$0x0], $0xffff  }
0xd7: {  	v33 =	vor.u32 v33, v2;
	v14 =	vadd.f32 v59, v14;
	v32 =	vld.idx.msk [tilespmem:v32+s11+$0x0], $0xffff;
	v12 =	vadd.f32 v53, v52  }
0xd8: {  	v7 =	vmul.f32 v29, v7;
	v18 =	vadd.f32 v18, v51;
	v5 =	vld.idx.msk [tilespmem:v39+s9+$0x0], $0xffff  }
0xd9: {  	v53 =	vadd.f32 v61, v14;
	v14 =	vld.idx.msk [tilespmem:v49+s9+$0x0], $0xffff;
	v58 =	vmul.f32 v3, v3;
	v13 =	vadd.f32 v55, v12  }
0xda: {  	v8 =	vmul.f32 v30, v8;
	v54 =	vor.u32 v34, v2;
	v12 =	vld.idx.msk [tilespmem:v47+s9+$0x0], $0xffff  }
0xdb: {  	v7 =	vadd.f32 v7, v18;
	v57 =	vor.u32 v36, v2;
	v28 =	vadd.f32 v58, v13;
	v13 =	vld.idx.msk [tilespmem:v48+s9+$0x0], $0xffff  }
0xdc: {  	v58 =	vld.idx.msk [tilespmem:v33+s11+$0x0], $0xffff  }
0xdd: {  	v7 =	vadd.f32 v8, v7;
	v8 =	vmul.f32 v9, v15;
	v15 =	vld.idx.msk [tilespmem:v50+s9+$0x0], $0xffff  }
0xde: {  	v55 =	vmul.f32 v9, v9;
	v51 =	vld [tilespmem:$0x1FF10]  }
0xdf: {  	v60 =	vmul.f32 v10, v10;
	v9 =	vor.u32 v35, v1;
	v30 =	vld.idx.msk [tilespmem:v54+s11+$0x0], $0xffff  }
0xe0: {  	v61 =	vmul.f32 v6, v6;
	v29 =	vadd.f32 v55, v53;
	v34 =	vld.idx.msk [tilespmem:v57+s11+$0x0], $0xffff  }
0xe1: {  	v63 =	vadd.f32 v60, v28;
	v60 =	vor.u32 v37, v2;
	v57 =	vor.u32 v41, v2;
	v41 =	vld [tilespmem:$0x1FF30]  }
0xe2: {  	v52 =	vmul.f32 v11, v11;
	v29 =	vadd.f32 v61, v29;
	v61 =	vor.u32 v42, v2;
	v42 =	vld [tilespmem:$0x1FF40]  }
0xe3: {  	v26 =	vmul.f32 v26, v62;
	v53 =	vor.u32 v43, v2;
	v43 =	vld [tilespmem:$0x1FF50]  }
0xe4: {  	v9 =	vld.idx.msk [tilespmem:v9+s11+$0x0], $0xffff;
	v21 =	vadd.f32 v52, v63;
	v63 =	vor.u32 v38, v2  }
0xe5: {  	v27 =	vmul.f32 v27, v32;
	v26 =	vadd.f32 $0.0e+00, v26;
	v52 =	vld [tilespmem:$0x1FF20]  }
0xe6: {  	v56 =	vmul.f32 v12, v12;
	v33 =	vld.idx.msk [tilespmem:v60+s11+$0x0], $0xffff  }
0xe7: {  	v26 =	vadd.f32 v27, v26;
	v31 =	vld.idx.msk [tilespmem:v57+s11+$0x0], $0xffff  }
0xe8: {  	v21 =	vadd.f32 v56, v21;
	v56 =	vmul.f32 v22, v58;
	v60 =	vmul.f32 v23, v30;
	v30 =	vld.idx.msk [tilespmem:v61+s11+$0x0], $0xffff  }
0xe9: {  	v58 =	vmul.f32 v5, v5;
	v32 =	vld.idx.msk [tilespmem:v63+s11+$0x0], $0xffff  }
0xea: {  	v26 =	vadd.f32 v56, v26;
	v56 =	vor.u32 v44, v2;
	v44 =	vld [tilespmem:$0x1FF60]  }
0xeb: {  	v29 =	vadd.f32 v58, v29;
	v58 =	vor.u32 v45, v2;
	v45 =	vld [tilespmem:$0x1FF70]  }
0xec: {  	v63 =	vmul.f32 v24, v34;
	v34 =	vld.idx.msk [tilespmem:v53+s11+$0x0], $0xffff  }
0xed: {  	v53 =	vor.u32 v48, v2;
	v48 =	vld [tilespmem:$0x1FFA0]  }
0xee: {  	v18 =	vld.idx.msk [tilespmem:v51+s9+$0x0], $0xffff  }
0xef: {  	v22 =	vld.idx.msk [tilespmem:v41+s9+$0x0], $0xffff  }
0xf0: {  	v23 =	vld.idx.msk [tilespmem:v42+s9+$0x0], $0xffff  }
0xf1: {  	v59 =	vmul.f32 v13, v13;
	v24 =	vld.idx.msk [tilespmem:v43+s9+$0x0], $0xffff  }
0xf2: {  	v26 =	vadd.f32 v60, v26;
	v60 =	vor.u32 v46, v2;
	v46 =	vld [tilespmem:$0x1FF80]  }
0xf3: {  	v28 =	vadd.f32 v59, v21;
	v21 =	vld.idx.msk [tilespmem:v52+s9+$0x0], $0xffff  }
0xf4: {  	v62 =	vmul.f32 v14, v14;
	v54 =	vmul.f32 v4, v4;
	v27 =	vld.idx.msk [tilespmem:v56+s11+$0x0], $0xffff  }
0xf5: {  	v25 =	vmul.f32 v25, v33;
	v26 =	vadd.f32 v63, v26;
	v56 =	vor.u32 v49, v2;
	v49 =	vld [tilespmem:$0x1FFB0]  }
0xf6: {  	v55 =	vmul.f32 v15, v15;
	v28 =	vadd.f32 v62, v28;
	v17 =	vmul.f32 v17, v34;
	v34 =	vld.idx.msk [tilespmem:v53+s11+$0x0], $0xffff  }
0xf7: {  	v29 =	vadd.f32 v54, v29;
	v25 =	vadd.f32 v25, v26;
	v26 =	vld.idx.msk [tilespmem:v58+s11+$0x0], $0xffff  }
0xf8: {  	v28 =	vadd.f32 v55, v28;
	v59 =	vmul.f32 v18, v18;
	v58 =	vor.u32 v50, v2;
	v50 =	vld [tilespmem:$0x1FFC0]  }
0xf9: {  	v36 =	vshra.s32 v29, $0x1;
	v37 =	vmul.f32 $5.000000000e-01, v29;
	v16 =	vmul.f32 v16, v32;
	v33 =	vld.idx.msk [tilespmem:v44+s9+$0x0], $0xffff  }
0xfa: {  	v36 =	vsub.s32 $0x5F3759DF, v36;
	v28 =	vadd.f32 v59, v28;
	v62 =	vmul.f32 v21, v21;
	v32 =	vld.idx.msk [tilespmem:v45+s9+$0x0], $0xffff  }
0xfb: {  	v54 =	vmul.f32 v36, v37;
	v16 =	vadd.f32 v16, v25;
	v25 =	vld.idx.msk [tilespmem:v60+s11+$0x0], $0xffff  }
0xfc: {  	v19 =	vmul.f32 v19, v31;
	v28 =	vadd.f32 v62, v28;
	v62 =	vor.u32 v47, v2;
	v47 =	vld [tilespmem:$0x1FF90]  }
0xfd: {  	v55 =	vmul.f32 v22, v22;
	v38 =	vmul.f32 v36, v54;
	v54 =	vor.u32 v39, v1;
	v31 =	vld.idx.msk [tilespmem:v46+s9+$0x0], $0xffff  }
0xfe: {  	v20 =	vmul.f32 v20, v30;
	v19 =	vadd.f32 v19, v16;
	v3 =	vmul.f32 v3, v27;
	v27 =	vld.idx.msk [tilespmem:v56+s11+$0x0], $0xffff  }
0xff: {  	v57 =	vmul.f32 v23, v23;
	v56 =	vor.u32 v41, v2;
	v41 =	vld [tilespmem:$0x1FFF0];
	v28 =	vadd.f32 v55, v28  }
0x100: {  	v10 =	vmul.f32 v10, v26;
	v26 =	vld.idx.msk [tilespmem:v58+s11+$0x0], $0xffff;
	v20 =	vadd.f32 v20, v19  }
0x101: {  	v59 =	vmul.f32 v24, v24;
	v1 =	vor.u32 v40, v1;
	v19 =	vld.idx.msk [tilespmem:v48+s9+$0x0], $0xffff;
	v28 =	vadd.f32 v57, v28  }
0x102: {  	v39 =	vld.idx.msk [tilespmem:v54+s11+$0x0], $0xffff;
	v17 =	vadd.f32 v17, v20  }
0x103: {  	v7 =	vadd.f32 v8, v7;
	v61 =	vmul.f32 v33, v33;
	v30 =	vld.idx.msk [tilespmem:v62+s11+$0x0], $0xffff;
	v28 =	vadd.f32 v59, v28  }
0x104: {  	v6 =	vmul.f32 v6, v9;
	v38 =	vsub.f32 $1.500000000e+00, v38;
	v3 =	vadd.f32 v3, v17;
	v16 =	vld.idx.msk [tilespmem:v47+s9+$0x0], $0xffff  }
0x105: {  	v63 =	vmul.f32 v32, v32;
	v28 =	vadd.f32 v61, v28;
	v61 =	vor.u32 v51, v2;
	v51 =	vld [tilespmem:$0x1FFD0]  }
0x106: {  	v6 =	vadd.f32 v6, v7;
	v60 =	vmul.f32 v11, v25;
	v1 =	vld.idx.msk [tilespmem:v1+s11+$0x0], $0xffff;
	v3 =	vadd.f32 v10, v3  }
0x107: {  	v36 =	vmul.f32 v36, v38;
	v28 =	vadd.f32 v63, v28;
	v63 =	vor.u32 v52, v2;
	v52 =	vld [tilespmem:$0x1FFE0]  }
0x108: {  	v20 =	vld.idx.msk [tilespmem:v49+s9+$0x0], $0xffff;
	v55 =	vmul.f32 v31, v31;
	v3 =	vadd.f32 v60, v3;
	v12 =	vmul.f32 v12, v30  }
0x109: {  	v53 =	vor.u32 v44, v2;
	v13 =	vmul.f32 v13, v34;
	v38 =	vmul.f32 v36, v37;
	v17 =	vld.idx.msk [tilespmem:v50+s9+$0x0], $0xffff  }
0x10a: {  	v28 =	vadd.f32 v55, v28;
	v12 =	vadd.f32 v12, v3;
	v3 =	vld.idx.msk [tilespmem:v41+s9+$0x0], $0xffff;
	v57 =	vmul.f32 v16, v16  }
0x10b: {  	v54 =	vor.u32 v49, v2;
	v58 =	vmul.f32 v14, v27;
	v38 =	vmul.f32 v38, v36;
	v25 =	vld.idx.msk [tilespmem:v61+s11+$0x0], $0xffff  }
0x10c: {  	v59 =	vmul.f32 v19, v19;
	v5 =	vmul.f32 v5, v39;
	v28 =	vadd.f32 v57, v28;
	v30 =	vld.idx.msk [tilespmem:v63+s11+$0x0], $0xffff  }
0x10d: {  	v1 =	vmul.f32 v4, v1;
	v62 =	vmul.f32 v20, v20;
	v60 =	vsub.f32 $1.500000000e+00, v38;
	v11 =	vld.idx.msk [tilespmem:v51+s9+$0x0], $0xffff  }
0x10e: {  	v38 =	vld.idx.msk [tilespmem:v56+s11+$0x0], $0xffff;
	v55 =	vmul.f32 v17, v17;
	v12 =	vadd.f32 v13, v12;
	v28 =	vadd.f32 v59, v28  }
0x10f: {  	v36 =	vmul.f32 v60, v36;
	v63 =	vor.u32 v43, v2;
	v59 =	vor.u32 v42, v2;
	v10 =	vld.idx.msk [tilespmem:v52+s9+$0x0], $0xffff  }
0x110: {  	v12 =	vadd.f32 v58, v12;
	v42 =	vmul.f32 v3, v3;
	v28 =	vadd.f32 v62, v28  }
0x111: {  	v43 =	vmul.f32 v18, v25;
	v62 =	vmul.f32 v15, v26;
	v26 =	vor.u32 $0x1000, v0  }
0x112: {  	v56 =	vmul.f32 v21, v30;
	v28 =	vadd.f32 v55, v28;
	v57 =	vmul.f32 v11, v11  }
0x113: {  	v12 =	vadd.f32 v62, v12;
	v55 =	vmul.f32 v36, v37;
	v62 =	vor.u32 v46, v2  }
0x114: {  	v14 =	vld.idx.msk [tilespmem:v59+s11+$0x0], $0xffff;
	v59 =	vmul.f32 v22, v38;
	v28 =	vadd.f32 v57, v28;
	v61 =	vmul.f32 v10, v10  }
0x115: {  	v18 =	vld.idx.msk [tilespmem:v53+s11+$0x0], $0xffff;
	v12 =	vadd.f32 v43, v12;
	v57 =	vor.u32 v45, v2;
	v58 =	vmul.f32 v55, v36  }
0x116: {  	v43 =	vor.u32 v47, v2;
	v47 =	vor.u32 v48, v2;
	v48 =	vld [tilespmem:$0x20];
	v28 =	vadd.f32 v61, v28  }
0x117: {  	v15 =	vld.idx.msk [tilespmem:v63+s11+$0x0], $0xffff;
	v12 =	vadd.f32 v56, v12;
	v61 =	vsub.f32 $1.500000000e+00, v58;
	v58 =	vor.u32 v50, v2  }
0x118: {  	v50 =	vor.u32 $0x1005, v0;
	v46 =	vld.idx.msk [tilespmem:v62+s11+$0x0], $0xffff;
	v62 =	vor.u32 v52, v2;
	v28 =	vadd.f32 v42, v28  }
0x119: {  	v12 =	vadd.f32 v59, v12;
	v63 =	vmul.f32 v23, v14;
	v36 =	vmul.f32 v61, v36;
	v14 =	vld.idx.msk [tilespmem:v54+s11+$0x0], $0xffff  }
0x11a: {  	v61 =	vor.u32 v51, v2;
	v37 =	vld.idx.msk [tilespmem:v57+s11+$0x0], $0xffff;
	v34 =	vshra.s32 v28, $0x1;
	v35 =	vmul.f32 $5.000000000e-01, v28  }
0x11b: {  	v55 =	vld.idx.msk [tilespmem:v43+s11+$0x0], $0xffff;
	v12 =	vadd.f32 v63, v12;
	v63 =	vor.u32 v41, v2;
	v2 =	vshll.u32 v48, $0x5  }
0x11c: {  	v42 =	vmul.f32 v24, v15;
	v41 =	vld.idx.msk [tilespmem:v26+s9+$0x0], $0xffff;
	v60 =	vsub.s32 $0x5F3759DF, v34;
	v2 =	vand.u32 $0x60, v2  }
0x11d: {  	v8 =	vmul.f32 v36, v29;
	v29 =	vld.idx.msk [tilespmem:v58+s11+$0x0], $0xffff;
	v34 =	vmul.f32 v60, v35;
	v27 =	vor.u32 v26, v2  }
0x11e: {  	v45 =	vmul.f32 v33, v18;
	v12 =	vadd.f32 v42, v12;
	v33 =	vld.idx.msk [tilespmem:v62+s11+$0x0], $0xffff;
	v42 =	vor.u32 $0x1003, v0  }
0x11f: {  	v5 =	vadd.f32 v5, v6;
	v59 =	vmul.f32 v31, v46;
	v31 =	vld.idx.msk [tilespmem:v61+s11+$0x0], $0xffff;
	v38 =	vmul.f32 v60, v34  }
0x120: {  	v8 =	vadd.f32 $9.999999960e-13, v8;
	v46 =	vor.u32 $0x1004, v0;
	v43 =	vor.u32 v42, v2;
	v4 =	vld.idx.msk [tilespmem:v63+s11+$0x0], $0xffff  }
0x121: {  	v12 =	vadd.f32 v45, v12;
	v53 =	vmul.f32 v32, v37;
	v63 =	vld.idx.msk [tilespmem:v50+s9+$0x0], $0xffff;
	v44 =	vsub.f32 $1.500000000e+00, v38  }
0x122: {  	(erf) = vrcp.f32 v8;
	v7 =	vmul.f32 v16, v55;
	v37 =	vor.u32 $0x1002, v0;
	v13 =	vld.idx.msk [tilespmem:v27+s11+$0x0], $0xffff  }
0x123: {  	v55 =	vor.u32 $0x1006, v0;
	v6 =	vmul.f32 v17, v29;
	v17 =	vld.idx.msk [tilespmem:v42+s9+$0x0], $0xffff;
	v9 =	vmul.f32 v60, v44  }
0x124: {  	v1 =	vadd.f32 v1, v5;
	v39 =	vor.u32 v37, v2;
	v57 =	vadd.f32 v53, v12;
	v60 =	vld.idx.msk [tilespmem:v47+s11+$0x0], $0xffff  }
0x125: {  	v36 =	vmul.f32 v20, v14;
	v58 =	vor.u32 v55, v2;
	v20 =	vld.idx.msk [tilespmem:v43+s11+$0x0], $0xffff;
	v56 =	vmul.f32 v9, v35  }
0x126: {  	v25 =	vor.u32 $0x181F, v0;
	v32 =	vor.u32 $0x1001, v0;
	v8 =	vadd.f32 v59, v57;
	v57 =	vld.idx.msk [tilespmem:v46+s9+$0x0], $0xffff  }
0x127: {  	v52 =	vor.u32 v50, v2;
	v53 =	vmul.f32 v41, v41;
	v47 =	vld.idx.msk [tilespmem:v37+s9+$0x0], $0xffff;
	v15 =	vmul.f32 v56, v9  }
0x128: {  	v48 =	vor.u32 v46, v2;
	v10 =	vmul.f32 v10, v33;
	v44 =	vmul.f32 v11, v31;
	v31 =	vld.idx.msk [tilespmem:v55+s9+$0x0], $0xffff  }
0x129: {  	v49 =	vld.idx.msk [tilespmem:v39+s11+$0x0], $0xffff;
	v37 =	vmul.f32 v63, v63;
	v3 =	vmul.f32 v3, v4;
	v15 =	vsub.f32 $1.500000000e+00, v15  }
0x12a: {  	v7 =	vadd.f32 v7, v8;
	v12 =	vld.idx.msk [tilespmem:v58+s11+$0x0], $0xffff;
	v62 =	vmul.f32 v41, v13;
	v30 =	vmul.f32 v19, v60  }
0x12b: {  	v61 =	vor.u32 $0x1007, v0;
	v29 =	vmul.f32 v17, v17;
	v9 =	vmul.f32 v15, v9;
	v15 =	vld.idx.msk [tilespmem:v32+s9+$0x0], $0xffff  }
0x12c: {  	v40 =	vpop (erf);
	v33 =	vmul.f32 v57, v57;
	v39 =	vmul.f32 v17, v20;
	v7 =	vadd.f32 v30, v7  }
0x12d: {  	v1 =	vmul.f32 v40, v1;
	v60 =	vmul.f32 v47, v47;
	v30 =	vor.u32 $0x1008, v0  }
0x12e: {  	v19 =	vld.idx.msk [tilespmem:v52+s11+$0x0], $0xffff;
	v7 =	vadd.f32 v36, v7;
	v34 =	vmul.f32 v9, v35;
	v35 =	vor.u32 v32, v2  }
0x12f: {  	v42 =	vmul.f32 v31, v31;
	v55 =	vmul.f32 v31, v12;
	v32 =	vor.u32 v30, v2  }
0x130: {  	v6 =	vadd.f32 v6, v7;
	v7 =	vmul.f32 v47, v49;
	v54 =	vmul.f32 v15, v15  }
0x131: {  	v14 =	vld.idx.msk [tilespmem:v48+s11+$0x0], $0xffff;
	v49 =	vor.u32 $0x100C, v0;
	v38 =	vmul.f32 v34, v9;
	v34 =	vor.u32 $0x1009, v0  }
0x132: {  	v1 =	vadd.f32 $0.0e+00, v1;
	v40 =	vld.idx.msk [tilespmem:v30+s9+$0x0], $0xffff;
	v52 =	vor.u32 v49, v2;
	v59 =	vadd.f32 v54, v53  }
0x133: {  	v50 =	vmul.f32 v63, v19;
	v6 =	vadd.f32 v44, v6;
	v5 =	vsub.f32 $1.500000000e+00, v38;
	v45 =	vld.idx.msk [tilespmem:v35+s11+$0x0], $0xffff  }
0x134: {  	v36 =	vor.u32 v34, v2;
	v38 =	vor.u32 $0x100A, v0;
	v35 =	vld.idx.msk [tilespmem:v61+s9+$0x0], $0xffff;
	v16 =	vadd.f32 v60, v59  }
0x135: {  	v44 =	vor.u32 $0x100B, v0;
	v41 =	vor.u32 v38, v2;
	v43 =	vld.idx.msk [tilespmem:v32+s11+$0x0], $0xffff;
	v5 =	vmul.f32 v5, v9  }
0x136: {  	v47 =	vor.u32 v44, v2;
	v54 =	vor.u32 $0x100D, v0;
	v46 =	vld.idx.msk [tilespmem:v34+s9+$0x0], $0xffff;
	v16 =	vadd.f32 v29, v16  }
0x137: {  	v19 =	vld.idx.msk [tilespmem:v52+s11+$0x0], $0xffff;
	v51 =	vmul.f32 v5, v28;
	v5 =	vadd.f32 v10, v6;
	v28 =	vor.u32 v61, v2  }
0x138: {  	v6 =	vadd.f32 $0.0e+00, v62;
	v61 =	vld.idx.msk [tilespmem:v49+s9+$0x0], $0xffff;
	v11 =	vmul.f32 v15, v45;
	v16 =	vadd.f32 v33, v16  }
0x139: {  	v59 =	vor.u32 $0x100E, v0;
	v56 =	vadd.f32 $9.999999960e-13, v51;
	v45 =	vmul.f32 v57, v14;
	v51 =	vld.idx.msk [tilespmem:v38+s9+$0x0], $0xffff  }
0x13a: {  	v48 =	vmul.f32 v35, v35;
	v20 =	vld.idx.msk [tilespmem:v41+s11+$0x0], $0xffff;
	v6 =	vadd.f32 v11, v6;
	v16 =	vadd.f32 v37, v16  }
0x13b: {  	v57 =	vor.u32 v54, v2;
	v14 =	vld.idx.msk [tilespmem:v47+s11+$0x0], $0xffff;
	v38 =	vor.u32 $0x1011, v0;
	v33 =	vor.u32 $0x1010, v0  }
0x13c: {  	v30 =	vld.idx.msk [tilespmem:v54+s9+$0x0], $0xffff;
	v41 =	vor.u32 v38, v2;
	v6 =	vadd.f32 v7, v6;
	v16 =	vadd.f32 v42, v16  }
0x13d: {  	v53 =	vmul.f32 v40, v40;
	v62 =	vor.u32 v59, v2;
	v11 =	vld.idx.msk [tilespmem:v36+s11+$0x0], $0xffff;
	v36 =	vor.u32 v33, v2  }
0x13e: {  	v29 =	vmul.f32 v40, v43;
	v13 =	vld.idx.msk [tilespmem:v28+s11+$0x0], $0xffff;
	v6 =	vadd.f32 v39, v6;
	v16 =	vadd.f32 v48, v16  }
0x13f: {  	v43 =	vor.u32 $0x1012, v0;
	(erf) = vrcp.f32 v56;
	v56 =	vld.idx.msk [tilespmem:v44+s9+$0x0], $0xffff;
	v58 =	vmul.f32 v46, v46  }
0x140: {  	v28 =	vor.u32 $0x100F, v0;
	v15 =	vld.idx.msk [tilespmem:v57+s11+$0x0], $0xffff;
	v6 =	vadd.f32 v45, v6;
	v16 =	vadd.f32 v53, v16  }
0x141: {  	v31 =	vor.u32 v28, v2;
	v63 =	vmul.f32 v51, v51;
	v39 =	vmul.f32 v51, v20;
	v20 =	vld.idx.msk [tilespmem:v41+s11+$0x0], $0xffff  }
0x142: {  	v34 =	vmul.f32 v46, v11;
	v11 =	vld.idx.msk [tilespmem:v36+s11+$0x0], $0xffff;
	v6 =	vadd.f32 v50, v6;
	v16 =	vadd.f32 v58, v16  }
0x143: {  	v5 =	vadd.f32 v3, v5;
	v37 =	vmul.f32 v61, v61;
	v60 =	vmul.f32 v35, v13;
	v35 =	vld.idx.msk [tilespmem:v59+s9+$0x0], $0xffff  }
0x144: {  	v32 =	vmul.f32 v56, v56;
	v13 =	vld.idx.msk [tilespmem:v62+s11+$0x0], $0xffff;
	v6 =	vadd.f32 v55, v6;
	v16 =	vadd.f32 v63, v16  }
0x145: {  	v49 =	vmul.f32 v61, v19;
	v46 =	vor.u32 v43, v2;
	v48 =	vor.u32 $0x1013, v0;
	v40 =	vld.idx.msk [tilespmem:v28+s9+$0x0], $0xffff  }
0x146: {  	v45 =	vld.idx.msk [tilespmem:v33+s9+$0x0], $0xffff;
	v51 =	vor.u32 v48, v2;
	v6 =	vadd.f32 v60, v6;
	v16 =	vadd.f32 v32, v16  }
0x147: {  	v42 =	vmul.f32 v30, v30;
	v41 =	vor.u32 $0x1019, v0;
	v44 =	vmul.f32 v56, v14;
	v21 =	vld.idx.msk [tilespmem:v31+s11+$0x0], $0xffff  }
0x148: {  	v53 =	vor.u32 $0x1014, v0;
	v50 =	vld.idx.msk [tilespmem:v38+s9+$0x0], $0xffff;
	v6 =	vadd.f32 v29, v6;
	v16 =	vadd.f32 v37, v16  }
0x149: {  	v36 =	vor.u32 $0x1018, v0;
	v31 =	vor.u32 $0x1017, v0;
	v58 =	vor.u32 $0x1015, v0;
	v55 =	vld.idx.msk [tilespmem:v43+s9+$0x0], $0xffff  }
0x14a: {  	v14 =	vld.idx.msk [tilespmem:v46+s11+$0x0], $0xffff;
	v47 =	vmul.f32 v35, v35;
	v6 =	vadd.f32 v34, v6;
	v16 =	vadd.f32 v42, v16  }
0x14b: {  	v54 =	vmul.f32 v30, v15;
	v56 =	vor.u32 v53, v2;
	v61 =	vor.u32 v58, v2;
	v19 =	vld.idx.msk [tilespmem:v51+s11+$0x0], $0xffff  }
0x14c: {  	v52 =	vmul.f32 v40, v40;
	v60 =	vld.idx.msk [tilespmem:v48+s9+$0x0], $0xffff;
	v6 =	vadd.f32 v39, v6;
	v16 =	vadd.f32 v47, v16  }
0x14d: {  	v46 =	vor.u32 $0x101A, v0;
	v57 =	vmul.f32 v45, v45;
	v59 =	vmul.f32 v35, v13;
	v28 =	vld.idx.msk [tilespmem:v53+s9+$0x0], $0xffff  }
0x14e: {  	v63 =	vor.u32 $0x1016, v0;
	v43 =	vld.idx.msk [tilespmem:v31+s9+$0x0], $0xffff;
	v6 =	vadd.f32 v44, v6;
	v16 =	vadd.f32 v52, v16  }
0x14f: {  	v51 =	vor.u32 $0x101B, v0;
	v27 =	vmul.f32 v40, v21;
	v48 =	vld.idx.msk [tilespmem:v36+s9+$0x0], $0xffff;
	v62 =	vmul.f32 v50, v50  }
0x150: {  	v53 =	vld.idx.msk [tilespmem:v41+s9+$0x0], $0xffff;
	v32 =	vmul.f32 v45, v11;
	v6 =	vadd.f32 v49, v6;
	v16 =	vadd.f32 v57, v16  }
0x151: {  	v17 =	vld.idx.msk [tilespmem:v56+s11+$0x0], $0xffff;
	v56 =	vor.u32 $0x101C, v0;
	v29 =	vor.u32 v63, v2;
	v30 =	vmul.f32 v55, v55  }
0x152: {  	v33 =	vld.idx.msk [tilespmem:v58+s9+$0x0], $0xffff;
	v37 =	vmul.f32 v50, v20;
	v6 =	vadd.f32 v54, v6;
	v16 =	vadd.f32 v62, v16  }
0x153: {  	v34 =	vor.u32 v31, v2;
	v38 =	vld.idx.msk [tilespmem:v63+s9+$0x0], $0xffff;
	v63 =	vor.u32 $0x101E, v0;
	v35 =	vmul.f32 v60, v60  }
0x154: {  	v13 =	vld.idx.msk [tilespmem:v61+s11+$0x0], $0xffff;
	v24 =	vor.u32 v63, v2;
	v6 =	vadd.f32 v59, v6;
	v16 =	vadd.f32 v30, v16  }
0x155: {  	v58 =	vld.idx.msk [tilespmem:v46+s9+$0x0], $0xffff;
	v61 =	vor.u32 $0x101D, v0;
	v40 =	vmul.f32 v28, v28;
	v39 =	vor.u32 v36, v2  }
0x156: {  	v42 =	vmul.f32 v55, v14;
	v21 =	vld.idx.msk [tilespmem:v29+s11+$0x0], $0xffff;
	v6 =	vadd.f32 v27, v6;
	v16 =	vadd.f32 v35, v16  }
0x157: {  	v55 =	vmul.f32 v43, v43;
	v26 =	vmul.f32 v53, v53;
	v29 =	vld.idx.msk [tilespmem:v56+s9+$0x0], $0xffff;
	v44 =	vor.u32 v41, v2  }
0x158: {  	v45 =	vmul.f32 v33, v33;
	v12 =	vld.idx.msk [tilespmem:v34+s11+$0x0], $0xffff;
	v6 =	vadd.f32 v32, v6;
	v16 =	vadd.f32 v40, v16  }
0x159: {  	v47 =	vmul.f32 v60, v19;
	v60 =	vmul.f32 v48, v48;
	v49 =	vor.u32 v46, v2;
	v24 =	vld.idx.msk [tilespmem:v24+s11+$0x0], $0xffff  }
0x15a: {  	v50 =	vmul.f32 v38, v38;
	v20 =	vld.idx.msk [tilespmem:v39+s11+$0x0], $0xffff;
	v6 =	vadd.f32 v37, v6;
	v16 =	vadd.f32 v45, v16  }
0x15b: {  	v31 =	vmul.f32 v58, v58;
	v52 =	vmul.f32 v28, v17;
	v39 =	vld.idx.msk [tilespmem:v61+s9+$0x0], $0xffff;
	v54 =	vor.u32 v51, v2  }
0x15c: {  	v15 =	vld.idx.msk [tilespmem:v44+s11+$0x0], $0xffff;
	v44 =	vor.u32 $0x1803, v0;
	v6 =	vadd.f32 v42, v6;
	v16 =	vadd.f32 v50, v16  }
0x15d: {  	v57 =	vmul.f32 v33, v13;
	v9 =	vmul.f32 v38, v21;
	v62 =	vld.idx.msk [tilespmem:v51+s9+$0x0], $0xffff;
	v59 =	vor.u32 v56, v2  }
0x15e: {  	v19 =	vld.idx.msk [tilespmem:v49+s11+$0x0], $0xffff;
	v49 =	vor.u32 v61, v2;
	v6 =	vadd.f32 v47, v6;
	v16 =	vadd.f32 v55, v16  }
0x15f: {  	v33 =	vor.u32 $0x1801, v0;
	v41 =	vmul.f32 v29, v29;
	v38 =	vmul.f32 v48, v20;
	v20 =	vld.idx.msk [tilespmem:v63+s9+$0x0], $0xffff  }
0x160: {  	v17 =	vld.idx.msk [tilespmem:v54+s11+$0x0], $0xffff;
	v32 =	vor.u32 $0x1800, v0;
	v6 =	vadd.f32 v52, v6;
	v16 =	vadd.f32 v60, v16  }
0x161: {  	v28 =	vmul.f32 v43, v12;
	v46 =	vmul.f32 v39, v39;
	v14 =	vld.idx.msk [tilespmem:v44+s9+$0x0], $0xffff;
	v37 =	vor.u32 $0x1802, v0  }
0x162: {  	v35 =	vpop (erf);
	v13 =	vld.idx.msk [tilespmem:v59+s11+$0x0], $0xffff;
	v7 =	vadd.f32 v57, v6;
	v6 =	vor.u32 $0x101F, v0;
	v30 =	vadd.f32 v26, v16  }
0x163: {  	v48 =	vor.u32 $0x1804, v0;
	v63 =	vor.u32 $0x1808, v0;
	v5 =	vmul.f32 v35, v5;
	v21 =	vld.idx.msk [tilespmem:v49+s11+$0x0], $0xffff  }
0x164: {  	v34 =	vmul.f32 v62, v62;
	v36 =	vmul.f32 v53, v15;
	v42 =	vld [tilespmem:$0x30];
	v12 =	vadd.f32 v31, v30  }
0x165: {  	v43 =	vmul.f32 v58, v19;
	v1 =	vadd.f32 v5, v1;
	v11 =	vmul.f32 v20, v24;
	v19 =	vld.idx.msk [tilespmem:v32+s9+$0x0], $0xffff  }
0x166: {  	v50 =	vmul.f32 v20, v20;
	v47 =	vmul.f32 v62, v17;
	v22 =	vld.idx.msk [tilespmem:v37+s9+$0x0], $0xffff;
	v40 =	vadd.f32 v34, v12  }
0x167: {  	v51 =	vmul.f32 v29, v13;
	v52 =	vor.u32 $0x1805, v0;
	v27 =	vadd.f32 v9, v7;
	v3 =	vld.idx.msk [tilespmem:v6+s9+$0x0], $0xffff  }
0x168: {  	v62 =	vmul.f32 v14, v14;
	v29 =	vor.u32 $0x180C, v0;
	v45 =	vadd.f32 v41, v40  }
0x169: {  	v10 =	vmul.f32 v39, v21;
	v54 =	vshll.u32 v42, $0x5;
	v4 =	vadd.f32 v28, v27;
	v12 =	vld.idx.msk [tilespmem:v33+s9+$0x0], $0xffff  }
0x16a: {  	v60 =	vor.u32 $0x1807, v0;
	v57 =	vor.u32 $0x1806, v0;
	v5 =	vadd.f32 v46, v45  }
0x16b: {  	v55 =	vmul.f32 v19, v19;
	v59 =	vmul.f32 v22, v22;
	v27 =	vld.idx.msk [tilespmem:v48+s9+$0x0], $0xffff;
	v4 =	vadd.f32 v38, v4  }
0x16c: {  	v28 =	vld.idx.msk [tilespmem:v52+s9+$0x0], $0xffff;
	v34 =	vor.u32 $0x1812, v0;
	v53 =	vmul.f32 v3, v3;
	v5 =	vadd.f32 v50, v5  }
0x16d: {  	v35 =	vld.idx.msk [tilespmem:v63+s9+$0x0], $0xffff;
	v41 =	vor.u32 $0x180A, v0;
	v4 =	vadd.f32 v36, v4;
	v45 =	vor.u32 $0x180B, v0  }
0x16e: {  	v56 =	vmul.f32 v12, v12;
	v8 =	vadd.f32 v53, v5;
	v5 =	vand.u32 $0x60, v54  }
0x16f: {  	v31 =	vld.idx.msk [tilespmem:v57+s9+$0x0], $0xffff;
	v36 =	vor.u32 $0x1813, v0;
	v4 =	vadd.f32 v43, v4;
	v16 =	vor.u32 v32, v5  }
0x170: {  	v38 =	vmul.f32 v27, v27;
	v58 =	vadd.f32 v56, v55;
	v18 =	vor.u32 v33, v5  }
0x171: {  	v40 =	vmul.f32 v28, v28;
	v24 =	vld.idx.msk [tilespmem:v34+s9+$0x0], $0xffff;
	v4 =	vadd.f32 v47, v4;
	v32 =	vor.u32 $0x1809, v0  }
0x172: {  	v50 =	vmul.f32 v35, v35;
	v23 =	vadd.f32 v59, v58;
	v15 =	vor.u32 v37, v5;
	v33 =	vld.idx.msk [tilespmem:v60+s9+$0x0], $0xffff  }
0x173: {  	v54 =	vor.u32 $0x180E, v0;
	v4 =	vadd.f32 v51, v4;
	v43 =	vor.u32 v44, v5;
	v26 =	vld.idx.msk [tilespmem:v45+s9+$0x0], $0xffff  }
0x174: {  	v44 =	vmul.f32 v31, v31;
	v17 =	vor.u32 v48, v5;
	v23 =	vadd.f32 v62, v23;
	v16 =	vld.idx.msk [tilespmem:v16+s11+$0x0], $0xffff  }
0x175: {  	v13 =	vor.u32 v52, v5;
	v61 =	vshra.s32 v8, $0x1;
	v9 =	vmul.f32 $5.000000000e-01, v8;
	v18 =	vld.idx.msk [tilespmem:v18+s11+$0x0], $0xffff  }
0x176: {  	v51 =	vor.u32 $0x180D, v0;
	v7 =	vsub.s32 $0x5F3759DF, v61;
	v23 =	vadd.f32 v38, v23;
	v20 =	vld.idx.msk [tilespmem:v32+s9+$0x0], $0xffff  }
0x177: {  	v52 =	vor.u32 v57, v5;
	v56 =	vor.u32 v60, v5;
	v39 =	vmul.f32 v7, v9;
	v15 =	vld.idx.msk [tilespmem:v15+s11+$0x0], $0xffff  }
0x178: {  	v58 =	vor.u32 $0x180F, v0;
	v60 =	vor.u32 v63, v5;
	v48 =	vld.idx.msk [tilespmem:v43+s11+$0x0], $0xffff;
	v23 =	vadd.f32 v40, v23  }
0x179: {  	v37 =	vor.u32 $0x181E, v0;
	v4 =	vadd.f32 v10, v4;
	v42 =	vmul.f32 v7, v39;
	v17 =	vld.idx.msk [tilespmem:v17+s11+$0x0], $0xffff  }
0x17a: {  	v62 =	vor.u32 $0x1810, v0;
	v46 =	vmul.f32 v33, v33;
	v13 =	vld.idx.msk [tilespmem:v13+s11+$0x0], $0xffff;
	v23 =	vadd.f32 v44, v23  }
0x17b: {  	v38 =	vor.u32 v32, v5;
	v10 =	vsub.f32 $1.500000000e+00, v42;
	v47 =	vmul.f32 v19, v16;
	v16 =	vld.idx.msk [tilespmem:v41+s9+$0x0], $0xffff  }
0x17c: {  	v61 =	vmul.f32 v26, v26;
	v49 =	vadd.f32 v46, v23;
	v55 =	vmul.f32 v22, v15;
	v22 =	vld.idx.msk [tilespmem:v29+s9+$0x0], $0xffff  }
0x17d: {  	v10 =	vmul.f32 v7, v10;
	v12 =	vmul.f32 v12, v18;
	v19 =	vld.idx.msk [tilespmem:v51+s9+$0x0], $0xffff;
	v7 =	vadd.f32 $0.0e+00, v47  }
0x17e: {  	v32 =	vor.u32 $0x1811, v0;
	v53 =	vmul.f32 v20, v20;
	v18 =	vld.idx.msk [tilespmem:v52+s11+$0x0], $0xffff;
	v21 =	vadd.f32 v50, v49  }
0x17f: {  	v44 =	vor.u32 v45, v5;
	v63 =	vmul.f32 v27, v17;
	v27 =	vld.idx.msk [tilespmem:v54+s9+$0x0], $0xffff;
	v7 =	vadd.f32 v12, v7  }
0x180: {  	v59 =	vmul.f32 v14, v48;
	v15 =	vld.idx.msk [tilespmem:v56+s11+$0x0], $0xffff;
	v21 =	vadd.f32 v53, v21;
	v57 =	vmul.f32 v16, v16  }
0x181: {  	v40 =	vmul.f32 v28, v13;
	v41 =	vor.u32 v41, v5;
	v28 =	vld.idx.msk [tilespmem:v58+s9+$0x0], $0xffff;
	v7 =	vadd.f32 v55, v7  }
0x182: {  	v14 =	vld.idx.msk [tilespmem:v60+s11+$0x0], $0xffff;
	v47 =	vor.u32 v29, v5;
	v50 =	vor.u32 v51, v5;
	v21 =	vadd.f32 v57, v21  }
0x183: {  	v17 =	vld.idx.msk [tilespmem:v38+s11+$0x0], $0xffff;
	v53 =	vor.u32 v54, v5;
	v39 =	vmul.f32 v22, v22;
	v7 =	vadd.f32 v59, v7  }
0x184: {  	v29 =	vld.idx.msk [tilespmem:v32+s9+$0x0], $0xffff;
	v42 =	vmul.f32 v19, v19;
	v43 =	vmul.f32 v31, v18;
	v21 =	vadd.f32 v61, v21  }
0x185: {  	v31 =	vld.idx.msk [tilespmem:v62+s9+$0x0], $0xffff;
	v45 =	vmul.f32 v27, v27;
	v46 =	vmul.f32 v33, v15;
	v7 =	vadd.f32 v63, v7  }
0x186: {  	v13 =	vld.idx.msk [tilespmem:v41+s11+$0x0], $0xffff;
	v48 =	vmul.f32 v28, v28;
	v33 =	vor.u32 $0x1814, v0;
	v21 =	vadd.f32 v39, v21  }
0x187: {  	v49 =	vmul.f32 v35, v14;
	v18 =	vld.idx.msk [tilespmem:v44+s11+$0x0], $0xffff;
	v35 =	vor.u32 $0x1815, v0;
	v7 =	vadd.f32 v40, v7  }
0x188: {  	v52 =	vmul.f32 v20, v17;
	v20 =	vld.idx.msk [tilespmem:v36+s9+$0x0], $0xffff;
	v41 =	vor.u32 $0x1819, v0;
	v21 =	vadd.f32 v42, v21  }
0x189: {  	v55 =	vor.u32 $0x1816, v0;
	v15 =	vld.idx.msk [tilespmem:v47+s11+$0x0], $0xffff;
	v54 =	vmul.f32 v29, v29;
	v7 =	vadd.f32 v43, v7  }
0x18a: {  	v57 =	vor.u32 v58, v5;
	v14 =	vld.idx.msk [tilespmem:v50+s11+$0x0], $0xffff;
	v58 =	vmul.f32 v24, v24;
	v21 =	vadd.f32 v45, v21  }
0x18b: {  	v59 =	vor.u32 $0x1817, v0;
	v61 =	vor.u32 v62, v5;
	v17 =	vld.idx.msk [tilespmem:v53+s11+$0x0], $0xffff;
	v7 =	vadd.f32 v46, v7  }
0x18c: {  	v51 =	vmul.f32 v31, v31;
	v56 =	vmul.f32 v16, v13;
	v16 =	vld.idx.msk [tilespmem:v33+s9+$0x0], $0xffff;
	v21 =	vadd.f32 v48, v21  }
0x18d: {  	v60 =	vmul.f32 v26, v18;
	v26 =	vld.idx.msk [tilespmem:v35+s9+$0x0], $0xffff;
	v63 =	vor.u32 $0x1818, v0;
	v7 =	vadd.f32 v49, v7  }
0x18e: {  	v39 =	vor.u32 v32, v5;
	v32 =	vadd.f32 v11, v4;
	v4 =	vld.idx.msk [tilespmem:v25+s9+$0x0], $0xffff;
	v21 =	vadd.f32 v51, v21  }
0x18f: {  	v62 =	vmul.f32 v20, v20;
	v38 =	vmul.f32 v22, v15;
	v22 =	vld.idx.msk [tilespmem:v55+s9+$0x0], $0xffff;
	v7 =	vadd.f32 v52, v7  }
0x190: {  	v13 =	vld.idx.msk [tilespmem:v57+s11+$0x0], $0xffff;
	v55 =	vor.u32 v55, v5;
	v42 =	vmul.f32 v19, v14;
	v21 =	vadd.f32 v54, v21  }
0x191: {  	v19 =	vld.idx.msk [tilespmem:v59+s9+$0x0], $0xffff;
	v43 =	vor.u32 v34, v5;
	v34 =	vor.u32 $0x181A, v0;
	v7 =	vadd.f32 v56, v7  }
0x192: {  	v18 =	vld.idx.msk [tilespmem:v61+s11+$0x0], $0xffff;
	v61 =	vor.u32 v63, v5;
	v40 =	vmul.f32 v16, v16;
	v21 =	vadd.f32 v58, v21  }
0x193: {  	v45 =	vmul.f32 v27, v17;
	v27 =	vld.idx.msk [tilespmem:v63+s9+$0x0], $0xffff;
	v46 =	vor.u32 v36, v5;
	v7 =	vadd.f32 v60, v7  }
0x194: {  	v44 =	vmul.f32 v26, v26;
	v15 =	vld.idx.msk [tilespmem:v39+s11+$0x0], $0xffff;
	v36 =	vor.u32 $0x181B, v0;
	v21 =	vadd.f32 v62, v21  }
0x195: {  	v47 =	vmul.f32 v22, v22;
	v48 =	vmul.f32 v28, v13;
	v28 =	vld.idx.msk [tilespmem:v41+s9+$0x0], $0xffff;
	v7 =	vadd.f32 v38, v7  }
0x196: {  	v49 =	vor.u32 v33, v5;
	v50 =	vmul.f32 v19, v19;
	v14 =	vld.idx.msk [tilespmem:v43+s11+$0x0], $0xffff;
	v21 =	vadd.f32 v40, v21  }
0x197: {  	v33 =	vor.u32 $0x181C, v0;
	v51 =	vmul.f32 v31, v18;
	v31 =	vld.idx.msk [tilespmem:v34+s9+$0x0], $0xffff;
	v7 =	vadd.f32 v42, v7  }
0x198: {  	v52 =	vor.u32 v35, v5;
	v53 =	vmul.f32 v27, v27;
	v17 =	vld.idx.msk [tilespmem:v46+s11+$0x0], $0xffff;
	v21 =	vadd.f32 v44, v21  }
0x199: {  	v35 =	vor.u32 $0x181D, v0;
	v54 =	vmul.f32 v29, v15;
	v29 =	vld.idx.msk [tilespmem:v36+s9+$0x0], $0xffff;
	v7 =	vadd.f32 v45, v7  }
0x19a: {  	v15 =	vld.idx.msk [tilespmem:v55+s11+$0x0], $0xffff;
	v46 =	vor.u32 v34, v5;
	v58 =	vor.u32 v59, v5;
	v21 =	vadd.f32 v47, v21  }
0x19b: {  	v55 =	vor.u32 v33, v5;
	v13 =	vld.idx.msk [tilespmem:v49+s11+$0x0], $0xffff;
	v57 =	vmul.f32 v24, v14;
	v7 =	vadd.f32 v48, v7  }
0x19c: {  	v24 =	vld.idx.msk [tilespmem:v33+s9+$0x0], $0xffff;
	v62 =	vmul.f32 v10, v9;
	v38 =	vor.u32 v41, v5;
	v21 =	vadd.f32 v50, v21  }
0x19d: {  	v56 =	vmul.f32 v28, v28;
	v59 =	vmul.f32 v31, v31;
	v18 =	vld.idx.msk [tilespmem:v52+s11+$0x0], $0xffff;
	v7 =	vadd.f32 v51, v7  }
0x19e: {  	v60 =	vmul.f32 v20, v17;
	v20 =	vld.idx.msk [tilespmem:v35+s9+$0x0], $0xffff;
	v30 =	vmul.f32 v62, v10;
	v21 =	vadd.f32 v53, v21  }
0x19f: {  	v63 =	vmul.f32 v29, v29;
	v62 =	vor.u32 $0x2000, v0;
	v14 =	vld.idx.msk [tilespmem:v58+s11+$0x0], $0xffff;
	v7 =	vadd.f32 v54, v7  }
0x1a0: {  	v17 =	vld.idx.msk [tilespmem:v61+s11+$0x0], $0xffff;
	v13 =	vmul.f32 v16, v13;
	v42 =	vsub.f32 $1.500000000e+00, v30;
	v21 =	vadd.f32 v56, v21  }
0x1a1: {  	v39 =	vmul.f32 v24, v24;
	v30 =	vor.u32 $0x2001, v0;
	v47 =	vld.idx.msk [tilespmem:v38+s11+$0x0], $0xffff;
	v7 =	vadd.f32 v57, v7  }
0x1a2: {  	v45 =	vmul.f32 v22, v15;
	v15 =	vld.idx.msk [tilespmem:v46+s11+$0x0], $0xffff;
	v10 =	vmul.f32 v42, v10;
	v21 =	vadd.f32 v59, v21  }
0x1a3: {  	v41 =	vmul.f32 v26, v18;
	v44 =	vmul.f32 v20, v20;
	v12 =	vadd.f32 v60, v7;
	v7 =	vld.idx.msk [tilespmem:v37+s9+$0x0], $0xffff  }
0x1a4: {  	v50 =	vmul.f32 v19, v14;
	v9 =	vmul.f32 v10, v9;
	v21 =	vadd.f32 v63, v21  }
0x1a5: {  	v51 =	vor.u32 v36, v5;
	v53 =	vmul.f32 v4, v4;
	v54 =	vmul.f32 v27, v17  }
0x1a6: {  	v52 =	vld [tilespmem:$0x40];
	v58 =	vmul.f32 v28, v47;
	v56 =	vor.u32 v6, v2;
	v43 =	vadd.f32 v39, v21  }
0x1a7: {  	v28 =	vmul.f32 v31, v15;
	v47 =	vor.u32 $0x2005, v0;
	v57 =	vmul.f32 v9, v10  }
0x1a8: {  	v17 =	vld.idx.msk [tilespmem:v55+s11+$0x0], $0xffff;
	v59 =	vor.u32 v35, v5;
	v48 =	vadd.f32 v44, v43;
	v49 =	vmul.f32 v7, v7  }
0x1a9: {  	v15 =	vld.idx.msk [tilespmem:v30+s9+$0x0], $0xffff;
	v55 =	vor.u32 $0x2008, v0;
	v35 =	vor.u32 $0x2002, v0;
	v63 =	vsub.f32 $1.500000000e+00, v57  }
0x1aa: {  	v14 =	vld.idx.msk [tilespmem:v51+s11+$0x0], $0xffff;
	v40 =	vadd.f32 v13, v12;
	v39 =	vor.u32 $0x2003, v0;
	v16 =	vadd.f32 v49, v48  }
0x1ab: {  	v51 =	vor.u32 $0x2006, v0;
	v60 =	vshll.u32 v52, $0x5;
	v21 =	vld.idx.msk [tilespmem:v56+s11+$0x0], $0xffff;
	v10 =	vmul.f32 v63, v10  }
0x1ac: {  	v56 =	vld.idx.msk [tilespmem:v47+s9+$0x0], $0xffff;
	v11 =	vadd.f32 v41, v40;
	v43 =	vor.u32 $0x2004, v0;
	v6 =	vadd.f32 v53, v16  }
0x1ad: {  	v17 =	vmul.f32 v24, v17;
	v13 =	vld.idx.msk [tilespmem:v59+s11+$0x0], $0xffff;
	v8 =	vmul.f32 v10, v8;
	v10 =	vor.u32 v37, v5  }
0x1ae: {  	v5 =	vor.u32 v25, v5;
	v11 =	vadd.f32 v45, v11;
	v49 =	vld.idx.msk [tilespmem:v35+s9+$0x0], $0xffff;
	v2 =	vshra.s32 v6, $0x1  }
0x1af: {  	v24 =	vld.idx.msk [tilespmem:v39+s9+$0x0], $0xffff;
	v53 =	vor.u32 $0x2007, v0;
	v61 =	vsub.s32 $0x5F3759DF, v2;
	v2 =	vand.u32 $0x60, v60  }
0x1b0: {  	v34 =	vmul.f32 v29, v14;
	v59 =	vor.u32 $0x2009, v0;
	v16 =	vld.idx.msk [tilespmem:v62+s9+$0x0], $0xffff;
	v27 =	vor.u32 v62, v2  }
0x1b1: {  	v11 =	vadd.f32 v50, v11;
	v3 =	vmul.f32 v3, v21;
	v21 =	vld.idx.msk [tilespmem:v43+s9+$0x0], $0xffff;
	v33 =	vor.u32 v30, v2  }
0x1b2: {  	v25 =	vor.u32 $0x2805, v0;
	v8 =	vadd.f32 $9.999999960e-13, v8;
	v10 =	vld.idx.msk [tilespmem:v10+s11+$0x0], $0xffff;
	v38 =	vor.u32 v35, v2  }
0x1b3: {  	v11 =	vadd.f32 v54, v11;
	v5 =	vld.idx.msk [tilespmem:v5+s11+$0x0], $0xffff;
	v9 =	vmul.f32 $5.000000000e-01, v6;
	v40 =	vor.u32 v39, v2  }
0x1b4: {  	v44 =	vmul.f32 v20, v13;
	(erf) = vrcp.f32 v8;
	v46 =	vor.u32 v43, v2;
	v35 =	vld.idx.msk [tilespmem:v53+s9+$0x0], $0xffff  }
0x1b5: {  	v11 =	vadd.f32 v58, v11;
	v26 =	vmul.f32 v61, v9;
	v50 =	vor.u32 v47, v2;
	v23 =	vld.idx.msk [tilespmem:v27+s11+$0x0], $0xffff  }
0x1b6: {  	v3 =	vadd.f32 v3, v32;
	v13 =	vmul.f32 v49, v49;
	v52 =	vor.u32 v51, v2;
	v42 =	vld.idx.msk [tilespmem:v33+s11+$0x0], $0xffff  }
0x1b7: {  	v57 =	vor.u32 v55, v2;
	v11 =	vadd.f32 v28, v11;
	v31 =	vmul.f32 v61, v26;
	v19 =	vld.idx.msk [tilespmem:v38+s11+$0x0], $0xffff  }
0x1b8: {  	v54 =	vor.u32 v53, v2;
	v60 =	vmul.f32 v24, v24;
	v62 =	vor.u32 v59, v2;
	v18 =	vld.idx.msk [tilespmem:v40+s11+$0x0], $0xffff  }
0x1b9: {  	v39 =	vmul.f32 v56, v56;
	v12 =	vadd.f32 v34, v11;
	v36 =	vsub.f32 $1.500000000e+00, v31;
	v20 =	vld.idx.msk [tilespmem:v46+s11+$0x0], $0xffff  }
0x1ba: {  	v7 =	vmul.f32 v7, v10;
	v4 =	vmul.f32 v4, v5;
	v26 =	vor.u32 $0x2806, v0;
	v14 =	vld.idx.msk [tilespmem:v50+s11+$0x0], $0xffff  }
0x1bb: {  	v34 =	vmul.f32 v21, v21;
	v41 =	vadd.f32 v17, v12;
	v58 =	vld.idx.msk [tilespmem:v52+s11+$0x0], $0xffff;
	v11 =	vmul.f32 v61, v36  }
0x1bc: {  	v33 =	vor.u32 $0x200A, v0;
	v37 =	vld.idx.msk [tilespmem:v57+s11+$0x0], $0xffff;
	v38 =	vor.u32 $0x200B, v0;
	v50 =	vor.u32 $0x200D, v0  }
0x1bd: {  	v43 =	vld.idx.msk [tilespmem:v62+s11+$0x0], $0xffff;
	v62 =	vor.u32 $0x200F, v0;
	v36 =	vor.u32 v33, v2;
	v45 =	vmul.f32 v11, v9  }
0x1be: {  	v61 =	vld.idx.msk [tilespmem:v51+s9+$0x0], $0xffff;
	v51 =	vmul.f32 v35, v35;
	v53 =	vor.u32 v50, v2;
	v8 =	vadd.f32 v44, v41  }
0x1bf: {  	v40 =	vld.idx.msk [tilespmem:v55+s9+$0x0], $0xffff;
	v41 =	vor.u32 v38, v2;
	v44 =	vor.u32 $0x200C, v0;
	v48 =	vmul.f32 v45, v11  }
0x1c0: {  	v32 =	vld.idx.msk [tilespmem:v54+s11+$0x0], $0xffff;
	v47 =	vor.u32 v44, v2;
	v23 =	vmul.f32 v16, v23;
	v17 =	vmul.f32 v15, v42  }
0x1c1: {  	v46 =	vld.idx.msk [tilespmem:v59+s9+$0x0], $0xffff;
	v8 =	vadd.f32 v7, v8;
	v16 =	vmul.f32 v16, v16;
	v15 =	vmul.f32 v15, v15  }
0x1c2: {  	v7 =	vor.u32 $0x201F, v0;
	v19 =	vmul.f32 v49, v19;
	v18 =	vmul.f32 v24, v18;
	v52 =	vld.idx.msk [tilespmem:v33+s9+$0x0], $0xffff  }
0x1c3: {  	v63 =	vmul.f32 v21, v20;
	v14 =	vmul.f32 v56, v14;
	v49 =	vld.idx.msk [tilespmem:v36+s11+$0x0], $0xffff;
	v15 =	vadd.f32 v15, v16  }
0x1c4: {  	v54 =	vmul.f32 v40, v37;
	v42 =	vmul.f32 v61, v58;
	v58 =	vld.idx.msk [tilespmem:v38+s9+$0x0], $0xffff;
	v23 =	vadd.f32 $0.0e+00, v23  }
0x1c5: {  	v56 =	vor.u32 $0x200E, v0;
	v57 =	vmul.f32 v40, v40;
	v38 =	vld.idx.msk [tilespmem:v50+s9+$0x0], $0xffff;
	v13 =	vadd.f32 v13, v15  }
0x1c6: {  	v33 =	vor.u32 v62, v2;
	v20 =	vor.u32 $0x201E, v0;
	v50 =	vld.idx.msk [tilespmem:v62+s9+$0x0], $0xffff;
	v17 =	vadd.f32 v17, v23  }
0x1c7: {  	v45 =	vmul.f32 v61, v61;
	v12 =	vsub.f32 $1.500000000e+00, v48;
	v55 =	vld.idx.msk [tilespmem:v41+s11+$0x0], $0xffff;
	v13 =	vadd.f32 v60, v13  }
0x1c8: {  	v59 =	vor.u32 v56, v2;
	v48 =	vmul.f32 v35, v32;
	v32 =	vld.idx.msk [tilespmem:v44+s9+$0x0], $0xffff;
	v17 =	vadd.f32 v19, v17  }
0x1c9: {  	v36 =	vor.u32 $0x2010, v0;
	v35 =	vld.idx.msk [tilespmem:v53+s11+$0x0], $0xffff;
	v11 =	vmul.f32 v12, v11;
	v13 =	vadd.f32 v34, v13  }
0x1ca: {  	v37 =	vmul.f32 v52, v52;
	v60 =	vmul.f32 v46, v43;
	v17 =	vadd.f32 v18, v17  }
0x1cb: {  	v43 =	vmul.f32 v58, v58;
	v9 =	vmul.f32 v11, v9;
	v13 =	vadd.f32 v39, v13  }
0x1cc: {  	v61 =	vld.idx.msk [tilespmem:v47+s11+$0x0], $0xffff;
	v40 =	vmul.f32 v58, v55;
	v55 =	vmul.f32 v38, v38;
	v17 =	vadd.f32 v63, v17  }
0x1cd: {  	v44 =	vld.idx.msk [tilespmem:v56+s9+$0x0], $0xffff;
	v34 =	vmul.f32 v52, v49;
	v49 =	vmul.f32 v32, v32;
	v13 =	vadd.f32 v45, v13  }
0x1ce: {  	v47 =	vld.idx.msk [tilespmem:v33+s11+$0x0], $0xffff;
	v52 =	vmul.f32 v38, v35;
	v35 =	vmul.f32 v50, v50;
	v14 =	vadd.f32 v14, v17  }
0x1cf: {  	v9 =	vmul.f32 v9, v11;
	v39 =	vor.u32 v36, v2;
	v13 =	vadd.f32 v51, v13  }
0x1d0: {  	v41 =	vld.idx.msk [tilespmem:v59+s11+$0x0], $0xffff;
	v63 =	vmul.f32 v46, v46;
	v14 =	vadd.f32 v42, v14;
	v42 =	vor.u32 $0x2011, v0  }
0x1d1: {  	v46 =	vmul.f32 v32, v61;
	v45 =	vor.u32 v42, v2;
	v13 =	vadd.f32 v57, v13  }
0x1d2: {  	v56 =	vld.idx.msk [tilespmem:v36+s9+$0x0], $0xffff;
	v61 =	vmul.f32 v44, v44;
	v14 =	vadd.f32 v48, v14;
	v48 =	vor.u32 $0x2012, v0  }
0x1d3: {  	v5 =	vld.idx.msk [tilespmem:v20+s9+$0x0], $0xffff;
	v32 =	vmul.f32 v50, v47;
	v51 =	vor.u32 v48, v2;
	v13 =	vadd.f32 v63, v13  }
0x1d4: {  	v9 =	vsub.f32 $1.500000000e+00, v9;
	v53 =	vld.idx.msk [tilespmem:v39+s11+$0x0], $0xffff;
	v14 =	vadd.f32 v54, v14;
	v54 =	vor.u32 $0x2013, v0  }
0x1d5: {  	v58 =	vmul.f32 v44, v41;
	v57 =	vor.u32 v54, v2;
	v62 =	vld.idx.msk [tilespmem:v42+s9+$0x0], $0xffff;
	v13 =	vadd.f32 v37, v13  }
0x1d6: {  	v9 =	vmul.f32 v9, v11;
	v14 =	vadd.f32 v60, v14;
	v59 =	vld.idx.msk [tilespmem:v45+s11+$0x0], $0xffff;
	v60 =	vor.u32 $0x2014, v0  }
0x1d7: {  	v41 =	vmul.f32 v56, v56;
	v63 =	vor.u32 v60, v2;
	v36 =	vld.idx.msk [tilespmem:v48+s9+$0x0], $0xffff;
	v13 =	vadd.f32 v43, v13  }
0x1d8: {  	v6 =	vmul.f32 v9, v6;
	v14 =	vadd.f32 v34, v14;
	v33 =	vld.idx.msk [tilespmem:v51+s11+$0x0], $0xffff;
	v34 =	vor.u32 $0x2015, v0  }
0x1d9: {  	v38 =	vmul.f32 v56, v53;
	v37 =	vor.u32 v34, v2;
	v42 =	vld.idx.msk [tilespmem:v54+s9+$0x0], $0xffff;
	v13 =	vadd.f32 v49, v13  }
0x1da: {  	v14 =	vadd.f32 v40, v14;
	v39 =	vld.idx.msk [tilespmem:v57+s11+$0x0], $0xffff;
	v40 =	vor.u32 $0x2016, v0;
	v47 =	vmul.f32 v62, v62  }
0x1db: {  	v43 =	vor.u32 v40, v2;
	v44 =	vmul.f32 v62, v59;
	v48 =	vld.idx.msk [tilespmem:v60+s9+$0x0], $0xffff;
	v13 =	vadd.f32 v55, v13  }
0x1dc: {  	v14 =	vadd.f32 v46, v14;
	v45 =	vld.idx.msk [tilespmem:v63+s11+$0x0], $0xffff;
	v46 =	vor.u32 $0x2017, v0;
	v53 =	vmul.f32 v36, v36  }
0x1dd: {  	v55 =	vor.u32 $0x2018, v0;
	v63 =	vor.u32 $0x2019, v0;
	v54 =	vld.idx.msk [tilespmem:v34+s9+$0x0], $0xffff;
	v13 =	vadd.f32 v61, v13  }
0x1de: {  	v49 =	vor.u32 v46, v2;
	v51 =	vmul.f32 v36, v33;
	v14 =	vadd.f32 v52, v14;
	v52 =	vld.idx.msk [tilespmem:v37+s11+$0x0], $0xffff  }
0x1df: {  	v29 =	vor.u32 v63, v2;
	v33 =	vor.u32 $0x201A, v0;
	v60 =	vld.idx.msk [tilespmem:v40+s9+$0x0], $0xffff;
	v13 =	vadd.f32 v35, v13  }
0x1e0: {  	v59 =	vmul.f32 v42, v42;
	v36 =	vor.u32 v33, v2;
	v56 =	vmul.f32 v42, v39;
	v57 =	vld.idx.msk [tilespmem:v43+s11+$0x0], $0xffff  }
0x1e1: {  	v14 =	vadd.f32 v58, v14;
	v58 =	vor.u32 v55, v2;
	v28 =	vld.idx.msk [tilespmem:v46+s9+$0x0], $0xffff;
	v13 =	vadd.f32 v41, v13  }
0x1e2: {  	v27 =	vmul.f32 v48, v48;
	v61 =	vmul.f32 v48, v45;
	v35 =	vld.idx.msk [tilespmem:v55+s9+$0x0], $0xffff;
	v55 =	vor.u32 $0x2802, v0  }
0x1e3: {  	v43 =	vld.idx.msk [tilespmem:v63+s9+$0x0], $0xffff;
	v63 =	vor.u32 $0x2807, v0;
	v14 =	vadd.f32 v32, v14;
	v13 =	vadd.f32 v47, v13  }
0x1e4: {  	v62 =	vld.idx.msk [tilespmem:v49+s11+$0x0], $0xffff;
	v31 =	vmul.f32 v54, v54;
	v30 =	vmul.f32 v54, v52;
	v52 =	vor.u32 $0x2801, v0  }
0x1e5: {  	v40 =	vld.idx.msk [tilespmem:v29+s11+$0x0], $0xffff;
	v54 =	vor.u32 $0x201D, v0;
	v14 =	vadd.f32 v38, v14;
	v13 =	vadd.f32 v53, v13  }
0x1e6: {  	v49 =	vld.idx.msk [tilespmem:v33+s9+$0x0], $0xffff;
	v33 =	vor.u32 $0x280B, v0;
	v37 =	vmul.f32 v60, v60;
	v38 =	vor.u32 $0x201B, v0  }
0x1e7: {  	v48 =	vld.idx.msk [tilespmem:v36+s11+$0x0], $0xffff;
	v41 =	vor.u32 v38, v2;
	v50 =	vadd.f32 v44, v14;
	v13 =	vadd.f32 v59, v13  }
0x1e8: {  	v32 =	vld.idx.msk [tilespmem:v58+s11+$0x0], $0xffff;
	v34 =	vmul.f32 v60, v57;
	v42 =	vmul.f32 v28, v28;
	v44 =	vor.u32 $0x201C, v0  }
0x1e9: {  	v47 =	vmul.f32 v35, v35;
	v12 =	vadd.f32 v51, v50;
	v23 =	vld.idx.msk [tilespmem:v52+s9+$0x0], $0xffff;
	v13 =	vadd.f32 v27, v13  }
0x1ea: {  	v16 =	vmul.f32 v43, v43;
	v45 =	vor.u32 v44, v2;
	v18 =	vmul.f32 v43, v40;
	v43 =	vld.idx.msk [tilespmem:v54+s9+$0x0], $0xffff  }
0x1eb: {  	v53 =	vpop (erf);
	v39 =	vmul.f32 v28, v62;
	v21 =	vld.idx.msk [tilespmem:v38+s9+$0x0], $0xffff;
	v12 =	vadd.f32 v56, v12;
	v13 =	vadd.f32 v31, v13  }
0x1ec: {  	v22 =	vor.u32 v54, v2;
	v3 =	vmul.f32 v53, v3;
	v10 =	vmul.f32 v49, v49;
	v51 =	vld.idx.msk [tilespmem:v41+s11+$0x0], $0xffff  }
0x1ed: {  	v38 =	vld.idx.msk [tilespmem:v44+s9+$0x0], $0xffff;
	v44 =	vor.u32 $0x2804, v0;
	v12 =	vadd.f32 v61, v12;
	v13 =	vadd.f32 v37, v13  }
0x1ee: {  	v50 =	vor.u32 $0x2800, v0;
	v1 =	vadd.f32 v3, v1;
	v41 =	vadd.f32 $9.999999960e-13, v6;
	v6 =	vld.idx.msk [tilespmem:v7+s9+$0x0], $0xffff  }
0x1ef: {  	v40 =	vor.u32 $0x2803, v0;
	v14 =	vld.idx.msk [tilespmem:v45+s11+$0x0], $0xffff;
	v12 =	vadd.f32 v30, v12;
	v13 =	vadd.f32 v42, v13  }
0x1f0: {  	v46 =	vmul.f32 v35, v32;
	[tilespmem:$0x1FBE0] =	vst v1;
	v1 =	vld [tilespmem:$0x50];
	v57 =	vmul.f32 v21, v21;
	v30 =	vor.u32 $0x2808, v0  }
0x1f1: {  	v56 =	vmul.f32 v21, v51;
	v21 =	vld.idx.msk [tilespmem:v55+s9+$0x0], $0xffff;
	v12 =	vadd.f32 v34, v12;
	v13 =	vadd.f32 v47, v13  }
0x1f2: {  	v3 =	vadd.f32 v4, v8;
	(erf) = vrcp.f32 v41;
	v61 =	vmul.f32 v23, v23;
	v27 =	vld.idx.msk [tilespmem:v44+s9+$0x0], $0xffff  }
0x1f3: {  	v45 =	vmul.f32 v43, v43;
	v12 =	vadd.f32 v39, v12;
	v37 =	vadd.f32 v16, v13;
	v16 =	vld.idx.msk [tilespmem:v50+s9+$0x0], $0xffff  }
0x1f4: {  	v35 =	vor.u32 $0x280A, v0;
	v14 =	vmul.f32 v38, v14;
	v39 =	vmul.f32 v49, v48  }
0x1f5: {  	v47 =	vmul.f32 v5, v5;
	v17 =	vld.idx.msk [tilespmem:v30+s9+$0x0], $0xffff;
	v12 =	vadd.f32 v46, v12;
	v9 =	vadd.f32 v10, v37  }
0x1f6: {  	v29 =	vld.idx.msk [tilespmem:v25+s9+$0x0], $0xffff;
	v1 =	vshll.u32 v1, $0x5;
	v49 =	vmul.f32 v6, v6;
	v62 =	vmul.f32 v21, v21  }
0x1f7: {  	v32 =	vld.idx.msk [tilespmem:v26+s9+$0x0], $0xffff;
	v36 =	vadd.f32 v18, v12;
	v12 =	vmul.f32 v38, v38;
	v59 =	vadd.f32 v57, v9  }
0x1f8: {  	v48 =	vmul.f32 v27, v27;
	v38 =	vor.u32 $0x280C, v0;
	v9 =	vld.idx.msk [tilespmem:v40+s9+$0x0], $0xffff;
	v60 =	vmul.f32 v16, v16  }
0x1f9: {  	v41 =	vld.idx.msk [tilespmem:v33+s9+$0x0], $0xffff;
	v37 =	vor.u32 $0x280D, v0;
	v42 =	vadd.f32 v39, v36;
	v8 =	vadd.f32 v12, v59  }
0x1fa: {  	v34 =	vld.idx.msk [tilespmem:v63+s9+$0x0], $0xffff;
	v57 =	vmul.f32 v17, v17;
	v36 =	vor.u32 $0x2811, v0;
	v13 =	vadd.f32 v61, v60  }
0x1fb: {  	v39 =	vld.idx.msk [tilespmem:v35+s9+$0x0], $0xffff;
	v58 =	vadd.f32 v56, v42;
	v42 =	vor.u32 $0x280F, v0;
	v12 =	vadd.f32 v45, v8  }
0x1fc: {  	v8 =	vand.u32 $0x60, v1;
	v1 =	vld.idx.msk [tilespmem:v22+s11+$0x0], $0xffff;
	v22 =	vor.u32 $0x2809, v0;
	v13 =	vadd.f32 v62, v13  }
0x1fd: {  	v46 =	vmul.f32 v9, v9;
	v11 =	vor.u32 v50, v8;
	v50 =	vmul.f32 v29, v29  }
0x1fe: {  	v51 =	vor.u32 v52, v8;
	v52 =	vmul.f32 v32, v32;
	v53 =	vor.u32 v55, v8  }
0x1ff: {  	v55 =	vmul.f32 v34, v34;
	v18 =	vor.u32 v40, v8;
	v60 =	vor.u32 v25, v8;
	v25 =	vld.idx.msk [tilespmem:v38+s9+$0x0], $0xffff  }
0x200: {  	v24 =	vor.u32 v44, v8;
	v61 =	vmul.f32 v39, v39;
	v40 =	vld.idx.msk [tilespmem:v37+s9+$0x0], $0xffff;
	v13 =	vadd.f32 v46, v13  }
0x201: {  	v26 =	vor.u32 v26, v8;
	v62 =	vmul.f32 v41, v41;
	v31 =	vadd.f32 v47, v12;
	v19 =	vld.idx.msk [tilespmem:v22+s9+$0x0], $0xffff  }
0x202: {  	v44 =	vor.u32 $0x2810, v0;
	v63 =	vor.u32 v63, v8;
	v13 =	vadd.f32 v48, v13;
	v54 =	vld.idx.msk [tilespmem:v11+s11+$0x0], $0xffff  }
0x203: {  	v12 =	vadd.f32 v14, v58;
	v14 =	vor.u32 v20, v2;
	v4 =	vadd.f32 v49, v31;
	v56 =	vld.idx.msk [tilespmem:v51+s11+$0x0], $0xffff  }
0x204: {  	v47 =	vor.u32 v30, v8;
	v30 =	vor.u32 $0x2813, v0;
	v10 =	vld.idx.msk [tilespmem:v53+s11+$0x0], $0xffff;
	v15 =	vadd.f32 v50, v13  }
0x205: {  	v2 =	vor.u32 v7, v2;
	v22 =	vor.u32 v22, v8;
	v11 =	vmul.f32 $5.000000000e-01, v4;
	v18 =	vld.idx.msk [tilespmem:v18+s11+$0x0], $0xffff  }
0x206: {  	v24 =	vld.idx.msk [tilespmem:v24+s11+$0x0], $0xffff;
	v46 =	vmul.f32 v25, v25;
	v48 =	vmul.f32 v40, v40;
	v31 =	vadd.f32 v52, v15  }
0x207: {  	v20 =	vld.idx.msk [tilespmem:v60+s11+$0x0], $0xffff;
	v53 =	vor.u32 v35, v8;
	v13 =	vmul.f32 v43, v1;
	v1 =	vshra.s32 v4, $0x1  }
0x208: {  	v26 =	vld.idx.msk [tilespmem:v26+s11+$0x0], $0xffff;
	v35 =	vor.u32 $0x2814, v0;
	v15 =	vsub.s32 $0x5F3759DF, v1;
	v1 =	vadd.f32 v55, v31  }
0x209: {  	v43 =	vor.u32 $0x280E, v0;
	v14 =	vld.idx.msk [tilespmem:v14+s11+$0x0], $0xffff;
	v58 =	vmul.f32 v15, v11;
	v59 =	vmul.f32 v19, v19  }
0x20a: {  	v2 =	vld.idx.msk [tilespmem:v2+s11+$0x0], $0xffff;
	v16 =	vmul.f32 v16, v54;
	v23 =	vmul.f32 v23, v56;
	v31 =	vadd.f32 v57, v1  }
0x20b: {  	v12 =	vadd.f32 v13, v12;
	v10 =	vmul.f32 v21, v10;
	v9 =	vmul.f32 v9, v18;
	v18 =	vld.idx.msk [tilespmem:v42+s9+$0x0], $0xffff  }
0x20c: {  	v49 =	vmul.f32 v27, v24;
	v24 =	vld.idx.msk [tilespmem:v44+s9+$0x0], $0xffff;
	v52 =	vmul.f32 v29, v20;
	v31 =	vadd.f32 v59, v31  }
0x20d: {  	v21 =	vld.idx.msk [tilespmem:v63+s11+$0x0], $0xffff;
	v55 =	vmul.f32 v32, v26;
	v56 =	vor.u32 v33, v8;
	v16 =	vadd.f32 $0.0e+00, v16  }
0x20e: {  	v29 =	vld.idx.msk [tilespmem:v36+s9+$0x0], $0xffff;
	v33 =	vor.u32 $0x2815, v0;
	v5 =	vmul.f32 v5, v14;
	v31 =	vadd.f32 v61, v31  }
0x20f: {  	v2 =	vmul.f32 v6, v2;
	v1 =	vmul.f32 v15, v58;
	v16 =	vadd.f32 v23, v16;
	v23 =	vld.idx.msk [tilespmem:v43+s9+$0x0], $0xffff  }
0x210: {  	v12 =	vadd.f32 v5, v12;
	v59 =	vor.u32 v38, v8;
	v45 =	vadd.f32 v62, v31  }
0x211: {  	v22 =	vld.idx.msk [tilespmem:v22+s11+$0x0], $0xffff;
	v38 =	vor.u32 $0x2816, v0;
	v1 =	vsub.f32 $1.500000000e+00, v1;
	v10 =	vadd.f32 v10, v16  }
0x212: {  	v20 =	vld.idx.msk [tilespmem:v53+s11+$0x0], $0xffff;
	v54 =	vmul.f32 v18, v18;
	v31 =	vor.u32 $0x2812, v0;
	v28 =	vadd.f32 v46, v45  }
0x213: {  	v57 =	vmul.f32 v24, v24;
	v58 =	vmul.f32 v34, v21;
	v34 =	vld.idx.msk [tilespmem:v30+s9+$0x0], $0xffff;
	v9 =	vadd.f32 v9, v10  }
0x214: {  	v60 =	vmul.f32 v29, v29;
	v16 =	vld.idx.msk [tilespmem:v47+s11+$0x0], $0xffff;
	v51 =	vmul.f32 v23, v23;
	v50 =	vadd.f32 v48, v28  }
0x215: {  	v26 =	vld.idx.msk [tilespmem:v56+s11+$0x0], $0xffff;
	v1 =	vmul.f32 v15, v1;
	v62 =	vor.u32 v37, v8;
	v9 =	vadd.f32 v49, v9  }
0x216: {  	v37 =	vor.u32 $0x2817, v0;
	v10 =	vor.u32 $0x281F, v0;
	v21 =	vld.idx.msk [tilespmem:v59+s11+$0x0], $0xffff;
	v27 =	vadd.f32 v51, v50  }
0x217: {  	v45 =	vmul.f32 v19, v22;
	v46 =	vor.u32 v43, v8;
	v9 =	vadd.f32 v52, v9;
	v32 =	vld.idx.msk [tilespmem:v31+s9+$0x0], $0xffff  }
0x218: {  	v22 =	vld.idx.msk [tilespmem:v33+s9+$0x0], $0xffff;
	v47 =	vmul.f32 v34, v34;
	v43 =	vor.u32 $0x2818, v0;
	v27 =	vadd.f32 v54, v27  }
0x219: {  	v49 =	vor.u32 v42, v8;
	v61 =	vmul.f32 v17, v16;
	v17 =	vld.idx.msk [tilespmem:v35+s9+$0x0], $0xffff;
	v9 =	vadd.f32 v55, v9  }
0x21a: {  	v42 =	vor.u32 $0x2819, v0;
	v48 =	vmul.f32 v39, v20;
	v39 =	vld.idx.msk [tilespmem:v38+s9+$0x0], $0xffff;
	v27 =	vadd.f32 v57, v27  }
0x21b: {  	v52 =	vor.u32 v44, v8;
	v44 =	vor.u32 $0x281A, v0;
	v16 =	vld.idx.msk [tilespmem:v62+s11+$0x0], $0xffff;
	v9 =	vadd.f32 v58, v9  }
0x21c: {  	v51 =	vmul.f32 v41, v26;
	v41 =	vld.idx.msk [tilespmem:v37+s9+$0x0], $0xffff;
	v63 =	vmul.f32 v32, v32;
	v27 =	vadd.f32 v60, v27  }
0x21d: {  	v55 =	vor.u32 v36, v8;
	v36 =	vor.u32 $0x281B, v0;
	v19 =	vld.idx.msk [tilespmem:v46+s11+$0x0], $0xffff;
	v9 =	vadd.f32 v61, v9  }
0x21e: {  	v53 =	vmul.f32 v22, v22;
	v20 =	vld.idx.msk [tilespmem:v49+s11+$0x0], $0xffff;
	v49 =	vor.u32 v38, v8;
	v27 =	vadd.f32 v63, v27  }
0x21f: {  	v54 =	vmul.f32 v25, v21;
	v25 =	vld.idx.msk [tilespmem:v43+s9+$0x0], $0xffff;
	v58 =	vor.u32 v31, v8;
	v9 =	vadd.f32 v45, v9  }
0x220: {  	v50 =	vmul.f32 v17, v17;
	v31 =	vld.idx.msk [tilespmem:v42+s9+$0x0], $0xffff;
	v56 =	vmul.f32 v39, v39;
	v27 =	vadd.f32 v47, v27  }
0x221: {  	v26 =	vld.idx.msk [tilespmem:v52+s11+$0x0], $0xffff;
	v57 =	vmul.f32 v40, v16;
	v61 =	vor.u32 v30, v8;
	v9 =	vadd.f32 v48, v9  }
0x222: {  	v40 =	vor.u32 $0x281C, v0;
	v30 =	vor.u32 $0x281D, v0;
	v21 =	vld.idx.msk [tilespmem:v55+s11+$0x0], $0xffff;
	v27 =	vadd.f32 v50, v27  }
0x223: {  	v59 =	vmul.f32 v41, v41;
	v60 =	vmul.f32 v23, v19;
	v23 =	vld.idx.msk [tilespmem:v44+s9+$0x0], $0xffff;
	v9 =	vadd.f32 v51, v9  }
0x224: {  	v45 =	vor.u32 v35, v8;
	v16 =	vld.idx.msk [tilespmem:v58+s11+$0x0], $0xffff;
	v58 =	vmul.f32 v1, v11;
	v27 =	vadd.f32 v53, v27  }
0x225: {  	v35 =	vor.u32 $0x281E, v0;
	v63 =	vmul.f32 v18, v20;
	v20 =	vld.idx.msk [tilespmem:v36+s9+$0x0], $0xffff;
	v9 =	vadd.f32 v54, v9  }
0x226: {  	v62 =	vmul.f32 v25, v25;
	v19 =	vld.idx.msk [tilespmem:v61+s11+$0x0], $0xffff;
	v28 =	vmul.f32 v58, v1;
	v27 =	vadd.f32 v56, v27  }
0x227: {  	v46 =	vmul.f32 v31, v31;
	v47 =	vor.u32 v33, v8;
	v9 =	vadd.f32 v57, v9  }
0x228: {  	v24 =	vmul.f32 v24, v26;
	v13 =	vsub.f32 $1.500000000e+00, v28;
	v27 =	vadd.f32 v59, v27  }
0x229: {  	v33 =	vld.idx.msk [tilespmem:v40+s9+$0x0], $0xffff;
	v21 =	vmul.f32 v29, v21;
	v48 =	vmul.f32 v23, v23;
	v9 =	vadd.f32 v60, v9  }
0x22a: {  	v18 =	vld.idx.msk [tilespmem:v45+s11+$0x0], $0xffff;
	v16 =	vmul.f32 v32, v16;
	v1 =	vmul.f32 v13, v1;
	v27 =	vadd.f32 v62, v27  }
0x22b: {  	v50 =	vmul.f32 v20, v20;
	v55 =	vmul.f32 v34, v19;
	v57 =	vld.idx.msk [tilespmem:v10+s9+$0x0], $0xffff;
	v9 =	vadd.f32 v63, v9  }
0x22c: {  	v52 =	vld.idx.msk [tilespmem:v47+s11+$0x0], $0xffff;
	v11 =	vmul.f32 v1, v11;
	v56 =	vor.u32 v37, v8;
	v27 =	vadd.f32 v46, v27  }
0x22d: {  	v34 =	vor.u32 v42, v8;
	v63 =	vor.u32 v43, v8;
	v9 =	vadd.f32 v24, v9;
	v24 =	vld.idx.msk [tilespmem:v30+s9+$0x0], $0xffff  }
0x22e: {  	v54 =	vmul.f32 v33, v33;
	v11 =	vmul.f32 v11, v1;
	v62 =	vld.idx.msk [tilespmem:v49+s11+$0x0], $0xffff;
	v27 =	vadd.f32 v48, v27  }
0x22f: {  	v47 =	vor.u32 v40, v8;
	v60 =	vpop (erf);
	v61 =	vmul.f32 v17, v18;
	v51 =	vadd.f32 v21, v9;
	v9 =	vld.idx.msk [tilespmem:v35+s9+$0x0], $0xffff  }
0x230: {  	v38 =	vld [tilespmem:$0x60];
	v3 =	vmul.f32 v60, v3;
	v11 =	vsub.f32 $1.500000000e+00, v11;
	v53 =	vadd.f32 v50, v27  }
0x231: {  	v32 =	vmul.f32 v57, v57;
	v15 =	vmul.f32 v22, v52;
	v52 =	vor.u32 $0x3000, v0;
	v29 =	vld.idx.msk [tilespmem:v56+s11+$0x0], $0xffff  }
0x232: {  	v11 =	vmul.f32 v11, v1;
	v18 =	vld.idx.msk [tilespmem:v63+s11+$0x0], $0xffff;
	v59 =	vmul.f32 v24, v24;
	v21 =	vadd.f32 v54, v53  }
0x233: {  	[tilespmem:$0x1FBF0] =	vst v3;
	v7 =	vadd.f32 v16, v51;
	v48 =	vor.u32 v30, v8;
	v51 =	vor.u32 v35, v8  }
0x234: {  	v14 =	vld.idx.msk [tilespmem:v34+s11+$0x0], $0xffff;
	v17 =	vmul.f32 v39, v62;
	v26 =	vmul.f32 v9, v9;
	v3 =	vadd.f32 v59, v21  }
0x235: {  	v62 =	vor.u32 $0x3003, v0;
	v7 =	vadd.f32 v55, v7;
	v50 =	vshll.u32 v38, $0x5  }
0x236: {  	v16 =	vmul.f32 v41, v29;
	v5 =	vand.u32 $0x60, v50;
	v3 =	vadd.f32 v26, v3  }
0x237: {  	v7 =	vadd.f32 v61, v7;
	v46 =	vmul.f32 v25, v18;
	v53 =	vor.u32 v52, v5;
	v18 =	vld.idx.msk [tilespmem:v47+s11+$0x0], $0xffff  }
0x238: {  	v29 =	vor.u32 $0x3004, v0;
	v54 =	vor.u32 $0x3001, v0;
	v25 =	vld.idx.msk [tilespmem:v52+s9+$0x0], $0xffff;
	v37 =	vadd.f32 v32, v3  }
0x239: {  	v14 =	vmul.f32 v31, v14;
	v31 =	vor.u32 v29, v5;
	v56 =	vld.idx.msk [tilespmem:v48+s11+$0x0], $0xffff;
	v15 =	vadd.f32 v15, v7  }
0x23a: {  	v4 =	vmul.f32 v11, v4;
	v1 =	vld.idx.msk [tilespmem:v51+s11+$0x0], $0xffff;
	v42 =	vshra.s32 v37, $0x1;
	v43 =	vmul.f32 $5.000000000e-01, v37  }
0x23b: {  	v38 =	vld.idx.msk [tilespmem:v62+s9+$0x0], $0xffff;
	v39 =	vadd.f32 v17, v15;
	v3 =	vor.u32 v44, v8;
	v15 =	vsub.s32 $0x5F3759DF, v42  }
0x23c: {  	v40 =	vor.u32 $0x3007, v0;
	v4 =	vadd.f32 $9.999999960e-13, v4;
	v61 =	vld.idx.msk [tilespmem:v53+s11+$0x0], $0xffff;
	v45 =	vmul.f32 v15, v43  }
0x23d: {  	v2 =	vadd.f32 v2, v12;
	[tilespmem:$0x1FBD0] =	vst v57;
	v57 =	vor.u32 $0x3002, v0;
	v30 =	vld.idx.msk [tilespmem:v54+s9+$0x0], $0xffff;
	v44 =	vor.u32 v36, v8  }
0x23e: {  	(erf) = vrcp.f32 v4;
	v55 =	vor.u32 v54, v5;
	v12 =	vld.idx.msk [tilespmem:v31+s11+$0x0], $0xffff;
	v49 =	vmul.f32 v15, v45  }
0x23f: {  	v63 =	vor.u32 v62, v5;
	v47 =	vor.u32 $0x3009, v0;
	v27 =	vmul.f32 v33, v18;
	v18 =	vld.idx.msk [tilespmem:v29+s9+$0x0], $0xffff  }
0x240: {  	v52 =	vor.u32 $0x300A, v0;
	v50 =	vor.u32 v47, v5;
	v3 =	vld.idx.msk [tilespmem:v3+s11+$0x0], $0xffff;
	v22 =	vsub.f32 $1.500000000e+00, v49  }
0x241: {  	v59 =	vor.u32 v57, v5;
	v33 =	vor.u32 $0x3005, v0;
	v54 =	vld.idx.msk [tilespmem:v40+s9+$0x0], $0xffff;
	v13 =	vadd.f32 v16, v39  }
0x242: {  	v41 =	vmul.f32 v25, v25;
	v34 =	vor.u32 v33, v5;
	v19 =	vld.idx.msk [tilespmem:v44+s11+$0x0], $0xffff;
	v15 =	vmul.f32 v15, v22  }
0x243: {  	v28 =	vld.idx.msk [tilespmem:v55+s11+$0x0], $0xffff;
	v55 =	vor.u32 v52, v5;
	[tilespmem:$0x1FB30] =	vst v37;
	v13 =	vadd.f32 v46, v13;
	v37 =	vor.u32 $0x3006, v0  }
0x244: {  	v29 =	vld.idx.msk [tilespmem:v47+s9+$0x0], $0xffff;
	v1 =	vmul.f32 v9, v1;
	v39 =	vor.u32 v37, v5;
	v58 =	vmul.f32 v15, v43  }
0x245: {  	v36 =	vld.idx.msk [tilespmem:v63+s11+$0x0], $0xffff;
	v48 =	vmul.f32 v38, v38;
	v13 =	vadd.f32 v14, v13;
	v3 =	vmul.f32 v23, v3  }
0x246: {  	v62 =	vld.idx.msk [tilespmem:v50+s11+$0x0], $0xffff;
	v42 =	vor.u32 v40, v5;
	v35 =	vmul.f32 v25, v61;
	v6 =	vmul.f32 v58, v15  }
0x247: {  	v32 =	vld.idx.msk [tilespmem:v59+s11+$0x0], $0xffff;
	v14 =	vmul.f32 v24, v56;
	v60 =	vmul.f32 v20, v19;
	v3 =	vadd.f32 v3, v13  }
0x248: {  	[tilespmem:$0x1FC00] =	vst v2;
	v12 =	vmul.f32 v18, v12;
	v4 =	vadd.f32 $0.0e+00, v35;
	v35 =	vld.idx.msk [tilespmem:v52+s9+$0x0], $0xffff;
	v2 =	vsub.f32 $1.500000000e+00, v6  }
0x249: {  	v53 =	vmul.f32 v18, v18;
	v44 =	vor.u32 $0x3008, v0;
	v17 =	vld.idx.msk [tilespmem:v39+s11+$0x0], $0xffff;
	v3 =	vadd.f32 v60, v3  }
0x24a: {  	v63 =	vor.u32 $0x300C, v0;
	v46 =	vmul.f32 v38, v36;
	v11 =	vmul.f32 v2, v15;
	v2 =	vld.idx.msk [tilespmem:v57+s9+$0x0], $0xffff  }
0x24b: {  	v45 =	vor.u32 v44, v5;
	v51 =	vld.idx.msk [tilespmem:v42+s11+$0x0], $0xffff;
	v39 =	vor.u32 $0x300E, v0;
	v3 =	vadd.f32 v27, v3  }
0x24c: {  	v42 =	vor.u32 v39, v5;
	v22 =	vld.idx.msk [tilespmem:v33+s9+$0x0], $0xffff;
	v33 =	vor.u32 $0x300D, v0;
	v13 =	vmul.f32 v30, v28  }
0x24d: {  	v49 =	vld.idx.msk [tilespmem:v37+s9+$0x0], $0xffff;
	v23 =	vor.u32 $0x3017, v0;
	v20 =	vor.u32 $0x3019, v0;
	v3 =	vadd.f32 v14, v3  }
0x24e: {  	v16 =	vld.idx.msk [tilespmem:v44+s9+$0x0], $0xffff;
	v4 =	vadd.f32 v13, v4;
	v58 =	vor.u32 $0x300B, v0;
	v6 =	vmul.f32 v30, v30  }
0x24f: {  	v60 =	vor.u32 v58, v5;
	[tilespmem:$0x1FBB0] =	vst v3;
	v3 =	vmul.f32 v11, v43;
	v43 =	vmul.f32 v2, v32  }
0x250: {  	v36 =	vor.u32 v33, v5;
	v15 =	vld.idx.msk [tilespmem:v34+s11+$0x0], $0xffff;
	v6 =	vadd.f32 v6, v41;
	v2 =	vmul.f32 v2, v2  }
0x251: {  	v47 =	vld.idx.msk [tilespmem:v63+s9+$0x0], $0xffff;
	v19 =	vor.u32 $0x301A, v0;
	v30 =	vor.u32 v63, v5;
	v4 =	vadd.f32 v43, v4  }
0x252: {  	v52 =	vmul.f32 v35, v35;
	v61 =	vmul.f32 v49, v17;
	v57 =	vld.idx.msk [tilespmem:v45+s11+$0x0], $0xffff;
	v2 =	vadd.f32 v2, v6  }
0x253: {  	v28 =	vmul.f32 v49, v49;
	v31 =	vmul.f32 v54, v51;
	v41 =	vld.idx.msk [tilespmem:v58+s9+$0x0], $0xffff;
	v4 =	vadd.f32 v46, v4  }
0x254: {  	v51 =	vor.u32 $0x3010, v0;
	v59 =	vmul.f32 v22, v22;
	v38 =	vld.idx.msk [tilespmem:v60+s11+$0x0], $0xffff;
	v2 =	vadd.f32 v48, v2  }
0x255: {  	v40 =	vmul.f32 v16, v16;
	v50 =	vld.idx.msk [tilespmem:v36+s11+$0x0], $0xffff;
	v56 =	vmul.f32 v22, v15;
	v4 =	vadd.f32 v12, v4  }
0x256: {  	v63 =	vor.u32 $0x3012, v0;
	v45 =	vor.u32 $0x300F, v0;
	v44 =	vld.idx.msk [tilespmem:v30+s11+$0x0], $0xffff;
	v2 =	vadd.f32 v53, v2  }
0x257: {  	v34 =	vmul.f32 v54, v54;
	v32 =	vld.idx.msk [tilespmem:v55+s11+$0x0], $0xffff;
	v48 =	vor.u32 v45, v5;
	v4 =	vadd.f32 v56, v4  }
0x258: {  	v37 =	vmul.f32 v16, v57;
	v57 =	vor.u32 $0x3011, v0;
	v22 =	vld.idx.msk [tilespmem:v23+s9+$0x0], $0xffff;
	v2 =	vadd.f32 v59, v2  }
0x259: {  	v55 =	vmul.f32 v41, v38;
	v38 =	vor.u32 $0x3013, v0;
	v53 =	vld.idx.msk [tilespmem:v33+s9+$0x0], $0xffff;
	v4 =	vadd.f32 v61, v4  }
0x25a: {  	v58 =	vmul.f32 v41, v41;
	v41 =	vor.u32 v38, v5;
	v56 =	vld.idx.msk [tilespmem:v42+s11+$0x0], $0xffff;
	v2 =	vadd.f32 v28, v2  }
0x25b: {  	v54 =	vor.u32 v51, v5;
	v43 =	vmul.f32 v29, v62;
	v59 =	vld.idx.msk [tilespmem:v39+s9+$0x0], $0xffff;
	v4 =	vadd.f32 v31, v4  }
0x25c: {  	v49 =	vmul.f32 v35, v32;
	v35 =	vor.u32 v63, v5;
	v62 =	vld.idx.msk [tilespmem:v48+s11+$0x0], $0xffff;
	v2 =	vadd.f32 v34, v2  }
0x25d: {  	v3 =	vmul.f32 v3, v11;
	v61 =	vmul.f32 v47, v44;
	v44 =	vld.idx.msk [tilespmem:v57+s9+$0x0], $0xffff;
	v4 =	vadd.f32 v37, v4  }
0x25e: {  	v46 =	vmul.f32 v29, v29;
	v33 =	vmul.f32 v47, v47;
	v47 =	vld.idx.msk [tilespmem:v63+s9+$0x0], $0xffff;
	v2 =	vadd.f32 v40, v2  }
0x25f: {  	v30 =	vor.u32 $0x3801, v0;
	v36 =	vmul.f32 v53, v50;
	v50 =	vld.idx.msk [tilespmem:v41+s11+$0x0], $0xffff;
	v4 =	vadd.f32 v43, v4  }
0x260: {  	v60 =	vor.u32 v57, v5;
	v3 =	vsub.f32 $1.500000000e+00, v3;
	v34 =	vld.idx.msk [tilespmem:v45+s9+$0x0], $0xffff;
	v2 =	vadd.f32 v46, v2  }
0x261: {  	v29 =	vor.u32 $0x3800, v0;
	v32 =	vor.u32 $0x3803, v0;
	v45 =	vld.idx.msk [tilespmem:v35+s11+$0x0], $0xffff;
	v4 =	vadd.f32 v49, v4  }
0x262: {  	v9 =	vmul.f32 v22, v22;
	v31 =	vor.u32 $0x3802, v0;
	v37 =	vld.idx.msk [tilespmem:v54+s11+$0x0], $0xffff;
	v2 =	vadd.f32 v52, v2  }
0x263: {  	v57 =	vor.u32 $0x3016, v0;
	v39 =	vmul.f32 v53, v53;
	v40 =	vld.idx.msk [tilespmem:v51+s9+$0x0], $0xffff;
	v4 =	vadd.f32 v55, v4  }
0x264: {  	v41 =	vor.u32 $0x3807, v0;
	v51 =	vld.idx.msk [tilespmem:v38+s9+$0x0], $0xffff;
	v38 =	vor.u32 $0x3805, v0;
	v2 =	vadd.f32 v58, v2  }
0x265: {  	v43 =	vld.idx.msk [tilespmem:v60+s11+$0x0], $0xffff;
	v46 =	vor.u32 $0x3014, v0;
	v17 =	vmul.f32 v34, v62;
	v4 =	vadd.f32 v61, v4  }
0x266: {  	v48 =	vor.u32 v46, v5;
	v14 =	vmul.f32 v34, v34;
	v34 =	vld.idx.msk [tilespmem:v30+s9+$0x0], $0xffff;
	v2 =	vadd.f32 v33, v2  }
0x267: {  	[tilespmem:$0x1FBC0] =	vst v1;
	v42 =	vmul.f32 v59, v56;
	v7 =	vld.idx.msk [tilespmem:v31+s9+$0x0], $0xffff;
	v52 =	vor.u32 $0x3015, v0;
	v1 =	vadd.f32 v36, v4  }
0x268: {  	v16 =	vmul.f32 v59, v59;
	v62 =	vmul.f32 v47, v47;
	v33 =	vld.idx.msk [tilespmem:v29+s9+$0x0], $0xffff;
	v2 =	vadd.f32 v39, v2  }
0x269: {  	v49 =	vor.u32 v10, v8;
	v54 =	vor.u32 v52, v5;
	v26 =	vld.idx.msk [tilespmem:v38+s9+$0x0], $0xffff;
	v1 =	vadd.f32 v42, v1  }
0x26a: {  	v13 =	vmul.f32 v40, v37;
	v37 =	vor.u32 $0x3804, v0;
	v56 =	vld.idx.msk [tilespmem:v46+s9+$0x0], $0xffff;
	v2 =	vadd.f32 v16, v2  }
0x26b: {  	v53 =	vmul.f32 v40, v40;
	v40 =	vor.u32 $0x3806, v0;
	v21 =	vld.idx.msk [tilespmem:v48+s11+$0x0], $0xffff;
	v1 =	vadd.f32 v17, v1  }
0x26c: {  	v10 =	vmul.f32 v51, v50;
	v12 =	vmul.f32 v44, v43;
	v63 =	vld.idx.msk [tilespmem:v52+s9+$0x0], $0xffff;
	v2 =	vadd.f32 v14, v2  }
0x26d: {  	v61 =	vmul.f32 v34, v34;
	v4 =	vld.idx.msk [tilespmem:v32+s9+$0x0], $0xffff;
	v60 =	vmul.f32 v33, v33;
	v13 =	vadd.f32 v13, v1  }
0x26e: {  	v59 =	vld.idx.msk [tilespmem:v54+s11+$0x0], $0xffff;
	v1 =	vmul.f32 v3, v11;
	v2 =	vadd.f32 v53, v2;
	v3 =	vmul.f32 v44, v44  }
0x26f: {  	v58 =	vor.u32 v57, v5;
	v24 =	vld.idx.msk [tilespmem:v37+s9+$0x0], $0xffff;
	v15 =	vadd.f32 v61, v60;
	v44 =	vmul.f32 v7, v7  }
0x270: {  	v35 =	vld.idx.msk [tilespmem:v40+s9+$0x0], $0xffff;
	v55 =	vadd.f32 v12, v13;
	v2 =	vadd.f32 v3, v2;
	v3 =	vmul.f32 v47, v45  }
0x271: {  	v43 =	vor.u32 $0x3809, v0;
	v36 =	vld.idx.msk [tilespmem:v41+s9+$0x0], $0xffff;
	v52 =	vmul.f32 v26, v26;
	v42 =	vor.u32 $0x3808, v0  }
0x272: {  	v46 =	vadd.f32 v44, v15;
	v47 =	vmul.f32 v4, v4;
	v3 =	vadd.f32 v3, v55  }
0x273: {  	v27 =	vld.idx.msk [tilespmem:v57+s9+$0x0], $0xffff;
	v50 =	vmul.f32 v56, v56;
	v48 =	vmul.f32 v56, v21;
	v21 =	vor.u32 $0x3018, v0  }
0x274: {  	[tilespmem:$0x1FB80] =	vst v49;
	v49 =	vmul.f32 v24, v24;
	v3 =	vadd.f32 v10, v3;
	v10 =	vadd.f32 v47, v46  }
0x275: {  	v25 =	vld.idx.msk [tilespmem:v58+s11+$0x0], $0xffff;
	v14 =	vor.u32 $0x380D, v0;
	v54 =	vmul.f32 v35, v35;
	v44 =	vor.u32 $0x380A, v0  }
0x276: {  	v56 =	vmul.f32 v36, v36;
	v53 =	vmul.f32 v63, v59;
	v59 =	vld.idx.msk [tilespmem:v43+s9+$0x0], $0xffff;
	v10 =	vadd.f32 v49, v10  }
0x277: {  	v39 =	vld.idx.msk [tilespmem:v42+s9+$0x0], $0xffff;
	v45 =	vmul.f32 v51, v51;
	v2 =	vadd.f32 v62, v2;
	v3 =	vadd.f32 v48, v3  }
0x278: {  	v61 =	vmul.f32 v27, v27;
	v51 =	vld [tilespmem:$0x70];
	v46 =	vor.u32 $0x380B, v0;
	v10 =	vadd.f32 v52, v10  }
0x279: {  	v17 =	vld.idx.msk [tilespmem:v20+s9+$0x0], $0xffff;
	[tilespmem:$0x1FB40] =	vst v1;
	v1 =	vor.u32 $0x301B, v0;
	v2 =	vadd.f32 v45, v2;
	v28 =	vadd.f32 v53, v3  }
0x27a: {  	v8 =	vld.idx.msk [tilespmem:v44+s9+$0x0], $0xffff;
	v3 =	vmul.f32 v63, v63;
	v63 =	vor.u32 $0x380C, v0;
	v55 =	vadd.f32 v54, v10  }
0x27b: {  	v27 =	vmul.f32 v27, v25;
	v18 =	vld.idx.msk [tilespmem:v21+s9+$0x0], $0xffff;
	v62 =	vmul.f32 v59, v59;
	v2 =	vadd.f32 v50, v2  }
0x27c: {  	v60 =	vmul.f32 v39, v39;
	v45 =	vld.idx.msk [tilespmem:v14+s9+$0x0], $0xffff;
	v48 =	vor.u32 $0x380E, v0;
	v58 =	vadd.f32 v56, v55  }
0x27d: {  	v49 =	vor.u32 $0x3810, v0;
	v13 =	vld.idx.msk [tilespmem:v46+s9+$0x0], $0xffff;
	v57 =	vadd.f32 v3, v2;
	v3 =	vshll.u32 v51, $0x5  }
0x27e: {  	[tilespmem:$0x1FB60] =	vst v1;
	v1 =	vld.idx.msk [tilespmem:v1+s9+$0x0], $0xffff;
	v2 =	vor.u32 $0x301C, v0;
	v10 =	vand.u32 $0x60, v3;
	v11 =	vadd.f32 v60, v58  }
0x27f: {  	v53 =	vmul.f32 v8, v8;
	v6 =	vadd.f32 v61, v57;
	v29 =	vor.u32 v29, v10;
	v50 =	vld.idx.msk [tilespmem:v63+s9+$0x0], $0xffff  }
0x280: {  	v47 =	vor.u32 $0x380F, v0;
	v54 =	vmul.f32 v18, v18;
	[tilespmem:$0x1FB70] =	vst v2;
	v3 =	vld.idx.msk [tilespmem:v19+s9+$0x0], $0xffff;
	v11 =	vadd.f32 v62, v11  }
0x281: {  	v55 =	vor.u32 v30, v10;
	v56 =	vmul.f32 v17, v17;
	v30 =	vld.idx.msk [tilespmem:v48+s9+$0x0], $0xffff;
	v51 =	vadd.f32 v9, v6  }
0x282: {  	v57 =	vor.u32 v31, v10;
	v31 =	vld.idx.msk [tilespmem:v49+s9+$0x0], $0xffff;
	v12 =	vmul.f32 v13, v13;
	v52 =	vadd.f32 v53, v11  }
0x283: {  	v37 =	vor.u32 v37, v10;
	v61 =	vmul.f32 v1, v1;
	v2 =	vld.idx.msk [tilespmem:v2+s9+$0x0], $0xffff;
	v54 =	vadd.f32 v54, v51  }
0x284: {  	v51 =	vor.u32 $0x3811, v0;
	v58 =	vld.idx.msk [tilespmem:v29+s11+$0x0], $0xffff;
	v16 =	vmul.f32 v50, v50;
	v15 =	vadd.f32 v12, v52  }
0x285: {  	v9 =	vmul.f32 v3, v3;
	v29 =	vld.idx.msk [tilespmem:v47+s9+$0x0], $0xffff;
	v6 =	vadd.f32 v56, v54;
	v11 =	vor.u32 v32, v10  }
0x286: {  	v60 =	vld.idx.msk [tilespmem:v55+s11+$0x0], $0xffff;
	v52 =	vor.u32 $0x3812, v0;
	v12 =	vadd.f32 v16, v15;
	v15 =	vmul.f32 v45, v45  }
0x287: {  	v38 =	vor.u32 v38, v10;
	v40 =	vor.u32 v40, v10;
	v62 =	vld.idx.msk [tilespmem:v57+s11+$0x0], $0xffff;
	v54 =	vadd.f32 v9, v6  }
0x288: {  	[tilespmem:$0x1FB90] =	vst v1;
	v37 =	vld.idx.msk [tilespmem:v37+s11+$0x0], $0xffff;
	v53 =	vor.u32 $0x3813, v0;
	v16 =	vmul.f32 v30, v30;
	v55 =	vadd.f32 v15, v12  }
0x289: {  	v41 =	vor.u32 v41, v10;
	v1 =	vmul.f32 v2, v2;
	v32 =	vld.idx.msk [tilespmem:v51+s9+$0x0], $0xffff;
	v61 =	vadd.f32 v61, v54  }
0x28a: {  	v6 =	vmul.f32 v29, v29;
	v54 =	vor.u32 $0x3814, v0;
	v56 =	vld.idx.msk [tilespmem:v11+s11+$0x0], $0xffff;
	v55 =	vadd.f32 v16, v55  }
0x28b: {  	v42 =	vor.u32 v42, v10;
	v58 =	vmul.f32 v33, v58;
	v60 =	vmul.f32 v34, v60;
	v33 =	vld.idx.msk [tilespmem:v52+s9+$0x0], $0xffff  }
0x28c: {  	[tilespmem:$0x1FBA0] =	vst v2;
	v2 =	vld.idx.msk [tilespmem:v38+s11+$0x0], $0xffff;
	v11 =	vmul.f32 v31, v31;
	v57 =	vadd.f32 v6, v55;
	v55 =	vor.u32 $0x3815, v0  }
0x28d: {  	v7 =	vmul.f32 v7, v62;
	v34 =	vld.idx.msk [tilespmem:v53+s9+$0x0], $0xffff;
	v9 =	vadd.f32 v1, v61;
	v58 =	vadd.f32 $0.0e+00, v58  }
0x28e: {  	v62 =	vld.idx.msk [tilespmem:v41+s11+$0x0], $0xffff;
	v1 =	vmul.f32 v32, v32;
	v61 =	vadd.f32 v11, v57;
	v57 =	vor.u32 $0x3816, v0  }
0x28f: {  	v60 =	vadd.f32 v60, v58;
	v58 =	vor.u32 $0x3817, v0;
	v38 =	vld.idx.msk [tilespmem:v54+s9+$0x0], $0xffff;
	v4 =	vmul.f32 v4, v56  }
0x290: {  	v56 =	vor.u32 v43, v10;
	v12 =	vmul.f32 v33, v33;
	v1 =	vadd.f32 v1, v61;
	v61 =	vld.idx.msk [tilespmem:v40+s11+$0x0], $0xffff  }
0x291: {  	[tilespmem:$0x1FB50] =	vst v3;
	v3 =	vor.u32 v44, v10;
	v7 =	vadd.f32 v7, v60;
	v60 =	vor.u32 $0x3818, v0;
	v40 =	vld.idx.msk [tilespmem:v55+s9+$0x0], $0xffff  }
0x292: {  	v24 =	vmul.f32 v24, v37;
	v37 =	vld.idx.msk [tilespmem:v42+s11+$0x0], $0xffff;
	v15 =	vmul.f32 v34, v34;
	v1 =	vadd.f32 v12, v1  }
0x293: {  	v6 =	vmul.f32 v26, v2;
	v7 =	vadd.f32 v4, v7;
	v11 =	vor.u32 $0x3819, v0;
	v41 =	vld.idx.msk [tilespmem:v57+s9+$0x0], $0xffff  }
0x294: {  	v43 =	vld.idx.msk [tilespmem:v58+s9+$0x0], $0xffff;
	v16 =	vmul.f32 v38, v38;
	v12 =	vor.u32 $0x301D, v0;
	v1 =	vadd.f32 v15, v1  }
0x295: {  	v7 =	vadd.f32 v24, v7;
	v26 =	vld.idx.msk [tilespmem:v56+s11+$0x0], $0xffff;
	v15 =	vmul.f32 v35, v61;
	v35 =	vor.u32 v46, v10  }
0x296: {  	v56 =	vor.u32 $0x381A, v0;
	v44 =	vld.idx.msk [tilespmem:v60+s9+$0x0], $0xffff;
	v1 =	vadd.f32 v16, v1;
	v16 =	vmul.f32 v40, v40  }
0x297: {  	v27 =	vadd.f32 v27, v28;
	v36 =	vmul.f32 v36, v62;
	v7 =	vadd.f32 v6, v7;
	v6 =	vld.idx.msk [tilespmem:v3+s11+$0x0], $0xffff  }
0x298: {  	v42 =	vld.idx.msk [tilespmem:v11+s9+$0x0], $0xffff;
	v61 =	vor.u32 $0x381B, v0;
	v2 =	vadd.f32 v16, v1;
	v1 =	vmul.f32 v41, v41  }
0x299: {  	v62 =	vor.u32 $0x381C, v0;
	v46 =	vor.u32 $0x301E, v0;
	v7 =	vadd.f32 v15, v7;
	v24 =	vld.idx.msk [tilespmem:v12+s9+$0x0], $0xffff  }
0x29a: {  	v15 =	vor.u32 v63, v10;
	v1 =	vadd.f32 v1, v2;
	v2 =	vmul.f32 v43, v43;
	v4 =	vld.idx.msk [tilespmem:v35+s11+$0x0], $0xffff  }
0x29b: {  	v63 =	vor.u32 $0x381D, v0;
	v16 =	vmul.f32 v39, v37;
	v39 =	vld.idx.msk [tilespmem:v56+s9+$0x0], $0xffff;
	v7 =	vadd.f32 v36, v7  }
0x29c: {  	v28 =	vld [tilespmem:$0x1FB40];
	v6 =	vmul.f32 v8, v6;
	v3 =	vadd.f32 v2, v1;
	v1 =	vmul.f32 v44, v44  }
0x29d: {  	v35 =	vld.idx.msk [tilespmem:v61+s9+$0x0], $0xffff;
	v36 =	vadd.f32 v16, v7;
	v7 =	vor.u32 $0x301F, v0;
	v2 =	vmul.f32 v59, v26  }
0x29e: {  	v26 =	vld.idx.msk [tilespmem:v46+s9+$0x0], $0xffff;
	v59 =	vor.u32 $0x381E, v0;
	v1 =	vadd.f32 v1, v3;
	v3 =	vmul.f32 v42, v42  }
0x29f: {  	v16 =	vmul.f32 v24, v24;
	v37 =	vld.idx.msk [tilespmem:v15+s11+$0x0], $0xffff;
	v2 =	vadd.f32 v2, v36;
	v4 =	vmul.f32 v13, v4  }
0x2a0: {  	v36 =	vld.idx.msk [tilespmem:v62+s9+$0x0], $0xffff;
	v13 =	vor.u32 v23, v5;
	v1 =	vadd.f32 v3, v1;
	v3 =	vmul.f32 v39, v39  }
0x2a1: {  	v15 =	vld.idx.msk [tilespmem:v63+s9+$0x0], $0xffff;
	v8 =	vadd.f32 v16, v9;
	v9 =	vadd.f32 v6, v2;
	v6 =	vor.u32 v14, v10  }
0x2a2: {  	v2 =	vadd.f32 v3, v1;
	v3 =	vld [tilespmem:$0x1FB30]  }
0x2a3: {  	v25 =	vor.u32 $0x381F, v0;
	v14 =	vmul.f32 v35, v35;
	v23 =	vld.idx.msk [tilespmem:v59+s9+$0x0], $0xffff  }
0x2a4: {  	v16 =	vld.idx.msk [tilespmem:v7+s9+$0x0], $0xffff;
	v4 =	vadd.f32 v4, v9;
	v9 =	vor.u32 v48, v10  }
0x2a5: {  	v2 =	vadd.f32 v14, v2;
	v14 =	vmul.f32 v36, v36;
	v13 =	vld.idx.msk [tilespmem:v13+s11+$0x0], $0xffff  }
0x2a6: {  	v19 =	vor.u32 v19, v5;
	v11 =	vor.u32 v11, v10;
	v1 =	vmul.f32 v26, v26;
	v6 =	vld.idx.msk [tilespmem:v6+s11+$0x0], $0xffff  }
0x2a7: {  	v2 =	vadd.f32 v14, v2;
	v14 =	vmul.f32 v15, v15;
	v3 =	vmul.f32 v28, v3  }
0x2a8: {  	v37 =	vmul.f32 v50, v37;
	v8 =	vadd.f32 v1, v8;
	v1 =	vld.idx.msk [tilespmem:v25+s9+$0x0], $0xffff;
	v50 =	vmul.f32 v23, v23  }
0x2a9: {  	v9 =	vld.idx.msk [tilespmem:v9+s11+$0x0], $0xffff;
	v2 =	vadd.f32 v14, v2;
	v14 =	vor.u32 v47, v10;
	v3 =	vadd.f32 $9.999999960e-13, v3  }
0x2aa: {  	v4 =	vadd.f32 v37, v4;
	v28 =	vmul.f32 v16, v16;
	v13 =	vmul.f32 v22, v13  }
0x2ab: {  	v6 =	vmul.f32 v45, v6;
	v45 =	vor.u32 v51, v10;
	(erf) = vrcp.f32 v3  }
0x2ac: {  	v3 =	vadd.f32 v28, v8;
	v8 =	vor.u32 v21, v5;
	v21 =	vor.u32 v49, v10  }
0x2ad: {  	v2 =	vadd.f32 v50, v2;
	v28 =	vmul.f32 v1, v1;
	v4 =	vadd.f32 v6, v4  }
0x2ae: {  	v6 =	vor.u32 v20, v5;
	v20 =	vor.u32 v52, v10;
	v9 =	vmul.f32 v30, v9;
	v14 =	vld.idx.msk [tilespmem:v14+s11+$0x0], $0xffff  }
0x2af: {  	v19 =	vld.idx.msk [tilespmem:v19+s11+$0x0], $0xffff;
	v30 =	vor.u32 v53, v10;
	v37 =	vshra.s32 v3, $0x1;
	v47 =	vmul.f32 $5.000000000e-01, v3  }
0x2b0: {  	v13 =	vadd.f32 v13, v27;
	v2 =	vadd.f32 v28, v2;
	v37 =	vsub.s32 $0x5F3759DF, v37;
	v27 =	vld.idx.msk [tilespmem:v45+s11+$0x0], $0xffff  }
0x2b1: {  	v12 =	vor.u32 v12, v5;
	v4 =	vadd.f32 v9, v4;
	v51 =	vmul.f32 v37, v47;
	v21 =	vld.idx.msk [tilespmem:v21+s11+$0x0], $0xffff  }
0x2b2: {  	v48 =	vshra.s32 v2, $0x1;
	v49 =	vmul.f32 $5.000000000e-01, v2;
	v45 =	vor.u32 v55, v10;
	v8 =	vld.idx.msk [tilespmem:v8+s11+$0x0], $0xffff  }
0x2b3: {  	v48 =	vsub.s32 $0x5F3759DF, v48;
	v22 =	vmul.f32 v37, v51;
	v20 =	vld.idx.msk [tilespmem:v20+s11+$0x0], $0xffff;
	v53 =	vmul.f32 v29, v14  }
0x2b4: {  	v52 =	vmul.f32 v48, v49;
	v50 =	vld.idx.msk [tilespmem:v30+s11+$0x0], $0xffff;
	v14 =	vor.u32 v54, v10  }
0x2b5: {  	v11 =	vld.idx.msk [tilespmem:v11+s11+$0x0], $0xffff;
	v22 =	vsub.f32 $1.500000000e+00, v22;
	v4 =	vadd.f32 v53, v4;
	v53 =	vor.u32 v57, v10  }
0x2b6: {  	v12 =	vld.idx.msk [tilespmem:v12+s11+$0x0], $0xffff;
	v54 =	vmul.f32 v48, v52  }
0x2b7: {  	v6 =	vld.idx.msk [tilespmem:v6+s11+$0x0], $0xffff;
	v57 =	vor.u32 v58, v10;
	v22 =	vmul.f32 v37, v22;
	v37 =	vmul.f32 v31, v21  }
0x2b8: {  	v8 =	vmul.f32 v18, v8;
	v29 =	vsub.f32 $1.500000000e+00, v54;
	v21 =	vld.idx.msk [tilespmem:v45+s11+$0x0], $0xffff;
	v55 =	vmul.f32 v33, v20  }
0x2b9: {  	v33 =	vmul.f32 v34, v50;
	v51 =	vmul.f32 v22, v47;
	v14 =	vld.idx.msk [tilespmem:v14+s11+$0x0], $0xffff  }
0x2ba: {  	v34 =	vor.u32 v60, v10;
	v8 =	vadd.f32 v8, v13;
	v13 =	vmul.f32 v48, v29;
	v45 =	vld.idx.msk [tilespmem:v53+s11+$0x0], $0xffff  }
0x2bb: {  	v52 =	vmul.f32 v32, v27;
	v4 =	vadd.f32 v37, v4;
	v54 =	vmul.f32 v51, v22;
	v51 =	vld [tilespmem:$0x1FB50]  }
0x2bc: {  	v32 =	vmul.f32 v13, v49;
	v20 =	vld.idx.msk [tilespmem:v57+s11+$0x0], $0xffff  }
0x2bd: {  	v4 =	vadd.f32 v52, v4;
	v57 =	vld [tilespmem:$0x1FB70]  }
0x2be: {  	v58 =	vsub.f32 $1.500000000e+00, v54;
	v48 =	vmul.f32 v32, v13;
	v54 =	vld [tilespmem:$0x1FB60]  }
0x2bf: {  	v6 =	vmul.f32 v17, v6;
	v4 =	vadd.f32 v55, v4;
	v18 =	vld.idx.msk [tilespmem:v34+s11+$0x0], $0xffff  }
0x2c0: {  	v55 =	vor.u32 v56, v10;
	v32 =	vld [tilespmem:$0x1FB80];
	v37 =	vmul.f32 v58, v22;
	v22 =	vsub.f32 $1.500000000e+00, v48  }
0x2c1: {  	v34 =	vor.u32 v62, v10;
	v50 =	vmul.f32 v38, v14;
	v38 =	vor.u32 v46, v5;
	v46 =	vld [tilespmem:$0x1FB90]  }
0x2c2: {  	v4 =	vadd.f32 v33, v4;
	v14 =	vmul.f32 v51, v19;
	v51 =	vld [tilespmem:$0x1FBB0];
	v13 =	vmul.f32 v22, v13  }
0x2c3: {  	v53 =	vmul.f32 v40, v21;
	v17 =	vor.u32 v57, v5;
	v57 =	vld [tilespmem:$0x1FBE0];
	v52 =	vmul.f32 v37, v47  }
0x2c4: {  	v58 =	vor.u32 v61, v10;
	v4 =	vadd.f32 v50, v4;
	v50 =	vld [tilespmem:$0x1FBA0];
	v60 =	vmul.f32 v13, v49  }
0x2c5: {  	v21 =	vor.u32 v54, v5;
	v22 =	vld.idx.msk [tilespmem:v55+s11+$0x0], $0xffff;
	v19 =	vmul.f32 v52, v37  }
0x2c6: {  	v56 =	vmul.f32 v41, v45;
	v47 =	vld.idx.msk [tilespmem:v34+s11+$0x0], $0xffff;
	v4 =	vadd.f32 v53, v4;
	v28 =	vmul.f32 v60, v13  }
0x2c7: {  	v6 =	vadd.f32 v6, v8;
	v49 =	vld.idx.msk [tilespmem:v38+s11+$0x0], $0xffff;
	v19 =	vsub.f32 $1.500000000e+00, v19  }
0x2c8: {  	v61 =	vmul.f32 v43, v20;
	v52 =	vld [tilespmem:$0x1FBC0];
	v4 =	vadd.f32 v56, v4;
	v28 =	vsub.f32 $1.500000000e+00, v28  }
0x2c9: {  	v41 =	vor.u32 v63, v10;
	v45 =	vor.u32 v59, v10;
	v43 =	vld.idx.msk [tilespmem:v58+s11+$0x0], $0xffff;
	v8 =	vmul.f32 v19, v37  }
0x2ca: {  	v33 =	vld.idx.msk [tilespmem:v21+s11+$0x0], $0xffff;
	v4 =	vadd.f32 v61, v4;
	v37 =	vmul.f32 v44, v18;
	v44 =	vmul.f32 v28, v13  }
0x2cb: {  	v42 =	vmul.f32 v42, v11;
	v58 =	vld [tilespmem:$0x1FBF0];
	v3 =	vmul.f32 v8, v3  }
0x2cc: {  	v5 =	vor.u32 v7, v5;
	v40 =	vld.idx.msk [tilespmem:v17+s11+$0x0], $0xffff;
	v4 =	vadd.f32 v37, v4;
	v2 =	vmul.f32 v44, v2  }
0x2cd: {  	v10 =	vor.u32 v25, v10;
	v20 =	vld.idx.msk [tilespmem:v32+s11+$0x0], $0xffff;
	v3 =	vadd.f32 $9.999999960e-13, v3  }
0x2ce: {  	v54 =	vld.idx.msk [tilespmem:v45+s11+$0x0], $0xffff;
	v48 =	vmul.f32 v39, v22;
	v4 =	vadd.f32 v42, v4;
	v2 =	vadd.f32 $9.999999960e-13, v2  }
0x2cf: {  	v6 =	vadd.f32 v14, v6;
	v14 =	vmul.f32 v46, v33;
	(erf) = vrcp.f32 v3;
	v3 =	vld.idx.msk [tilespmem:v41+s11+$0x0], $0xffff  }
0x2d0: {  	v9 =	vmul.f32 v35, v43;
	v4 =	vadd.f32 v48, v4;
	(erf) = vrcp.f32 v2;
	v2 =	vld [tilespmem:$0x1FBD0]  }
0x2d1: {  	v5 =	vld.idx.msk [tilespmem:v5+s11+$0x0], $0xffff;
	v7 =	vmul.f32 v50, v40;
	v6 =	vadd.f32 v14, v6  }
0x2d2: {  	v60 =	vld [tilespmem:$0x1FC00];
	v8 =	vmul.f32 v36, v47;
	v4 =	vadd.f32 v9, v4  }
0x2d3: {  	v53 =	vmul.f32 v24, v12;
	v56 =	vld.idx.msk [tilespmem:v10+s11+$0x0], $0xffff;
	v55 =	vmul.f32 v26, v49;
	v6 =	vadd.f32 v7, v6  }
0x2d4: {  	v10 =	vadd.f32 v58, v57;
	v4 =	vadd.f32 v8, v4;
	v3 =	vmul.f32 v15, v3  }
0x2d5: {  	v14 =	vadd.f32 v52, v51;
	v6 =	vadd.f32 v53, v6;
	v2 =	vmul.f32 v2, v20  }
0x2d6: {  	v59 =	vpop (erf);
	v61 =	vmul.f32 v23, v54;
	v5 =	vmul.f32 v16, v5;
	v3 =	vadd.f32 v3, v4  }
0x2d7: {  	v8 =	vmul.f32 v59, v60;
	v6 =	vadd.f32 v55, v6;
	v2 =	vadd.f32 v2, v14  }
0x2d8: {  	v62 =	vpop (erf);
	v1 =	vmul.f32 v1, v56;
	v3 =	vadd.f32 v61, v3  }
0x2d9: {  	v8 =	vadd.f32 v8, v10;
	v5 =	vadd.f32 v5, v6;
	v2 =	vmul.f32 v62, v2  }
0x2da: {  	v63 =	vpop (erf)  }
0x2db: {  	v4 =	vmul.f32 v63, v5;
	v1 =	vadd.f32 v1, v3;
	v2 =	vadd.f32 v2, v8  }
0x2dc: {  	v3 =	vpop (erf)  }
0x2dd: {  	v1 =	vmul.f32 v3, v1;
	v2 =	vadd.f32 v4, v2;
	_ =	sdelay $0x1  }
0x2de: {  	v1 =	vadd.f32 v1, v2  }
0x2df: {  	p0 =	sne.s32 s7, $0x1  }
.Ltmp0:
0x2e0: {  	[tilespmem:$0x8100] =	vst v1;
	(pc) =	sbr.rel @p0 .LBB2_1-.Ltmp0, $4  }
0x2e1: {  	[hbm4b:s6+s2] =	stream.linear.scatter [tilespmem:s13], [sflag:$0x2], $0x80, $0x38;
	[tilespmem:$0x8180] =	vst v63  }
0x2e2: {  	_ =	swait.ge [sflag:s8], $0x80  }
0x2e3: {  	[sflag:s8] =	ssyncset.done $0x0  }
0x2e4: {  	s7 =	sadd.s32 $0xFFFFFFFF, s7;
	[sflag:s8] =	ssyncadd.s32 $0xFFFFFF80  }
0x2e5: {  	_ =	sfence.sel $0x180000  }
0x2e6: {  	[bflag:$0x0] =	sbarrier.arrive $0xFFFF  }
0x2e7: {  	p0 =	sne.s32 s1, $0x0;
	_ =	strace $0x90000047  }
0x2e8: {  	s0 =	sadd.s32 @!p0 $0x100000, s0;
	[bflag:$0x2] =	sbarrier.arrive $0xFFFF  }
0x2e9: {  	[sflag:s0] =	ssyncadd.tile.s32 @!p0 $0x1;
	_ =	shalt  }
.Lfunc_end2:
_tile_overlayer_lowered:
.L_overlay_start_2:
0x2ea: {  	(tag) =	ssettag $0x2  }
0x2eb: {  	s0 =	rddreg [dreg:$0x0];
	s2 =	stileid.u32  }
0x2ec: {  	s1 =	rddreg [dreg:$0x1];
	p0 =	sne.s32 s2, $0x0  }
0x2ed: {  	s3 =	rddreg [dreg:$0x2];
	[bflag:$0x3] =	sbarrier.arrive $0xFFFF;
	s2 =	simm.s32 @!p0 $0x1C02  }
0x2ee: {  	[timem:s3], [sflag:s2] =	dma.local @!p0 [hbm:s0], s1  }
0x2ef: {  	s0 =	simm.s32 @!p0 $0x2  }
0x2f0: {  	_ =	swait.ge @!p0 [sflag:s0], s1  }
0x2f1: {  	s1 =	ssub.s32 @!p0 $0x0, s1;
	[sflag:s0] =	ssyncset.done @!p0 $0x0  }
0x2f2: {  	[sflag:s0] =	ssyncadd.s32 @!p0 s1  }
0x2f3: {  	[bflag:$0x3] =	sbarrier.arrive $0xFFFF  }
0x2f4: {  	_ =	shalt  }

</sc_bundles>
